<compile_context>
chip_gen: v7x
topology: tpu7x:2x2x1
jax: 0.10.2.dev20260603
libtpu: 0.0.44.dev20260713+nightly
codegen_flags: <defaults>
</compile_context>

<pallas_src>
import functools

import jax
import jax.numpy as jnp
from jax import lax
from jax.experimental import pallas as pl
from jax.experimental.pallas import tpu as pltpu
from jax.experimental.pallas import tpu_sc as plsc

_VOCAB = 272
_D = 512
_ADDR_KEY = 206
_CODE_START = 256
_CODE_END = 257

_NC = 2
_NS = 16
_NW = _NC * _NS
_L = 16


def _meta_tc(token_ids):
    B, S = token_ids.shape

    def body(tok_ref, meta_ref):
        tok = tok_ref[...]
        pos = lax.broadcasted_iota(jnp.int32, (B, S), 1)
        y = jnp.where(tok == _CODE_START, pos, -1)
        k = 1
        while k < S:
            shifted = jnp.concatenate(
                [jnp.full((B, k), -1, jnp.int32), y[:, : S - k]], axis=1
            )
            y = jnp.maximum(y, shifted)
            k *= 2
        first_ce = jnp.min(
            jnp.where(tok == _CODE_END, pos, S), axis=1, keepdims=True
        )
        mask = (y >= 0) & (pos < first_ce) & (tok < 256)
        addr = jnp.maximum(pos - y - 1, 0)
        meta = (
            (addr & 15)
            | (((addr >> 4) & 15) << 4)
            | (((addr >> 8) & 15) << 8)
            | jnp.where(mask, 1 << 12, 0)
        )
        meta_ref[...] = meta

    return pl.pallas_call(
        body, out_shape=jax.ShapeDtypeStruct((B, S), jnp.int32)
    )(token_ids)


def _sc_embed(tokens, meta, W):
    T = tokens.shape[0]
    per_w = T // _NW
    C = 80
    NBUF = 3
    offs, sizes = [], []
    o = 0
    while o < per_w:
        c = min(C, per_w - o)
        offs.append(o)
        sizes.append(c)
        o += c
    n_chunks = len(sizes)
    mesh = plsc.VectorSubcoreMesh(core_axis_name="c", subcore_axis_name="s")

    @functools.partial(
        pl.kernel,
        mesh=mesh,
        out_type=jax.ShapeDtypeStruct((T, _D), jnp.float32),
        compiler_params=pltpu.CompilerParams(needs_layout_passes=False),
        scratch_types=[
            pltpu.VMEM((per_w,), jnp.int32),
            pltpu.VMEM((per_w,), jnp.int32),
            [pltpu.VMEM((C, _D), jnp.float32) for _ in range(NBUF)],
            [pltpu.SemaphoreType.DMA for _ in range(NBUF)],
            [pltpu.SemaphoreType.DMA for _ in range(NBUF)],
        ],
    )
    def body(tok_hbm, meta_hbm, w_hbm, out_hbm, idx_v, meta_v, rows, gsem, ssem):
        wid = lax.axis_index("s") * _NC + lax.axis_index("c")
        base = wid * per_w
        pltpu.sync_copy(tok_hbm.at[pl.ds(base, per_w)], idx_v)
        pltpu.sync_copy(meta_hbm.at[pl.ds(base, per_w)], meta_v)
        ones = jnp.full((_L,), 1.0, jnp.float32)
        gdesc = [None] * NBUF
        sdesc = [None] * NBUF

        def buf_slice(b, sz):
            return rows[b] if sz == C else rows[b].at[pl.ds(0, sz)]

        def fire_gather(i):
            b = i % NBUF
            gdesc[b] = pltpu.async_copy(
                w_hbm.at[idx_v.at[pl.ds(offs[i], sizes[i])]],
                buf_slice(b, sizes[i]),
                gsem[b],
            )

        look = NBUF - 1
        for j in range(min(look, n_chunks)):
            fire_gather(j)
        for i in range(n_chunks):
            b = i % NBUF
            if i + look < n_chunks:
                nb = (i + look) % NBUF
                if sdesc[nb] is not None:
                    sdesc[nb].wait()
                fire_gather(i + look)
            gdesc[b].wait()
            for g in range(sizes[i] // _L):
                m = meta_v[pl.ds(offs[i] + g * _L, _L)]
                msk = (m >> 12) > 0
                ridx = lax.iota(jnp.int32, _L) + g * _L
                plsc.store_scatter(
                    rows[b], [ridx, _ADDR_KEY + (m & 15)], ones, mask=msk
                )
                plsc.store_scatter(
                    rows[b], [ridx, _ADDR_KEY + 16 + ((m >> 4) & 15)], ones, mask=msk
                )
                plsc.store_scatter(
                    rows[b], [ridx, _ADDR_KEY + 32 + ((m >> 8) & 15)], ones, mask=msk
                )
            sdesc[b] = pltpu.async_copy(
                buf_slice(b, sizes[i]),
                out_hbm.at[pl.ds(base + offs[i], sizes[i])],
                ssem[b],
            )
        for b in range(NBUF):
            if sdesc[b] is not None:
                sdesc[b].wait()

    return body(tokens, meta, W)


def kernel(token_ids, W):
    B, S = token_ids.shape
    meta = _meta_tc(token_ids)
    out = _sc_embed(token_ids.reshape(-1), meta.reshape(-1), W)
    return out.reshape(B, S, _D)

# --- scband reference (transcript-rebuilt; emitter-appended) ---
"""Pipeline reference for scband-neural-vmembedding-83391085019705 (READ-ONLY COPY).

The authoritative reference and input builder live on the scoring server;
editing this copy changes nothing except your own understanding.
"""

import jax, jax.numpy as jnp
import numpy as np

VOCAB = 272
D_MODEL = 512
ADDR_KEY = 206   # dims 206-253, 48 dims total (per docstring)
MEM_STORE = 455  # per docstring
CODE_START = 256 # assumed special-token ids (bytes are 0..255)
CODE_END = 257
MEM = 258
MEM_HISTORY_END = 0  # default module state (_mem_history_end = 0) -> mem-store injection is a no-op


def setup_inputs(seed: int = 0) -> dict:
    key = jax.random.key(seed)
    k1, k2 = jax.random.split(key)
    token_ids = jax.random.randint(k1, (4, 8192), 0, VOCAB)
    W = jax.random.normal(k2, (VOCAB, D_MODEL), dtype=jnp.float32)
    return {"token_ids": token_ids, "W": W}


def _forward(token_ids, W):
    x = jnp.take(W, token_ids, axis=0)  # [B, S, D] embedding gather
    B, S = token_ids.shape
    pos = jnp.arange(S)
    # running position of most recent CODE_START (cs_pos in torch loop); -1 if none yet
    is_cs = token_ids == CODE_START
    cs_run = jax.lax.cummax(jnp.where(is_cs, pos[None, :], -1), axis=1)
    # loop breaks at first CODE_END per row
    is_ce = token_ids == CODE_END
    first_ce = jnp.min(jnp.where(is_ce, pos[None, :], S), axis=1, keepdims=True)  # [B,1]
    mask = (cs_run >= 0) & (pos[None, :] < first_ce) & (token_ids < 256)
    addr = jnp.maximum(pos[None, :] - cs_run - 1, 0)
    lo = addr & 15
    hi = (addr >> 4) & 15
    top = (addr >> 8) & 15
    nib = jnp.arange(16)
    m = mask[..., None]
    seg_mask = jnp.concatenate([
        (nib == lo[..., None]) & m,
        (nib == hi[..., None]) & m,
        (nib == top[..., None]) & m,
    ], axis=-1)  # [B, S, 48]
    seg = x[..., ADDR_KEY:ADDR_KEY + 48]
    seg = jnp.where(seg_mask, jnp.float32(1.0), seg)  # scatter-overwrite semantics (x[...] = 1.0)
    x = x.at[..., ADDR_KEY:ADDR_KEY + 48].set(seg)
    # _inject_mem_store: with default _mem_history_end == 0 this is a no-op
    if MEM_HISTORY_END > 0:
        memmask = (token_ids == MEM) & (pos[None, :] < min(MEM_HISTORY_END, S))
        col = x[..., MEM_STORE]
        x = x.at[..., MEM_STORE].set(jnp.where(memmask, jnp.float32(1.0), col))
    return x


def reference(token_ids, W):
    return _forward(token_ids, W)

if __name__ == "__main__":
    import jax
    _d = setup_inputs()
    print(jax.jit(kernel)(*tuple(_d.values())))

</pallas_src>

<mosaic_0001>
#map = affine_map<(d0, d1) -> (0)>
#map1 = affine_map<(d0, d1) -> (0, 0)>
module attributes {stable_mosaic.version = 14 : i64} {
  func.func @body(%arg0: i32, %arg1: i32, %arg2: memref<32768xi32, #tpu.memory_space<hbm>>, %arg3: memref<32768xi32, #tpu.memory_space<hbm>>, %arg4: memref<272x512xf32, #tpu.memory_space<hbm>>, %arg5: memref<32768x512xf32, #tpu.memory_space<hbm>>, %arg6: memref<1024xi32, #tpu.memory_space<vmem>>, %arg7: memref<1024xi32, #tpu.memory_space<vmem>>, %arg8: memref<80x512xf32, #tpu.memory_space<vmem>>, %arg9: memref<80x512xf32, #tpu.memory_space<vmem>>, %arg10: memref<80x512xf32, #tpu.memory_space<vmem>>, %arg11: memref<!tpu.dma_semaphore, #tpu.memory_space<semaphore_mem>>, %arg12: memref<!tpu.dma_semaphore, #tpu.memory_space<semaphore_mem>>, %arg13: memref<!tpu.dma_semaphore, #tpu.memory_space<semaphore_mem>>, %arg14: memref<!tpu.dma_semaphore, #tpu.memory_space<semaphore_mem>>, %arg15: memref<!tpu.dma_semaphore, #tpu.memory_space<semaphore_mem>>, %arg16: memref<!tpu.dma_semaphore, #tpu.memory_space<semaphore_mem>>) attributes {dimension_semantics = [#tpu.dimension_semantics<core_parallel>, #tpu.dimension_semantics<subcore_parallel>], iteration_bounds = array<i64: 2, 16>, scalar_prefetch = 0 : i64, scratch_operands = 11 : i64, tpu.core_type = #tpu.core_type<sc_vector_subcore>, window_params = [{transform_indices = #map}, {transform_indices = #map}, {transform_indices = #map1}, {transform_indices = #map1}]} {
    %mul3A = arith.constant 2 : i32
    %mul3A_0 = arith.muli %arg1, %mul3A : i32
    %add3A = arith.addi %mul3A_0, %arg0 : i32
    %mul3A_1 = arith.constant 1024 : i32
    %mul3A_2 = arith.muli %add3A, %mul3A_1 : i32
    "tpu.region"() ({
      %run_scoped3A = tpu.sem_alloc : memref<!tpu.dma_semaphore, #tpu.memory_space<semaphore_mem>>
      %dma_start3A_2579 = tpu.memref_slice %arg2[%mul3A_2] : memref<32768xi32, #tpu.memory_space<hbm>> -> memref<1024xi32, #tpu.memory_space<hbm>>
      %dma_start3A_2580 = tpu.memref_slice %arg2[%mul3A_2] : memref<32768xi32, #tpu.memory_space<hbm>> -> memref<1024xi32, #tpu.memory_space<hbm>>
      tpu.enqueue_dma source(%dma_start3A_2580 : memref<1024xi32, #tpu.memory_space<hbm>>) target(%arg6 : memref<1024xi32, #tpu.memory_space<vmem>>) target_semaphore(%run_scoped3A : memref<!tpu.dma_semaphore, #tpu.memory_space<semaphore_mem>>)
      %dma_wait3A_2581 = tpu.memref_slice %arg2[%mul3A_2] : memref<32768xi32, #tpu.memory_space<hbm>> -> memref<1024xi32, #tpu.memory_space<hbm>>
      %dma_wait3A_2582 = tpu.memref_slice %arg2[%mul3A_2] : memref<32768xi32, #tpu.memory_space<hbm>> -> memref<1024xi32, #tpu.memory_space<hbm>>
      tpu.wait_dma2 semaphore(%run_scoped3A : memref<!tpu.dma_semaphore, #tpu.memory_space<semaphore_mem>>) src(%dma_wait3A_2582 : memref<1024xi32, #tpu.memory_space<hbm>>) dst(%arg6 : memref<1024xi32, #tpu.memory_space<vmem>>)
      tpu.yield
    }) : () -> ()
    "tpu.region"() ({
      %run_scoped3A = tpu.sem_alloc : memref<!tpu.dma_semaphore, #tpu.memory_space<semaphore_mem>>
      %dma_start3A_2579 = tpu.memref_slice %arg3[%mul3A_2] : memref<32768xi32, #tpu.memory_space<hbm>> -> memref<1024xi32, #tpu.memory_space<hbm>>
      %dma_start3A_2580 = tpu.memref_slice %arg3[%mul3A_2] : memref<32768xi32, #tpu.memory_space<hbm>> -> memref<1024xi32, #tpu.memory_space<hbm>>
      tpu.enqueue_dma source(%dma_start3A_2580 : memref<1024xi32, #tpu.memory_space<hbm>>) target(%arg7 : memref<1024xi32, #tpu.memory_space<vmem>>) target_semaphore(%run_scoped3A : memref<!tpu.dma_semaphore, #tpu.memory_space<semaphore_mem>>)
      %dma_wait3A_2581 = tpu.memref_slice %arg3[%mul3A_2] : memref<32768xi32, #tpu.memory_space<hbm>> -> memref<1024xi32, #tpu.memory_space<hbm>>
      %dma_wait3A_2582 = tpu.memref_slice %arg3[%mul3A_2] : memref<32768xi32, #tpu.memory_space<hbm>> -> memref<1024xi32, #tpu.memory_space<hbm>>
      tpu.wait_dma2 semaphore(%run_scoped3A : memref<!tpu.dma_semaphore, #tpu.memory_space<semaphore_mem>>) src(%dma_wait3A_2582 : memref<1024xi32, #tpu.memory_space<hbm>>) dst(%arg7 : memref<1024xi32, #tpu.memory_space<vmem>>)
      tpu.yield
    }) : () -> ()
    %broadcast_in_dim3A = arith.constant 1.000000e+00 : f32
    %broadcast_in_dim3A_3 = vector.broadcast %broadcast_in_dim3A : f32 to vector<16xf32>
    %dma_start3A = arith.constant 0 : i32
    %dma_start3A_4 = tpu.memref_slice %arg6[%dma_start3A] : memref<1024xi32, #tpu.memory_space<vmem>> -> memref<80xi32, #tpu.memory_space<vmem>>
    %dma_start3A_5 = arith.constant 0 : i32
    %dma_start3A_6 = arith.constant 0 : i32
    %dma_start3A_7 = tpu.memref_slice %arg4[%dma_start3A_5, %dma_start3A_6] : memref<272x512xf32, #tpu.memory_space<hbm>> -> memref<272x512xf32, #tpu.memory_space<hbm>>
    tpu.enqueue_indirect_dma source(%dma_start3A_7 : memref<272x512xf32, #tpu.memory_space<hbm>>) target(%arg8 : memref<80x512xf32, #tpu.memory_space<vmem>>) offsets(%dma_start3A_4 : memref<80xi32, #tpu.memory_space<vmem>>) semaphore(%arg11 : memref<!tpu.dma_semaphore, #tpu.memory_space<semaphore_mem>>)
    %dma_start3A_8 = arith.constant 80 : i32
    %dma_start3A_9 = tpu.memref_slice %arg6[%dma_start3A_8] : memref<1024xi32, #tpu.memory_space<vmem>> -> memref<80xi32, #tpu.memory_space<vmem>>
    %dma_start3A_10 = arith.constant 0 : i32
    %dma_start3A_11 = arith.constant 0 : i32
    %dma_start3A_12 = tpu.memref_slice %arg4[%dma_start3A_10, %dma_start3A_11] : memref<272x512xf32, #tpu.memory_space<hbm>> -> memref<272x512xf32, #tpu.memory_space<hbm>>
    tpu.enqueue_indirect_dma source(%dma_start3A_12 : memref<272x512xf32, #tpu.memory_space<hbm>>) target(%arg9 : memref<80x512xf32, #tpu.memory_space<vmem>>) offsets(%dma_start3A_9 : memref<80xi32, #tpu.memory_space<vmem>>) semaphore(%arg12 : memref<!tpu.dma_semaphore, #tpu.memory_space<semaphore_mem>>)
    %dma_start3A_13 = arith.constant 160 : i32
    %dma_start3A_14 = tpu.memref_slice %arg6[%dma_start3A_13] : memref<1024xi32, #tpu.memory_space<vmem>> -> memref<80xi32, #tpu.memory_space<vmem>>
    %dma_start3A_15 = arith.constant 0 : i32
    %dma_start3A_16 = arith.constant 0 : i32
    %dma_start3A_17 = tpu.memref_slice %arg4[%dma_start3A_15, %dma_start3A_16] : memref<272x512xf32, #tpu.memory_space<hbm>> -> memref<272x512xf32, #tpu.memory_space<hbm>>
    tpu.enqueue_indirect_dma source(%dma_start3A_17 : memref<272x512xf32, #tpu.memory_space<hbm>>) target(%arg10 : memref<80x512xf32, #tpu.memory_space<vmem>>) offsets(%dma_start3A_14 : memref<80xi32, #tpu.memory_space<vmem>>) semaphore(%arg13 : memref<!tpu.dma_semaphore, #tpu.memory_space<semaphore_mem>>)
    %dma_wait3A = arith.constant 0 : i32
    %dma_wait3A_18 = tpu.memref_slice %arg6[%dma_wait3A] : memref<1024xi32, #tpu.memory_space<vmem>> -> memref<80xi32, #tpu.memory_space<vmem>>
    %dma_wait3A_19 = arith.constant 0 : i32
    %dma_wait3A_20 = arith.constant 0 : i32
    %dma_wait3A_21 = tpu.memref_slice %arg4[%dma_wait3A_19, %dma_wait3A_20] : memref<272x512xf32, #tpu.memory_space<hbm>> -> memref<272x512xf32, #tpu.memory_space<hbm>>
    tpu.wait_indirect_dma semaphore(%arg11 : memref<!tpu.dma_semaphore, #tpu.memory_space<semaphore_mem>>) src(%dma_wait3A_21 : memref<272x512xf32, #tpu.memory_space<hbm>>) dst(%arg8 : memref<80x512xf32, #tpu.memory_space<vmem>>)
    %get3A = arith.constant 0 : index
    %get3A_22 = tpu.vector_load %arg7[%get3A] {strides = array<i32>} : memref<1024xi32, #tpu.memory_space<vmem>>, vector<16xi32>,
    %shift_right_arithmetic3A = arith.constant 12 : i32
    %shift_right_arithmetic3A_23 = vector.broadcast %shift_right_arithmetic3A : i32 to vector<16xi32>
    %shift_right_arithmetic3A_24 = arith.shrsi %get3A_22, %shift_right_arithmetic3A_23 : vector<16xi32>
    %gt3A = arith.constant 0 : i32
    %gt3A_25 = vector.broadcast %gt3A : i32 to vector<16xi32>
    %gt3A_26 = arith.cmpi sgt, %shift_right_arithmetic3A_24, %gt3A_25 : vector<16xi32>
    %iota3A = tpu.iota {dimensions = array<i32: 0>} : vector<16xi32>
    %add3A_27 = arith.constant 0 : i32
    %add3A_28 = vector.broadcast %add3A_27 : i32 to vector<16xi32>
    %add3A_29 = arith.addi %iota3A, %add3A_28 : vector<16xi32>
    %and3A = arith.constant 15 : i32
    %and3A_30 = vector.broadcast %and3A : i32 to vector<16xi32>
    %and3A_31 = arith.andi %get3A_22, %and3A_30 : vector<16xi32>
    %add3A_32 = arith.constant 206 : i32
    %add3A_33 = vector.broadcast %add3A_32 : i32 to vector<16xi32>
    %add3A_34 = arith.addi %add3A_33, %and3A_31 : vector<16xi32>
    tpu.vector_store_idx %arg8[%add3A_29, %add3A_34], %broadcast_in_dim3A_3 masked %gt3A_26 : memref<80x512xf32, #tpu.memory_space<vmem>>[vector<16xi32>, vector<16xi32>], vector<16xf32>, vector<16xi1>
    %shift_right_arithmetic3A_35 = arith.constant 4 : i32
    %shift_right_arithmetic3A_36 = vector.broadcast %shift_right_arithmetic3A_35 : i32 to vector<16xi32>
    %shift_right_arithmetic3A_37 = arith.shrsi %get3A_22, %shift_right_arithmetic3A_36 : vector<16xi32>
    %and3A_38 = arith.constant 15 : i32
    %and3A_39 = vector.broadcast %and3A_38 : i32 to vector<16xi32>
    %and3A_40 = arith.andi %shift_right_arithmetic3A_37, %and3A_39 : vector<16xi32>
    %add3A_41 = arith.constant 222 : i32
    %add3A_42 = vector.broadcast %add3A_41 : i32 to vector<16xi32>
    %add3A_43 = arith.addi %add3A_42, %and3A_40 : vector<16xi32>
    tpu.vector_store_idx %arg8[%add3A_29, %add3A_43], %broadcast_in_dim3A_3 masked %gt3A_26 : memref<80x512xf32, #tpu.memory_space<vmem>>[vector<16xi32>, vector<16xi32>], vector<16xf32>, vector<16xi1>
    %shift_right_arithmetic3A_44 = arith.constant 8 : i32
    %shift_right_arithmetic3A_45 = vector.broadcast %shift_right_arithmetic3A_44 : i32 to vector<16xi32>
    %shift_right_arithmetic3A_46 = arith.shrsi %get3A_22, %shift_right_arithmetic3A_45 : vector<16xi32>
    %and3A_47 = arith.constant 15 : i32
    %and3A_48 = vector.broadcast %and3A_47 : i32 to vector<16xi32>
    %and3A_49 = arith.andi %shift_right_arithmetic3A_46, %and3A_48 : vector<16xi32>
    %add3A_50 = arith.constant 238 : i32
    %add3A_51 = vector.broadcast %add3A_50 : i32 to vector<16xi32>
    %add3A_52 = arith.addi %add3A_51, %and3A_49 : vector<16xi32>
    tpu.vector_store_idx %arg8[%add3A_29, %add3A_52], %broadcast_in_dim3A_3 masked %gt3A_26 : memref<80x512xf32, #tpu.memory_space<vmem>>[vector<16xi32>, vector<16xi32>], vector<16xf32>, vector<16xi1>
    %get3A_53 = arith.constant 16 : index
    %get3A_54 = tpu.vector_load %arg7[%get3A_53] {strides = array<i32>} : memref<1024xi32, #tpu.memory_space<vmem>>, vector<16xi32>,
    %shift_right_arithmetic3A_55 = arith.constant 12 : i32
    %shift_right_arithmetic3A_56 = vector.broadcast %shift_right_arithmetic3A_55 : i32 to vector<16xi32>
    %shift_right_arithmetic3A_57 = arith.shrsi %get3A_54, %shift_right_arithmetic3A_56 : vector<16xi32>
    %gt3A_58 = arith.constant 0 : i32
    %gt3A_59 = vector.broadcast %gt3A_58 : i32 to vector<16xi32>
    %gt3A_60 = arith.cmpi sgt, %shift_right_arithmetic3A_57, %gt3A_59 : vector<16xi32>
    %iota3A_61 = tpu.iota {dimensions = array<i32: 0>} : vector<16xi32>
    %add3A_62 = arith.constant 16 : i32
    %add3A_63 = vector.broadcast %add3A_62 : i32 to vector<16xi32>
    %add3A_64 = arith.addi %iota3A_61, %add3A_63 : vector<16xi32>
    %and3A_65 = arith.constant 15 : i32
    %and3A_66 = vector.broadcast %and3A_65 : i32 to vector<16xi32>
    %and3A_67 = arith.andi %get3A_54, %and3A_66 : vector<16xi32>
    %add3A_68 = arith.constant 206 : i32
    %add3A_69 = vector.broadcast %add3A_68 : i32 to vector<16xi32>
    %add3A_70 = arith.addi %add3A_69, %and3A_67 : vector<16xi32>
    tpu.vector_store_idx %arg8[%add3A_64, %add3A_70], %broadcast_in_dim3A_3 masked %gt3A_60 : memref<80x512xf32, #tpu.memory_space<vmem>>[vector<16xi32>, vector<16xi32>], vector<16xf32>, vector<16xi1>
    %shift_right_arithmetic3A_71 = arith.constant 4 : i32
    %shift_right_arithmetic3A_72 = vector.broadcast %shift_right_arithmetic3A_71 : i32 to vector<16xi32>
    %shift_right_arithmetic3A_73 = arith.shrsi %get3A_54, %shift_right_arithmetic3A_72 : vector<16xi32>
    %and3A_74 = arith.constant 15 : i32
    %and3A_75 = vector.broadcast %and3A_74 : i32 to vector<16xi32>
    %and3A_76 = arith.andi %shift_right_arithmetic3A_73, %and3A_75 : vector<16xi32>
    %add3A_77 = arith.constant 222 : i32
    %add3A_78 = vector.broadcast %add3A_77 : i32 to vector<16xi32>
    %add3A_79 = arith.addi %add3A_78, %and3A_76 : vector<16xi32>
    tpu.vector_store_idx %arg8[%add3A_64, %add3A_79], %broadcast_in_dim3A_3 masked %gt3A_60 : memref<80x512xf32, #tpu.memory_space<vmem>>[vector<16xi32>, vector<16xi32>], vector<16xf32>, vector<16xi1>
    %shift_right_arithmetic3A_80 = arith.constant 8 : i32
    %shift_right_arithmetic3A_81 = vector.broadcast %shift_right_arithmetic3A_80 : i32 to vector<16xi32>
    %shift_right_arithmetic3A_82 = arith.shrsi %get3A_54, %shift_right_arithmetic3A_81 : vector<16xi32>
    %and3A_83 = arith.constant 15 : i32
    %and3A_84 = vector.broadcast %and3A_83 : i32 to vector<16xi32>
    %and3A_85 = arith.andi %shift_right_arithmetic3A_82, %and3A_84 : vector<16xi32>
    %add3A_86 = arith.constant 238 : i32
    %add3A_87 = vector.broadcast %add3A_86 : i32 to vector<16xi32>
    %add3A_88 = arith.addi %add3A_87, %and3A_85 : vector<16xi32>
    tpu.vector_store_idx %arg8[%add3A_64, %add3A_88], %broadcast_in_dim3A_3 masked %gt3A_60 : memref<80x512xf32, #tpu.memory_space<vmem>>[vector<16xi32>, vector<16xi32>], vector<16xf32>, vector<16xi1>
    %get3A_89 = arith.constant 32 : index
    %get3A_90 = tpu.vector_load %arg7[%get3A_89] {strides = array<i32>} : memref<1024xi32, #tpu.memory_space<vmem>>, vector<16xi32>,
    %shift_right_arithmetic3A_91 = arith.constant 12 : i32
    %shift_right_arithmetic3A_92 = vector.broadcast %shift_right_arithmetic3A_91 : i32 to vector<16xi32>
    %shift_right_arithmetic3A_93 = arith.shrsi %get3A_90, %shift_right_arithmetic3A_92 : vector<16xi32>
    %gt3A_94 = arith.constant 0 : i32
    %gt3A_95 = vector.broadcast %gt3A_94 : i32 to vector<16xi32>
    %gt3A_96 = arith.cmpi sgt, %shift_right_arithmetic3A_93, %gt3A_95 : vector<16xi32>
    %iota3A_97 = tpu.iota {dimensions = array<i32: 0>} : vector<16xi32>
    %add3A_98 = arith.constant 32 : i32
    %add3A_99 = vector.broadcast %add3A_98 : i32 to vector<16xi32>
    %add3A_100 = arith.addi %iota3A_97, %add3A_99 : vector<16xi32>
    %and3A_101 = arith.constant 15 : i32
    %and3A_102 = vector.broadcast %and3A_101 : i32 to vector<16xi32>
    %and3A_103 = arith.andi %get3A_90, %and3A_102 : vector<16xi32>
    %add3A_104 = arith.constant 206 : i32
    %add3A_105 = vector.broadcast %add3A_104 : i32 to vector<16xi32>
    %add3A_106 = arith.addi %add3A_105, %and3A_103 : vector<16xi32>
    tpu.vector_store_idx %arg8[%add3A_100, %add3A_106], %broadcast_in_dim3A_3 masked %gt3A_96 : memref<80x512xf32, #tpu.memory_space<vmem>>[vector<16xi32>, vector<16xi32>], vector<16xf32>, vector<16xi1>
    %shift_right_arithmetic3A_107 = arith.constant 4 : i32
    %shift_right_arithmetic3A_108 = vector.broadcast %shift_right_arithmetic3A_107 : i32 to vector<16xi32>
    %shift_right_arithmetic3A_109 = arith.shrsi %get3A_90, %shift_right_arithmetic3A_108 : vector<16xi32>
    %and3A_110 = arith.constant 15 : i32
    %and3A_111 = vector.broadcast %and3A_110 : i32 to vector<16xi32>
    %and3A_112 = arith.andi %shift_right_arithmetic3A_109, %and3A_111 : vector<16xi32>
    %add3A_113 = arith.constant 222 : i32
    %add3A_114 = vector.broadcast %add3A_113 : i32 to vector<16xi32>
    %add3A_115 = arith.addi %add3A_114, %and3A_112 : vector<16xi32>
    tpu.vector_store_idx %arg8[%add3A_100, %add3A_115], %broadcast_in_dim3A_3 masked %gt3A_96 : memref<80x512xf32, #tpu.memory_space<vmem>>[vector<16xi32>, vector<16xi32>], vector<16xf32>, vector<16xi1>
    %shift_right_arithmetic3A_116 = arith.constant 8 : i32
    %shift_right_arithmetic3A_117 = vector.broadcast %shift_right_arithmetic3A_116 : i32 to vector<16xi32>
    %shift_right_arithmetic3A_118 = arith.shrsi %get3A_90, %shift_right_arithmetic3A_117 : vector<16xi32>
    %and3A_119 = arith.constant 15 : i32
    %and3A_120 = vector.broadcast %and3A_119 : i32 to vector<16xi32>
    %and3A_121 = arith.andi %shift_right_arithmetic3A_118, %and3A_120 : vector<16xi32>
    %add3A_122 = arith.constant 238 : i32
    %add3A_123 = vector.broadcast %add3A_122 : i32 to vector<16xi32>
    %add3A_124 = arith.addi %add3A_123, %and3A_121 : vector<16xi32>
    tpu.vector_store_idx %arg8[%add3A_100, %add3A_124], %broadcast_in_dim3A_3 masked %gt3A_96 : memref<80x512xf32, #tpu.memory_space<vmem>>[vector<16xi32>, vector<16xi32>], vector<16xf32>, vector<16xi1>
    %get3A_125 = arith.constant 48 : index
    %get3A_126 = tpu.vector_load %arg7[%get3A_125] {strides = array<i32>} : memref<1024xi32, #tpu.memory_space<vmem>>, vector<16xi32>,
    %shift_right_arithmetic3A_127 = arith.constant 12 : i32
    %shift_right_arithmetic3A_128 = vector.broadcast %shift_right_arithmetic3A_127 : i32 to vector<16xi32>
    %shift_right_arithmetic3A_129 = arith.shrsi %get3A_126, %shift_right_arithmetic3A_128 : vector<16xi32>
    %gt3A_130 = arith.constant 0 : i32
    %gt3A_131 = vector.broadcast %gt3A_130 : i32 to vector<16xi32>
    %gt3A_132 = arith.cmpi sgt, %shift_right_arithmetic3A_129, %gt3A_131 : vector<16xi32>
    %iota3A_133 = tpu.iota {dimensions = array<i32: 0>} : vector<16xi32>
    %add3A_134 = arith.constant 48 : i32
    %add3A_135 = vector.broadcast %add3A_134 : i32 to vector<16xi32>
    %add3A_136 = arith.addi %iota3A_133, %add3A_135 : vector<16xi32>
    %and3A_137 = arith.constant 15 : i32
    %and3A_138 = vector.broadcast %and3A_137 : i32 to vector<16xi32>
    %and3A_139 = arith.andi %get3A_126, %and3A_138 : vector<16xi32>
    %add3A_140 = arith.constant 206 : i32
    %add3A_141 = vector.broadcast %add3A_140 : i32 to vector<16xi32>
    %add3A_142 = arith.addi %add3A_141, %and3A_139 : vector<16xi32>
    tpu.vector_store_idx %arg8[%add3A_136, %add3A_142], %broadcast_in_dim3A_3 masked %gt3A_132 : memref<80x512xf32, #tpu.memory_space<vmem>>[vector<16xi32>, vector<16xi32>], vector<16xf32>, vector<16xi1>
    %shift_right_arithmetic3A_143 = arith.constant 4 : i32
    %shift_right_arithmetic3A_144 = vector.broadcast %shift_right_arithmetic3A_143 : i32 to vector<16xi32>
    %shift_right_arithmetic3A_145 = arith.shrsi %get3A_126, %shift_right_arithmetic3A_144 : vector<16xi32>
    %and3A_146 = arith.constant 15 : i32
    %and3A_147 = vector.broadcast %and3A_146 : i32 to vector<16xi32>
    %and3A_148 = arith.andi %shift_right_arithmetic3A_145, %and3A_147 : vector<16xi32>
    %add3A_149 = arith.constant 222 : i32
    %add3A_150 = vector.broadcast %add3A_149 : i32 to vector<16xi32>
    %add3A_151 = arith.addi %add3A_150, %and3A_148 : vector<16xi32>
    tpu.vector_store_idx %arg8[%add3A_136, %add3A_151], %broadcast_in_dim3A_3 masked %gt3A_132 : memref<80x512xf32, #tpu.memory_space<vmem>>[vector<16xi32>, vector<16xi32>], vector<16xf32>, vector<16xi1>
    %shift_right_arithmetic3A_152 = arith.constant 8 : i32
    %shift_right_arithmetic3A_153 = vector.broadcast %shift_right_arithmetic3A_152 : i32 to vector<16xi32>
    %shift_right_arithmetic3A_154 = arith.shrsi %get3A_126, %shift_right_arithmetic3A_153 : vector<16xi32>
    %and3A_155 = arith.constant 15 : i32
    %and3A_156 = vector.broadcast %and3A_155 : i32 to vector<16xi32>
    %and3A_157 = arith.andi %shift_right_arithmetic3A_154, %and3A_156 : vector<16xi32>
    %add3A_158 = arith.constant 238 : i32
    %add3A_159 = vector.broadcast %add3A_158 : i32 to vector<16xi32>
    %add3A_160 = arith.addi %add3A_159, %and3A_157 : vector<16xi32>
    tpu.vector_store_idx %arg8[%add3A_136, %add3A_160], %broadcast_in_dim3A_3 masked %gt3A_132 : memref<80x512xf32, #tpu.memory_space<vmem>>[vector<16xi32>, vector<16xi32>], vector<16xf32>, vector<16xi1>
    %get3A_161 = arith.constant 64 : index
    %get3A_162 = tpu.vector_load %arg7[%get3A_161] {strides = array<i32>} : memref<1024xi32, #tpu.memory_space<vmem>>, vector<16xi32>,
    %shift_right_arithmetic3A_163 = arith.constant 12 : i32
    %shift_right_arithmetic3A_164 = vector.broadcast %shift_right_arithmetic3A_163 : i32 to vector<16xi32>
    %shift_right_arithmetic3A_165 = arith.shrsi %get3A_162, %shift_right_arithmetic3A_164 : vector<16xi32>
    %gt3A_166 = arith.constant 0 : i32
    %gt3A_167 = vector.broadcast %gt3A_166 : i32 to vector<16xi32>
    %gt3A_168 = arith.cmpi sgt, %shift_right_arithmetic3A_165, %gt3A_167 : vector<16xi32>
    %iota3A_169 = tpu.iota {dimensions = array<i32: 0>} : vector<16xi32>
    %add3A_170 = arith.constant 64 : i32
    %add3A_171 = vector.broadcast %add3A_170 : i32 to vector<16xi32>
    %add3A_172 = arith.addi %iota3A_169, %add3A_171 : vector<16xi32>
    %and3A_173 = arith.constant 15 : i32
    %and3A_174 = vector.broadcast %and3A_173 : i32 to vector<16xi32>
    %and3A_175 = arith.andi %get3A_162, %and3A_174 : vector<16xi32>
    %add3A_176 = arith.constant 206 : i32
    %add3A_177 = vector.broadcast %add3A_176 : i32 to vector<16xi32>
    %add3A_178 = arith.addi %add3A_177, %and3A_175 : vector<16xi32>
    tpu.vector_store_idx %arg8[%add3A_172, %add3A_178], %broadcast_in_dim3A_3 masked %gt3A_168 : memref<80x512xf32, #tpu.memory_space<vmem>>[vector<16xi32>, vector<16xi32>], vector<16xf32>, vector<16xi1>
    %shift_right_arithmetic3A_179 = arith.constant 4 : i32
    %shift_right_arithmetic3A_180 = vector.broadcast %shift_right_arithmetic3A_179 : i32 to vector<16xi32>
    %shift_right_arithmetic3A_181 = arith.shrsi %get3A_162, %shift_right_arithmetic3A_180 : vector<16xi32>
    %and3A_182 = arith.constant 15 : i32
    %and3A_183 = vector.broadcast %and3A_182 : i32 to vector<16xi32>
    %and3A_184 = arith.andi %shift_right_arithmetic3A_181, %and3A_183 : vector<16xi32>
    %add3A_185 = arith.constant 222 : i32
    %add3A_186 = vector.broadcast %add3A_185 : i32 to vector<16xi32>
    %add3A_187 = arith.addi %add3A_186, %and3A_184 : vector<16xi32>
    tpu.vector_store_idx %arg8[%add3A_172, %add3A_187], %broadcast_in_dim3A_3 masked %gt3A_168 : memref<80x512xf32, #tpu.memory_space<vmem>>[vector<16xi32>, vector<16xi32>], vector<16xf32>, vector<16xi1>
    %shift_right_arithmetic3A_188 = arith.constant 8 : i32
    %shift_right_arithmetic3A_189 = vector.broadcast %shift_right_arithmetic3A_188 : i32 to vector<16xi32>
    %shift_right_arithmetic3A_190 = arith.shrsi %get3A_162, %shift_right_arithmetic3A_189 : vector<16xi32>
    %and3A_191 = arith.constant 15 : i32
    %and3A_192 = vector.broadcast %and3A_191 : i32 to vector<16xi32>
    %and3A_193 = arith.andi %shift_right_arithmetic3A_190, %and3A_192 : vector<16xi32>
    %add3A_194 = arith.constant 238 : i32
    %add3A_195 = vector.broadcast %add3A_194 : i32 to vector<16xi32>
    %add3A_196 = arith.addi %add3A_195, %and3A_193 : vector<16xi32>
    tpu.vector_store_idx %arg8[%add3A_172, %add3A_196], %broadcast_in_dim3A_3 masked %gt3A_168 : memref<80x512xf32, #tpu.memory_space<vmem>>[vector<16xi32>, vector<16xi32>], vector<16xf32>, vector<16xi1>
    %add3A_197 = arith.constant 0 : i32
    %add3A_198 = arith.addi %mul3A_2, %add3A_197 : i32
    %dma_start3A_199 = arith.constant 0 : i32
    %dma_start3A_200 = tpu.memref_slice %arg5[%add3A_198, %dma_start3A_199] : memref<32768x512xf32, #tpu.memory_space<hbm>> -> memref<80x512xf32, #tpu.memory_space<hbm>>
    %dma_start3A_201 = arith.constant 0 : i32
    %dma_start3A_202 = tpu.memref_slice %arg5[%add3A_198, %dma_start3A_201] : memref<32768x512xf32, #tpu.memory_space<hbm>> -> memref<80x512xf32, #tpu.memory_space<hbm>>
    tpu.enqueue_dma source(%arg8 : memref<80x512xf32, #tpu.memory_space<vmem>>) target(%dma_start3A_202 : memref<80x512xf32, #tpu.memory_space<hbm>>) target_semaphore(%arg14 : memref<!tpu.dma_semaphore, #tpu.memory_space<semaphore_mem>>)
    %dma_wait3A_203 = arith.constant 0 : i32
    %dma_wait3A_204 = tpu.memref_slice %arg5[%add3A_198, %dma_wait3A_203] : memref<32768x512xf32, #tpu.memory_space<hbm>> -> memref<80x512xf32, #tpu.memory_space<hbm>>
    %dma_wait3A_205 = arith.constant 0 : i32
    %dma_wait3A_206 = tpu.memref_slice %arg5[%add3A_198, %dma_wait3A_205] : memref<32768x512xf32, #tpu.memory_space<hbm>> -> memref<80x512xf32, #tpu.memory_space<hbm>>
    tpu.wait_dma2 semaphore(%arg14 : memref<!tpu.dma_semaphore, #tpu.memory_space<semaphore_mem>>) src(%arg8 : memref<80x512xf32, #tpu.memory_space<vmem>>) dst(%dma_wait3A_206 : memref<80x512xf32, #tpu.memory_space<hbm>>)
    %dma_start3A_207 = arith.constant 240 : i32
    %dma_start3A_208 = tpu.memref_slice %arg6[%dma_start3A_207] : memref<1024xi32, #tpu.memory_space<vmem>> -> memref<80xi32, #tpu.memory_space<vmem>>
    %dma_start3A_209 = arith.constant 0 : i32
    %dma_start3A_210 = arith.constant 0 : i32
    %dma_start3A_211 = tpu.memref_slice %arg4[%dma_start3A_209, %dma_start3A_210] : memref<272x512xf32, #tpu.memory_space<hbm>> -> memref<272x512xf32, #tpu.memory_space<hbm>>
    tpu.enqueue_indirect_dma source(%dma_start3A_211 : memref<272x512xf32, #tpu.memory_space<hbm>>) target(%arg8 : memref<80x512xf32, #tpu.memory_space<vmem>>) offsets(%dma_start3A_208 : memref<80xi32, #tpu.memory_space<vmem>>) semaphore(%arg11 : memref<!tpu.dma_semaphore, #tpu.memory_space<semaphore_mem>>)
    %dma_wait3A_212 = arith.constant 80 : i32
    %dma_wait3A_213 = tpu.memref_slice %arg6[%dma_wait3A_212] : memref<1024xi32, #tpu.memory_space<vmem>> -> memref<80xi32, #tpu.memory_space<vmem>>
    %dma_wait3A_214 = arith.constant 0 : i32
    %dma_wait3A_215 = arith.constant 0 : i32
    %dma_wait3A_216 = tpu.memref_slice %arg4[%dma_wait3A_214, %dma_wait3A_215] : memref<272x512xf32, #tpu.memory_space<hbm>> -> memref<272x512xf32, #tpu.memory_space<hbm>>
    tpu.wait_indirect_dma semaphore(%arg12 : memref<!tpu.dma_semaphore, #tpu.memory_space<semaphore_mem>>) src(%dma_wait3A_216 : memref<272x512xf32, #tpu.memory_space<hbm>>) dst(%arg9 : memref<80x512xf32, #tpu.memory_space<vmem>>)
    %get3A_217 = arith.constant 80 : index
    %get3A_218 = tpu.vector_load %arg7[%get3A_217] {strides = array<i32>} : memref<1024xi32, #tpu.memory_space<vmem>>, vector<16xi32>,
    %shift_right_arithmetic3A_219 = arith.constant 12 : i32
    %shift_right_arithmetic3A_220 = vector.broadcast %shift_right_arithmetic3A_219 : i32 to vector<16xi32>
    %shift_right_arithmetic3A_221 = arith.shrsi %get3A_218, %shift_right_arithmetic3A_220 : vector<16xi32>
    %gt3A_222 = arith.constant 0 : i32
    %gt3A_223 = vector.broadcast %gt3A_222 : i32 to vector<16xi32>
    %gt3A_224 = arith.cmpi sgt, %shift_right_arithmetic3A_221, %gt3A_223 : vector<16xi32>
    %iota3A_225 = tpu.iota {dimensions = array<i32: 0>} : vector<16xi32>
    %add3A_226 = arith.constant 0 : i32
    %add3A_227 = vector.broadcast %add3A_226 : i32 to vector<16xi32>
    %add3A_228 = arith.addi %iota3A_225, %add3A_227 : vector<16xi32>
    %and3A_229 = arith.constant 15 : i32
    %and3A_230 = vector.broadcast %and3A_229 : i32 to vector<16xi32>
    %and3A_231 = arith.andi %get3A_218, %and3A_230 : vector<16xi32>
    %add3A_232 = arith.constant 206 : i32
    %add3A_233 = vector.broadcast %add3A_232 : i32 to vector<16xi32>
    %add3A_234 = arith.addi %add3A_233, %and3A_231 : vector<16xi32>
    tpu.vector_store_idx %arg9[%add3A_228, %add3A_234], %broadcast_in_dim3A_3 masked %gt3A_224 : memref<80x512xf32, #tpu.memory_space<vmem>>[vector<16xi32>, vector<16xi32>], vector<16xf32>, vector<16xi1>
    %shift_right_arithmetic3A_235 = arith.constant 4 : i32
    %shift_right_arithmetic3A_236 = vector.broadcast %shift_right_arithmetic3A_235 : i32 to vector<16xi32>
    %shift_right_arithmetic3A_237 = arith.shrsi %get3A_218, %shift_right_arithmetic3A_236 : vector<16xi32>
    %and3A_238 = arith.constant 15 : i32
    %and3A_239 = vector.broadcast %and3A_238 : i32 to vector<16xi32>
    %and3A_240 = arith.andi %shift_right_arithmetic3A_237, %and3A_239 : vector<16xi32>
    %add3A_241 = arith.constant 222 : i32
    %add3A_242 = vector.broadcast %add3A_241 : i32 to vector<16xi32>
    %add3A_243 = arith.addi %add3A_242, %and3A_240 : vector<16xi32>
    tpu.vector_store_idx %arg9[%add3A_228, %add3A_243], %broadcast_in_dim3A_3 masked %gt3A_224 : memref<80x512xf32, #tpu.memory_space<vmem>>[vector<16xi32>, vector<16xi32>], vector<16xf32>, vector<16xi1>
    %shift_right_arithmetic3A_244 = arith.constant 8 : i32
    %shift_right_arithmetic3A_245 = vector.broadcast %shift_right_arithmetic3A_244 : i32 to vector<16xi32>
    %shift_right_arithmetic3A_246 = arith.shrsi %get3A_218, %shift_right_arithmetic3A_245 : vector<16xi32>
    %and3A_247 = arith.constant 15 : i32
    %and3A_248 = vector.broadcast %and3A_247 : i32 to vector<16xi32>
    %and3A_249 = arith.andi %shift_right_arithmetic3A_246, %and3A_248 : vector<16xi32>
    %add3A_250 = arith.constant 238 : i32
    %add3A_251 = vector.broadcast %add3A_250 : i32 to vector<16xi32>
    %add3A_252 = arith.addi %add3A_251, %and3A_249 : vector<16xi32>
    tpu.vector_store_idx %arg9[%add3A_228, %add3A_252], %broadcast_in_dim3A_3 masked %gt3A_224 : memref<80x512xf32, #tpu.memory_space<vmem>>[vector<16xi32>, vector<16xi32>], vector<16xf32>, vector<16xi1>
    %get3A_253 = arith.constant 96 : index
    %get3A_254 = tpu.vector_load %arg7[%get3A_253] {strides = array<i32>} : memref<1024xi32, #tpu.memory_space<vmem>>, vector<16xi32>,
    %shift_right_arithmetic3A_255 = arith.constant 12 : i32
    %shift_right_arithmetic3A_256 = vector.broadcast %shift_right_arithmetic3A_255 : i32 to vector<16xi32>
    %shift_right_arithmetic3A_257 = arith.shrsi %get3A_254, %shift_right_arithmetic3A_256 : vector<16xi32>
    %gt3A_258 = arith.constant 0 : i32
    %gt3A_259 = vector.broadcast %gt3A_258 : i32 to vector<16xi32>
    %gt3A_260 = arith.cmpi sgt, %shift_right_arithmetic3A_257, %gt3A_259 : vector<16xi32>
    %iota3A_261 = tpu.iota {dimensions = array<i32: 0>} : vector<16xi32>
    %add3A_262 = arith.constant 16 : i32
    %add3A_263 = vector.broadcast %add3A_262 : i32 to vector<16xi32>
    %add3A_264 = arith.addi %iota3A_261, %add3A_263 : vector<16xi32>
    %and3A_265 = arith.constant 15 : i32
    %and3A_266 = vector.broadcast %and3A_265 : i32 to vector<16xi32>
    %and3A_267 = arith.andi %get3A_254, %and3A_266 : vector<16xi32>
    %add3A_268 = arith.constant 206 : i32
    %add3A_269 = vector.broadcast %add3A_268 : i32 to vector<16xi32>
    %add3A_270 = arith.addi %add3A_269, %and3A_267 : vector<16xi32>
    tpu.vector_store_idx %arg9[%add3A_264, %add3A_270], %broadcast_in_dim3A_3 masked %gt3A_260 : memref<80x512xf32, #tpu.memory_space<vmem>>[vector<16xi32>, vector<16xi32>], vector<16xf32>, vector<16xi1>
    %shift_right_arithmetic3A_271 = arith.constant 4 : i32
    %shift_right_arithmetic3A_272 = vector.broadcast %shift_right_arithmetic3A_271 : i32 to vector<16xi32>
    %shift_right_arithmetic3A_273 = arith.shrsi %get3A_254, %shift_right_arithmetic3A_272 : vector<16xi32>
    %and3A_274 = arith.constant 15 : i32
    %and3A_275 = vector.broadcast %and3A_274 : i32 to vector<16xi32>
    %and3A_276 = arith.andi %shift_right_arithmetic3A_273, %and3A_275 : vector<16xi32>
    %add3A_277 = arith.constant 222 : i32
    %add3A_278 = vector.broadcast %add3A_277 : i32 to vector<16xi32>
    %add3A_279 = arith.addi %add3A_278, %and3A_276 : vector<16xi32>
    tpu.vector_store_idx %arg9[%add3A_264, %add3A_279], %broadcast_in_dim3A_3 masked %gt3A_260 : memref<80x512xf32, #tpu.memory_space<vmem>>[vector<16xi32>, vector<16xi32>], vector<16xf32>, vector<16xi1>
    %shift_right_arithmetic3A_280 = arith.constant 8 : i32
    %shift_right_arithmetic3A_281 = vector.broadcast %shift_right_arithmetic3A_280 : i32 to vector<16xi32>
    %shift_right_arithmetic3A_282 = arith.shrsi %get3A_254, %shift_right_arithmetic3A_281 : vector<16xi32>
    %and3A_283 = arith.constant 15 : i32
    %and3A_284 = vector.broadcast %and3A_283 : i32 to vector<16xi32>
    %and3A_285 = arith.andi %shift_right_arithmetic3A_282, %and3A_284 : vector<16xi32>
    %add3A_286 = arith.constant 238 : i32
    %add3A_287 = vector.broadcast %add3A_286 : i32 to vector<16xi32>
    %add3A_288 = arith.addi %add3A_287, %and3A_285 : vector<16xi32>
    tpu.vector_store_idx %arg9[%add3A_264, %add3A_288], %broadcast_in_dim3A_3 masked %gt3A_260 : memref<80x512xf32, #tpu.memory_space<vmem>>[vector<16xi32>, vector<16xi32>], vector<16xf32>, vector<16xi1>
    %get3A_289 = arith.constant 112 : index
    %get3A_290 = tpu.vector_load %arg7[%get3A_289] {strides = array<i32>} : memref<1024xi32, #tpu.memory_space<vmem>>, vector<16xi32>,
    %shift_right_arithmetic3A_291 = arith.constant 12 : i32
    %shift_right_arithmetic3A_292 = vector.broadcast %shift_right_arithmetic3A_291 : i32 to vector<16xi32>
    %shift_right_arithmetic3A_293 = arith.shrsi %get3A_290, %shift_right_arithmetic3A_292 : vector<16xi32>
    %gt3A_294 = arith.constant 0 : i32
    %gt3A_295 = vector.broadcast %gt3A_294 : i32 to vector<16xi32>
    %gt3A_296 = arith.cmpi sgt, %shift_right_arithmetic3A_293, %gt3A_295 : vector<16xi32>
    %iota3A_297 = tpu.iota {dimensions = array<i32: 0>} : vector<16xi32>
    %add3A_298 = arith.constant 32 : i32
    %add3A_299 = vector.broadcast %add3A_298 : i32 to vector<16xi32>
    %add3A_300 = arith.addi %iota3A_297, %add3A_299 : vector<16xi32>
    %and3A_301 = arith.constant 15 : i32
    %and3A_302 = vector.broadcast %and3A_301 : i32 to vector<16xi32>
    %and3A_303 = arith.andi %get3A_290, %and3A_302 : vector<16xi32>
    %add3A_304 = arith.constant 206 : i32
    %add3A_305 = vector.broadcast %add3A_304 : i32 to vector<16xi32>
    %add3A_306 = arith.addi %add3A_305, %and3A_303 : vector<16xi32>
    tpu.vector_store_idx %arg9[%add3A_300, %add3A_306], %broadcast_in_dim3A_3 masked %gt3A_296 : memref<80x512xf32, #tpu.memory_space<vmem>>[vector<16xi32>, vector<16xi32>], vector<16xf32>, vector<16xi1>
    %shift_right_arithmetic3A_307 = arith.constant 4 : i32
    %shift_right_arithmetic3A_308 = vector.broadcast %shift_right_arithmetic3A_307 : i32 to vector<16xi32>
    %shift_right_arithmetic3A_309 = arith.shrsi %get3A_290, %shift_right_arithmetic3A_308 : vector<16xi32>
    %and3A_310 = arith.constant 15 : i32
    %and3A_311 = vector.broadcast %and3A_310 : i32 to vector<16xi32>
    %and3A_312 = arith.andi %shift_right_arithmetic3A_309, %and3A_311 : vector<16xi32>
    %add3A_313 = arith.constant 222 : i32
    %add3A_314 = vector.broadcast %add3A_313 : i32 to vector<16xi32>
    %add3A_315 = arith.addi %add3A_314, %and3A_312 : vector<16xi32>
    tpu.vector_store_idx %arg9[%add3A_300, %add3A_315], %broadcast_in_dim3A_3 masked %gt3A_296 : memref<80x512xf32, #tpu.memory_space<vmem>>[vector<16xi32>, vector<16xi32>], vector<16xf32>, vector<16xi1>
    %shift_right_arithmetic3A_316 = arith.constant 8 : i32
    %shift_right_arithmetic3A_317 = vector.broadcast %shift_right_arithmetic3A_316 : i32 to vector<16xi32>
    %shift_right_arithmetic3A_318 = arith.shrsi %get3A_290, %shift_right_arithmetic3A_317 : vector<16xi32>
    %and3A_319 = arith.constant 15 : i32
    %and3A_320 = vector.broadcast %and3A_319 : i32 to vector<16xi32>
    %and3A_321 = arith.andi %shift_right_arithmetic3A_318, %and3A_320 : vector<16xi32>
    %add3A_322 = arith.constant 238 : i32
    %add3A_323 = vector.broadcast %add3A_322 : i32 to vector<16xi32>
    %add3A_324 = arith.addi %add3A_323, %and3A_321 : vector<16xi32>
    tpu.vector_store_idx %arg9[%add3A_300, %add3A_324], %broadcast_in_dim3A_3 masked %gt3A_296 : memref<80x512xf32, #tpu.memory_space<vmem>>[vector<16xi32>, vector<16xi32>], vector<16xf32>, vector<16xi1>
    %get3A_325 = arith.constant 128 : index
    %get3A_326 = tpu.vector_load %arg7[%get3A_325] {strides = array<i32>} : memref<1024xi32, #tpu.memory_space<vmem>>, vector<16xi32>,
    %shift_right_arithmetic3A_327 = arith.constant 12 : i32
    %shift_right_arithmetic3A_328 = vector.broadcast %shift_right_arithmetic3A_327 : i32 to vector<16xi32>
    %shift_right_arithmetic3A_329 = arith.shrsi %get3A_326, %shift_right_arithmetic3A_328 : vector<16xi32>
    %gt3A_330 = arith.constant 0 : i32
    %gt3A_331 = vector.broadcast %gt3A_330 : i32 to vector<16xi32>
    %gt3A_332 = arith.cmpi sgt, %shift_right_arithmetic3A_329, %gt3A_331 : vector<16xi32>
    %iota3A_333 = tpu.iota {dimensions = array<i32: 0>} : vector<16xi32>
    %add3A_334 = arith.constant 48 : i32
    %add3A_335 = vector.broadcast %add3A_334 : i32 to vector<16xi32>
    %add3A_336 = arith.addi %iota3A_333, %add3A_335 : vector<16xi32>
    %and3A_337 = arith.constant 15 : i32
    %and3A_338 = vector.broadcast %and3A_337 : i32 to vector<16xi32>
    %and3A_339 = arith.andi %get3A_326, %and3A_338 : vector<16xi32>
    %add3A_340 = arith.constant 206 : i32
    %add3A_341 = vector.broadcast %add3A_340 : i32 to vector<16xi32>
    %add3A_342 = arith.addi %add3A_341, %and3A_339 : vector<16xi32>
    tpu.vector_store_idx %arg9[%add3A_336, %add3A_342], %broadcast_in_dim3A_3 masked %gt3A_332 : memref<80x512xf32, #tpu.memory_space<vmem>>[vector<16xi32>, vector<16xi32>], vector<16xf32>, vector<16xi1>
    %shift_right_arithmetic3A_343 = arith.constant 4 : i32
    %shift_right_arithmetic3A_344 = vector.broadcast %shift_right_arithmetic3A_343 : i32 to vector<16xi32>
    %shift_right_arithmetic3A_345 = arith.shrsi %get3A_326, %shift_right_arithmetic3A_344 : vector<16xi32>
    %and3A_346 = arith.constant 15 : i32
    %and3A_347 = vector.broadcast %and3A_346 : i32 to vector<16xi32>
    %and3A_348 = arith.andi %shift_right_arithmetic3A_345, %and3A_347 : vector<16xi32>
    %add3A_349 = arith.constant 222 : i32
    %add3A_350 = vector.broadcast %add3A_349 : i32 to vector<16xi32>
    %add3A_351 = arith.addi %add3A_350, %and3A_348 : vector<16xi32>
    tpu.vector_store_idx %arg9[%add3A_336, %add3A_351], %broadcast_in_dim3A_3 masked %gt3A_332 : memref<80x512xf32, #tpu.memory_space<vmem>>[vector<16xi32>, vector<16xi32>], vector<16xf32>, vector<16xi1>
    %shift_right_arithmetic3A_352 = arith.constant 8 : i32
    %shift_right_arithmetic3A_353 = vector.broadcast %shift_right_arithmetic3A_352 : i32 to vector<16xi32>
    %shift_right_arithmetic3A_354 = arith.shrsi %get3A_326, %shift_right_arithmetic3A_353 : vector<16xi32>
    %and3A_355 = arith.constant 15 : i32
    %and3A_356 = vector.broadcast %and3A_355 : i32 to vector<16xi32>
    %and3A_357 = arith.andi %shift_right_arithmetic3A_354, %and3A_356 : vector<16xi32>
    %add3A_358 = arith.constant 238 : i32
    %add3A_359 = vector.broadcast %add3A_358 : i32 to vector<16xi32>
    %add3A_360 = arith.addi %add3A_359, %and3A_357 : vector<16xi32>
    tpu.vector_store_idx %arg9[%add3A_336, %add3A_360], %broadcast_in_dim3A_3 masked %gt3A_332 : memref<80x512xf32, #tpu.memory_space<vmem>>[vector<16xi32>, vector<16xi32>], vector<16xf32>, vector<16xi1>
    %get3A_361 = arith.constant 144 : index
    %get3A_362 = tpu.vector_load %arg7[%get3A_361] {strides = array<i32>} : memref<1024xi32, #tpu.memory_space<vmem>>, vector<16xi32>,
    %shift_right_arithmetic3A_363 = arith.constant 12 : i32
    %shift_right_arithmetic3A_364 = vector.broadcast %shift_right_arithmetic3A_363 : i32 to vector<16xi32>
    %shift_right_arithmetic3A_365 = arith.shrsi %get3A_362, %shift_right_arithmetic3A_364 : vector<16xi32>
    %gt3A_366 = arith.constant 0 : i32
    %gt3A_367 = vector.broadcast %gt3A_366 : i32 to vector<16xi32>
    %gt3A_368 = arith.cmpi sgt, %shift_right_arithmetic3A_365, %gt3A_367 : vector<16xi32>
    %iota3A_369 = tpu.iota {dimensions = array<i32: 0>} : vector<16xi32>
    %add3A_370 = arith.constant 64 : i32
    %add3A_371 = vector.broadcast %add3A_370 : i32 to vector<16xi32>
    %add3A_372 = arith.addi %iota3A_369, %add3A_371 : vector<16xi32>
    %and3A_373 = arith.constant 15 : i32
    %and3A_374 = vector.broadcast %and3A_373 : i32 to vector<16xi32>
    %and3A_375 = arith.andi %get3A_362, %and3A_374 : vector<16xi32>
    %add3A_376 = arith.constant 206 : i32
    %add3A_377 = vector.broadcast %add3A_376 : i32 to vector<16xi32>
    %add3A_378 = arith.addi %add3A_377, %and3A_375 : vector<16xi32>
    tpu.vector_store_idx %arg9[%add3A_372, %add3A_378], %broadcast_in_dim3A_3 masked %gt3A_368 : memref<80x512xf32, #tpu.memory_space<vmem>>[vector<16xi32>, vector<16xi32>], vector<16xf32>, vector<16xi1>
    %shift_right_arithmetic3A_379 = arith.constant 4 : i32
    %shift_right_arithmetic3A_380 = vector.broadcast %shift_right_arithmetic3A_379 : i32 to vector<16xi32>
    %shift_right_arithmetic3A_381 = arith.shrsi %get3A_362, %shift_right_arithmetic3A_380 : vector<16xi32>
    %and3A_382 = arith.constant 15 : i32
    %and3A_383 = vector.broadcast %and3A_382 : i32 to vector<16xi32>
    %and3A_384 = arith.andi %shift_right_arithmetic3A_381, %and3A_383 : vector<16xi32>
    %add3A_385 = arith.constant 222 : i32
    %add3A_386 = vector.broadcast %add3A_385 : i32 to vector<16xi32>
    %add3A_387 = arith.addi %add3A_386, %and3A_384 : vector<16xi32>
    tpu.vector_store_idx %arg9[%add3A_372, %add3A_387], %broadcast_in_dim3A_3 masked %gt3A_368 : memref<80x512xf32, #tpu.memory_space<vmem>>[vector<16xi32>, vector<16xi32>], vector<16xf32>, vector<16xi1>
    %shift_right_arithmetic3A_388 = arith.constant 8 : i32
    %shift_right_arithmetic3A_389 = vector.broadcast %shift_right_arithmetic3A_388 : i32 to vector<16xi32>
    %shift_right_arithmetic3A_390 = arith.shrsi %get3A_362, %shift_right_arithmetic3A_389 : vector<16xi32>
    %and3A_391 = arith.constant 15 : i32
    %and3A_392 = vector.broadcast %and3A_391 : i32 to vector<16xi32>
    %and3A_393 = arith.andi %shift_right_arithmetic3A_390, %and3A_392 : vector<16xi32>
    %add3A_394 = arith.constant 238 : i32
    %add3A_395 = vector.broadcast %add3A_394 : i32 to vector<16xi32>
    %add3A_396 = arith.addi %add3A_395, %and3A_393 : vector<16xi32>
    tpu.vector_store_idx %arg9[%add3A_372, %add3A_396], %broadcast_in_dim3A_3 masked %gt3A_368 : memref<80x512xf32, #tpu.memory_space<vmem>>[vector<16xi32>, vector<16xi32>], vector<16xf32>, vector<16xi1>
    %add3A_397 = arith.constant 80 : i32
    %add3A_398 = arith.addi %mul3A_2, %add3A_397 : i32
    %dma_start3A_399 = arith.constant 0 : i32
    %dma_start3A_400 = tpu.memref_slice %arg5[%add3A_398, %dma_start3A_399] : memref<32768x512xf32, #tpu.memory_space<hbm>> -> memref<80x512xf32, #tpu.memory_space<hbm>>
    %dma_start3A_401 = arith.constant 0 : i32
    %dma_start3A_402 = tpu.memref_slice %arg5[%add3A_398, %dma_start3A_401] : memref<32768x512xf32, #tpu.memory_space<hbm>> -> memref<80x512xf32, #tpu.memory_space<hbm>>
    tpu.enqueue_dma source(%arg9 : memref<80x512xf32, #tpu.memory_space<vmem>>) target(%dma_start3A_402 : memref<80x512xf32, #tpu.memory_space<hbm>>) target_semaphore(%arg15 : memref<!tpu.dma_semaphore, #tpu.memory_space<semaphore_mem>>)
    %dma_wait3A_403 = arith.constant 0 : i32
    %dma_wait3A_404 = tpu.memref_slice %arg5[%add3A_398, %dma_wait3A_403] : memref<32768x512xf32, #tpu.memory_space<hbm>> -> memref<80x512xf32, #tpu.memory_space<hbm>>
    %dma_wait3A_405 = arith.constant 0 : i32
    %dma_wait3A_406 = tpu.memref_slice %arg5[%add3A_398, %dma_wait3A_405] : memref<32768x512xf32, #tpu.memory_space<hbm>> -> memref<80x512xf32, #tpu.memory_space<hbm>>
    tpu.wait_dma2 semaphore(%arg15 : memref<!tpu.dma_semaphore, #tpu.memory_space<semaphore_mem>>) src(%arg9 : memref<80x512xf32, #tpu.memory_space<vmem>>) dst(%dma_wait3A_406 : memref<80x512xf32, #tpu.memory_space<hbm>>)
    %dma_start3A_407 = arith.constant 320 : i32
    %dma_start3A_408 = tpu.memref_slice %arg6[%dma_start3A_407] : memref<1024xi32, #tpu.memory_space<vmem>> -> memref<80xi32, #tpu.memory_space<vmem>>
    %dma_start3A_409 = arith.constant 0 : i32
    %dma_start3A_410 = arith.constant 0 : i32
    %dma_start3A_411 = tpu.memref_slice %arg4[%dma_start3A_409, %dma_start3A_410] : memref<272x512xf32, #tpu.memory_space<hbm>> -> memref<272x512xf32, #tpu.memory_space<hbm>>
    tpu.enqueue_indirect_dma source(%dma_start3A_411 : memref<272x512xf32, #tpu.memory_space<hbm>>) target(%arg9 : memref<80x512xf32, #tpu.memory_space<vmem>>) offsets(%dma_start3A_408 : memref<80xi32, #tpu.memory_space<vmem>>) semaphore(%arg12 : memref<!tpu.dma_semaphore, #tpu.memory_space<semaphore_mem>>)
    %dma_wait3A_412 = arith.constant 160 : i32
    %dma_wait3A_413 = tpu.memref_slice %arg6[%dma_wait3A_412] : memref<1024xi32, #tpu.memory_space<vmem>> -> memref<80xi32, #tpu.memory_space<vmem>>
    %dma_wait3A_414 = arith.constant 0 : i32
    %dma_wait3A_415 = arith.constant 0 : i32
    %dma_wait3A_416 = tpu.memref_slice %arg4[%dma_wait3A_414, %dma_wait3A_415] : memref<272x512xf32, #tpu.memory_space<hbm>> -> memref<272x512xf32, #tpu.memory_space<hbm>>
    tpu.wait_indirect_dma semaphore(%arg13 : memref<!tpu.dma_semaphore, #tpu.memory_space<semaphore_mem>>) src(%dma_wait3A_416 : memref<272x512xf32, #tpu.memory_space<hbm>>) dst(%arg10 : memref<80x512xf32, #tpu.memory_space<vmem>>)
    %get3A_417 = arith.constant 160 : index
    %get3A_418 = tpu.vector_load %arg7[%get3A_417] {strides = array<i32>} : memref<1024xi32, #tpu.memory_space<vmem>>, vector<16xi32>,
    %shift_right_arithmetic3A_419 = arith.constant 12 : i32
    %shift_right_arithmetic3A_420 = vector.broadcast %shift_right_arithmetic3A_419 : i32 to vector<16xi32>
    %shift_right_arithmetic3A_421 = arith.shrsi %get3A_418, %shift_right_arithmetic3A_420 : vector<16xi32>
    %gt3A_422 = arith.constant 0 : i32
    %gt3A_423 = vector.broadcast %gt3A_422 : i32 to vector<16xi32>
    %gt3A_424 = arith.cmpi sgt, %shift_right_arithmetic3A_421, %gt3A_423 : vector<16xi32>
    %iota3A_425 = tpu.iota {dimensions = array<i32: 0>} : vector<16xi32>
    %add3A_426 = arith.constant 0 : i32
    %add3A_427 = vector.broadcast %add3A_426 : i32 to vector<16xi32>
    %add3A_428 = arith.addi %iota3A_425, %add3A_427 : vector<16xi32>
    %and3A_429 = arith.constant 15 : i32
    %and3A_430 = vector.broadcast %and3A_429 : i32 to vector<16xi32>
    %and3A_431 = arith.andi %get3A_418, %and3A_430 : vector<16xi32>
    %add3A_432 = arith.constant 206 : i32
    %add3A_433 = vector.broadcast %add3A_432 : i32 to vector<16xi32>
    %add3A_434 = arith.addi %add3A_433, %and3A_431 : vector<16xi32>
    tpu.vector_store_idx %arg10[%add3A_428, %add3A_434], %broadcast_in_dim3A_3 masked %gt3A_424 : memref<80x512xf32, #tpu.memory_space<vmem>>[vector<16xi32>, vector<16xi32>], vector<16xf32>, vector<16xi1>
    %shift_right_arithmetic3A_435 = arith.constant 4 : i32
    %shift_right_arithmetic3A_436 = vector.broadcast %shift_right_arithmetic3A_435 : i32 to vector<16xi32>
    %shift_right_arithmetic3A_437 = arith.shrsi %get3A_418, %shift_right_arithmetic3A_436 : vector<16xi32>
    %and3A_438 = arith.constant 15 : i32
    %and3A_439 = vector.broadcast %and3A_438 : i32 to vector<16xi32>
    %and3A_440 = arith.andi %shift_right_arithmetic3A_437, %and3A_439 : vector<16xi32>
    %add3A_441 = arith.constant 222 : i32
    %add3A_442 = vector.broadcast %add3A_441 : i32 to vector<16xi32>
    %add3A_443 = arith.addi %add3A_442, %and3A_440 : vector<16xi32>
    tpu.vector_store_idx %arg10[%add3A_428, %add3A_443], %broadcast_in_dim3A_3 masked %gt3A_424 : memref<80x512xf32, #tpu.memory_space<vmem>>[vector<16xi32>, vector<16xi32>], vector<16xf32>, vector<16xi1>
    %shift_right_arithmetic3A_444 = arith.constant 8 : i32
    %shift_right_arithmetic3A_445 = vector.broadcast %shift_right_arithmetic3A_444 : i32 to vector<16xi32>
    %shift_right_arithmetic3A_446 = arith.shrsi %get3A_418, %shift_right_arithmetic3A_445 : vector<16xi32>
    %and3A_447 = arith.constant 15 : i32
    %and3A_448 = vector.broadcast %and3A_447 : i32 to vector<16xi32>
    %and3A_449 = arith.andi %shift_right_arithmetic3A_446, %and3A_448 : vector<16xi32>
    %add3A_450 = arith.constant 238 : i32
    %add3A_451 = vector.broadcast %add3A_450 : i32 to vector<16xi32>
    %add3A_452 = arith.addi %add3A_451, %and3A_449 : vector<16xi32>
    tpu.vector_store_idx %arg10[%add3A_428, %add3A_452], %broadcast_in_dim3A_3 masked %gt3A_424 : memref<80x512xf32, #tpu.memory_space<vmem>>[vector<16xi32>, vector<16xi32>], vector<16xf32>, vector<16xi1>
    %get3A_453 = arith.constant 176 : index
    %get3A_454 = tpu.vector_load %arg7[%get3A_453] {strides = array<i32>} : memref<1024xi32, #tpu.memory_space<vmem>>, vector<16xi32>,
    %shift_right_arithmetic3A_455 = arith.constant 12 : i32
    %shift_right_arithmetic3A_456 = vector.broadcast %shift_right_arithmetic3A_455 : i32 to vector<16xi32>
    %shift_right_arithmetic3A_457 = arith.shrsi %get3A_454, %shift_right_arithmetic3A_456 : vector<16xi32>
    %gt3A_458 = arith.constant 0 : i32
    %gt3A_459 = vector.broadcast %gt3A_458 : i32 to vector<16xi32>
    %gt3A_460 = arith.cmpi sgt, %shift_right_arithmetic3A_457, %gt3A_459 : vector<16xi32>
    %iota3A_461 = tpu.iota {dimensions = array<i32: 0>} : vector<16xi32>
    %add3A_462 = arith.constant 16 : i32
    %add3A_463 = vector.broadcast %add3A_462 : i32 to vector<16xi32>
    %add3A_464 = arith.addi %iota3A_461, %add3A_463 : vector<16xi32>
    %and3A_465 = arith.constant 15 : i32
    %and3A_466 = vector.broadcast %and3A_465 : i32 to vector<16xi32>
    %and3A_467 = arith.andi %get3A_454, %and3A_466 : vector<16xi32>
    %add3A_468 = arith.constant 206 : i32
    %add3A_469 = vector.broadcast %add3A_468 : i32 to vector<16xi32>
    %add3A_470 = arith.addi %add3A_469, %and3A_467 : vector<16xi32>
    tpu.vector_store_idx %arg10[%add3A_464, %add3A_470], %broadcast_in_dim3A_3 masked %gt3A_460 : memref<80x512xf32, #tpu.memory_space<vmem>>[vector<16xi32>, vector<16xi32>], vector<16xf32>, vector<16xi1>
    %shift_right_arithmetic3A_471 = arith.constant 4 : i32
    %shift_right_arithmetic3A_472 = vector.broadcast %shift_right_arithmetic3A_471 : i32 to vector<16xi32>
    %shift_right_arithmetic3A_473 = arith.shrsi %get3A_454, %shift_right_arithmetic3A_472 : vector<16xi32>
    %and3A_474 = arith.constant 15 : i32
    %and3A_475 = vector.broadcast %and3A_474 : i32 to vector<16xi32>
    %and3A_476 = arith.andi %shift_right_arithmetic3A_473, %and3A_475 : vector<16xi32>
    %add3A_477 = arith.constant 222 : i32
    %add3A_478 = vector.broadcast %add3A_477 : i32 to vector<16xi32>
    %add3A_479 = arith.addi %add3A_478, %and3A_476 : vector<16xi32>
    tpu.vector_store_idx %arg10[%add3A_464, %add3A_479], %broadcast_in_dim3A_3 masked %gt3A_460 : memref<80x512xf32, #tpu.memory_space<vmem>>[vector<16xi32>, vector<16xi32>], vector<16xf32>, vector<16xi1>
    %shift_right_arithmetic3A_480 = arith.constant 8 : i32
    %shift_right_arithmetic3A_481 = vector.broadcast %shift_right_arithmetic3A_480 : i32 to vector<16xi32>
    %shift_right_arithmetic3A_482 = arith.shrsi %get3A_454, %shift_right_arithmetic3A_481 : vector<16xi32>
    %and3A_483 = arith.constant 15 : i32
    %and3A_484 = vector.broadcast %and3A_483 : i32 to vector<16xi32>
    %and3A_485 = arith.andi %shift_right_arithmetic3A_482, %and3A_484 : vector<16xi32>
    %add3A_486 = arith.constant 238 : i32
    %add3A_487 = vector.broadcast %add3A_486 : i32 to vector<16xi32>
    %add3A_488 = arith.addi %add3A_487, %and3A_485 : vector<16xi32>
    tpu.vector_store_idx %arg10[%add3A_464, %add3A_488], %broadcast_in_dim3A_3 masked %gt3A_460 : memref<80x512xf32, #tpu.memory_space<vmem>>[vector<16xi32>, vector<16xi32>], vector<16xf32>, vector<16xi1>
    %get3A_489 = arith.constant 192 : index
    %get3A_490 = tpu.vector_load %arg7[%get3A_489] {strides = array<i32>} : memref<1024xi32, #tpu.memory_space<vmem>>, vector<16xi32>,
    %shift_right_arithmetic3A_491 = arith.constant 12 : i32
    %shift_right_arithmetic3A_492 = vector.broadcast %shift_right_arithmetic3A_491 : i32 to vector<16xi32>
    %shift_right_arithmetic3A_493 = arith.shrsi %get3A_490, %shift_right_arithmetic3A_492 : vector<16xi32>
    %gt3A_494 = arith.constant 0 : i32
    %gt3A_495 = vector.broadcast %gt3A_494 : i32 to vector<16xi32>
    %gt3A_496 = arith.cmpi sgt, %shift_right_arithmetic3A_493, %gt3A_495 : vector<16xi32>
    %iota3A_497 = tpu.iota {dimensions = array<i32: 0>} : vector<16xi32>
    %add3A_498 = arith.constant 32 : i32
    %add3A_499 = vector.broadcast %add3A_498 : i32 to vector<16xi32>
    %add3A_500 = arith.addi %iota3A_497, %add3A_499 : vector<16xi32>
    %and3A_501 = arith.constant 15 : i32
    %and3A_502 = vector.broadcast %and3A_501 : i32 to vector<16xi32>
    %and3A_503 = arith.andi %get3A_490, %and3A_502 : vector<16xi32>
    %add3A_504 = arith.constant 206 : i32
    %add3A_505 = vector.broadcast %add3A_504 : i32 to vector<16xi32>
    %add3A_506 = arith.addi %add3A_505, %and3A_503 : vector<16xi32>
    tpu.vector_store_idx %arg10[%add3A_500, %add3A_506], %broadcast_in_dim3A_3 masked %gt3A_496 : memref<80x512xf32, #tpu.memory_space<vmem>>[vector<16xi32>, vector<16xi32>], vector<16xf32>, vector<16xi1>
    %shift_right_arithmetic3A_507 = arith.constant 4 : i32
    %shift_right_arithmetic3A_508 = vector.broadcast %shift_right_arithmetic3A_507 : i32 to vector<16xi32>
    %shift_right_arithmetic3A_509 = arith.shrsi %get3A_490, %shift_right_arithmetic3A_508 : vector<16xi32>
    %and3A_510 = arith.constant 15 : i32
    %and3A_511 = vector.broadcast %and3A_510 : i32 to vector<16xi32>
    %and3A_512 = arith.andi %shift_right_arithmetic3A_509, %and3A_511 : vector<16xi32>
    %add3A_513 = arith.constant 222 : i32
    %add3A_514 = vector.broadcast %add3A_513 : i32 to vector<16xi32>
    %add3A_515 = arith.addi %add3A_514, %and3A_512 : vector<16xi32>
    tpu.vector_store_idx %arg10[%add3A_500, %add3A_515], %broadcast_in_dim3A_3 masked %gt3A_496 : memref<80x512xf32, #tpu.memory_space<vmem>>[vector<16xi32>, vector<16xi32>], vector<16xf32>, vector<16xi1>
    %shift_right_arithmetic3A_516 = arith.constant 8 : i32
    %shift_right_arithmetic3A_517 = vector.broadcast %shift_right_arithmetic3A_516 : i32 to vector<16xi32>
    %shift_right_arithmetic3A_518 = arith.shrsi %get3A_490, %shift_right_arithmetic3A_517 : vector<16xi32>
    %and3A_519 = arith.constant 15 : i32
    %and3A_520 = vector.broadcast %and3A_519 : i32 to vector<16xi32>
    %and3A_521 = arith.andi %shift_right_arithmetic3A_518, %and3A_520 : vector<16xi32>
    %add3A_522 = arith.constant 238 : i32
    %add3A_523 = vector.broadcast %add3A_522 : i32 to vector<16xi32>
    %add3A_524 = arith.addi %add3A_523, %and3A_521 : vector<16xi32>
    tpu.vector_store_idx %arg10[%add3A_500, %add3A_524], %broadcast_in_dim3A_3 masked %gt3A_496 : memref<80x512xf32, #tpu.memory_space<vmem>>[vector<16xi32>, vector<16xi32>], vector<16xf32>, vector<16xi1>
    %get3A_525 = arith.constant 208 : index
    %get3A_526 = tpu.vector_load %arg7[%get3A_525] {strides = array<i32>} : memref<1024xi32, #tpu.memory_space<vmem>>, vector<16xi32>,
    %shift_right_arithmetic3A_527 = arith.constant 12 : i32
    %shift_right_arithmetic3A_528 = vector.broadcast %shift_right_arithmetic3A_527 : i32 to vector<16xi32>
    %shift_right_arithmetic3A_529 = arith.shrsi %get3A_526, %shift_right_arithmetic3A_528 : vector<16xi32>
    %gt3A_530 = arith.constant 0 : i32
    %gt3A_531 = vector.broadcast %gt3A_530 : i32 to vector<16xi32>
    %gt3A_532 = arith.cmpi sgt, %shift_right_arithmetic3A_529, %gt3A_531 : vector<16xi32>
    %iota3A_533 = tpu.iota {dimensions = array<i32: 0>} : vector<16xi32>
    %add3A_534 = arith.constant 48 : i32
    %add3A_535 = vector.broadcast %add3A_534 : i32 to vector<16xi32>
    %add3A_536 = arith.addi %iota3A_533, %add3A_535 : vector<16xi32>
    %and3A_537 = arith.constant 15 : i32
    %and3A_538 = vector.broadcast %and3A_537 : i32 to vector<16xi32>
    %and3A_539 = arith.andi %get3A_526, %and3A_538 : vector<16xi32>
    %add3A_540 = arith.constant 206 : i32
    %add3A_541 = vector.broadcast %add3A_540 : i32 to vector<16xi32>
    %add3A_542 = arith.addi %add3A_541, %and3A_539 : vector<16xi32>
    tpu.vector_store_idx %arg10[%add3A_536, %add3A_542], %broadcast_in_dim3A_3 masked %gt3A_532 : memref<80x512xf32, #tpu.memory_space<vmem>>[vector<16xi32>, vector<16xi32>], vector<16xf32>, vector<16xi1>
    %shift_right_arithmetic3A_543 = arith.constant 4 : i32
    %shift_right_arithmetic3A_544 = vector.broadcast %shift_right_arithmetic3A_543 : i32 to vector<16xi32>
    %shift_right_arithmetic3A_545 = arith.shrsi %get3A_526, %shift_right_arithmetic3A_544 : vector<16xi32>
    %and3A_546 = arith.constant 15 : i32
    %and3A_547 = vector.broadcast %and3A_546 : i32 to vector<16xi32>
    %and3A_548 = arith.andi %shift_right_arithmetic3A_545, %and3A_547 : vector<16xi32>
    %add3A_549 = arith.constant 222 : i32
    %add3A_550 = vector.broadcast %add3A_549 : i32 to vector<16xi32>
    %add3A_551 = arith.addi %add3A_550, %and3A_548 : vector<16xi32>
    tpu.vector_store_idx %arg10[%add3A_536, %add3A_551], %broadcast_in_dim3A_3 masked %gt3A_532 : memref<80x512xf32, #tpu.memory_space<vmem>>[vector<16xi32>, vector<16xi32>], vector<16xf32>, vector<16xi1>
    %shift_right_arithmetic3A_552 = arith.constant 8 : i32
    %shift_right_arithmetic3A_553 = vector.broadcast %shift_right_arithmetic3A_552 : i32 to vector<16xi32>
    %shift_right_arithmetic3A_554 = arith.shrsi %get3A_526, %shift_right_arithmetic3A_553 : vector<16xi32>
    %and3A_555 = arith.constant 15 : i32
    %and3A_556 = vector.broadcast %and3A_555 : i32 to vector<16xi32>
    %and3A_557 = arith.andi %shift_right_arithmetic3A_554, %and3A_556 : vector<16xi32>
    %add3A_558 = arith.constant 238 : i32
    %add3A_559 = vector.broadcast %add3A_558 : i32 to vector<16xi32>
    %add3A_560 = arith.addi %add3A_559, %and3A_557 : vector<16xi32>
    tpu.vector_store_idx %arg10[%add3A_536, %add3A_560], %broadcast_in_dim3A_3 masked %gt3A_532 : memref<80x512xf32, #tpu.memory_space<vmem>>[vector<16xi32>, vector<16xi32>], vector<16xf32>, vector<16xi1>
    %get3A_561 = arith.constant 224 : index
    %get3A_562 = tpu.vector_load %arg7[%get3A_561] {strides = array<i32>} : memref<1024xi32, #tpu.memory_space<vmem>>, vector<16xi32>,
    %shift_right_arithmetic3A_563 = arith.constant 12 : i32
    %shift_right_arithmetic3A_564 = vector.broadcast %shift_right_arithmetic3A_563 : i32 to vector<16xi32>
    %shift_right_arithmetic3A_565 = arith.shrsi %get3A_562, %shift_right_arithmetic3A_564 : vector<16xi32>
    %gt3A_566 = arith.constant 0 : i32
    %gt3A_567 = vector.broadcast %gt3A_566 : i32 to vector<16xi32>
    %gt3A_568 = arith.cmpi sgt, %shift_right_arithmetic3A_565, %gt3A_567 : vector<16xi32>
    %iota3A_569 = tpu.iota {dimensions = array<i32: 0>} : vector<16xi32>
    %add3A_570 = arith.constant 64 : i32
    %add3A_571 = vector.broadcast %add3A_570 : i32 to vector<16xi32>
    %add3A_572 = arith.addi %iota3A_569, %add3A_571 : vector<16xi32>
    %and3A_573 = arith.constant 15 : i32
    %and3A_574 = vector.broadcast %and3A_573 : i32 to vector<16xi32>
    %and3A_575 = arith.andi %get3A_562, %and3A_574 : vector<16xi32>
    %add3A_576 = arith.constant 206 : i32
    %add3A_577 = vector.broadcast %add3A_576 : i32 to vector<16xi32>
    %add3A_578 = arith.addi %add3A_577, %and3A_575 : vector<16xi32>
    tpu.vector_store_idx %arg10[%add3A_572, %add3A_578], %broadcast_in_dim3A_3 masked %gt3A_568 : memref<80x512xf32, #tpu.memory_space<vmem>>[vector<16xi32>, vector<16xi32>], vector<16xf32>, vector<16xi1>
    %shift_right_arithmetic3A_579 = arith.constant 4 : i32
    %shift_right_arithmetic3A_580 = vector.broadcast %shift_right_arithmetic3A_579 : i32 to vector<16xi32>
    %shift_right_arithmetic3A_581 = arith.shrsi %get3A_562, %shift_right_arithmetic3A_580 : vector<16xi32>
    %and3A_582 = arith.constant 15 : i32
    %and3A_583 = vector.broadcast %and3A_582 : i32 to vector<16xi32>
    %and3A_584 = arith.andi %shift_right_arithmetic3A_581, %and3A_583 : vector<16xi32>
    %add3A_585 = arith.constant 222 : i32
    %add3A_586 = vector.broadcast %add3A_585 : i32 to vector<16xi32>
    %add3A_587 = arith.addi %add3A_586, %and3A_584 : vector<16xi32>
    tpu.vector_store_idx %arg10[%add3A_572, %add3A_587], %broadcast_in_dim3A_3 masked %gt3A_568 : memref<80x512xf32, #tpu.memory_space<vmem>>[vector<16xi32>, vector<16xi32>], vector<16xf32>, vector<16xi1>
    %shift_right_arithmetic3A_588 = arith.constant 8 : i32
    %shift_right_arithmetic3A_589 = vector.broadcast %shift_right_arithmetic3A_588 : i32 to vector<16xi32>
    %shift_right_arithmetic3A_590 = arith.shrsi %get3A_562, %shift_right_arithmetic3A_589 : vector<16xi32>
    %and3A_591 = arith.constant 15 : i32
    %and3A_592 = vector.broadcast %and3A_591 : i32 to vector<16xi32>
    %and3A_593 = arith.andi %shift_right_arithmetic3A_590, %and3A_592 : vector<16xi32>
    %add3A_594 = arith.constant 238 : i32
    %add3A_595 = vector.broadcast %add3A_594 : i32 to vector<16xi32>
    %add3A_596 = arith.addi %add3A_595, %and3A_593 : vector<16xi32>
    tpu.vector_store_idx %arg10[%add3A_572, %add3A_596], %broadcast_in_dim3A_3 masked %gt3A_568 : memref<80x512xf32, #tpu.memory_space<vmem>>[vector<16xi32>, vector<16xi32>], vector<16xf32>, vector<16xi1>
    %add3A_597 = arith.constant 160 : i32
    %add3A_598 = arith.addi %mul3A_2, %add3A_597 : i32
    %dma_start3A_599 = arith.constant 0 : i32
    %dma_start3A_600 = tpu.memref_slice %arg5[%add3A_598, %dma_start3A_599] : memref<32768x512xf32, #tpu.memory_space<hbm>> -> memref<80x512xf32, #tpu.memory_space<hbm>>
    %dma_start3A_601 = arith.constant 0 : i32
    %dma_start3A_602 = tpu.memref_slice %arg5[%add3A_598, %dma_start3A_601] : memref<32768x512xf32, #tpu.memory_space<hbm>> -> memref<80x512xf32, #tpu.memory_space<hbm>>
    tpu.enqueue_dma source(%arg10 : memref<80x512xf32, #tpu.memory_space<vmem>>) target(%dma_start3A_602 : memref<80x512xf32, #tpu.memory_space<hbm>>) target_semaphore(%arg16 : memref<!tpu.dma_semaphore, #tpu.memory_space<semaphore_mem>>)
    %dma_wait3A_603 = arith.constant 0 : i32
    %dma_wait3A_604 = tpu.memref_slice %arg5[%add3A_598, %dma_wait3A_603] : memref<32768x512xf32, #tpu.memory_space<hbm>> -> memref<80x512xf32, #tpu.memory_space<hbm>>
    %dma_wait3A_605 = arith.constant 0 : i32
    %dma_wait3A_606 = tpu.memref_slice %arg5[%add3A_598, %dma_wait3A_605] : memref<32768x512xf32, #tpu.memory_space<hbm>> -> memref<80x512xf32, #tpu.memory_space<hbm>>
    tpu.wait_dma2 semaphore(%arg16 : memref<!tpu.dma_semaphore, #tpu.memory_space<semaphore_mem>>) src(%arg10 : memref<80x512xf32, #tpu.memory_space<vmem>>) dst(%dma_wait3A_606 : memref<80x512xf32, #tpu.memory_space<hbm>>)
    %dma_start3A_607 = arith.constant 400 : i32
    %dma_start3A_608 = tpu.memref_slice %arg6[%dma_start3A_607] : memref<1024xi32, #tpu.memory_space<vmem>> -> memref<80xi32, #tpu.memory_space<vmem>>
    %dma_start3A_609 = arith.constant 0 : i32
    %dma_start3A_610 = arith.constant 0 : i32
    %dma_start3A_611 = tpu.memref_slice %arg4[%dma_start3A_609, %dma_start3A_610] : memref<272x512xf32, #tpu.memory_space<hbm>> -> memref<272x512xf32, #tpu.memory_space<hbm>>
    tpu.enqueue_indirect_dma source(%dma_start3A_611 : memref<272x512xf32, #tpu.memory_space<hbm>>) target(%arg10 : memref<80x512xf32, #tpu.memory_space<vmem>>) offsets(%dma_start3A_608 : memref<80xi32, #tpu.memory_space<vmem>>) semaphore(%arg13 : memref<!tpu.dma_semaphore, #tpu.memory_space<semaphore_mem>>)
    %dma_wait3A_612 = arith.constant 240 : i32
    %dma_wait3A_613 = tpu.memref_slice %arg6[%dma_wait3A_612] : memref<1024xi32, #tpu.memory_space<vmem>> -> memref<80xi32, #tpu.memory_space<vmem>>
    %dma_wait3A_614 = arith.constant 0 : i32
    %dma_wait3A_615 = arith.constant 0 : i32
    %dma_wait3A_616 = tpu.memref_slice %arg4[%dma_wait3A_614, %dma_wait3A_615] : memref<272x512xf32, #tpu.memory_space<hbm>> -> memref<272x512xf32, #tpu.memory_space<hbm>>
    tpu.wait_indirect_dma semaphore(%arg11 : memref<!tpu.dma_semaphore, #tpu.memory_space<semaphore_mem>>) src(%dma_wait3A_616 : memref<272x512xf32, #tpu.memory_space<hbm>>) dst(%arg8 : memref<80x512xf32, #tpu.memory_space<vmem>>)
    %get3A_617 = arith.constant 240 : index
    %get3A_618 = tpu.vector_load %arg7[%get3A_617] {strides = array<i32>} : memref<1024xi32, #tpu.memory_space<vmem>>, vector<16xi32>,
    %shift_right_arithmetic3A_619 = arith.constant 12 : i32
    %shift_right_arithmetic3A_620 = vector.broadcast %shift_right_arithmetic3A_619 : i32 to vector<16xi32>
    %shift_right_arithmetic3A_621 = arith.shrsi %get3A_618, %shift_right_arithmetic3A_620 : vector<16xi32>
    %gt3A_622 = arith.constant 0 : i32
    %gt3A_623 = vector.broadcast %gt3A_622 : i32 to vector<16xi32>
    %gt3A_624 = arith.cmpi sgt, %shift_right_arithmetic3A_621, %gt3A_623 : vector<16xi32>
    %iota3A_625 = tpu.iota {dimensions = array<i32: 0>} : vector<16xi32>
    %add3A_626 = arith.constant 0 : i32
    %add3A_627 = vector.broadcast %add3A_626 : i32 to vector<16xi32>
    %add3A_628 = arith.addi %iota3A_625, %add3A_627 : vector<16xi32>
    %and3A_629 = arith.constant 15 : i32
    %and3A_630 = vector.broadcast %and3A_629 : i32 to vector<16xi32>
    %and3A_631 = arith.andi %get3A_618, %and3A_630 : vector<16xi32>
    %add3A_632 = arith.constant 206 : i32
    %add3A_633 = vector.broadcast %add3A_632 : i32 to vector<16xi32>
    %add3A_634 = arith.addi %add3A_633, %and3A_631 : vector<16xi32>
    tpu.vector_store_idx %arg8[%add3A_628, %add3A_634], %broadcast_in_dim3A_3 masked %gt3A_624 : memref<80x512xf32, #tpu.memory_space<vmem>>[vector<16xi32>, vector<16xi32>], vector<16xf32>, vector<16xi1>
    %shift_right_arithmetic3A_635 = arith.constant 4 : i32
    %shift_right_arithmetic3A_636 = vector.broadcast %shift_right_arithmetic3A_635 : i32 to vector<16xi32>
    %shift_right_arithmetic3A_637 = arith.shrsi %get3A_618, %shift_right_arithmetic3A_636 : vector<16xi32>
    %and3A_638 = arith.constant 15 : i32
    %and3A_639 = vector.broadcast %and3A_638 : i32 to vector<16xi32>
    %and3A_640 = arith.andi %shift_right_arithmetic3A_637, %and3A_639 : vector<16xi32>
    %add3A_641 = arith.constant 222 : i32
    %add3A_642 = vector.broadcast %add3A_641 : i32 to vector<16xi32>
    %add3A_643 = arith.addi %add3A_642, %and3A_640 : vector<16xi32>
    tpu.vector_store_idx %arg8[%add3A_628, %add3A_643], %broadcast_in_dim3A_3 masked %gt3A_624 : memref<80x512xf32, #tpu.memory_space<vmem>>[vector<16xi32>, vector<16xi32>], vector<16xf32>, vector<16xi1>
    %shift_right_arithmetic3A_644 = arith.constant 8 : i32
    %shift_right_arithmetic3A_645 = vector.broadcast %shift_right_arithmetic3A_644 : i32 to vector<16xi32>
    %shift_right_arithmetic3A_646 = arith.shrsi %get3A_618, %shift_right_arithmetic3A_645 : vector<16xi32>
    %and3A_647 = arith.constant 15 : i32
    %and3A_648 = vector.broadcast %and3A_647 : i32 to vector<16xi32>
    %and3A_649 = arith.andi %shift_right_arithmetic3A_646, %and3A_648 : vector<16xi32>
    %add3A_650 = arith.constant 238 : i32
    %add3A_651 = vector.broadcast %add3A_650 : i32 to vector<16xi32>
    %add3A_652 = arith.addi %add3A_651, %and3A_649 : vector<16xi32>
    tpu.vector_store_idx %arg8[%add3A_628, %add3A_652], %broadcast_in_dim3A_3 masked %gt3A_624 : memref<80x512xf32, #tpu.memory_space<vmem>>[vector<16xi32>, vector<16xi32>], vector<16xf32>, vector<16xi1>
    %get3A_653 = arith.constant 256 : index
    %get3A_654 = tpu.vector_load %arg7[%get3A_653] {strides = array<i32>} : memref<1024xi32, #tpu.memory_space<vmem>>, vector<16xi32>,
    %shift_right_arithmetic3A_655 = arith.constant 12 : i32
    %shift_right_arithmetic3A_656 = vector.broadcast %shift_right_arithmetic3A_655 : i32 to vector<16xi32>
    %shift_right_arithmetic3A_657 = arith.shrsi %get3A_654, %shift_right_arithmetic3A_656 : vector<16xi32>
    %gt3A_658 = arith.constant 0 : i32
    %gt3A_659 = vector.broadcast %gt3A_658 : i32 to vector<16xi32>
    %gt3A_660 = arith.cmpi sgt, %shift_right_arithmetic3A_657, %gt3A_659 : vector<16xi32>
    %iota3A_661 = tpu.iota {dimensions = array<i32: 0>} : vector<16xi32>
    %add3A_662 = arith.constant 16 : i32
    %add3A_663 = vector.broadcast %add3A_662 : i32 to vector<16xi32>
    %add3A_664 = arith.addi %iota3A_661, %add3A_663 : vector<16xi32>
    %and3A_665 = arith.constant 15 : i32
    %and3A_666 = vector.broadcast %and3A_665 : i32 to vector<16xi32>
    %and3A_667 = arith.andi %get3A_654, %and3A_666 : vector<16xi32>
    %add3A_668 = arith.constant 206 : i32
    %add3A_669 = vector.broadcast %add3A_668 : i32 to vector<16xi32>
    %add3A_670 = arith.addi %add3A_669, %and3A_667 : vector<16xi32>
    tpu.vector_store_idx %arg8[%add3A_664, %add3A_670], %broadcast_in_dim3A_3 masked %gt3A_660 : memref<80x512xf32, #tpu.memory_space<vmem>>[vector<16xi32>, vector<16xi32>], vector<16xf32>, vector<16xi1>
    %shift_right_arithmetic3A_671 = arith.constant 4 : i32
    %shift_right_arithmetic3A_672 = vector.broadcast %shift_right_arithmetic3A_671 : i32 to vector<16xi32>
    %shift_right_arithmetic3A_673 = arith.shrsi %get3A_654, %shift_right_arithmetic3A_672 : vector<16xi32>
    %and3A_674 = arith.constant 15 : i32
    %and3A_675 = vector.broadcast %and3A_674 : i32 to vector<16xi32>
    %and3A_676 = arith.andi %shift_right_arithmetic3A_673, %and3A_675 : vector<16xi32>
    %add3A_677 = arith.constant 222 : i32
    %add3A_678 = vector.broadcast %add3A_677 : i32 to vector<16xi32>
    %add3A_679 = arith.addi %add3A_678, %and3A_676 : vector<16xi32>
    tpu.vector_store_idx %arg8[%add3A_664, %add3A_679], %broadcast_in_dim3A_3 masked %gt3A_660 : memref<80x512xf32, #tpu.memory_space<vmem>>[vector<16xi32>, vector<16xi32>], vector<16xf32>, vector<16xi1>
    %shift_right_arithmetic3A_680 = arith.constant 8 : i32
    %shift_right_arithmetic3A_681 = vector.broadcast %shift_right_arithmetic3A_680 : i32 to vector<16xi32>
    %shift_right_arithmetic3A_682 = arith.shrsi %get3A_654, %shift_right_arithmetic3A_681 : vector<16xi32>
    %and3A_683 = arith.constant 15 : i32
    %and3A_684 = vector.broadcast %and3A_683 : i32 to vector<16xi32>
    %and3A_685 = arith.andi %shift_right_arithmetic3A_682, %and3A_684 : vector<16xi32>
    %add3A_686 = arith.constant 238 : i32
    %add3A_687 = vector.broadcast %add3A_686 : i32 to vector<16xi32>
    %add3A_688 = arith.addi %add3A_687, %and3A_685 : vector<16xi32>
    tpu.vector_store_idx %arg8[%add3A_664, %add3A_688], %broadcast_in_dim3A_3 masked %gt3A_660 : memref<80x512xf32, #tpu.memory_space<vmem>>[vector<16xi32>, vector<16xi32>], vector<16xf32>, vector<16xi1>
    %get3A_689 = arith.constant 272 : index
    %get3A_690 = tpu.vector_load %arg7[%get3A_689] {strides = array<i32>} : memref<1024xi32, #tpu.memory_space<vmem>>, vector<16xi32>,
    %shift_right_arithmetic3A_691 = arith.constant 12 : i32
    %shift_right_arithmetic3A_692 = vector.broadcast %shift_right_arithmetic3A_691 : i32 to vector<16xi32>
    %shift_right_arithmetic3A_693 = arith.shrsi %get3A_690, %shift_right_arithmetic3A_692 : vector<16xi32>
    %gt3A_694 = arith.constant 0 : i32
    %gt3A_695 = vector.broadcast %gt3A_694 : i32 to vector<16xi32>
    %gt3A_696 = arith.cmpi sgt, %shift_right_arithmetic3A_693, %gt3A_695 : vector<16xi32>
    %iota3A_697 = tpu.iota {dimensions = array<i32: 0>} : vector<16xi32>
    %add3A_698 = arith.constant 32 : i32
    %add3A_699 = vector.broadcast %add3A_698 : i32 to vector<16xi32>
    %add3A_700 = arith.addi %iota3A_697, %add3A_699 : vector<16xi32>
    %and3A_701 = arith.constant 15 : i32
    %and3A_702 = vector.broadcast %and3A_701 : i32 to vector<16xi32>
    %and3A_703 = arith.andi %get3A_690, %and3A_702 : vector<16xi32>
    %add3A_704 = arith.constant 206 : i32
    %add3A_705 = vector.broadcast %add3A_704 : i32 to vector<16xi32>
    %add3A_706 = arith.addi %add3A_705, %and3A_703 : vector<16xi32>
    tpu.vector_store_idx %arg8[%add3A_700, %add3A_706], %broadcast_in_dim3A_3 masked %gt3A_696 : memref<80x512xf32, #tpu.memory_space<vmem>>[vector<16xi32>, vector<16xi32>], vector<16xf32>, vector<16xi1>
    %shift_right_arithmetic3A_707 = arith.constant 4 : i32
    %shift_right_arithmetic3A_708 = vector.broadcast %shift_right_arithmetic3A_707 : i32 to vector<16xi32>
    %shift_right_arithmetic3A_709 = arith.shrsi %get3A_690, %shift_right_arithmetic3A_708 : vector<16xi32>
    %and3A_710 = arith.constant 15 : i32
    %and3A_711 = vector.broadcast %and3A_710 : i32 to vector<16xi32>
    %and3A_712 = arith.andi %shift_right_arithmetic3A_709, %and3A_711 : vector<16xi32>
    %add3A_713 = arith.constant 222 : i32
    %add3A_714 = vector.broadcast %add3A_713 : i32 to vector<16xi32>
    %add3A_715 = arith.addi %add3A_714, %and3A_712 : vector<16xi32>
    tpu.vector_store_idx %arg8[%add3A_700, %add3A_715], %broadcast_in_dim3A_3 masked %gt3A_696 : memref<80x512xf32, #tpu.memory_space<vmem>>[vector<16xi32>, vector<16xi32>], vector<16xf32>, vector<16xi1>
    %shift_right_arithmetic3A_716 = arith.constant 8 : i32
    %shift_right_arithmetic3A_717 = vector.broadcast %shift_right_arithmetic3A_716 : i32 to vector<16xi32>
    %shift_right_arithmetic3A_718 = arith.shrsi %get3A_690, %shift_right_arithmetic3A_717 : vector<16xi32>
    %and3A_719 = arith.constant 15 : i32
    %and3A_720 = vector.broadcast %and3A_719 : i32 to vector<16xi32>
    %and3A_721 = arith.andi %shift_right_arithmetic3A_718, %and3A_720 : vector<16xi32>
    %add3A_722 = arith.constant 238 : i32
    %add3A_723 = vector.broadcast %add3A_722 : i32 to vector<16xi32>
    %add3A_724 = arith.addi %add3A_723, %and3A_721 : vector<16xi32>
    tpu.vector_store_idx %arg8[%add3A_700, %add3A_724], %broadcast_in_dim3A_3 masked %gt3A_696 : memref<80x512xf32, #tpu.memory_space<vmem>>[vector<16xi32>, vector<16xi32>], vector<16xf32>, vector<16xi1>
    %get3A_725 = arith.constant 288 : index
    %get3A_726 = tpu.vector_load %arg7[%get3A_725] {strides = array<i32>} : memref<1024xi32, #tpu.memory_space<vmem>>, vector<16xi32>,
    %shift_right_arithmetic3A_727 = arith.constant 12 : i32
    %shift_right_arithmetic3A_728 = vector.broadcast %shift_right_arithmetic3A_727 : i32 to vector<16xi32>
    %shift_right_arithmetic3A_729 = arith.shrsi %get3A_726, %shift_right_arithmetic3A_728 : vector<16xi32>
    %gt3A_730 = arith.constant 0 : i32
    %gt3A_731 = vector.broadcast %gt3A_730 : i32 to vector<16xi32>
    %gt3A_732 = arith.cmpi sgt, %shift_right_arithmetic3A_729, %gt3A_731 : vector<16xi32>
    %iota3A_733 = tpu.iota {dimensions = array<i32: 0>} : vector<16xi32>
    %add3A_734 = arith.constant 48 : i32
    %add3A_735 = vector.broadcast %add3A_734 : i32 to vector<16xi32>
    %add3A_736 = arith.addi %iota3A_733, %add3A_735 : vector<16xi32>
    %and3A_737 = arith.constant 15 : i32
    %and3A_738 = vector.broadcast %and3A_737 : i32 to vector<16xi32>
    %and3A_739 = arith.andi %get3A_726, %and3A_738 : vector<16xi32>
    %add3A_740 = arith.constant 206 : i32
    %add3A_741 = vector.broadcast %add3A_740 : i32 to vector<16xi32>
    %add3A_742 = arith.addi %add3A_741, %and3A_739 : vector<16xi32>
    tpu.vector_store_idx %arg8[%add3A_736, %add3A_742], %broadcast_in_dim3A_3 masked %gt3A_732 : memref<80x512xf32, #tpu.memory_space<vmem>>[vector<16xi32>, vector<16xi32>], vector<16xf32>, vector<16xi1>
    %shift_right_arithmetic3A_743 = arith.constant 4 : i32
    %shift_right_arithmetic3A_744 = vector.broadcast %shift_right_arithmetic3A_743 : i32 to vector<16xi32>
    %shift_right_arithmetic3A_745 = arith.shrsi %get3A_726, %shift_right_arithmetic3A_744 : vector<16xi32>
    %and3A_746 = arith.constant 15 : i32
    %and3A_747 = vector.broadcast %and3A_746 : i32 to vector<16xi32>
    %and3A_748 = arith.andi %shift_right_arithmetic3A_745, %and3A_747 : vector<16xi32>
    %add3A_749 = arith.constant 222 : i32
    %add3A_750 = vector.broadcast %add3A_749 : i32 to vector<16xi32>
    %add3A_751 = arith.addi %add3A_750, %and3A_748 : vector<16xi32>
    tpu.vector_store_idx %arg8[%add3A_736, %add3A_751], %broadcast_in_dim3A_3 masked %gt3A_732 : memref<80x512xf32, #tpu.memory_space<vmem>>[vector<16xi32>, vector<16xi32>], vector<16xf32>, vector<16xi1>
    %shift_right_arithmetic3A_752 = arith.constant 8 : i32
    %shift_right_arithmetic3A_753 = vector.broadcast %shift_right_arithmetic3A_752 : i32 to vector<16xi32>
    %shift_right_arithmetic3A_754 = arith.shrsi %get3A_726, %shift_right_arithmetic3A_753 : vector<16xi32>
    %and3A_755 = arith.constant 15 : i32
    %and3A_756 = vector.broadcast %and3A_755 : i32 to vector<16xi32>
    %and3A_757 = arith.andi %shift_right_arithmetic3A_754, %and3A_756 : vector<16xi32>
    %add3A_758 = arith.constant 238 : i32
    %add3A_759 = vector.broadcast %add3A_758 : i32 to vector<16xi32>
    %add3A_760 = arith.addi %add3A_759, %and3A_757 : vector<16xi32>
    tpu.vector_store_idx %arg8[%add3A_736, %add3A_760], %broadcast_in_dim3A_3 masked %gt3A_732 : memref<80x512xf32, #tpu.memory_space<vmem>>[vector<16xi32>, vector<16xi32>], vector<16xf32>, vector<16xi1>
    %get3A_761 = arith.constant 304 : index
    %get3A_762 = tpu.vector_load %arg7[%get3A_761] {strides = array<i32>} : memref<1024xi32, #tpu.memory_space<vmem>>, vector<16xi32>,
    %shift_right_arithmetic3A_763 = arith.constant 12 : i32
    %shift_right_arithmetic3A_764 = vector.broadcast %shift_right_arithmetic3A_763 : i32 to vector<16xi32>
    %shift_right_arithmetic3A_765 = arith.shrsi %get3A_762, %shift_right_arithmetic3A_764 : vector<16xi32>
    %gt3A_766 = arith.constant 0 : i32
    %gt3A_767 = vector.broadcast %gt3A_766 : i32 to vector<16xi32>
    %gt3A_768 = arith.cmpi sgt, %shift_right_arithmetic3A_765, %gt3A_767 : vector<16xi32>
    %iota3A_769 = tpu.iota {dimensions = array<i32: 0>} : vector<16xi32>
    %add3A_770 = arith.constant 64 : i32
    %add3A_771 = vector.broadcast %add3A_770 : i32 to vector<16xi32>
    %add3A_772 = arith.addi %iota3A_769, %add3A_771 : vector<16xi32>
    %and3A_773 = arith.constant 15 : i32
    %and3A_774 = vector.broadcast %and3A_773 : i32 to vector<16xi32>
    %and3A_775 = arith.andi %get3A_762, %and3A_774 : vector<16xi32>
    %add3A_776 = arith.constant 206 : i32
    %add3A_777 = vector.broadcast %add3A_776 : i32 to vector<16xi32>
    %add3A_778 = arith.addi %add3A_777, %and3A_775 : vector<16xi32>
    tpu.vector_store_idx %arg8[%add3A_772, %add3A_778], %broadcast_in_dim3A_3 masked %gt3A_768 : memref<80x512xf32, #tpu.memory_space<vmem>>[vector<16xi32>, vector<16xi32>], vector<16xf32>, vector<16xi1>
    %shift_right_arithmetic3A_779 = arith.constant 4 : i32
    %shift_right_arithmetic3A_780 = vector.broadcast %shift_right_arithmetic3A_779 : i32 to vector<16xi32>
    %shift_right_arithmetic3A_781 = arith.shrsi %get3A_762, %shift_right_arithmetic3A_780 : vector<16xi32>
    %and3A_782 = arith.constant 15 : i32
    %and3A_783 = vector.broadcast %and3A_782 : i32 to vector<16xi32>
    %and3A_784 = arith.andi %shift_right_arithmetic3A_781, %and3A_783 : vector<16xi32>
    %add3A_785 = arith.constant 222 : i32
    %add3A_786 = vector.broadcast %add3A_785 : i32 to vector<16xi32>
    %add3A_787 = arith.addi %add3A_786, %and3A_784 : vector<16xi32>
    tpu.vector_store_idx %arg8[%add3A_772, %add3A_787], %broadcast_in_dim3A_3 masked %gt3A_768 : memref<80x512xf32, #tpu.memory_space<vmem>>[vector<16xi32>, vector<16xi32>], vector<16xf32>, vector<16xi1>
    %shift_right_arithmetic3A_788 = arith.constant 8 : i32
    %shift_right_arithmetic3A_789 = vector.broadcast %shift_right_arithmetic3A_788 : i32 to vector<16xi32>
    %shift_right_arithmetic3A_790 = arith.shrsi %get3A_762, %shift_right_arithmetic3A_789 : vector<16xi32>
    %and3A_791 = arith.constant 15 : i32
    %and3A_792 = vector.broadcast %and3A_791 : i32 to vector<16xi32>
    %and3A_793 = arith.andi %shift_right_arithmetic3A_790, %and3A_792 : vector<16xi32>
    %add3A_794 = arith.constant 238 : i32
    %add3A_795 = vector.broadcast %add3A_794 : i32 to vector<16xi32>
    %add3A_796 = arith.addi %add3A_795, %and3A_793 : vector<16xi32>
    tpu.vector_store_idx %arg8[%add3A_772, %add3A_796], %broadcast_in_dim3A_3 masked %gt3A_768 : memref<80x512xf32, #tpu.memory_space<vmem>>[vector<16xi32>, vector<16xi32>], vector<16xf32>, vector<16xi1>
    %add3A_797 = arith.constant 240 : i32
    %add3A_798 = arith.addi %mul3A_2, %add3A_797 : i32
    %dma_start3A_799 = arith.constant 0 : i32
    %dma_start3A_800 = tpu.memref_slice %arg5[%add3A_798, %dma_start3A_799] : memref<32768x512xf32, #tpu.memory_space<hbm>> -> memref<80x512xf32, #tpu.memory_space<hbm>>
    %dma_start3A_801 = arith.constant 0 : i32
    %dma_start3A_802 = tpu.memref_slice %arg5[%add3A_798, %dma_start3A_801] : memref<32768x512xf32, #tpu.memory_space<hbm>> -> memref<80x512xf32, #tpu.memory_space<hbm>>
    tpu.enqueue_dma source(%arg8 : memref<80x512xf32, #tpu.memory_space<vmem>>) target(%dma_start3A_802 : memref<80x512xf32, #tpu.memory_space<hbm>>) target_semaphore(%arg14 : memref<!tpu.dma_semaphore, #tpu.memory_space<semaphore_mem>>)
    %dma_wait3A_803 = arith.constant 0 : i32
    %dma_wait3A_804 = tpu.memref_slice %arg5[%add3A_798, %dma_wait3A_803] : memref<32768x512xf32, #tpu.memory_space<hbm>> -> memref<80x512xf32, #tpu.memory_space<hbm>>
    %dma_wait3A_805 = arith.constant 0 : i32
    %dma_wait3A_806 = tpu.memref_slice %arg5[%add3A_798, %dma_wait3A_805] : memref<32768x512xf32, #tpu.memory_space<hbm>> -> memref<80x512xf32, #tpu.memory_space<hbm>>
    tpu.wait_dma2 semaphore(%arg14 : memref<!tpu.dma_semaphore, #tpu.memory_space<semaphore_mem>>) src(%arg8 : memref<80x512xf32, #tpu.memory_space<vmem>>) dst(%dma_wait3A_806 : memref<80x512xf32, #tpu.memory_space<hbm>>)
    %dma_start3A_807 = arith.constant 480 : i32
    %dma_start3A_808 = tpu.memref_slice %arg6[%dma_start3A_807] : memref<1024xi32, #tpu.memory_space<vmem>> -> memref<80xi32, #tpu.memory_space<vmem>>
    %dma_start3A_809 = arith.constant 0 : i32
    %dma_start3A_810 = arith.constant 0 : i32
    %dma_start3A_811 = tpu.memref_slice %arg4[%dma_start3A_809, %dma_start3A_810] : memref<272x512xf32, #tpu.memory_space<hbm>> -> memref<272x512xf32, #tpu.memory_space<hbm>>
    tpu.enqueue_indirect_dma source(%dma_start3A_811 : memref<272x512xf32, #tpu.memory_space<hbm>>) target(%arg8 : memref<80x512xf32, #tpu.memory_space<vmem>>) offsets(%dma_start3A_808 : memref<80xi32, #tpu.memory_space<vmem>>) semaphore(%arg11 : memref<!tpu.dma_semaphore, #tpu.memory_space<semaphore_mem>>)
    %dma_wait3A_812 = arith.constant 320 : i32
    %dma_wait3A_813 = tpu.memref_slice %arg6[%dma_wait3A_812] : memref<1024xi32, #tpu.memory_space<vmem>> -> memref<80xi32, #tpu.memory_space<vmem>>
    %dma_wait3A_814 = arith.constant 0 : i32
    %dma_wait3A_815 = arith.constant 0 : i32
    %dma_wait3A_816 = tpu.memref_slice %arg4[%dma_wait3A_814, %dma_wait3A_815] : memref<272x512xf32, #tpu.memory_space<hbm>> -> memref<272x512xf32, #tpu.memory_space<hbm>>
    tpu.wait_indirect_dma semaphore(%arg12 : memref<!tpu.dma_semaphore, #tpu.memory_space<semaphore_mem>>) src(%dma_wait3A_816 : memref<272x512xf32, #tpu.memory_space<hbm>>) dst(%arg9 : memref<80x512xf32, #tpu.memory_space<vmem>>)
    %get3A_817 = arith.constant 320 : index
    %get3A_818 = tpu.vector_load %arg7[%get3A_817] {strides = array<i32>} : memref<1024xi32, #tpu.memory_space<vmem>>, vector<16xi32>,
    %shift_right_arithmetic3A_819 = arith.constant 12 : i32
    %shift_right_arithmetic3A_820 = vector.broadcast %shift_right_arithmetic3A_819 : i32 to vector<16xi32>
    %shift_right_arithmetic3A_821 = arith.shrsi %get3A_818, %shift_right_arithmetic3A_820 : vector<16xi32>
    %gt3A_822 = arith.constant 0 : i32
    %gt3A_823 = vector.broadcast %gt3A_822 : i32 to vector<16xi32>
    %gt3A_824 = arith.cmpi sgt, %shift_right_arithmetic3A_821, %gt3A_823 : vector<16xi32>
    %iota3A_825 = tpu.iota {dimensions = array<i32: 0>} : vector<16xi32>
    %add3A_826 = arith.constant 0 : i32
    %add3A_827 = vector.broadcast %add3A_826 : i32 to vector<16xi32>
    %add3A_828 = arith.addi %iota3A_825, %add3A_827 : vector<16xi32>
    %and3A_829 = arith.constant 15 : i32
    %and3A_830 = vector.broadcast %and3A_829 : i32 to vector<16xi32>
    %and3A_831 = arith.andi %get3A_818, %and3A_830 : vector<16xi32>
    %add3A_832 = arith.constant 206 : i32
    %add3A_833 = vector.broadcast %add3A_832 : i32 to vector<16xi32>
    %add3A_834 = arith.addi %add3A_833, %and3A_831 : vector<16xi32>
    tpu.vector_store_idx %arg9[%add3A_828, %add3A_834], %broadcast_in_dim3A_3 masked %gt3A_824 : memref<80x512xf32, #tpu.memory_space<vmem>>[vector<16xi32>, vector<16xi32>], vector<16xf32>, vector<16xi1>
    %shift_right_arithmetic3A_835 = arith.constant 4 : i32
    %shift_right_arithmetic3A_836 = vector.broadcast %shift_right_arithmetic3A_835 : i32 to vector<16xi32>
    %shift_right_arithmetic3A_837 = arith.shrsi %get3A_818, %shift_right_arithmetic3A_836 : vector<16xi32>
    %and3A_838 = arith.constant 15 : i32
    %and3A_839 = vector.broadcast %and3A_838 : i32 to vector<16xi32>
    %and3A_840 = arith.andi %shift_right_arithmetic3A_837, %and3A_839 : vector<16xi32>
    %add3A_841 = arith.constant 222 : i32
    %add3A_842 = vector.broadcast %add3A_841 : i32 to vector<16xi32>
    %add3A_843 = arith.addi %add3A_842, %and3A_840 : vector<16xi32>
    tpu.vector_store_idx %arg9[%add3A_828, %add3A_843], %broadcast_in_dim3A_3 masked %gt3A_824 : memref<80x512xf32, #tpu.memory_space<vmem>>[vector<16xi32>, vector<16xi32>], vector<16xf32>, vector<16xi1>
    %shift_right_arithmetic3A_844 = arith.constant 8 : i32
    %shift_right_arithmetic3A_845 = vector.broadcast %shift_right_arithmetic3A_844 : i32 to vector<16xi32>
    %shift_right_arithmetic3A_846 = arith.shrsi %get3A_818, %shift_right_arithmetic3A_845 : vector<16xi32>
    %and3A_847 = arith.constant 15 : i32
    %and3A_848 = vector.broadcast %and3A_847 : i32 to vector<16xi32>
    %and3A_849 = arith.andi %shift_right_arithmetic3A_846, %and3A_848 : vector<16xi32>
    %add3A_850 = arith.constant 238 : i32
    %add3A_851 = vector.broadcast %add3A_850 : i32 to vector<16xi32>
    %add3A_852 = arith.addi %add3A_851, %and3A_849 : vector<16xi32>
    tpu.vector_store_idx %arg9[%add3A_828, %add3A_852], %broadcast_in_dim3A_3 masked %gt3A_824 : memref<80x512xf32, #tpu.memory_space<vmem>>[vector<16xi32>, vector<16xi32>], vector<16xf32>, vector<16xi1>
    %get3A_853 = arith.constant 336 : index
    %get3A_854 = tpu.vector_load %arg7[%get3A_853] {strides = array<i32>} : memref<1024xi32, #tpu.memory_space<vmem>>, vector<16xi32>,
    %shift_right_arithmetic3A_855 = arith.constant 12 : i32
    %shift_right_arithmetic3A_856 = vector.broadcast %shift_right_arithmetic3A_855 : i32 to vector<16xi32>
    %shift_right_arithmetic3A_857 = arith.shrsi %get3A_854, %shift_right_arithmetic3A_856 : vector<16xi32>
    %gt3A_858 = arith.constant 0 : i32
    %gt3A_859 = vector.broadcast %gt3A_858 : i32 to vector<16xi32>
    %gt3A_860 = arith.cmpi sgt, %shift_right_arithmetic3A_857, %gt3A_859 : vector<16xi32>
    %iota3A_861 = tpu.iota {dimensions = array<i32: 0>} : vector<16xi32>
    %add3A_862 = arith.constant 16 : i32
    %add3A_863 = vector.broadcast %add3A_862 : i32 to vector<16xi32>
    %add3A_864 = arith.addi %iota3A_861, %add3A_863 : vector<16xi32>
    %and3A_865 = arith.constant 15 : i32
    %and3A_866 = vector.broadcast %and3A_865 : i32 to vector<16xi32>
    %and3A_867 = arith.andi %get3A_854, %and3A_866 : vector<16xi32>
    %add3A_868 = arith.constant 206 : i32
    %add3A_869 = vector.broadcast %add3A_868 : i32 to vector<16xi32>
    %add3A_870 = arith.addi %add3A_869, %and3A_867 : vector<16xi32>
    tpu.vector_store_idx %arg9[%add3A_864, %add3A_870], %broadcast_in_dim3A_3 masked %gt3A_860 : memref<80x512xf32, #tpu.memory_space<vmem>>[vector<16xi32>, vector<16xi32>], vector<16xf32>, vector<16xi1>
    %shift_right_arithmetic3A_871 = arith.constant 4 : i32
    %shift_right_arithmetic3A_872 = vector.broadcast %shift_right_arithmetic3A_871 : i32 to vector<16xi32>
    %shift_right_arithmetic3A_873 = arith.shrsi %get3A_854, %shift_right_arithmetic3A_872 : vector<16xi32>
    %and3A_874 = arith.constant 15 : i32
    %and3A_875 = vector.broadcast %and3A_874 : i32 to vector<16xi32>
    %and3A_876 = arith.andi %shift_right_arithmetic3A_873, %and3A_875 : vector<16xi32>
    %add3A_877 = arith.constant 222 : i32
    %add3A_878 = vector.broadcast %add3A_877 : i32 to vector<16xi32>
    %add3A_879 = arith.addi %add3A_878, %and3A_876 : vector<16xi32>
    tpu.vector_store_idx %arg9[%add3A_864, %add3A_879], %broadcast_in_dim3A_3 masked %gt3A_860 : memref<80x512xf32, #tpu.memory_space<vmem>>[vector<16xi32>, vector<16xi32>], vector<16xf32>, vector<16xi1>
    %shift_right_arithmetic3A_880 = arith.constant 8 : i32
    %shift_right_arithmetic3A_881 = vector.broadcast %shift_right_arithmetic3A_880 : i32 to vector<16xi32>
    %shift_right_arithmetic3A_882 = arith.shrsi %get3A_854, %shift_right_arithmetic3A_881 : vector<16xi32>
    %and3A_883 = arith.constant 15 : i32
    %and3A_884 = vector.broadcast %and3A_883 : i32 to vector<16xi32>
    %and3A_885 = arith.andi %shift_right_arithmetic3A_882, %and3A_884 : vector<16xi32>
    %add3A_886 = arith.constant 238 : i32
    %add3A_887 = vector.broadcast %add3A_886 : i32 to vector<16xi32>
    %add3A_888 = arith.addi %add3A_887, %and3A_885 : vector<16xi32>
    tpu.vector_store_idx %arg9[%add3A_864, %add3A_888], %broadcast_in_dim3A_3 masked %gt3A_860 : memref<80x512xf32, #tpu.memory_space<vmem>>[vector<16xi32>, vector<16xi32>], vector<16xf32>, vector<16xi1>
    %get3A_889 = arith.constant 352 : index
    %get3A_890 = tpu.vector_load %arg7[%get3A_889] {strides = array<i32>} : memref<1024xi32, #tpu.memory_space<vmem>>, vector<16xi32>,
    %shift_right_arithmetic3A_891 = arith.constant 12 : i32
    %shift_right_arithmetic3A_892 = vector.broadcast %shift_right_arithmetic3A_891 : i32 to vector<16xi32>
    %shift_right_arithmetic3A_893 = arith.shrsi %get3A_890, %shift_right_arithmetic3A_892 : vector<16xi32>
    %gt3A_894 = arith.constant 0 : i32
    %gt3A_895 = vector.broadcast %gt3A_894 : i32 to vector<16xi32>
    %gt3A_896 = arith.cmpi sgt, %shift_right_arithmetic3A_893, %gt3A_895 : vector<16xi32>
    %iota3A_897 = tpu.iota {dimensions = array<i32: 0>} : vector<16xi32>
    %add3A_898 = arith.constant 32 : i32
    %add3A_899 = vector.broadcast %add3A_898 : i32 to vector<16xi32>
    %add3A_900 = arith.addi %iota3A_897, %add3A_899 : vector<16xi32>
    %and3A_901 = arith.constant 15 : i32
    %and3A_902 = vector.broadcast %and3A_901 : i32 to vector<16xi32>
    %and3A_903 = arith.andi %get3A_890, %and3A_902 : vector<16xi32>
    %add3A_904 = arith.constant 206 : i32
    %add3A_905 = vector.broadcast %add3A_904 : i32 to vector<16xi32>
    %add3A_906 = arith.addi %add3A_905, %and3A_903 : vector<16xi32>
    tpu.vector_store_idx %arg9[%add3A_900, %add3A_906], %broadcast_in_dim3A_3 masked %gt3A_896 : memref<80x512xf32, #tpu.memory_space<vmem>>[vector<16xi32>, vector<16xi32>], vector<16xf32>, vector<16xi1>
    %shift_right_arithmetic3A_907 = arith.constant 4 : i32
    %shift_right_arithmetic3A_908 = vector.broadcast %shift_right_arithmetic3A_907 : i32 to vector<16xi32>
    %shift_right_arithmetic3A_909 = arith.shrsi %get3A_890, %shift_right_arithmetic3A_908 : vector<16xi32>
    %and3A_910 = arith.constant 15 : i32
    %and3A_911 = vector.broadcast %and3A_910 : i32 to vector<16xi32>
    %and3A_912 = arith.andi %shift_right_arithmetic3A_909, %and3A_911 : vector<16xi32>
    %add3A_913 = arith.constant 222 : i32
    %add3A_914 = vector.broadcast %add3A_913 : i32 to vector<16xi32>
    %add3A_915 = arith.addi %add3A_914, %and3A_912 : vector<16xi32>
    tpu.vector_store_idx %arg9[%add3A_900, %add3A_915], %broadcast_in_dim3A_3 masked %gt3A_896 : memref<80x512xf32, #tpu.memory_space<vmem>>[vector<16xi32>, vector<16xi32>], vector<16xf32>, vector<16xi1>
    %shift_right_arithmetic3A_916 = arith.constant 8 : i32
    %shift_right_arithmetic3A_917 = vector.broadcast %shift_right_arithmetic3A_916 : i32 to vector<16xi32>
    %shift_right_arithmetic3A_918 = arith.shrsi %get3A_890, %shift_right_arithmetic3A_917 : vector<16xi32>
    %and3A_919 = arith.constant 15 : i32
    %and3A_920 = vector.broadcast %and3A_919 : i32 to vector<16xi32>
    %and3A_921 = arith.andi %shift_right_arithmetic3A_918, %and3A_920 : vector<16xi32>
    %add3A_922 = arith.constant 238 : i32
    %add3A_923 = vector.broadcast %add3A_922 : i32 to vector<16xi32>
    %add3A_924 = arith.addi %add3A_923, %and3A_921 : vector<16xi32>
    tpu.vector_store_idx %arg9[%add3A_900, %add3A_924], %broadcast_in_dim3A_3 masked %gt3A_896 : memref<80x512xf32, #tpu.memory_space<vmem>>[vector<16xi32>, vector<16xi32>], vector<16xf32>, vector<16xi1>
    %get3A_925 = arith.constant 368 : index
    %get3A_926 = tpu.vector_load %arg7[%get3A_925] {strides = array<i32>} : memref<1024xi32, #tpu.memory_space<vmem>>, vector<16xi32>,
    %shift_right_arithmetic3A_927 = arith.constant 12 : i32
    %shift_right_arithmetic3A_928 = vector.broadcast %shift_right_arithmetic3A_927 : i32 to vector<16xi32>
    %shift_right_arithmetic3A_929 = arith.shrsi %get3A_926, %shift_right_arithmetic3A_928 : vector<16xi32>
    %gt3A_930 = arith.constant 0 : i32
    %gt3A_931 = vector.broadcast %gt3A_930 : i32 to vector<16xi32>
    %gt3A_932 = arith.cmpi sgt, %shift_right_arithmetic3A_929, %gt3A_931 : vector<16xi32>
    %iota3A_933 = tpu.iota {dimensions = array<i32: 0>} : vector<16xi32>
    %add3A_934 = arith.constant 48 : i32
    %add3A_935 = vector.broadcast %add3A_934 : i32 to vector<16xi32>
    %add3A_936 = arith.addi %iota3A_933, %add3A_935 : vector<16xi32>
    %and3A_937 = arith.constant 15 : i32
    %and3A_938 = vector.broadcast %and3A_937 : i32 to vector<16xi32>
    %and3A_939 = arith.andi %get3A_926, %and3A_938 : vector<16xi32>
    %add3A_940 = arith.constant 206 : i32
    %add3A_941 = vector.broadcast %add3A_940 : i32 to vector<16xi32>
    %add3A_942 = arith.addi %add3A_941, %and3A_939 : vector<16xi32>
    tpu.vector_store_idx %arg9[%add3A_936, %add3A_942], %broadcast_in_dim3A_3 masked %gt3A_932 : memref<80x512xf32, #tpu.memory_space<vmem>>[vector<16xi32>, vector<16xi32>], vector<16xf32>, vector<16xi1>
    %shift_right_arithmetic3A_943 = arith.constant 4 : i32
    %shift_right_arithmetic3A_944 = vector.broadcast %shift_right_arithmetic3A_943 : i32 to vector<16xi32>
    %shift_right_arithmetic3A_945 = arith.shrsi %get3A_926, %shift_right_arithmetic3A_944 : vector<16xi32>
    %and3A_946 = arith.constant 15 : i32
    %and3A_947 = vector.broadcast %and3A_946 : i32 to vector<16xi32>
    %and3A_948 = arith.andi %shift_right_arithmetic3A_945, %and3A_947 : vector<16xi32>
    %add3A_949 = arith.constant 222 : i32
    %add3A_950 = vector.broadcast %add3A_949 : i32 to vector<16xi32>
    %add3A_951 = arith.addi %add3A_950, %and3A_948 : vector<16xi32>
    tpu.vector_store_idx %arg9[%add3A_936, %add3A_951], %broadcast_in_dim3A_3 masked %gt3A_932 : memref<80x512xf32, #tpu.memory_space<vmem>>[vector<16xi32>, vector<16xi32>], vector<16xf32>, vector<16xi1>
    %shift_right_arithmetic3A_952 = arith.constant 8 : i32
    %shift_right_arithmetic3A_953 = vector.broadcast %shift_right_arithmetic3A_952 : i32 to vector<16xi32>
    %shift_right_arithmetic3A_954 = arith.shrsi %get3A_926, %shift_right_arithmetic3A_953 : vector<16xi32>
    %and3A_955 = arith.constant 15 : i32
    %and3A_956 = vector.broadcast %and3A_955 : i32 to vector<16xi32>
    %and3A_957 = arith.andi %shift_right_arithmetic3A_954, %and3A_956 : vector<16xi32>
    %add3A_958 = arith.constant 238 : i32
    %add3A_959 = vector.broadcast %add3A_958 : i32 to vector<16xi32>
    %add3A_960 = arith.addi %add3A_959, %and3A_957 : vector<16xi32>
    tpu.vector_store_idx %arg9[%add3A_936, %add3A_960], %broadcast_in_dim3A_3 masked %gt3A_932 : memref<80x512xf32, #tpu.memory_space<vmem>>[vector<16xi32>, vector<16xi32>], vector<16xf32>, vector<16xi1>
    %get3A_961 = arith.constant 384 : index
    %get3A_962 = tpu.vector_load %arg7[%get3A_961] {strides = array<i32>} : memref<1024xi32, #tpu.memory_space<vmem>>, vector<16xi32>,
    %shift_right_arithmetic3A_963 = arith.constant 12 : i32
    %shift_right_arithmetic3A_964 = vector.broadcast %shift_right_arithmetic3A_963 : i32 to vector<16xi32>
    %shift_right_arithmetic3A_965 = arith.shrsi %get3A_962, %shift_right_arithmetic3A_964 : vector<16xi32>
    %gt3A_966 = arith.constant 0 : i32
    %gt3A_967 = vector.broadcast %gt3A_966 : i32 to vector<16xi32>
    %gt3A_968 = arith.cmpi sgt, %shift_right_arithmetic3A_965, %gt3A_967 : vector<16xi32>
    %iota3A_969 = tpu.iota {dimensions = array<i32: 0>} : vector<16xi32>
    %add3A_970 = arith.constant 64 : i32
    %add3A_971 = vector.broadcast %add3A_970 : i32 to vector<16xi32>
    %add3A_972 = arith.addi %iota3A_969, %add3A_971 : vector<16xi32>
    %and3A_973 = arith.constant 15 : i32
    %and3A_974 = vector.broadcast %and3A_973 : i32 to vector<16xi32>
    %and3A_975 = arith.andi %get3A_962, %and3A_974 : vector<16xi32>
    %add3A_976 = arith.constant 206 : i32
    %add3A_977 = vector.broadcast %add3A_976 : i32 to vector<16xi32>
    %add3A_978 = arith.addi %add3A_977, %and3A_975 : vector<16xi32>
    tpu.vector_store_idx %arg9[%add3A_972, %add3A_978], %broadcast_in_dim3A_3 masked %gt3A_968 : memref<80x512xf32, #tpu.memory_space<vmem>>[vector<16xi32>, vector<16xi32>], vector<16xf32>, vector<16xi1>
    %shift_right_arithmetic3A_979 = arith.constant 4 : i32
    %shift_right_arithmetic3A_980 = vector.broadcast %shift_right_arithmetic3A_979 : i32 to vector<16xi32>
    %shift_right_arithmetic3A_981 = arith.shrsi %get3A_962, %shift_right_arithmetic3A_980 : vector<16xi32>
    %and3A_982 = arith.constant 15 : i32
    %and3A_983 = vector.broadcast %and3A_982 : i32 to vector<16xi32>
    %and3A_984 = arith.andi %shift_right_arithmetic3A_981, %and3A_983 : vector<16xi32>
    %add3A_985 = arith.constant 222 : i32
    %add3A_986 = vector.broadcast %add3A_985 : i32 to vector<16xi32>
    %add3A_987 = arith.addi %add3A_986, %and3A_984 : vector<16xi32>
    tpu.vector_store_idx %arg9[%add3A_972, %add3A_987], %broadcast_in_dim3A_3 masked %gt3A_968 : memref<80x512xf32, #tpu.memory_space<vmem>>[vector<16xi32>, vector<16xi32>], vector<16xf32>, vector<16xi1>
    %shift_right_arithmetic3A_988 = arith.constant 8 : i32
    %shift_right_arithmetic3A_989 = vector.broadcast %shift_right_arithmetic3A_988 : i32 to vector<16xi32>
    %shift_right_arithmetic3A_990 = arith.shrsi %get3A_962, %shift_right_arithmetic3A_989 : vector<16xi32>
    %and3A_991 = arith.constant 15 : i32
    %and3A_992 = vector.broadcast %and3A_991 : i32 to vector<16xi32>
    %and3A_993 = arith.andi %shift_right_arithmetic3A_990, %and3A_992 : vector<16xi32>
    %add3A_994 = arith.constant 238 : i32
    %add3A_995 = vector.broadcast %add3A_994 : i32 to vector<16xi32>
    %add3A_996 = arith.addi %add3A_995, %and3A_993 : vector<16xi32>
    tpu.vector_store_idx %arg9[%add3A_972, %add3A_996], %broadcast_in_dim3A_3 masked %gt3A_968 : memref<80x512xf32, #tpu.memory_space<vmem>>[vector<16xi32>, vector<16xi32>], vector<16xf32>, vector<16xi1>
    %add3A_997 = arith.constant 320 : i32
    %add3A_998 = arith.addi %mul3A_2, %add3A_997 : i32
    %dma_start3A_999 = arith.constant 0 : i32
    %dma_start3A_1000 = tpu.memref_slice %arg5[%add3A_998, %dma_start3A_999] : memref<32768x512xf32, #tpu.memory_space<hbm>> -> memref<80x512xf32, #tpu.memory_space<hbm>>
    %dma_start3A_1001 = arith.constant 0 : i32
    %dma_start3A_1002 = tpu.memref_slice %arg5[%add3A_998, %dma_start3A_1001] : memref<32768x512xf32, #tpu.memory_space<hbm>> -> memref<80x512xf32, #tpu.memory_space<hbm>>
    tpu.enqueue_dma source(%arg9 : memref<80x512xf32, #tpu.memory_space<vmem>>) target(%dma_start3A_1002 : memref<80x512xf32, #tpu.memory_space<hbm>>) target_semaphore(%arg15 : memref<!tpu.dma_semaphore, #tpu.memory_space<semaphore_mem>>)
    %dma_wait3A_1003 = arith.constant 0 : i32
    %dma_wait3A_1004 = tpu.memref_slice %arg5[%add3A_998, %dma_wait3A_1003] : memref<32768x512xf32, #tpu.memory_space<hbm>> -> memref<80x512xf32, #tpu.memory_space<hbm>>
    %dma_wait3A_1005 = arith.constant 0 : i32
    %dma_wait3A_1006 = tpu.memref_slice %arg5[%add3A_998, %dma_wait3A_1005] : memref<32768x512xf32, #tpu.memory_space<hbm>> -> memref<80x512xf32, #tpu.memory_space<hbm>>
    tpu.wait_dma2 semaphore(%arg15 : memref<!tpu.dma_semaphore, #tpu.memory_space<semaphore_mem>>) src(%arg9 : memref<80x512xf32, #tpu.memory_space<vmem>>) dst(%dma_wait3A_1006 : memref<80x512xf32, #tpu.memory_space<hbm>>)
    %dma_start3A_1007 = arith.constant 560 : i32
    %dma_start3A_1008 = tpu.memref_slice %arg6[%dma_start3A_1007] : memref<1024xi32, #tpu.memory_space<vmem>> -> memref<80xi32, #tpu.memory_space<vmem>>
    %dma_start3A_1009 = arith.constant 0 : i32
    %dma_start3A_1010 = arith.constant 0 : i32
    %dma_start3A_1011 = tpu.memref_slice %arg4[%dma_start3A_1009, %dma_start3A_1010] : memref<272x512xf32, #tpu.memory_space<hbm>> -> memref<272x512xf32, #tpu.memory_space<hbm>>
    tpu.enqueue_indirect_dma source(%dma_start3A_1011 : memref<272x512xf32, #tpu.memory_space<hbm>>) target(%arg9 : memref<80x512xf32, #tpu.memory_space<vmem>>) offsets(%dma_start3A_1008 : memref<80xi32, #tpu.memory_space<vmem>>) semaphore(%arg12 : memref<!tpu.dma_semaphore, #tpu.memory_space<semaphore_mem>>)
    %dma_wait3A_1012 = arith.constant 400 : i32
    %dma_wait3A_1013 = tpu.memref_slice %arg6[%dma_wait3A_1012] : memref<1024xi32, #tpu.memory_space<vmem>> -> memref<80xi32, #tpu.memory_space<vmem>>
    %dma_wait3A_1014 = arith.constant 0 : i32
    %dma_wait3A_1015 = arith.constant 0 : i32
    %dma_wait3A_1016 = tpu.memref_slice %arg4[%dma_wait3A_1014, %dma_wait3A_1015] : memref<272x512xf32, #tpu.memory_space<hbm>> -> memref<272x512xf32, #tpu.memory_space<hbm>>
    tpu.wait_indirect_dma semaphore(%arg13 : memref<!tpu.dma_semaphore, #tpu.memory_space<semaphore_mem>>) src(%dma_wait3A_1016 : memref<272x512xf32, #tpu.memory_space<hbm>>) dst(%arg10 : memref<80x512xf32, #tpu.memory_space<vmem>>)
    %get3A_1017 = arith.constant 400 : index
    %get3A_1018 = tpu.vector_load %arg7[%get3A_1017] {strides = array<i32>} : memref<1024xi32, #tpu.memory_space<vmem>>, vector<16xi32>,
    %shift_right_arithmetic3A_1019 = arith.constant 12 : i32
    %shift_right_arithmetic3A_1020 = vector.broadcast %shift_right_arithmetic3A_1019 : i32 to vector<16xi32>
    %shift_right_arithmetic3A_1021 = arith.shrsi %get3A_1018, %shift_right_arithmetic3A_1020 : vector<16xi32>
    %gt3A_1022 = arith.constant 0 : i32
    %gt3A_1023 = vector.broadcast %gt3A_1022 : i32 to vector<16xi32>
    %gt3A_1024 = arith.cmpi sgt, %shift_right_arithmetic3A_1021, %gt3A_1023 : vector<16xi32>
    %iota3A_1025 = tpu.iota {dimensions = array<i32: 0>} : vector<16xi32>
    %add3A_1026 = arith.constant 0 : i32
    %add3A_1027 = vector.broadcast %add3A_1026 : i32 to vector<16xi32>
    %add3A_1028 = arith.addi %iota3A_1025, %add3A_1027 : vector<16xi32>
    %and3A_1029 = arith.constant 15 : i32
    %and3A_1030 = vector.broadcast %and3A_1029 : i32 to vector<16xi32>
    %and3A_1031 = arith.andi %get3A_1018, %and3A_1030 : vector<16xi32>
    %add3A_1032 = arith.constant 206 : i32
    %add3A_1033 = vector.broadcast %add3A_1032 : i32 to vector<16xi32>
    %add3A_1034 = arith.addi %add3A_1033, %and3A_1031 : vector<16xi32>
    tpu.vector_store_idx %arg10[%add3A_1028, %add3A_1034], %broadcast_in_dim3A_3 masked %gt3A_1024 : memref<80x512xf32, #tpu.memory_space<vmem>>[vector<16xi32>, vector<16xi32>], vector<16xf32>, vector<16xi1>
    %shift_right_arithmetic3A_1035 = arith.constant 4 : i32
    %shift_right_arithmetic3A_1036 = vector.broadcast %shift_right_arithmetic3A_1035 : i32 to vector<16xi32>
    %shift_right_arithmetic3A_1037 = arith.shrsi %get3A_1018, %shift_right_arithmetic3A_1036 : vector<16xi32>
    %and3A_1038 = arith.constant 15 : i32
    %and3A_1039 = vector.broadcast %and3A_1038 : i32 to vector<16xi32>
    %and3A_1040 = arith.andi %shift_right_arithmetic3A_1037, %and3A_1039 : vector<16xi32>
    %add3A_1041 = arith.constant 222 : i32
    %add3A_1042 = vector.broadcast %add3A_1041 : i32 to vector<16xi32>
    %add3A_1043 = arith.addi %add3A_1042, %and3A_1040 : vector<16xi32>
    tpu.vector_store_idx %arg10[%add3A_1028, %add3A_1043], %broadcast_in_dim3A_3 masked %gt3A_1024 : memref<80x512xf32, #tpu.memory_space<vmem>>[vector<16xi32>, vector<16xi32>], vector<16xf32>, vector<16xi1>
    %shift_right_arithmetic3A_1044 = arith.constant 8 : i32
    %shift_right_arithmetic3A_1045 = vector.broadcast %shift_right_arithmetic3A_1044 : i32 to vector<16xi32>
    %shift_right_arithmetic3A_1046 = arith.shrsi %get3A_1018, %shift_right_arithmetic3A_1045 : vector<16xi32>
    %and3A_1047 = arith.constant 15 : i32
    %and3A_1048 = vector.broadcast %and3A_1047 : i32 to vector<16xi32>
    %and3A_1049 = arith.andi %shift_right_arithmetic3A_1046, %and3A_1048 : vector<16xi32>
    %add3A_1050 = arith.constant 238 : i32
    %add3A_1051 = vector.broadcast %add3A_1050 : i32 to vector<16xi32>
    %add3A_1052 = arith.addi %add3A_1051, %and3A_1049 : vector<16xi32>
    tpu.vector_store_idx %arg10[%add3A_1028, %add3A_1052], %broadcast_in_dim3A_3 masked %gt3A_1024 : memref<80x512xf32, #tpu.memory_space<vmem>>[vector<16xi32>, vector<16xi32>], vector<16xf32>, vector<16xi1>
    %get3A_1053 = arith.constant 416 : index
    %get3A_1054 = tpu.vector_load %arg7[%get3A_1053] {strides = array<i32>} : memref<1024xi32, #tpu.memory_space<vmem>>, vector<16xi32>,
    %shift_right_arithmetic3A_1055 = arith.constant 12 : i32
    %shift_right_arithmetic3A_1056 = vector.broadcast %shift_right_arithmetic3A_1055 : i32 to vector<16xi32>
    %shift_right_arithmetic3A_1057 = arith.shrsi %get3A_1054, %shift_right_arithmetic3A_1056 : vector<16xi32>
    %gt3A_1058 = arith.constant 0 : i32
    %gt3A_1059 = vector.broadcast %gt3A_1058 : i32 to vector<16xi32>
    %gt3A_1060 = arith.cmpi sgt, %shift_right_arithmetic3A_1057, %gt3A_1059 : vector<16xi32>
    %iota3A_1061 = tpu.iota {dimensions = array<i32: 0>} : vector<16xi32>
    %add3A_1062 = arith.constant 16 : i32
    %add3A_1063 = vector.broadcast %add3A_1062 : i32 to vector<16xi32>
    %add3A_1064 = arith.addi %iota3A_1061, %add3A_1063 : vector<16xi32>
    %and3A_1065 = arith.constant 15 : i32
    %and3A_1066 = vector.broadcast %and3A_1065 : i32 to vector<16xi32>
    %and3A_1067 = arith.andi %get3A_1054, %and3A_1066 : vector<16xi32>
    %add3A_1068 = arith.constant 206 : i32
    %add3A_1069 = vector.broadcast %add3A_1068 : i32 to vector<16xi32>
    %add3A_1070 = arith.addi %add3A_1069, %and3A_1067 : vector<16xi32>
    tpu.vector_store_idx %arg10[%add3A_1064, %add3A_1070], %broadcast_in_dim3A_3 masked %gt3A_1060 : memref<80x512xf32, #tpu.memory_space<vmem>>[vector<16xi32>, vector<16xi32>], vector<16xf32>, vector<16xi1>
    %shift_right_arithmetic3A_1071 = arith.constant 4 : i32
    %shift_right_arithmetic3A_1072 = vector.broadcast %shift_right_arithmetic3A_1071 : i32 to vector<16xi32>
    %shift_right_arithmetic3A_1073 = arith.shrsi %get3A_1054, %shift_right_arithmetic3A_1072 : vector<16xi32>
    %and3A_1074 = arith.constant 15 : i32
    %and3A_1075 = vector.broadcast %and3A_1074 : i32 to vector<16xi32>
    %and3A_1076 = arith.andi %shift_right_arithmetic3A_1073, %and3A_1075 : vector<16xi32>
    %add3A_1077 = arith.constant 222 : i32
    %add3A_1078 = vector.broadcast %add3A_1077 : i32 to vector<16xi32>
    %add3A_1079 = arith.addi %add3A_1078, %and3A_1076 : vector<16xi32>
    tpu.vector_store_idx %arg10[%add3A_1064, %add3A_1079], %broadcast_in_dim3A_3 masked %gt3A_1060 : memref<80x512xf32, #tpu.memory_space<vmem>>[vector<16xi32>, vector<16xi32>], vector<16xf32>, vector<16xi1>
    %shift_right_arithmetic3A_1080 = arith.constant 8 : i32
    %shift_right_arithmetic3A_1081 = vector.broadcast %shift_right_arithmetic3A_1080 : i32 to vector<16xi32>
    %shift_right_arithmetic3A_1082 = arith.shrsi %get3A_1054, %shift_right_arithmetic3A_1081 : vector<16xi32>
    %and3A_1083 = arith.constant 15 : i32
    %and3A_1084 = vector.broadcast %and3A_1083 : i32 to vector<16xi32>
    %and3A_1085 = arith.andi %shift_right_arithmetic3A_1082, %and3A_1084 : vector<16xi32>
    %add3A_1086 = arith.constant 238 : i32
    %add3A_1087 = vector.broadcast %add3A_1086 : i32 to vector<16xi32>
    %add3A_1088 = arith.addi %add3A_1087, %and3A_1085 : vector<16xi32>
    tpu.vector_store_idx %arg10[%add3A_1064, %add3A_1088], %broadcast_in_dim3A_3 masked %gt3A_1060 : memref<80x512xf32, #tpu.memory_space<vmem>>[vector<16xi32>, vector<16xi32>], vector<16xf32>, vector<16xi1>
    %get3A_1089 = arith.constant 432 : index
    %get3A_1090 = tpu.vector_load %arg7[%get3A_1089] {strides = array<i32>} : memref<1024xi32, #tpu.memory_space<vmem>>, vector<16xi32>,
    %shift_right_arithmetic3A_1091 = arith.constant 12 : i32
    %shift_right_arithmetic3A_1092 = vector.broadcast %shift_right_arithmetic3A_1091 : i32 to vector<16xi32>
    %shift_right_arithmetic3A_1093 = arith.shrsi %get3A_1090, %shift_right_arithmetic3A_1092 : vector<16xi32>
    %gt3A_1094 = arith.constant 0 : i32
    %gt3A_1095 = vector.broadcast %gt3A_1094 : i32 to vector<16xi32>
    %gt3A_1096 = arith.cmpi sgt, %shift_right_arithmetic3A_1093, %gt3A_1095 : vector<16xi32>
    %iota3A_1097 = tpu.iota {dimensions = array<i32: 0>} : vector<16xi32>
    %add3A_1098 = arith.constant 32 : i32
    %add3A_1099 = vector.broadcast %add3A_1098 : i32 to vector<16xi32>
    %add3A_1100 = arith.addi %iota3A_1097, %add3A_1099 : vector<16xi32>
    %and3A_1101 = arith.constant 15 : i32
    %and3A_1102 = vector.broadcast %and3A_1101 : i32 to vector<16xi32>
    %and3A_1103 = arith.andi %get3A_1090, %and3A_1102 : vector<16xi32>
    %add3A_1104 = arith.constant 206 : i32
    %add3A_1105 = vector.broadcast %add3A_1104 : i32 to vector<16xi32>
    %add3A_1106 = arith.addi %add3A_1105, %and3A_1103 : vector<16xi32>
    tpu.vector_store_idx %arg10[%add3A_1100, %add3A_1106], %broadcast_in_dim3A_3 masked %gt3A_1096 : memref<80x512xf32, #tpu.memory_space<vmem>>[vector<16xi32>, vector<16xi32>], vector<16xf32>, vector<16xi1>
    %shift_right_arithmetic3A_1107 = arith.constant 4 : i32
    %shift_right_arithmetic3A_1108 = vector.broadcast %shift_right_arithmetic3A_1107 : i32 to vector<16xi32>
    %shift_right_arithmetic3A_1109 = arith.shrsi %get3A_1090, %shift_right_arithmetic3A_1108 : vector<16xi32>
    %and3A_1110 = arith.constant 15 : i32
    %and3A_1111 = vector.broadcast %and3A_1110 : i32 to vector<16xi32>
    %and3A_1112 = arith.andi %shift_right_arithmetic3A_1109, %and3A_1111 : vector<16xi32>
    %add3A_1113 = arith.constant 222 : i32
    %add3A_1114 = vector.broadcast %add3A_1113 : i32 to vector<16xi32>
    %add3A_1115 = arith.addi %add3A_1114, %and3A_1112 : vector<16xi32>
    tpu.vector_store_idx %arg10[%add3A_1100, %add3A_1115], %broadcast_in_dim3A_3 masked %gt3A_1096 : memref<80x512xf32, #tpu.memory_space<vmem>>[vector<16xi32>, vector<16xi32>], vector<16xf32>, vector<16xi1>
    %shift_right_arithmetic3A_1116 = arith.constant 8 : i32
    %shift_right_arithmetic3A_1117 = vector.broadcast %shift_right_arithmetic3A_1116 : i32 to vector<16xi32>
    %shift_right_arithmetic3A_1118 = arith.shrsi %get3A_1090, %shift_right_arithmetic3A_1117 : vector<16xi32>
    %and3A_1119 = arith.constant 15 : i32
    %and3A_1120 = vector.broadcast %and3A_1119 : i32 to vector<16xi32>
    %and3A_1121 = arith.andi %shift_right_arithmetic3A_1118, %and3A_1120 : vector<16xi32>
    %add3A_1122 = arith.constant 238 : i32
    %add3A_1123 = vector.broadcast %add3A_1122 : i32 to vector<16xi32>
    %add3A_1124 = arith.addi %add3A_1123, %and3A_1121 : vector<16xi32>
    tpu.vector_store_idx %arg10[%add3A_1100, %add3A_1124], %broadcast_in_dim3A_3 masked %gt3A_1096 : memref<80x512xf32, #tpu.memory_space<vmem>>[vector<16xi32>, vector<16xi32>], vector<16xf32>, vector<16xi1>
    %get3A_1125 = arith.constant 448 : index
    %get3A_1126 = tpu.vector_load %arg7[%get3A_1125] {strides = array<i32>} : memref<1024xi32, #tpu.memory_space<vmem>>, vector<16xi32>,
    %shift_right_arithmetic3A_1127 = arith.constant 12 : i32
    %shift_right_arithmetic3A_1128 = vector.broadcast %shift_right_arithmetic3A_1127 : i32 to vector<16xi32>
    %shift_right_arithmetic3A_1129 = arith.shrsi %get3A_1126, %shift_right_arithmetic3A_1128 : vector<16xi32>
    %gt3A_1130 = arith.constant 0 : i32
    %gt3A_1131 = vector.broadcast %gt3A_1130 : i32 to vector<16xi32>
    %gt3A_1132 = arith.cmpi sgt, %shift_right_arithmetic3A_1129, %gt3A_1131 : vector<16xi32>
    %iota3A_1133 = tpu.iota {dimensions = array<i32: 0>} : vector<16xi32>
    %add3A_1134 = arith.constant 48 : i32
    %add3A_1135 = vector.broadcast %add3A_1134 : i32 to vector<16xi32>
    %add3A_1136 = arith.addi %iota3A_1133, %add3A_1135 : vector<16xi32>
    %and3A_1137 = arith.constant 15 : i32
    %and3A_1138 = vector.broadcast %and3A_1137 : i32 to vector<16xi32>
    %and3A_1139 = arith.andi %get3A_1126, %and3A_1138 : vector<16xi32>
    %add3A_1140 = arith.constant 206 : i32
    %add3A_1141 = vector.broadcast %add3A_1140 : i32 to vector<16xi32>
    %add3A_1142 = arith.addi %add3A_1141, %and3A_1139 : vector<16xi32>
    tpu.vector_store_idx %arg10[%add3A_1136, %add3A_1142], %broadcast_in_dim3A_3 masked %gt3A_1132 : memref<80x512xf32, #tpu.memory_space<vmem>>[vector<16xi32>, vector<16xi32>], vector<16xf32>, vector<16xi1>
    %shift_right_arithmetic3A_1143 = arith.constant 4 : i32
    %shift_right_arithmetic3A_1144 = vector.broadcast %shift_right_arithmetic3A_1143 : i32 to vector<16xi32>
    %shift_right_arithmetic3A_1145 = arith.shrsi %get3A_1126, %shift_right_arithmetic3A_1144 : vector<16xi32>
    %and3A_1146 = arith.constant 15 : i32
    %and3A_1147 = vector.broadcast %and3A_1146 : i32 to vector<16xi32>
    %and3A_1148 = arith.andi %shift_right_arithmetic3A_1145, %and3A_1147 : vector<16xi32>
    %add3A_1149 = arith.constant 222 : i32
    %add3A_1150 = vector.broadcast %add3A_1149 : i32 to vector<16xi32>
    %add3A_1151 = arith.addi %add3A_1150, %and3A_1148 : vector<16xi32>
    tpu.vector_store_idx %arg10[%add3A_1136, %add3A_1151], %broadcast_in_dim3A_3 masked %gt3A_1132 : memref<80x512xf32, #tpu.memory_space<vmem>>[vector<16xi32>, vector<16xi32>], vector<16xf32>, vector<16xi1>
    %shift_right_arithmetic3A_1152 = arith.constant 8 : i32
    %shift_right_arithmetic3A_1153 = vector.broadcast %shift_right_arithmetic3A_1152 : i32 to vector<16xi32>
    %shift_right_arithmetic3A_1154 = arith.shrsi %get3A_1126, %shift_right_arithmetic3A_1153 : vector<16xi32>
    %and3A_1155 = arith.constant 15 : i32
    %and3A_1156 = vector.broadcast %and3A_1155 : i32 to vector<16xi32>
    %and3A_1157 = arith.andi %shift_right_arithmetic3A_1154, %and3A_1156 : vector<16xi32>
    %add3A_1158 = arith.constant 238 : i32
    %add3A_1159 = vector.broadcast %add3A_1158 : i32 to vector<16xi32>
    %add3A_1160 = arith.addi %add3A_1159, %and3A_1157 : vector<16xi32>
    tpu.vector_store_idx %arg10[%add3A_1136, %add3A_1160], %broadcast_in_dim3A_3 masked %gt3A_1132 : memref<80x512xf32, #tpu.memory_space<vmem>>[vector<16xi32>, vector<16xi32>], vector<16xf32>, vector<16xi1>
    %get3A_1161 = arith.constant 464 : index
    %get3A_1162 = tpu.vector_load %arg7[%get3A_1161] {strides = array<i32>} : memref<1024xi32, #tpu.memory_space<vmem>>, vector<16xi32>,
    %shift_right_arithmetic3A_1163 = arith.constant 12 : i32
    %shift_right_arithmetic3A_1164 = vector.broadcast %shift_right_arithmetic3A_1163 : i32 to vector<16xi32>
    %shift_right_arithmetic3A_1165 = arith.shrsi %get3A_1162, %shift_right_arithmetic3A_1164 : vector<16xi32>
    %gt3A_1166 = arith.constant 0 : i32
    %gt3A_1167 = vector.broadcast %gt3A_1166 : i32 to vector<16xi32>
    %gt3A_1168 = arith.cmpi sgt, %shift_right_arithmetic3A_1165, %gt3A_1167 : vector<16xi32>
    %iota3A_1169 = tpu.iota {dimensions = array<i32: 0>} : vector<16xi32>
    %add3A_1170 = arith.constant 64 : i32
    %add3A_1171 = vector.broadcast %add3A_1170 : i32 to vector<16xi32>
    %add3A_1172 = arith.addi %iota3A_1169, %add3A_1171 : vector<16xi32>
    %and3A_1173 = arith.constant 15 : i32
    %and3A_1174 = vector.broadcast %and3A_1173 : i32 to vector<16xi32>
    %and3A_1175 = arith.andi %get3A_1162, %and3A_1174 : vector<16xi32>
    %add3A_1176 = arith.constant 206 : i32
    %add3A_1177 = vector.broadcast %add3A_1176 : i32 to vector<16xi32>
    %add3A_1178 = arith.addi %add3A_1177, %and3A_1175 : vector<16xi32>
    tpu.vector_store_idx %arg10[%add3A_1172, %add3A_1178], %broadcast_in_dim3A_3 masked %gt3A_1168 : memref<80x512xf32, #tpu.memory_space<vmem>>[vector<16xi32>, vector<16xi32>], vector<16xf32>, vector<16xi1>
    %shift_right_arithmetic3A_1179 = arith.constant 4 : i32
    %shift_right_arithmetic3A_1180 = vector.broadcast %shift_right_arithmetic3A_1179 : i32 to vector<16xi32>
    %shift_right_arithmetic3A_1181 = arith.shrsi %get3A_1162, %shift_right_arithmetic3A_1180 : vector<16xi32>
    %and3A_1182 = arith.constant 15 : i32
    %and3A_1183 = vector.broadcast %and3A_1182 : i32 to vector<16xi32>
    %and3A_1184 = arith.andi %shift_right_arithmetic3A_1181, %and3A_1183 : vector<16xi32>
    %add3A_1185 = arith.constant 222 : i32
    %add3A_1186 = vector.broadcast %add3A_1185 : i32 to vector<16xi32>
    %add3A_1187 = arith.addi %add3A_1186, %and3A_1184 : vector<16xi32>
    tpu.vector_store_idx %arg10[%add3A_1172, %add3A_1187], %broadcast_in_dim3A_3 masked %gt3A_1168 : memref<80x512xf32, #tpu.memory_space<vmem>>[vector<16xi32>, vector<16xi32>], vector<16xf32>, vector<16xi1>
    %shift_right_arithmetic3A_1188 = arith.constant 8 : i32
    %shift_right_arithmetic3A_1189 = vector.broadcast %shift_right_arithmetic3A_1188 : i32 to vector<16xi32>
    %shift_right_arithmetic3A_1190 = arith.shrsi %get3A_1162, %shift_right_arithmetic3A_1189 : vector<16xi32>
    %and3A_1191 = arith.constant 15 : i32
    %and3A_1192 = vector.broadcast %and3A_1191 : i32 to vector<16xi32>
    %and3A_1193 = arith.andi %shift_right_arithmetic3A_1190, %and3A_1192 : vector<16xi32>
    %add3A_1194 = arith.constant 238 : i32
    %add3A_1195 = vector.broadcast %add3A_1194 : i32 to vector<16xi32>
    %add3A_1196 = arith.addi %add3A_1195, %and3A_1193 : vector<16xi32>
    tpu.vector_store_idx %arg10[%add3A_1172, %add3A_1196], %broadcast_in_dim3A_3 masked %gt3A_1168 : memref<80x512xf32, #tpu.memory_space<vmem>>[vector<16xi32>, vector<16xi32>], vector<16xf32>, vector<16xi1>
    %add3A_1197 = arith.constant 400 : i32
    %add3A_1198 = arith.addi %mul3A_2, %add3A_1197 : i32
    %dma_start3A_1199 = arith.constant 0 : i32
    %dma_start3A_1200 = tpu.memref_slice %arg5[%add3A_1198, %dma_start3A_1199] : memref<32768x512xf32, #tpu.memory_space<hbm>> -> memref<80x512xf32, #tpu.memory_space<hbm>>
    %dma_start3A_1201 = arith.constant 0 : i32
    %dma_start3A_1202 = tpu.memref_slice %arg5[%add3A_1198, %dma_start3A_1201] : memref<32768x512xf32, #tpu.memory_space<hbm>> -> memref<80x512xf32, #tpu.memory_space<hbm>>
    tpu.enqueue_dma source(%arg10 : memref<80x512xf32, #tpu.memory_space<vmem>>) target(%dma_start3A_1202 : memref<80x512xf32, #tpu.memory_space<hbm>>) target_semaphore(%arg16 : memref<!tpu.dma_semaphore, #tpu.memory_space<semaphore_mem>>)
    %dma_wait3A_1203 = arith.constant 0 : i32
    %dma_wait3A_1204 = tpu.memref_slice %arg5[%add3A_1198, %dma_wait3A_1203] : memref<32768x512xf32, #tpu.memory_space<hbm>> -> memref<80x512xf32, #tpu.memory_space<hbm>>
    %dma_wait3A_1205 = arith.constant 0 : i32
    %dma_wait3A_1206 = tpu.memref_slice %arg5[%add3A_1198, %dma_wait3A_1205] : memref<32768x512xf32, #tpu.memory_space<hbm>> -> memref<80x512xf32, #tpu.memory_space<hbm>>
    tpu.wait_dma2 semaphore(%arg16 : memref<!tpu.dma_semaphore, #tpu.memory_space<semaphore_mem>>) src(%arg10 : memref<80x512xf32, #tpu.memory_space<vmem>>) dst(%dma_wait3A_1206 : memref<80x512xf32, #tpu.memory_space<hbm>>)
    %dma_start3A_1207 = arith.constant 640 : i32
    %dma_start3A_1208 = tpu.memref_slice %arg6[%dma_start3A_1207] : memref<1024xi32, #tpu.memory_space<vmem>> -> memref<80xi32, #tpu.memory_space<vmem>>
    %dma_start3A_1209 = arith.constant 0 : i32
    %dma_start3A_1210 = arith.constant 0 : i32
    %dma_start3A_1211 = tpu.memref_slice %arg4[%dma_start3A_1209, %dma_start3A_1210] : memref<272x512xf32, #tpu.memory_space<hbm>> -> memref<272x512xf32, #tpu.memory_space<hbm>>
    tpu.enqueue_indirect_dma source(%dma_start3A_1211 : memref<272x512xf32, #tpu.memory_space<hbm>>) target(%arg10 : memref<80x512xf32, #tpu.memory_space<vmem>>) offsets(%dma_start3A_1208 : memref<80xi32, #tpu.memory_space<vmem>>) semaphore(%arg13 : memref<!tpu.dma_semaphore, #tpu.memory_space<semaphore_mem>>)
    %dma_wait3A_1212 = arith.constant 480 : i32
    %dma_wait3A_1213 = tpu.memref_slice %arg6[%dma_wait3A_1212] : memref<1024xi32, #tpu.memory_space<vmem>> -> memref<80xi32, #tpu.memory_space<vmem>>
    %dma_wait3A_1214 = arith.constant 0 : i32
    %dma_wait3A_1215 = arith.constant 0 : i32
    %dma_wait3A_1216 = tpu.memref_slice %arg4[%dma_wait3A_1214, %dma_wait3A_1215] : memref<272x512xf32, #tpu.memory_space<hbm>> -> memref<272x512xf32, #tpu.memory_space<hbm>>
    tpu.wait_indirect_dma semaphore(%arg11 : memref<!tpu.dma_semaphore, #tpu.memory_space<semaphore_mem>>) src(%dma_wait3A_1216 : memref<272x512xf32, #tpu.memory_space<hbm>>) dst(%arg8 : memref<80x512xf32, #tpu.memory_space<vmem>>)
    %get3A_1217 = arith.constant 480 : index
    %get3A_1218 = tpu.vector_load %arg7[%get3A_1217] {strides = array<i32>} : memref<1024xi32, #tpu.memory_space<vmem>>, vector<16xi32>,
    %shift_right_arithmetic3A_1219 = arith.constant 12 : i32
    %shift_right_arithmetic3A_1220 = vector.broadcast %shift_right_arithmetic3A_1219 : i32 to vector<16xi32>
    %shift_right_arithmetic3A_1221 = arith.shrsi %get3A_1218, %shift_right_arithmetic3A_1220 : vector<16xi32>
    %gt3A_1222 = arith.constant 0 : i32
    %gt3A_1223 = vector.broadcast %gt3A_1222 : i32 to vector<16xi32>
    %gt3A_1224 = arith.cmpi sgt, %shift_right_arithmetic3A_1221, %gt3A_1223 : vector<16xi32>
    %iota3A_1225 = tpu.iota {dimensions = array<i32: 0>} : vector<16xi32>
    %add3A_1226 = arith.constant 0 : i32
    %add3A_1227 = vector.broadcast %add3A_1226 : i32 to vector<16xi32>
    %add3A_1228 = arith.addi %iota3A_1225, %add3A_1227 : vector<16xi32>
    %and3A_1229 = arith.constant 15 : i32
    %and3A_1230 = vector.broadcast %and3A_1229 : i32 to vector<16xi32>
    %and3A_1231 = arith.andi %get3A_1218, %and3A_1230 : vector<16xi32>
    %add3A_1232 = arith.constant 206 : i32
    %add3A_1233 = vector.broadcast %add3A_1232 : i32 to vector<16xi32>
    %add3A_1234 = arith.addi %add3A_1233, %and3A_1231 : vector<16xi32>
    tpu.vector_store_idx %arg8[%add3A_1228, %add3A_1234], %broadcast_in_dim3A_3 masked %gt3A_1224 : memref<80x512xf32, #tpu.memory_space<vmem>>[vector<16xi32>, vector<16xi32>], vector<16xf32>, vector<16xi1>
    %shift_right_arithmetic3A_1235 = arith.constant 4 : i32
    %shift_right_arithmetic3A_1236 = vector.broadcast %shift_right_arithmetic3A_1235 : i32 to vector<16xi32>
    %shift_right_arithmetic3A_1237 = arith.shrsi %get3A_1218, %shift_right_arithmetic3A_1236 : vector<16xi32>
    %and3A_1238 = arith.constant 15 : i32
    %and3A_1239 = vector.broadcast %and3A_1238 : i32 to vector<16xi32>
    %and3A_1240 = arith.andi %shift_right_arithmetic3A_1237, %and3A_1239 : vector<16xi32>
    %add3A_1241 = arith.constant 222 : i32
    %add3A_1242 = vector.broadcast %add3A_1241 : i32 to vector<16xi32>
    %add3A_1243 = arith.addi %add3A_1242, %and3A_1240 : vector<16xi32>
    tpu.vector_store_idx %arg8[%add3A_1228, %add3A_1243], %broadcast_in_dim3A_3 masked %gt3A_1224 : memref<80x512xf32, #tpu.memory_space<vmem>>[vector<16xi32>, vector<16xi32>], vector<16xf32>, vector<16xi1>
    %shift_right_arithmetic3A_1244 = arith.constant 8 : i32
    %shift_right_arithmetic3A_1245 = vector.broadcast %shift_right_arithmetic3A_1244 : i32 to vector<16xi32>
    %shift_right_arithmetic3A_1246 = arith.shrsi %get3A_1218, %shift_right_arithmetic3A_1245 : vector<16xi32>
    %and3A_1247 = arith.constant 15 : i32
    %and3A_1248 = vector.broadcast %and3A_1247 : i32 to vector<16xi32>
    %and3A_1249 = arith.andi %shift_right_arithmetic3A_1246, %and3A_1248 : vector<16xi32>
    %add3A_1250 = arith.constant 238 : i32
    %add3A_1251 = vector.broadcast %add3A_1250 : i32 to vector<16xi32>
    %add3A_1252 = arith.addi %add3A_1251, %and3A_1249 : vector<16xi32>
    tpu.vector_store_idx %arg8[%add3A_1228, %add3A_1252], %broadcast_in_dim3A_3 masked %gt3A_1224 : memref<80x512xf32, #tpu.memory_space<vmem>>[vector<16xi32>, vector<16xi32>], vector<16xf32>, vector<16xi1>
    %get3A_1253 = arith.constant 496 : index
    %get3A_1254 = tpu.vector_load %arg7[%get3A_1253] {strides = array<i32>} : memref<1024xi32, #tpu.memory_space<vmem>>, vector<16xi32>,
    %shift_right_arithmetic3A_1255 = arith.constant 12 : i32
    %shift_right_arithmetic3A_1256 = vector.broadcast %shift_right_arithmetic3A_1255 : i32 to vector<16xi32>
    %shift_right_arithmetic3A_1257 = arith.shrsi %get3A_1254, %shift_right_arithmetic3A_1256 : vector<16xi32>
    %gt3A_1258 = arith.constant 0 : i32
    %gt3A_1259 = vector.broadcast %gt3A_1258 : i32 to vector<16xi32>
    %gt3A_1260 = arith.cmpi sgt, %shift_right_arithmetic3A_1257, %gt3A_1259 : vector<16xi32>
    %iota3A_1261 = tpu.iota {dimensions = array<i32: 0>} : vector<16xi32>
    %add3A_1262 = arith.constant 16 : i32
    %add3A_1263 = vector.broadcast %add3A_1262 : i32 to vector<16xi32>
    %add3A_1264 = arith.addi %iota3A_1261, %add3A_1263 : vector<16xi32>
    %and3A_1265 = arith.constant 15 : i32
    %and3A_1266 = vector.broadcast %and3A_1265 : i32 to vector<16xi32>
    %and3A_1267 = arith.andi %get3A_1254, %and3A_1266 : vector<16xi32>
    %add3A_1268 = arith.constant 206 : i32
    %add3A_1269 = vector.broadcast %add3A_1268 : i32 to vector<16xi32>
    %add3A_1270 = arith.addi %add3A_1269, %and3A_1267 : vector<16xi32>
    tpu.vector_store_idx %arg8[%add3A_1264, %add3A_1270], %broadcast_in_dim3A_3 masked %gt3A_1260 : memref<80x512xf32, #tpu.memory_space<vmem>>[vector<16xi32>, vector<16xi32>], vector<16xf32>, vector<16xi1>
    %shift_right_arithmetic3A_1271 = arith.constant 4 : i32
    %shift_right_arithmetic3A_1272 = vector.broadcast %shift_right_arithmetic3A_1271 : i32 to vector<16xi32>
    %shift_right_arithmetic3A_1273 = arith.shrsi %get3A_1254, %shift_right_arithmetic3A_1272 : vector<16xi32>
    %and3A_1274 = arith.constant 15 : i32
    %and3A_1275 = vector.broadcast %and3A_1274 : i32 to vector<16xi32>
    %and3A_1276 = arith.andi %shift_right_arithmetic3A_1273, %and3A_1275 : vector<16xi32>
    %add3A_1277 = arith.constant 222 : i32
    %add3A_1278 = vector.broadcast %add3A_1277 : i32 to vector<16xi32>
    %add3A_1279 = arith.addi %add3A_1278, %and3A_1276 : vector<16xi32>
    tpu.vector_store_idx %arg8[%add3A_1264, %add3A_1279], %broadcast_in_dim3A_3 masked %gt3A_1260 : memref<80x512xf32, #tpu.memory_space<vmem>>[vector<16xi32>, vector<16xi32>], vector<16xf32>, vector<16xi1>
    %shift_right_arithmetic3A_1280 = arith.constant 8 : i32
    %shift_right_arithmetic3A_1281 = vector.broadcast %shift_right_arithmetic3A_1280 : i32 to vector<16xi32>
    %shift_right_arithmetic3A_1282 = arith.shrsi %get3A_1254, %shift_right_arithmetic3A_1281 : vector<16xi32>
    %and3A_1283 = arith.constant 15 : i32
    %and3A_1284 = vector.broadcast %and3A_1283 : i32 to vector<16xi32>
    %and3A_1285 = arith.andi %shift_right_arithmetic3A_1282, %and3A_1284 : vector<16xi32>
    %add3A_1286 = arith.constant 238 : i32
    %add3A_1287 = vector.broadcast %add3A_1286 : i32 to vector<16xi32>
    %add3A_1288 = arith.addi %add3A_1287, %and3A_1285 : vector<16xi32>
    tpu.vector_store_idx %arg8[%add3A_1264, %add3A_1288], %broadcast_in_dim3A_3 masked %gt3A_1260 : memref<80x512xf32, #tpu.memory_space<vmem>>[vector<16xi32>, vector<16xi32>], vector<16xf32>, vector<16xi1>
    %get3A_1289 = arith.constant 512 : index
    %get3A_1290 = tpu.vector_load %arg7[%get3A_1289] {strides = array<i32>} : memref<1024xi32, #tpu.memory_space<vmem>>, vector<16xi32>,
    %shift_right_arithmetic3A_1291 = arith.constant 12 : i32
    %shift_right_arithmetic3A_1292 = vector.broadcast %shift_right_arithmetic3A_1291 : i32 to vector<16xi32>
    %shift_right_arithmetic3A_1293 = arith.shrsi %get3A_1290, %shift_right_arithmetic3A_1292 : vector<16xi32>
    %gt3A_1294 = arith.constant 0 : i32
    %gt3A_1295 = vector.broadcast %gt3A_1294 : i32 to vector<16xi32>
    %gt3A_1296 = arith.cmpi sgt, %shift_right_arithmetic3A_1293, %gt3A_1295 : vector<16xi32>
    %iota3A_1297 = tpu.iota {dimensions = array<i32: 0>} : vector<16xi32>
    %add3A_1298 = arith.constant 32 : i32
    %add3A_1299 = vector.broadcast %add3A_1298 : i32 to vector<16xi32>
    %add3A_1300 = arith.addi %iota3A_1297, %add3A_1299 : vector<16xi32>
    %and3A_1301 = arith.constant 15 : i32
    %and3A_1302 = vector.broadcast %and3A_1301 : i32 to vector<16xi32>
    %and3A_1303 = arith.andi %get3A_1290, %and3A_1302 : vector<16xi32>
    %add3A_1304 = arith.constant 206 : i32
    %add3A_1305 = vector.broadcast %add3A_1304 : i32 to vector<16xi32>
    %add3A_1306 = arith.addi %add3A_1305, %and3A_1303 : vector<16xi32>
    tpu.vector_store_idx %arg8[%add3A_1300, %add3A_1306], %broadcast_in_dim3A_3 masked %gt3A_1296 : memref<80x512xf32, #tpu.memory_space<vmem>>[vector<16xi32>, vector<16xi32>], vector<16xf32>, vector<16xi1>
    %shift_right_arithmetic3A_1307 = arith.constant 4 : i32
    %shift_right_arithmetic3A_1308 = vector.broadcast %shift_right_arithmetic3A_1307 : i32 to vector<16xi32>
    %shift_right_arithmetic3A_1309 = arith.shrsi %get3A_1290, %shift_right_arithmetic3A_1308 : vector<16xi32>
    %and3A_1310 = arith.constant 15 : i32
    %and3A_1311 = vector.broadcast %and3A_1310 : i32 to vector<16xi32>
    %and3A_1312 = arith.andi %shift_right_arithmetic3A_1309, %and3A_1311 : vector<16xi32>
    %add3A_1313 = arith.constant 222 : i32
    %add3A_1314 = vector.broadcast %add3A_1313 : i32 to vector<16xi32>
    %add3A_1315 = arith.addi %add3A_1314, %and3A_1312 : vector<16xi32>
    tpu.vector_store_idx %arg8[%add3A_1300, %add3A_1315], %broadcast_in_dim3A_3 masked %gt3A_1296 : memref<80x512xf32, #tpu.memory_space<vmem>>[vector<16xi32>, vector<16xi32>], vector<16xf32>, vector<16xi1>
    %shift_right_arithmetic3A_1316 = arith.constant 8 : i32
    %shift_right_arithmetic3A_1317 = vector.broadcast %shift_right_arithmetic3A_1316 : i32 to vector<16xi32>
    %shift_right_arithmetic3A_1318 = arith.shrsi %get3A_1290, %shift_right_arithmetic3A_1317 : vector<16xi32>
    %and3A_1319 = arith.constant 15 : i32
    %and3A_1320 = vector.broadcast %and3A_1319 : i32 to vector<16xi32>
    %and3A_1321 = arith.andi %shift_right_arithmetic3A_1318, %and3A_1320 : vector<16xi32>
    %add3A_1322 = arith.constant 238 : i32
    %add3A_1323 = vector.broadcast %add3A_1322 : i32 to vector<16xi32>
    %add3A_1324 = arith.addi %add3A_1323, %and3A_1321 : vector<16xi32>
    tpu.vector_store_idx %arg8[%add3A_1300, %add3A_1324], %broadcast_in_dim3A_3 masked %gt3A_1296 : memref<80x512xf32, #tpu.memory_space<vmem>>[vector<16xi32>, vector<16xi32>], vector<16xf32>, vector<16xi1>
    %get3A_1325 = arith.constant 528 : index
    %get3A_1326 = tpu.vector_load %arg7[%get3A_1325] {strides = array<i32>} : memref<1024xi32, #tpu.memory_space<vmem>>, vector<16xi32>,
    %shift_right_arithmetic3A_1327 = arith.constant 12 : i32
    %shift_right_arithmetic3A_1328 = vector.broadcast %shift_right_arithmetic3A_1327 : i32 to vector<16xi32>
    %shift_right_arithmetic3A_1329 = arith.shrsi %get3A_1326, %shift_right_arithmetic3A_1328 : vector<16xi32>
    %gt3A_1330 = arith.constant 0 : i32
    %gt3A_1331 = vector.broadcast %gt3A_1330 : i32 to vector<16xi32>
    %gt3A_1332 = arith.cmpi sgt, %shift_right_arithmetic3A_1329, %gt3A_1331 : vector<16xi32>
    %iota3A_1333 = tpu.iota {dimensions = array<i32: 0>} : vector<16xi32>
    %add3A_1334 = arith.constant 48 : i32
    %add3A_1335 = vector.broadcast %add3A_1334 : i32 to vector<16xi32>
    %add3A_1336 = arith.addi %iota3A_1333, %add3A_1335 : vector<16xi32>
    %and3A_1337 = arith.constant 15 : i32
    %and3A_1338 = vector.broadcast %and3A_1337 : i32 to vector<16xi32>
    %and3A_1339 = arith.andi %get3A_1326, %and3A_1338 : vector<16xi32>
    %add3A_1340 = arith.constant 206 : i32
    %add3A_1341 = vector.broadcast %add3A_1340 : i32 to vector<16xi32>
    %add3A_1342 = arith.addi %add3A_1341, %and3A_1339 : vector<16xi32>
    tpu.vector_store_idx %arg8[%add3A_1336, %add3A_1342], %broadcast_in_dim3A_3 masked %gt3A_1332 : memref<80x512xf32, #tpu.memory_space<vmem>>[vector<16xi32>, vector<16xi32>], vector<16xf32>, vector<16xi1>
    %shift_right_arithmetic3A_1343 = arith.constant 4 : i32
    %shift_right_arithmetic3A_1344 = vector.broadcast %shift_right_arithmetic3A_1343 : i32 to vector<16xi32>
    %shift_right_arithmetic3A_1345 = arith.shrsi %get3A_1326, %shift_right_arithmetic3A_1344 : vector<16xi32>
    %and3A_1346 = arith.constant 15 : i32
    %and3A_1347 = vector.broadcast %and3A_1346 : i32 to vector<16xi32>
    %and3A_1348 = arith.andi %shift_right_arithmetic3A_1345, %and3A_1347 : vector<16xi32>
    %add3A_1349 = arith.constant 222 : i32
    %add3A_1350 = vector.broadcast %add3A_1349 : i32 to vector<16xi32>
    %add3A_1351 = arith.addi %add3A_1350, %and3A_1348 : vector<16xi32>
    tpu.vector_store_idx %arg8[%add3A_1336, %add3A_1351], %broadcast_in_dim3A_3 masked %gt3A_1332 : memref<80x512xf32, #tpu.memory_space<vmem>>[vector<16xi32>, vector<16xi32>], vector<16xf32>, vector<16xi1>
    %shift_right_arithmetic3A_1352 = arith.constant 8 : i32
    %shift_right_arithmetic3A_1353 = vector.broadcast %shift_right_arithmetic3A_1352 : i32 to vector<16xi32>
    %shift_right_arithmetic3A_1354 = arith.shrsi %get3A_1326, %shift_right_arithmetic3A_1353 : vector<16xi32>
    %and3A_1355 = arith.constant 15 : i32
    %and3A_1356 = vector.broadcast %and3A_1355 : i32 to vector<16xi32>
    %and3A_1357 = arith.andi %shift_right_arithmetic3A_1354, %and3A_1356 : vector<16xi32>
    %add3A_1358 = arith.constant 238 : i32
    %add3A_1359 = vector.broadcast %add3A_1358 : i32 to vector<16xi32>
    %add3A_1360 = arith.addi %add3A_1359, %and3A_1357 : vector<16xi32>
    tpu.vector_store_idx %arg8[%add3A_1336, %add3A_1360], %broadcast_in_dim3A_3 masked %gt3A_1332 : memref<80x512xf32, #tpu.memory_space<vmem>>[vector<16xi32>, vector<16xi32>], vector<16xf32>, vector<16xi1>
    %get3A_1361 = arith.constant 544 : index
    %get3A_1362 = tpu.vector_load %arg7[%get3A_1361] {strides = array<i32>} : memref<1024xi32, #tpu.memory_space<vmem>>, vector<16xi32>,
    %shift_right_arithmetic3A_1363 = arith.constant 12 : i32
    %shift_right_arithmetic3A_1364 = vector.broadcast %shift_right_arithmetic3A_1363 : i32 to vector<16xi32>
    %shift_right_arithmetic3A_1365 = arith.shrsi %get3A_1362, %shift_right_arithmetic3A_1364 : vector<16xi32>
    %gt3A_1366 = arith.constant 0 : i32
    %gt3A_1367 = vector.broadcast %gt3A_1366 : i32 to vector<16xi32>
    %gt3A_1368 = arith.cmpi sgt, %shift_right_arithmetic3A_1365, %gt3A_1367 : vector<16xi32>
    %iota3A_1369 = tpu.iota {dimensions = array<i32: 0>} : vector<16xi32>
    %add3A_1370 = arith.constant 64 : i32
    %add3A_1371 = vector.broadcast %add3A_1370 : i32 to vector<16xi32>
    %add3A_1372 = arith.addi %iota3A_1369, %add3A_1371 : vector<16xi32>
    %and3A_1373 = arith.constant 15 : i32
    %and3A_1374 = vector.broadcast %and3A_1373 : i32 to vector<16xi32>
    %and3A_1375 = arith.andi %get3A_1362, %and3A_1374 : vector<16xi32>
    %add3A_1376 = arith.constant 206 : i32
    %add3A_1377 = vector.broadcast %add3A_1376 : i32 to vector<16xi32>
    %add3A_1378 = arith.addi %add3A_1377, %and3A_1375 : vector<16xi32>
    tpu.vector_store_idx %arg8[%add3A_1372, %add3A_1378], %broadcast_in_dim3A_3 masked %gt3A_1368 : memref<80x512xf32, #tpu.memory_space<vmem>>[vector<16xi32>, vector<16xi32>], vector<16xf32>, vector<16xi1>
    %shift_right_arithmetic3A_1379 = arith.constant 4 : i32
    %shift_right_arithmetic3A_1380 = vector.broadcast %shift_right_arithmetic3A_1379 : i32 to vector<16xi32>
    %shift_right_arithmetic3A_1381 = arith.shrsi %get3A_1362, %shift_right_arithmetic3A_1380 : vector<16xi32>
    %and3A_1382 = arith.constant 15 : i32
    %and3A_1383 = vector.broadcast %and3A_1382 : i32 to vector<16xi32>
    %and3A_1384 = arith.andi %shift_right_arithmetic3A_1381, %and3A_1383 : vector<16xi32>
    %add3A_1385 = arith.constant 222 : i32
    %add3A_1386 = vector.broadcast %add3A_1385 : i32 to vector<16xi32>
    %add3A_1387 = arith.addi %add3A_1386, %and3A_1384 : vector<16xi32>
    tpu.vector_store_idx %arg8[%add3A_1372, %add3A_1387], %broadcast_in_dim3A_3 masked %gt3A_1368 : memref<80x512xf32, #tpu.memory_space<vmem>>[vector<16xi32>, vector<16xi32>], vector<16xf32>, vector<16xi1>
    %shift_right_arithmetic3A_1388 = arith.constant 8 : i32
    %shift_right_arithmetic3A_1389 = vector.broadcast %shift_right_arithmetic3A_1388 : i32 to vector<16xi32>
    %shift_right_arithmetic3A_1390 = arith.shrsi %get3A_1362, %shift_right_arithmetic3A_1389 : vector<16xi32>
    %and3A_1391 = arith.constant 15 : i32
    %and3A_1392 = vector.broadcast %and3A_1391 : i32 to vector<16xi32>
    %and3A_1393 = arith.andi %shift_right_arithmetic3A_1390, %and3A_1392 : vector<16xi32>
    %add3A_1394 = arith.constant 238 : i32
    %add3A_1395 = vector.broadcast %add3A_1394 : i32 to vector<16xi32>
    %add3A_1396 = arith.addi %add3A_1395, %and3A_1393 : vector<16xi32>
    tpu.vector_store_idx %arg8[%add3A_1372, %add3A_1396], %broadcast_in_dim3A_3 masked %gt3A_1368 : memref<80x512xf32, #tpu.memory_space<vmem>>[vector<16xi32>, vector<16xi32>], vector<16xf32>, vector<16xi1>
    %add3A_1397 = arith.constant 480 : i32
    %add3A_1398 = arith.addi %mul3A_2, %add3A_1397 : i32
    %dma_start3A_1399 = arith.constant 0 : i32
    %dma_start3A_1400 = tpu.memref_slice %arg5[%add3A_1398, %dma_start3A_1399] : memref<32768x512xf32, #tpu.memory_space<hbm>> -> memref<80x512xf32, #tpu.memory_space<hbm>>
    %dma_start3A_1401 = arith.constant 0 : i32
    %dma_start3A_1402 = tpu.memref_slice %arg5[%add3A_1398, %dma_start3A_1401] : memref<32768x512xf32, #tpu.memory_space<hbm>> -> memref<80x512xf32, #tpu.memory_space<hbm>>
    tpu.enqueue_dma source(%arg8 : memref<80x512xf32, #tpu.memory_space<vmem>>) target(%dma_start3A_1402 : memref<80x512xf32, #tpu.memory_space<hbm>>) target_semaphore(%arg14 : memref<!tpu.dma_semaphore, #tpu.memory_space<semaphore_mem>>)
    %dma_wait3A_1403 = arith.constant 0 : i32
    %dma_wait3A_1404 = tpu.memref_slice %arg5[%add3A_1398, %dma_wait3A_1403] : memref<32768x512xf32, #tpu.memory_space<hbm>> -> memref<80x512xf32, #tpu.memory_space<hbm>>
    %dma_wait3A_1405 = arith.constant 0 : i32
    %dma_wait3A_1406 = tpu.memref_slice %arg5[%add3A_1398, %dma_wait3A_1405] : memref<32768x512xf32, #tpu.memory_space<hbm>> -> memref<80x512xf32, #tpu.memory_space<hbm>>
    tpu.wait_dma2 semaphore(%arg14 : memref<!tpu.dma_semaphore, #tpu.memory_space<semaphore_mem>>) src(%arg8 : memref<80x512xf32, #tpu.memory_space<vmem>>) dst(%dma_wait3A_1406 : memref<80x512xf32, #tpu.memory_space<hbm>>)
    %dma_start3A_1407 = arith.constant 720 : i32
    %dma_start3A_1408 = tpu.memref_slice %arg6[%dma_start3A_1407] : memref<1024xi32, #tpu.memory_space<vmem>> -> memref<80xi32, #tpu.memory_space<vmem>>
    %dma_start3A_1409 = arith.constant 0 : i32
    %dma_start3A_1410 = arith.constant 0 : i32
    %dma_start3A_1411 = tpu.memref_slice %arg4[%dma_start3A_1409, %dma_start3A_1410] : memref<272x512xf32, #tpu.memory_space<hbm>> -> memref<272x512xf32, #tpu.memory_space<hbm>>
    tpu.enqueue_indirect_dma source(%dma_start3A_1411 : memref<272x512xf32, #tpu.memory_space<hbm>>) target(%arg8 : memref<80x512xf32, #tpu.memory_space<vmem>>) offsets(%dma_start3A_1408 : memref<80xi32, #tpu.memory_space<vmem>>) semaphore(%arg11 : memref<!tpu.dma_semaphore, #tpu.memory_space<semaphore_mem>>)
    %dma_wait3A_1412 = arith.constant 560 : i32
    %dma_wait3A_1413 = tpu.memref_slice %arg6[%dma_wait3A_1412] : memref<1024xi32, #tpu.memory_space<vmem>> -> memref<80xi32, #tpu.memory_space<vmem>>
    %dma_wait3A_1414 = arith.constant 0 : i32
    %dma_wait3A_1415 = arith.constant 0 : i32
    %dma_wait3A_1416 = tpu.memref_slice %arg4[%dma_wait3A_1414, %dma_wait3A_1415] : memref<272x512xf32, #tpu.memory_space<hbm>> -> memref<272x512xf32, #tpu.memory_space<hbm>>
    tpu.wait_indirect_dma semaphore(%arg12 : memref<!tpu.dma_semaphore, #tpu.memory_space<semaphore_mem>>) src(%dma_wait3A_1416 : memref<272x512xf32, #tpu.memory_space<hbm>>) dst(%arg9 : memref<80x512xf32, #tpu.memory_space<vmem>>)
    %get3A_1417 = arith.constant 560 : index
    %get3A_1418 = tpu.vector_load %arg7[%get3A_1417] {strides = array<i32>} : memref<1024xi32, #tpu.memory_space<vmem>>, vector<16xi32>,
    %shift_right_arithmetic3A_1419 = arith.constant 12 : i32
    %shift_right_arithmetic3A_1420 = vector.broadcast %shift_right_arithmetic3A_1419 : i32 to vector<16xi32>
    %shift_right_arithmetic3A_1421 = arith.shrsi %get3A_1418, %shift_right_arithmetic3A_1420 : vector<16xi32>
    %gt3A_1422 = arith.constant 0 : i32
    %gt3A_1423 = vector.broadcast %gt3A_1422 : i32 to vector<16xi32>
    %gt3A_1424 = arith.cmpi sgt, %shift_right_arithmetic3A_1421, %gt3A_1423 : vector<16xi32>
    %iota3A_1425 = tpu.iota {dimensions = array<i32: 0>} : vector<16xi32>
    %add3A_1426 = arith.constant 0 : i32
    %add3A_1427 = vector.broadcast %add3A_1426 : i32 to vector<16xi32>
    %add3A_1428 = arith.addi %iota3A_1425, %add3A_1427 : vector<16xi32>
    %and3A_1429 = arith.constant 15 : i32
    %and3A_1430 = vector.broadcast %and3A_1429 : i32 to vector<16xi32>
    %and3A_1431 = arith.andi %get3A_1418, %and3A_1430 : vector<16xi32>
    %add3A_1432 = arith.constant 206 : i32
    %add3A_1433 = vector.broadcast %add3A_1432 : i32 to vector<16xi32>
    %add3A_1434 = arith.addi %add3A_1433, %and3A_1431 : vector<16xi32>
    tpu.vector_store_idx %arg9[%add3A_1428, %add3A_1434], %broadcast_in_dim3A_3 masked %gt3A_1424 : memref<80x512xf32, #tpu.memory_space<vmem>>[vector<16xi32>, vector<16xi32>], vector<16xf32>, vector<16xi1>
    %shift_right_arithmetic3A_1435 = arith.constant 4 : i32
    %shift_right_arithmetic3A_1436 = vector.broadcast %shift_right_arithmetic3A_1435 : i32 to vector<16xi32>
    %shift_right_arithmetic3A_1437 = arith.shrsi %get3A_1418, %shift_right_arithmetic3A_1436 : vector<16xi32>
    %and3A_1438 = arith.constant 15 : i32
    %and3A_1439 = vector.broadcast %and3A_1438 : i32 to vector<16xi32>
    %and3A_1440 = arith.andi %shift_right_arithmetic3A_1437, %and3A_1439 : vector<16xi32>
    %add3A_1441 = arith.constant 222 : i32
    %add3A_1442 = vector.broadcast %add3A_1441 : i32 to vector<16xi32>
    %add3A_1443 = arith.addi %add3A_1442, %and3A_1440 : vector<16xi32>
    tpu.vector_store_idx %arg9[%add3A_1428, %add3A_1443], %broadcast_in_dim3A_3 masked %gt3A_1424 : memref<80x512xf32, #tpu.memory_space<vmem>>[vector<16xi32>, vector<16xi32>], vector<16xf32>, vector<16xi1>
    %shift_right_arithmetic3A_1444 = arith.constant 8 : i32
    %shift_right_arithmetic3A_1445 = vector.broadcast %shift_right_arithmetic3A_1444 : i32 to vector<16xi32>
    %shift_right_arithmetic3A_1446 = arith.shrsi %get3A_1418, %shift_right_arithmetic3A_1445 : vector<16xi32>
    %and3A_1447 = arith.constant 15 : i32
    %and3A_1448 = vector.broadcast %and3A_1447 : i32 to vector<16xi32>
    %and3A_1449 = arith.andi %shift_right_arithmetic3A_1446, %and3A_1448 : vector<16xi32>
    %add3A_1450 = arith.constant 238 : i32
    %add3A_1451 = vector.broadcast %add3A_1450 : i32 to vector<16xi32>
    %add3A_1452 = arith.addi %add3A_1451, %and3A_1449 : vector<16xi32>
    tpu.vector_store_idx %arg9[%add3A_1428, %add3A_1452], %broadcast_in_dim3A_3 masked %gt3A_1424 : memref<80x512xf32, #tpu.memory_space<vmem>>[vector<16xi32>, vector<16xi32>], vector<16xf32>, vector<16xi1>
    %get3A_1453 = arith.constant 576 : index
    %get3A_1454 = tpu.vector_load %arg7[%get3A_1453] {strides = array<i32>} : memref<1024xi32, #tpu.memory_space<vmem>>, vector<16xi32>,
    %shift_right_arithmetic3A_1455 = arith.constant 12 : i32
    %shift_right_arithmetic3A_1456 = vector.broadcast %shift_right_arithmetic3A_1455 : i32 to vector<16xi32>
    %shift_right_arithmetic3A_1457 = arith.shrsi %get3A_1454, %shift_right_arithmetic3A_1456 : vector<16xi32>
    %gt3A_1458 = arith.constant 0 : i32
    %gt3A_1459 = vector.broadcast %gt3A_1458 : i32 to vector<16xi32>
    %gt3A_1460 = arith.cmpi sgt, %shift_right_arithmetic3A_1457, %gt3A_1459 : vector<16xi32>
    %iota3A_1461 = tpu.iota {dimensions = array<i32: 0>} : vector<16xi32>
    %add3A_1462 = arith.constant 16 : i32
    %add3A_1463 = vector.broadcast %add3A_1462 : i32 to vector<16xi32>
    %add3A_1464 = arith.addi %iota3A_1461, %add3A_1463 : vector<16xi32>
    %and3A_1465 = arith.constant 15 : i32
    %and3A_1466 = vector.broadcast %and3A_1465 : i32 to vector<16xi32>
    %and3A_1467 = arith.andi %get3A_1454, %and3A_1466 : vector<16xi32>
    %add3A_1468 = arith.constant 206 : i32
    %add3A_1469 = vector.broadcast %add3A_1468 : i32 to vector<16xi32>
    %add3A_1470 = arith.addi %add3A_1469, %and3A_1467 : vector<16xi32>
    tpu.vector_store_idx %arg9[%add3A_1464, %add3A_1470], %broadcast_in_dim3A_3 masked %gt3A_1460 : memref<80x512xf32, #tpu.memory_space<vmem>>[vector<16xi32>, vector<16xi32>], vector<16xf32>, vector<16xi1>
    %shift_right_arithmetic3A_1471 = arith.constant 4 : i32
    %shift_right_arithmetic3A_1472 = vector.broadcast %shift_right_arithmetic3A_1471 : i32 to vector<16xi32>
    %shift_right_arithmetic3A_1473 = arith.shrsi %get3A_1454, %shift_right_arithmetic3A_1472 : vector<16xi32>
    %and3A_1474 = arith.constant 15 : i32
    %and3A_1475 = vector.broadcast %and3A_1474 : i32 to vector<16xi32>
    %and3A_1476 = arith.andi %shift_right_arithmetic3A_1473, %and3A_1475 : vector<16xi32>
    %add3A_1477 = arith.constant 222 : i32
    %add3A_1478 = vector.broadcast %add3A_1477 : i32 to vector<16xi32>
    %add3A_1479 = arith.addi %add3A_1478, %and3A_1476 : vector<16xi32>
    tpu.vector_store_idx %arg9[%add3A_1464, %add3A_1479], %broadcast_in_dim3A_3 masked %gt3A_1460 : memref<80x512xf32, #tpu.memory_space<vmem>>[vector<16xi32>, vector<16xi32>], vector<16xf32>, vector<16xi1>
    %shift_right_arithmetic3A_1480 = arith.constant 8 : i32
    %shift_right_arithmetic3A_1481 = vector.broadcast %shift_right_arithmetic3A_1480 : i32 to vector<16xi32>
    %shift_right_arithmetic3A_1482 = arith.shrsi %get3A_1454, %shift_right_arithmetic3A_1481 : vector<16xi32>
    %and3A_1483 = arith.constant 15 : i32
    %and3A_1484 = vector.broadcast %and3A_1483 : i32 to vector<16xi32>
    %and3A_1485 = arith.andi %shift_right_arithmetic3A_1482, %and3A_1484 : vector<16xi32>
    %add3A_1486 = arith.constant 238 : i32
    %add3A_1487 = vector.broadcast %add3A_1486 : i32 to vector<16xi32>
    %add3A_1488 = arith.addi %add3A_1487, %and3A_1485 : vector<16xi32>
    tpu.vector_store_idx %arg9[%add3A_1464, %add3A_1488], %broadcast_in_dim3A_3 masked %gt3A_1460 : memref<80x512xf32, #tpu.memory_space<vmem>>[vector<16xi32>, vector<16xi32>], vector<16xf32>, vector<16xi1>
    %get3A_1489 = arith.constant 592 : index
    %get3A_1490 = tpu.vector_load %arg7[%get3A_1489] {strides = array<i32>} : memref<1024xi32, #tpu.memory_space<vmem>>, vector<16xi32>,
    %shift_right_arithmetic3A_1491 = arith.constant 12 : i32
    %shift_right_arithmetic3A_1492 = vector.broadcast %shift_right_arithmetic3A_1491 : i32 to vector<16xi32>
    %shift_right_arithmetic3A_1493 = arith.shrsi %get3A_1490, %shift_right_arithmetic3A_1492 : vector<16xi32>
    %gt3A_1494 = arith.constant 0 : i32
    %gt3A_1495 = vector.broadcast %gt3A_1494 : i32 to vector<16xi32>
    %gt3A_1496 = arith.cmpi sgt, %shift_right_arithmetic3A_1493, %gt3A_1495 : vector<16xi32>
    %iota3A_1497 = tpu.iota {dimensions = array<i32: 0>} : vector<16xi32>
    %add3A_1498 = arith.constant 32 : i32
    %add3A_1499 = vector.broadcast %add3A_1498 : i32 to vector<16xi32>
    %add3A_1500 = arith.addi %iota3A_1497, %add3A_1499 : vector<16xi32>
    %and3A_1501 = arith.constant 15 : i32
    %and3A_1502 = vector.broadcast %and3A_1501 : i32 to vector<16xi32>
    %and3A_1503 = arith.andi %get3A_1490, %and3A_1502 : vector<16xi32>
    %add3A_1504 = arith.constant 206 : i32
    %add3A_1505 = vector.broadcast %add3A_1504 : i32 to vector<16xi32>
    %add3A_1506 = arith.addi %add3A_1505, %and3A_1503 : vector<16xi32>
    tpu.vector_store_idx %arg9[%add3A_1500, %add3A_1506], %broadcast_in_dim3A_3 masked %gt3A_1496 : memref<80x512xf32, #tpu.memory_space<vmem>>[vector<16xi32>, vector<16xi32>], vector<16xf32>, vector<16xi1>
    %shift_right_arithmetic3A_1507 = arith.constant 4 : i32
    %shift_right_arithmetic3A_1508 = vector.broadcast %shift_right_arithmetic3A_1507 : i32 to vector<16xi32>
    %shift_right_arithmetic3A_1509 = arith.shrsi %get3A_1490, %shift_right_arithmetic3A_1508 : vector<16xi32>
    %and3A_1510 = arith.constant 15 : i32
    %and3A_1511 = vector.broadcast %and3A_1510 : i32 to vector<16xi32>
    %and3A_1512 = arith.andi %shift_right_arithmetic3A_1509, %and3A_1511 : vector<16xi32>
    %add3A_1513 = arith.constant 222 : i32
    %add3A_1514 = vector.broadcast %add3A_1513 : i32 to vector<16xi32>
    %add3A_1515 = arith.addi %add3A_1514, %and3A_1512 : vector<16xi32>
    tpu.vector_store_idx %arg9[%add3A_1500, %add3A_1515], %broadcast_in_dim3A_3 masked %gt3A_1496 : memref<80x512xf32, #tpu.memory_space<vmem>>[vector<16xi32>, vector<16xi32>], vector<16xf32>, vector<16xi1>
    %shift_right_arithmetic3A_1516 = arith.constant 8 : i32
    %shift_right_arithmetic3A_1517 = vector.broadcast %shift_right_arithmetic3A_1516 : i32 to vector<16xi32>
    %shift_right_arithmetic3A_1518 = arith.shrsi %get3A_1490, %shift_right_arithmetic3A_1517 : vector<16xi32>
    %and3A_1519 = arith.constant 15 : i32
    %and3A_1520 = vector.broadcast %and3A_1519 : i32 to vector<16xi32>
    %and3A_1521 = arith.andi %shift_right_arithmetic3A_1518, %and3A_1520 : vector<16xi32>
    %add3A_1522 = arith.constant 238 : i32
    %add3A_1523 = vector.broadcast %add3A_1522 : i32 to vector<16xi32>
    %add3A_1524 = arith.addi %add3A_1523, %and3A_1521 : vector<16xi32>
    tpu.vector_store_idx %arg9[%add3A_1500, %add3A_1524], %broadcast_in_dim3A_3 masked %gt3A_1496 : memref<80x512xf32, #tpu.memory_space<vmem>>[vector<16xi32>, vector<16xi32>], vector<16xf32>, vector<16xi1>
    %get3A_1525 = arith.constant 608 : index
    %get3A_1526 = tpu.vector_load %arg7[%get3A_1525] {strides = array<i32>} : memref<1024xi32, #tpu.memory_space<vmem>>, vector<16xi32>,
    %shift_right_arithmetic3A_1527 = arith.constant 12 : i32
    %shift_right_arithmetic3A_1528 = vector.broadcast %shift_right_arithmetic3A_1527 : i32 to vector<16xi32>
    %shift_right_arithmetic3A_1529 = arith.shrsi %get3A_1526, %shift_right_arithmetic3A_1528 : vector<16xi32>
    %gt3A_1530 = arith.constant 0 : i32
    %gt3A_1531 = vector.broadcast %gt3A_1530 : i32 to vector<16xi32>
    %gt3A_1532 = arith.cmpi sgt, %shift_right_arithmetic3A_1529, %gt3A_1531 : vector<16xi32>
    %iota3A_1533 = tpu.iota {dimensions = array<i32: 0>} : vector<16xi32>
    %add3A_1534 = arith.constant 48 : i32
    %add3A_1535 = vector.broadcast %add3A_1534 : i32 to vector<16xi32>
    %add3A_1536 = arith.addi %iota3A_1533, %add3A_1535 : vector<16xi32>
    %and3A_1537 = arith.constant 15 : i32
    %and3A_1538 = vector.broadcast %and3A_1537 : i32 to vector<16xi32>
    %and3A_1539 = arith.andi %get3A_1526, %and3A_1538 : vector<16xi32>
    %add3A_1540 = arith.constant 206 : i32
    %add3A_1541 = vector.broadcast %add3A_1540 : i32 to vector<16xi32>
    %add3A_1542 = arith.addi %add3A_1541, %and3A_1539 : vector<16xi32>
    tpu.vector_store_idx %arg9[%add3A_1536, %add3A_1542], %broadcast_in_dim3A_3 masked %gt3A_1532 : memref<80x512xf32, #tpu.memory_space<vmem>>[vector<16xi32>, vector<16xi32>], vector<16xf32>, vector<16xi1>
    %shift_right_arithmetic3A_1543 = arith.constant 4 : i32
    %shift_right_arithmetic3A_1544 = vector.broadcast %shift_right_arithmetic3A_1543 : i32 to vector<16xi32>
    %shift_right_arithmetic3A_1545 = arith.shrsi %get3A_1526, %shift_right_arithmetic3A_1544 : vector<16xi32>
    %and3A_1546 = arith.constant 15 : i32
    %and3A_1547 = vector.broadcast %and3A_1546 : i32 to vector<16xi32>
    %and3A_1548 = arith.andi %shift_right_arithmetic3A_1545, %and3A_1547 : vector<16xi32>
    %add3A_1549 = arith.constant 222 : i32
    %add3A_1550 = vector.broadcast %add3A_1549 : i32 to vector<16xi32>
    %add3A_1551 = arith.addi %add3A_1550, %and3A_1548 : vector<16xi32>
    tpu.vector_store_idx %arg9[%add3A_1536, %add3A_1551], %broadcast_in_dim3A_3 masked %gt3A_1532 : memref<80x512xf32, #tpu.memory_space<vmem>>[vector<16xi32>, vector<16xi32>], vector<16xf32>, vector<16xi1>
    %shift_right_arithmetic3A_1552 = arith.constant 8 : i32
    %shift_right_arithmetic3A_1553 = vector.broadcast %shift_right_arithmetic3A_1552 : i32 to vector<16xi32>
    %shift_right_arithmetic3A_1554 = arith.shrsi %get3A_1526, %shift_right_arithmetic3A_1553 : vector<16xi32>
    %and3A_1555 = arith.constant 15 : i32
    %and3A_1556 = vector.broadcast %and3A_1555 : i32 to vector<16xi32>
    %and3A_1557 = arith.andi %shift_right_arithmetic3A_1554, %and3A_1556 : vector<16xi32>
    %add3A_1558 = arith.constant 238 : i32
    %add3A_1559 = vector.broadcast %add3A_1558 : i32 to vector<16xi32>
    %add3A_1560 = arith.addi %add3A_1559, %and3A_1557 : vector<16xi32>
    tpu.vector_store_idx %arg9[%add3A_1536, %add3A_1560], %broadcast_in_dim3A_3 masked %gt3A_1532 : memref<80x512xf32, #tpu.memory_space<vmem>>[vector<16xi32>, vector<16xi32>], vector<16xf32>, vector<16xi1>
    %get3A_1561 = arith.constant 624 : index
    %get3A_1562 = tpu.vector_load %arg7[%get3A_1561] {strides = array<i32>} : memref<1024xi32, #tpu.memory_space<vmem>>, vector<16xi32>,
    %shift_right_arithmetic3A_1563 = arith.constant 12 : i32
    %shift_right_arithmetic3A_1564 = vector.broadcast %shift_right_arithmetic3A_1563 : i32 to vector<16xi32>
    %shift_right_arithmetic3A_1565 = arith.shrsi %get3A_1562, %shift_right_arithmetic3A_1564 : vector<16xi32>
    %gt3A_1566 = arith.constant 0 : i32
    %gt3A_1567 = vector.broadcast %gt3A_1566 : i32 to vector<16xi32>
    %gt3A_1568 = arith.cmpi sgt, %shift_right_arithmetic3A_1565, %gt3A_1567 : vector<16xi32>
    %iota3A_1569 = tpu.iota {dimensions = array<i32: 0>} : vector<16xi32>
    %add3A_1570 = arith.constant 64 : i32
    %add3A_1571 = vector.broadcast %add3A_1570 : i32 to vector<16xi32>
    %add3A_1572 = arith.addi %iota3A_1569, %add3A_1571 : vector<16xi32>
    %and3A_1573 = arith.constant 15 : i32
    %and3A_1574 = vector.broadcast %and3A_1573 : i32 to vector<16xi32>
    %and3A_1575 = arith.andi %get3A_1562, %and3A_1574 : vector<16xi32>
    %add3A_1576 = arith.constant 206 : i32
    %add3A_1577 = vector.broadcast %add3A_1576 : i32 to vector<16xi32>
    %add3A_1578 = arith.addi %add3A_1577, %and3A_1575 : vector<16xi32>
    tpu.vector_store_idx %arg9[%add3A_1572, %add3A_1578], %broadcast_in_dim3A_3 masked %gt3A_1568 : memref<80x512xf32, #tpu.memory_space<vmem>>[vector<16xi32>, vector<16xi32>], vector<16xf32>, vector<16xi1>
    %shift_right_arithmetic3A_1579 = arith.constant 4 : i32
    %shift_right_arithmetic3A_1580 = vector.broadcast %shift_right_arithmetic3A_1579 : i32 to vector<16xi32>
    %shift_right_arithmetic3A_1581 = arith.shrsi %get3A_1562, %shift_right_arithmetic3A_1580 : vector<16xi32>
    %and3A_1582 = arith.constant 15 : i32
    %and3A_1583 = vector.broadcast %and3A_1582 : i32 to vector<16xi32>
    %and3A_1584 = arith.andi %shift_right_arithmetic3A_1581, %and3A_1583 : vector<16xi32>
    %add3A_1585 = arith.constant 222 : i32
    %add3A_1586 = vector.broadcast %add3A_1585 : i32 to vector<16xi32>
    %add3A_1587 = arith.addi %add3A_1586, %and3A_1584 : vector<16xi32>
    tpu.vector_store_idx %arg9[%add3A_1572, %add3A_1587], %broadcast_in_dim3A_3 masked %gt3A_1568 : memref<80x512xf32, #tpu.memory_space<vmem>>[vector<16xi32>, vector<16xi32>], vector<16xf32>, vector<16xi1>
    %shift_right_arithmetic3A_1588 = arith.constant 8 : i32
    %shift_right_arithmetic3A_1589 = vector.broadcast %shift_right_arithmetic3A_1588 : i32 to vector<16xi32>
    %shift_right_arithmetic3A_1590 = arith.shrsi %get3A_1562, %shift_right_arithmetic3A_1589 : vector<16xi32>
    %and3A_1591 = arith.constant 15 : i32
    %and3A_1592 = vector.broadcast %and3A_1591 : i32 to vector<16xi32>
    %and3A_1593 = arith.andi %shift_right_arithmetic3A_1590, %and3A_1592 : vector<16xi32>
    %add3A_1594 = arith.constant 238 : i32
    %add3A_1595 = vector.broadcast %add3A_1594 : i32 to vector<16xi32>
    %add3A_1596 = arith.addi %add3A_1595, %and3A_1593 : vector<16xi32>
    tpu.vector_store_idx %arg9[%add3A_1572, %add3A_1596], %broadcast_in_dim3A_3 masked %gt3A_1568 : memref<80x512xf32, #tpu.memory_space<vmem>>[vector<16xi32>, vector<16xi32>], vector<16xf32>, vector<16xi1>
    %add3A_1597 = arith.constant 560 : i32
    %add3A_1598 = arith.addi %mul3A_2, %add3A_1597 : i32
    %dma_start3A_1599 = arith.constant 0 : i32
    %dma_start3A_1600 = tpu.memref_slice %arg5[%add3A_1598, %dma_start3A_1599] : memref<32768x512xf32, #tpu.memory_space<hbm>> -> memref<80x512xf32, #tpu.memory_space<hbm>>
    %dma_start3A_1601 = arith.constant 0 : i32
    %dma_start3A_1602 = tpu.memref_slice %arg5[%add3A_1598, %dma_start3A_1601] : memref<32768x512xf32, #tpu.memory_space<hbm>> -> memref<80x512xf32, #tpu.memory_space<hbm>>
    tpu.enqueue_dma source(%arg9 : memref<80x512xf32, #tpu.memory_space<vmem>>) target(%dma_start3A_1602 : memref<80x512xf32, #tpu.memory_space<hbm>>) target_semaphore(%arg15 : memref<!tpu.dma_semaphore, #tpu.memory_space<semaphore_mem>>)
    %dma_wait3A_1603 = arith.constant 0 : i32
    %dma_wait3A_1604 = tpu.memref_slice %arg5[%add3A_1598, %dma_wait3A_1603] : memref<32768x512xf32, #tpu.memory_space<hbm>> -> memref<80x512xf32, #tpu.memory_space<hbm>>
    %dma_wait3A_1605 = arith.constant 0 : i32
    %dma_wait3A_1606 = tpu.memref_slice %arg5[%add3A_1598, %dma_wait3A_1605] : memref<32768x512xf32, #tpu.memory_space<hbm>> -> memref<80x512xf32, #tpu.memory_space<hbm>>
    tpu.wait_dma2 semaphore(%arg15 : memref<!tpu.dma_semaphore, #tpu.memory_space<semaphore_mem>>) src(%arg9 : memref<80x512xf32, #tpu.memory_space<vmem>>) dst(%dma_wait3A_1606 : memref<80x512xf32, #tpu.memory_space<hbm>>)
    %dma_start3A_1607 = arith.constant 800 : i32
    %dma_start3A_1608 = tpu.memref_slice %arg6[%dma_start3A_1607] : memref<1024xi32, #tpu.memory_space<vmem>> -> memref<80xi32, #tpu.memory_space<vmem>>
    %dma_start3A_1609 = arith.constant 0 : i32
    %dma_start3A_1610 = arith.constant 0 : i32
    %dma_start3A_1611 = tpu.memref_slice %arg4[%dma_start3A_1609, %dma_start3A_1610] : memref<272x512xf32, #tpu.memory_space<hbm>> -> memref<272x512xf32, #tpu.memory_space<hbm>>
    tpu.enqueue_indirect_dma source(%dma_start3A_1611 : memref<272x512xf32, #tpu.memory_space<hbm>>) target(%arg9 : memref<80x512xf32, #tpu.memory_space<vmem>>) offsets(%dma_start3A_1608 : memref<80xi32, #tpu.memory_space<vmem>>) semaphore(%arg12 : memref<!tpu.dma_semaphore, #tpu.memory_space<semaphore_mem>>)
    %dma_wait3A_1612 = arith.constant 640 : i32
    %dma_wait3A_1613 = tpu.memref_slice %arg6[%dma_wait3A_1612] : memref<1024xi32, #tpu.memory_space<vmem>> -> memref<80xi32, #tpu.memory_space<vmem>>
    %dma_wait3A_1614 = arith.constant 0 : i32
    %dma_wait3A_1615 = arith.constant 0 : i32
    %dma_wait3A_1616 = tpu.memref_slice %arg4[%dma_wait3A_1614, %dma_wait3A_1615] : memref<272x512xf32, #tpu.memory_space<hbm>> -> memref<272x512xf32, #tpu.memory_space<hbm>>
    tpu.wait_indirect_dma semaphore(%arg13 : memref<!tpu.dma_semaphore, #tpu.memory_space<semaphore_mem>>) src(%dma_wait3A_1616 : memref<272x512xf32, #tpu.memory_space<hbm>>) dst(%arg10 : memref<80x512xf32, #tpu.memory_space<vmem>>)
    %get3A_1617 = arith.constant 640 : index
    %get3A_1618 = tpu.vector_load %arg7[%get3A_1617] {strides = array<i32>} : memref<1024xi32, #tpu.memory_space<vmem>>, vector<16xi32>,
    %shift_right_arithmetic3A_1619 = arith.constant 12 : i32
    %shift_right_arithmetic3A_1620 = vector.broadcast %shift_right_arithmetic3A_1619 : i32 to vector<16xi32>
    %shift_right_arithmetic3A_1621 = arith.shrsi %get3A_1618, %shift_right_arithmetic3A_1620 : vector<16xi32>
    %gt3A_1622 = arith.constant 0 : i32
    %gt3A_1623 = vector.broadcast %gt3A_1622 : i32 to vector<16xi32>
    %gt3A_1624 = arith.cmpi sgt, %shift_right_arithmetic3A_1621, %gt3A_1623 : vector<16xi32>
    %iota3A_1625 = tpu.iota {dimensions = array<i32: 0>} : vector<16xi32>
    %add3A_1626 = arith.constant 0 : i32
    %add3A_1627 = vector.broadcast %add3A_1626 : i32 to vector<16xi32>
    %add3A_1628 = arith.addi %iota3A_1625, %add3A_1627 : vector<16xi32>
    %and3A_1629 = arith.constant 15 : i32
    %and3A_1630 = vector.broadcast %and3A_1629 : i32 to vector<16xi32>
    %and3A_1631 = arith.andi %get3A_1618, %and3A_1630 : vector<16xi32>
    %add3A_1632 = arith.constant 206 : i32
    %add3A_1633 = vector.broadcast %add3A_1632 : i32 to vector<16xi32>
    %add3A_1634 = arith.addi %add3A_1633, %and3A_1631 : vector<16xi32>
    tpu.vector_store_idx %arg10[%add3A_1628, %add3A_1634], %broadcast_in_dim3A_3 masked %gt3A_1624 : memref<80x512xf32, #tpu.memory_space<vmem>>[vector<16xi32>, vector<16xi32>], vector<16xf32>, vector<16xi1>
    %shift_right_arithmetic3A_1635 = arith.constant 4 : i32
    %shift_right_arithmetic3A_1636 = vector.broadcast %shift_right_arithmetic3A_1635 : i32 to vector<16xi32>
    %shift_right_arithmetic3A_1637 = arith.shrsi %get3A_1618, %shift_right_arithmetic3A_1636 : vector<16xi32>
    %and3A_1638 = arith.constant 15 : i32
    %and3A_1639 = vector.broadcast %and3A_1638 : i32 to vector<16xi32>
    %and3A_1640 = arith.andi %shift_right_arithmetic3A_1637, %and3A_1639 : vector<16xi32>
    %add3A_1641 = arith.constant 222 : i32
    %add3A_1642 = vector.broadcast %add3A_1641 : i32 to vector<16xi32>
    %add3A_1643 = arith.addi %add3A_1642, %and3A_1640 : vector<16xi32>
    tpu.vector_store_idx %arg10[%add3A_1628, %add3A_1643], %broadcast_in_dim3A_3 masked %gt3A_1624 : memref<80x512xf32, #tpu.memory_space<vmem>>[vector<16xi32>, vector<16xi32>], vector<16xf32>, vector<16xi1>
    %shift_right_arithmetic3A_1644 = arith.constant 8 : i32
    %shift_right_arithmetic3A_1645 = vector.broadcast %shift_right_arithmetic3A_1644 : i32 to vector<16xi32>
    %shift_right_arithmetic3A_1646 = arith.shrsi %get3A_1618, %shift_right_arithmetic3A_1645 : vector<16xi32>
    %and3A_1647 = arith.constant 15 : i32
    %and3A_1648 = vector.broadcast %and3A_1647 : i32 to vector<16xi32>
    %and3A_1649 = arith.andi %shift_right_arithmetic3A_1646, %and3A_1648 : vector<16xi32>
    %add3A_1650 = arith.constant 238 : i32
    %add3A_1651 = vector.broadcast %add3A_1650 : i32 to vector<16xi32>
    %add3A_1652 = arith.addi %add3A_1651, %and3A_1649 : vector<16xi32>
    tpu.vector_store_idx %arg10[%add3A_1628, %add3A_1652], %broadcast_in_dim3A_3 masked %gt3A_1624 : memref<80x512xf32, #tpu.memory_space<vmem>>[vector<16xi32>, vector<16xi32>], vector<16xf32>, vector<16xi1>
    %get3A_1653 = arith.constant 656 : index
    %get3A_1654 = tpu.vector_load %arg7[%get3A_1653] {strides = array<i32>} : memref<1024xi32, #tpu.memory_space<vmem>>, vector<16xi32>,
    %shift_right_arithmetic3A_1655 = arith.constant 12 : i32
    %shift_right_arithmetic3A_1656 = vector.broadcast %shift_right_arithmetic3A_1655 : i32 to vector<16xi32>
    %shift_right_arithmetic3A_1657 = arith.shrsi %get3A_1654, %shift_right_arithmetic3A_1656 : vector<16xi32>
    %gt3A_1658 = arith.constant 0 : i32
    %gt3A_1659 = vector.broadcast %gt3A_1658 : i32 to vector<16xi32>
    %gt3A_1660 = arith.cmpi sgt, %shift_right_arithmetic3A_1657, %gt3A_1659 : vector<16xi32>
    %iota3A_1661 = tpu.iota {dimensions = array<i32: 0>} : vector<16xi32>
    %add3A_1662 = arith.constant 16 : i32
    %add3A_1663 = vector.broadcast %add3A_1662 : i32 to vector<16xi32>
    %add3A_1664 = arith.addi %iota3A_1661, %add3A_1663 : vector<16xi32>
    %and3A_1665 = arith.constant 15 : i32
    %and3A_1666 = vector.broadcast %and3A_1665 : i32 to vector<16xi32>
    %and3A_1667 = arith.andi %get3A_1654, %and3A_1666 : vector<16xi32>
    %add3A_1668 = arith.constant 206 : i32
    %add3A_1669 = vector.broadcast %add3A_1668 : i32 to vector<16xi32>
    %add3A_1670 = arith.addi %add3A_1669, %and3A_1667 : vector<16xi32>
    tpu.vector_store_idx %arg10[%add3A_1664, %add3A_1670], %broadcast_in_dim3A_3 masked %gt3A_1660 : memref<80x512xf32, #tpu.memory_space<vmem>>[vector<16xi32>, vector<16xi32>], vector<16xf32>, vector<16xi1>
    %shift_right_arithmetic3A_1671 = arith.constant 4 : i32
    %shift_right_arithmetic3A_1672 = vector.broadcast %shift_right_arithmetic3A_1671 : i32 to vector<16xi32>
    %shift_right_arithmetic3A_1673 = arith.shrsi %get3A_1654, %shift_right_arithmetic3A_1672 : vector<16xi32>
    %and3A_1674 = arith.constant 15 : i32
    %and3A_1675 = vector.broadcast %and3A_1674 : i32 to vector<16xi32>
    %and3A_1676 = arith.andi %shift_right_arithmetic3A_1673, %and3A_1675 : vector<16xi32>
    %add3A_1677 = arith.constant 222 : i32
    %add3A_1678 = vector.broadcast %add3A_1677 : i32 to vector<16xi32>
    %add3A_1679 = arith.addi %add3A_1678, %and3A_1676 : vector<16xi32>
    tpu.vector_store_idx %arg10[%add3A_1664, %add3A_1679], %broadcast_in_dim3A_3 masked %gt3A_1660 : memref<80x512xf32, #tpu.memory_space<vmem>>[vector<16xi32>, vector<16xi32>], vector<16xf32>, vector<16xi1>
    %shift_right_arithmetic3A_1680 = arith.constant 8 : i32
    %shift_right_arithmetic3A_1681 = vector.broadcast %shift_right_arithmetic3A_1680 : i32 to vector<16xi32>
    %shift_right_arithmetic3A_1682 = arith.shrsi %get3A_1654, %shift_right_arithmetic3A_1681 : vector<16xi32>
    %and3A_1683 = arith.constant 15 : i32
    %and3A_1684 = vector.broadcast %and3A_1683 : i32 to vector<16xi32>
    %and3A_1685 = arith.andi %shift_right_arithmetic3A_1682, %and3A_1684 : vector<16xi32>
    %add3A_1686 = arith.constant 238 : i32
    %add3A_1687 = vector.broadcast %add3A_1686 : i32 to vector<16xi32>
    %add3A_1688 = arith.addi %add3A_1687, %and3A_1685 : vector<16xi32>
    tpu.vector_store_idx %arg10[%add3A_1664, %add3A_1688], %broadcast_in_dim3A_3 masked %gt3A_1660 : memref<80x512xf32, #tpu.memory_space<vmem>>[vector<16xi32>, vector<16xi32>], vector<16xf32>, vector<16xi1>
    %get3A_1689 = arith.constant 672 : index
    %get3A_1690 = tpu.vector_load %arg7[%get3A_1689] {strides = array<i32>} : memref<1024xi32, #tpu.memory_space<vmem>>, vector<16xi32>,
    %shift_right_arithmetic3A_1691 = arith.constant 12 : i32
    %shift_right_arithmetic3A_1692 = vector.broadcast %shift_right_arithmetic3A_1691 : i32 to vector<16xi32>
    %shift_right_arithmetic3A_1693 = arith.shrsi %get3A_1690, %shift_right_arithmetic3A_1692 : vector<16xi32>
    %gt3A_1694 = arith.constant 0 : i32
    %gt3A_1695 = vector.broadcast %gt3A_1694 : i32 to vector<16xi32>
    %gt3A_1696 = arith.cmpi sgt, %shift_right_arithmetic3A_1693, %gt3A_1695 : vector<16xi32>
    %iota3A_1697 = tpu.iota {dimensions = array<i32: 0>} : vector<16xi32>
    %add3A_1698 = arith.constant 32 : i32
    %add3A_1699 = vector.broadcast %add3A_1698 : i32 to vector<16xi32>
    %add3A_1700 = arith.addi %iota3A_1697, %add3A_1699 : vector<16xi32>
    %and3A_1701 = arith.constant 15 : i32
    %and3A_1702 = vector.broadcast %and3A_1701 : i32 to vector<16xi32>
    %and3A_1703 = arith.andi %get3A_1690, %and3A_1702 : vector<16xi32>
    %add3A_1704 = arith.constant 206 : i32
    %add3A_1705 = vector.broadcast %add3A_1704 : i32 to vector<16xi32>
    %add3A_1706 = arith.addi %add3A_1705, %and3A_1703 : vector<16xi32>
    tpu.vector_store_idx %arg10[%add3A_1700, %add3A_1706], %broadcast_in_dim3A_3 masked %gt3A_1696 : memref<80x512xf32, #tpu.memory_space<vmem>>[vector<16xi32>, vector<16xi32>], vector<16xf32>, vector<16xi1>
    %shift_right_arithmetic3A_1707 = arith.constant 4 : i32
    %shift_right_arithmetic3A_1708 = vector.broadcast %shift_right_arithmetic3A_1707 : i32 to vector<16xi32>
    %shift_right_arithmetic3A_1709 = arith.shrsi %get3A_1690, %shift_right_arithmetic3A_1708 : vector<16xi32>
    %and3A_1710 = arith.constant 15 : i32
    %and3A_1711 = vector.broadcast %and3A_1710 : i32 to vector<16xi32>
    %and3A_1712 = arith.andi %shift_right_arithmetic3A_1709, %and3A_1711 : vector<16xi32>
    %add3A_1713 = arith.constant 222 : i32
    %add3A_1714 = vector.broadcast %add3A_1713 : i32 to vector<16xi32>
    %add3A_1715 = arith.addi %add3A_1714, %and3A_1712 : vector<16xi32>
    tpu.vector_store_idx %arg10[%add3A_1700, %add3A_1715], %broadcast_in_dim3A_3 masked %gt3A_1696 : memref<80x512xf32, #tpu.memory_space<vmem>>[vector<16xi32>, vector<16xi32>], vector<16xf32>, vector<16xi1>
    %shift_right_arithmetic3A_1716 = arith.constant 8 : i32
    %shift_right_arithmetic3A_1717 = vector.broadcast %shift_right_arithmetic3A_1716 : i32 to vector<16xi32>
    %shift_right_arithmetic3A_1718 = arith.shrsi %get3A_1690, %shift_right_arithmetic3A_1717 : vector<16xi32>
    %and3A_1719 = arith.constant 15 : i32
    %and3A_1720 = vector.broadcast %and3A_1719 : i32 to vector<16xi32>
    %and3A_1721 = arith.andi %shift_right_arithmetic3A_1718, %and3A_1720 : vector<16xi32>
    %add3A_1722 = arith.constant 238 : i32
    %add3A_1723 = vector.broadcast %add3A_1722 : i32 to vector<16xi32>
    %add3A_1724 = arith.addi %add3A_1723, %and3A_1721 : vector<16xi32>
    tpu.vector_store_idx %arg10[%add3A_1700, %add3A_1724], %broadcast_in_dim3A_3 masked %gt3A_1696 : memref<80x512xf32, #tpu.memory_space<vmem>>[vector<16xi32>, vector<16xi32>], vector<16xf32>, vector<16xi1>
    %get3A_1725 = arith.constant 688 : index
    %get3A_1726 = tpu.vector_load %arg7[%get3A_1725] {strides = array<i32>} : memref<1024xi32, #tpu.memory_space<vmem>>, vector<16xi32>,
    %shift_right_arithmetic3A_1727 = arith.constant 12 : i32
    %shift_right_arithmetic3A_1728 = vector.broadcast %shift_right_arithmetic3A_1727 : i32 to vector<16xi32>
    %shift_right_arithmetic3A_1729 = arith.shrsi %get3A_1726, %shift_right_arithmetic3A_1728 : vector<16xi32>
    %gt3A_1730 = arith.constant 0 : i32
    %gt3A_1731 = vector.broadcast %gt3A_1730 : i32 to vector<16xi32>
    %gt3A_1732 = arith.cmpi sgt, %shift_right_arithmetic3A_1729, %gt3A_1731 : vector<16xi32>
    %iota3A_1733 = tpu.iota {dimensions = array<i32: 0>} : vector<16xi32>
    %add3A_1734 = arith.constant 48 : i32
    %add3A_1735 = vector.broadcast %add3A_1734 : i32 to vector<16xi32>
    %add3A_1736 = arith.addi %iota3A_1733, %add3A_1735 : vector<16xi32>
    %and3A_1737 = arith.constant 15 : i32
    %and3A_1738 = vector.broadcast %and3A_1737 : i32 to vector<16xi32>
    %and3A_1739 = arith.andi %get3A_1726, %and3A_1738 : vector<16xi32>
    %add3A_1740 = arith.constant 206 : i32
    %add3A_1741 = vector.broadcast %add3A_1740 : i32 to vector<16xi32>
    %add3A_1742 = arith.addi %add3A_1741, %and3A_1739 : vector<16xi32>
    tpu.vector_store_idx %arg10[%add3A_1736, %add3A_1742], %broadcast_in_dim3A_3 masked %gt3A_1732 : memref<80x512xf32, #tpu.memory_space<vmem>>[vector<16xi32>, vector<16xi32>], vector<16xf32>, vector<16xi1>
    %shift_right_arithmetic3A_1743 = arith.constant 4 : i32
    %shift_right_arithmetic3A_1744 = vector.broadcast %shift_right_arithmetic3A_1743 : i32 to vector<16xi32>
    %shift_right_arithmetic3A_1745 = arith.shrsi %get3A_1726, %shift_right_arithmetic3A_1744 : vector<16xi32>
    %and3A_1746 = arith.constant 15 : i32
    %and3A_1747 = vector.broadcast %and3A_1746 : i32 to vector<16xi32>
    %and3A_1748 = arith.andi %shift_right_arithmetic3A_1745, %and3A_1747 : vector<16xi32>
    %add3A_1749 = arith.constant 222 : i32
    %add3A_1750 = vector.broadcast %add3A_1749 : i32 to vector<16xi32>
    %add3A_1751 = arith.addi %add3A_1750, %and3A_1748 : vector<16xi32>
    tpu.vector_store_idx %arg10[%add3A_1736, %add3A_1751], %broadcast_in_dim3A_3 masked %gt3A_1732 : memref<80x512xf32, #tpu.memory_space<vmem>>[vector<16xi32>, vector<16xi32>], vector<16xf32>, vector<16xi1>
    %shift_right_arithmetic3A_1752 = arith.constant 8 : i32
    %shift_right_arithmetic3A_1753 = vector.broadcast %shift_right_arithmetic3A_1752 : i32 to vector<16xi32>
    %shift_right_arithmetic3A_1754 = arith.shrsi %get3A_1726, %shift_right_arithmetic3A_1753 : vector<16xi32>
    %and3A_1755 = arith.constant 15 : i32
    %and3A_1756 = vector.broadcast %and3A_1755 : i32 to vector<16xi32>
    %and3A_1757 = arith.andi %shift_right_arithmetic3A_1754, %and3A_1756 : vector<16xi32>
    %add3A_1758 = arith.constant 238 : i32
    %add3A_1759 = vector.broadcast %add3A_1758 : i32 to vector<16xi32>
    %add3A_1760 = arith.addi %add3A_1759, %and3A_1757 : vector<16xi32>
    tpu.vector_store_idx %arg10[%add3A_1736, %add3A_1760], %broadcast_in_dim3A_3 masked %gt3A_1732 : memref<80x512xf32, #tpu.memory_space<vmem>>[vector<16xi32>, vector<16xi32>], vector<16xf32>, vector<16xi1>
    %get3A_1761 = arith.constant 704 : index
    %get3A_1762 = tpu.vector_load %arg7[%get3A_1761] {strides = array<i32>} : memref<1024xi32, #tpu.memory_space<vmem>>, vector<16xi32>,
    %shift_right_arithmetic3A_1763 = arith.constant 12 : i32
    %shift_right_arithmetic3A_1764 = vector.broadcast %shift_right_arithmetic3A_1763 : i32 to vector<16xi32>
    %shift_right_arithmetic3A_1765 = arith.shrsi %get3A_1762, %shift_right_arithmetic3A_1764 : vector<16xi32>
    %gt3A_1766 = arith.constant 0 : i32
    %gt3A_1767 = vector.broadcast %gt3A_1766 : i32 to vector<16xi32>
    %gt3A_1768 = arith.cmpi sgt, %shift_right_arithmetic3A_1765, %gt3A_1767 : vector<16xi32>
    %iota3A_1769 = tpu.iota {dimensions = array<i32: 0>} : vector<16xi32>
    %add3A_1770 = arith.constant 64 : i32
    %add3A_1771 = vector.broadcast %add3A_1770 : i32 to vector<16xi32>
    %add3A_1772 = arith.addi %iota3A_1769, %add3A_1771 : vector<16xi32>
    %and3A_1773 = arith.constant 15 : i32
    %and3A_1774 = vector.broadcast %and3A_1773 : i32 to vector<16xi32>
    %and3A_1775 = arith.andi %get3A_1762, %and3A_1774 : vector<16xi32>
    %add3A_1776 = arith.constant 206 : i32
    %add3A_1777 = vector.broadcast %add3A_1776 : i32 to vector<16xi32>
    %add3A_1778 = arith.addi %add3A_1777, %and3A_1775 : vector<16xi32>
    tpu.vector_store_idx %arg10[%add3A_1772, %add3A_1778], %broadcast_in_dim3A_3 masked %gt3A_1768 : memref<80x512xf32, #tpu.memory_space<vmem>>[vector<16xi32>, vector<16xi32>], vector<16xf32>, vector<16xi1>
    %shift_right_arithmetic3A_1779 = arith.constant 4 : i32
    %shift_right_arithmetic3A_1780 = vector.broadcast %shift_right_arithmetic3A_1779 : i32 to vector<16xi32>
    %shift_right_arithmetic3A_1781 = arith.shrsi %get3A_1762, %shift_right_arithmetic3A_1780 : vector<16xi32>
    %and3A_1782 = arith.constant 15 : i32
    %and3A_1783 = vector.broadcast %and3A_1782 : i32 to vector<16xi32>
    %and3A_1784 = arith.andi %shift_right_arithmetic3A_1781, %and3A_1783 : vector<16xi32>
    %add3A_1785 = arith.constant 222 : i32
    %add3A_1786 = vector.broadcast %add3A_1785 : i32 to vector<16xi32>
    %add3A_1787 = arith.addi %add3A_1786, %and3A_1784 : vector<16xi32>
    tpu.vector_store_idx %arg10[%add3A_1772, %add3A_1787], %broadcast_in_dim3A_3 masked %gt3A_1768 : memref<80x512xf32, #tpu.memory_space<vmem>>[vector<16xi32>, vector<16xi32>], vector<16xf32>, vector<16xi1>
    %shift_right_arithmetic3A_1788 = arith.constant 8 : i32
    %shift_right_arithmetic3A_1789 = vector.broadcast %shift_right_arithmetic3A_1788 : i32 to vector<16xi32>
    %shift_right_arithmetic3A_1790 = arith.shrsi %get3A_1762, %shift_right_arithmetic3A_1789 : vector<16xi32>
    %and3A_1791 = arith.constant 15 : i32
    %and3A_1792 = vector.broadcast %and3A_1791 : i32 to vector<16xi32>
    %and3A_1793 = arith.andi %shift_right_arithmetic3A_1790, %and3A_1792 : vector<16xi32>
    %add3A_1794 = arith.constant 238 : i32
    %add3A_1795 = vector.broadcast %add3A_1794 : i32 to vector<16xi32>
    %add3A_1796 = arith.addi %add3A_1795, %and3A_1793 : vector<16xi32>
    tpu.vector_store_idx %arg10[%add3A_1772, %add3A_1796], %broadcast_in_dim3A_3 masked %gt3A_1768 : memref<80x512xf32, #tpu.memory_space<vmem>>[vector<16xi32>, vector<16xi32>], vector<16xf32>, vector<16xi1>
    %add3A_1797 = arith.constant 640 : i32
    %add3A_1798 = arith.addi %mul3A_2, %add3A_1797 : i32
    %dma_start3A_1799 = arith.constant 0 : i32
    %dma_start3A_1800 = tpu.memref_slice %arg5[%add3A_1798, %dma_start3A_1799] : memref<32768x512xf32, #tpu.memory_space<hbm>> -> memref<80x512xf32, #tpu.memory_space<hbm>>
    %dma_start3A_1801 = arith.constant 0 : i32
    %dma_start3A_1802 = tpu.memref_slice %arg5[%add3A_1798, %dma_start3A_1801] : memref<32768x512xf32, #tpu.memory_space<hbm>> -> memref<80x512xf32, #tpu.memory_space<hbm>>
    tpu.enqueue_dma source(%arg10 : memref<80x512xf32, #tpu.memory_space<vmem>>) target(%dma_start3A_1802 : memref<80x512xf32, #tpu.memory_space<hbm>>) target_semaphore(%arg16 : memref<!tpu.dma_semaphore, #tpu.memory_space<semaphore_mem>>)
    %dma_wait3A_1803 = arith.constant 0 : i32
    %dma_wait3A_1804 = tpu.memref_slice %arg5[%add3A_1798, %dma_wait3A_1803] : memref<32768x512xf32, #tpu.memory_space<hbm>> -> memref<80x512xf32, #tpu.memory_space<hbm>>
    %dma_wait3A_1805 = arith.constant 0 : i32
    %dma_wait3A_1806 = tpu.memref_slice %arg5[%add3A_1798, %dma_wait3A_1805] : memref<32768x512xf32, #tpu.memory_space<hbm>> -> memref<80x512xf32, #tpu.memory_space<hbm>>
    tpu.wait_dma2 semaphore(%arg16 : memref<!tpu.dma_semaphore, #tpu.memory_space<semaphore_mem>>) src(%arg10 : memref<80x512xf32, #tpu.memory_space<vmem>>) dst(%dma_wait3A_1806 : memref<80x512xf32, #tpu.memory_space<hbm>>)
    %dma_start3A_1807 = arith.constant 880 : i32
    %dma_start3A_1808 = tpu.memref_slice %arg6[%dma_start3A_1807] : memref<1024xi32, #tpu.memory_space<vmem>> -> memref<80xi32, #tpu.memory_space<vmem>>
    %dma_start3A_1809 = arith.constant 0 : i32
    %dma_start3A_1810 = arith.constant 0 : i32
    %dma_start3A_1811 = tpu.memref_slice %arg4[%dma_start3A_1809, %dma_start3A_1810] : memref<272x512xf32, #tpu.memory_space<hbm>> -> memref<272x512xf32, #tpu.memory_space<hbm>>
    tpu.enqueue_indirect_dma source(%dma_start3A_1811 : memref<272x512xf32, #tpu.memory_space<hbm>>) target(%arg10 : memref<80x512xf32, #tpu.memory_space<vmem>>) offsets(%dma_start3A_1808 : memref<80xi32, #tpu.memory_space<vmem>>) semaphore(%arg13 : memref<!tpu.dma_semaphore, #tpu.memory_space<semaphore_mem>>)
    %dma_wait3A_1812 = arith.constant 720 : i32
    %dma_wait3A_1813 = tpu.memref_slice %arg6[%dma_wait3A_1812] : memref<1024xi32, #tpu.memory_space<vmem>> -> memref<80xi32, #tpu.memory_space<vmem>>
    %dma_wait3A_1814 = arith.constant 0 : i32
    %dma_wait3A_1815 = arith.constant 0 : i32
    %dma_wait3A_1816 = tpu.memref_slice %arg4[%dma_wait3A_1814, %dma_wait3A_1815] : memref<272x512xf32, #tpu.memory_space<hbm>> -> memref<272x512xf32, #tpu.memory_space<hbm>>
    tpu.wait_indirect_dma semaphore(%arg11 : memref<!tpu.dma_semaphore, #tpu.memory_space<semaphore_mem>>) src(%dma_wait3A_1816 : memref<272x512xf32, #tpu.memory_space<hbm>>) dst(%arg8 : memref<80x512xf32, #tpu.memory_space<vmem>>)
    %get3A_1817 = arith.constant 720 : index
    %get3A_1818 = tpu.vector_load %arg7[%get3A_1817] {strides = array<i32>} : memref<1024xi32, #tpu.memory_space<vmem>>, vector<16xi32>,
    %shift_right_arithmetic3A_1819 = arith.constant 12 : i32
    %shift_right_arithmetic3A_1820 = vector.broadcast %shift_right_arithmetic3A_1819 : i32 to vector<16xi32>
    %shift_right_arithmetic3A_1821 = arith.shrsi %get3A_1818, %shift_right_arithmetic3A_1820 : vector<16xi32>
    %gt3A_1822 = arith.constant 0 : i32
    %gt3A_1823 = vector.broadcast %gt3A_1822 : i32 to vector<16xi32>
    %gt3A_1824 = arith.cmpi sgt, %shift_right_arithmetic3A_1821, %gt3A_1823 : vector<16xi32>
    %iota3A_1825 = tpu.iota {dimensions = array<i32: 0>} : vector<16xi32>
    %add3A_1826 = arith.constant 0 : i32
    %add3A_1827 = vector.broadcast %add3A_1826 : i32 to vector<16xi32>
    %add3A_1828 = arith.addi %iota3A_1825, %add3A_1827 : vector<16xi32>
    %and3A_1829 = arith.constant 15 : i32
    %and3A_1830 = vector.broadcast %and3A_1829 : i32 to vector<16xi32>
    %and3A_1831 = arith.andi %get3A_1818, %and3A_1830 : vector<16xi32>
    %add3A_1832 = arith.constant 206 : i32
    %add3A_1833 = vector.broadcast %add3A_1832 : i32 to vector<16xi32>
    %add3A_1834 = arith.addi %add3A_1833, %and3A_1831 : vector<16xi32>
    tpu.vector_store_idx %arg8[%add3A_1828, %add3A_1834], %broadcast_in_dim3A_3 masked %gt3A_1824 : memref<80x512xf32, #tpu.memory_space<vmem>>[vector<16xi32>, vector<16xi32>], vector<16xf32>, vector<16xi1>
    %shift_right_arithmetic3A_1835 = arith.constant 4 : i32
    %shift_right_arithmetic3A_1836 = vector.broadcast %shift_right_arithmetic3A_1835 : i32 to vector<16xi32>
    %shift_right_arithmetic3A_1837 = arith.shrsi %get3A_1818, %shift_right_arithmetic3A_1836 : vector<16xi32>
    %and3A_1838 = arith.constant 15 : i32
    %and3A_1839 = vector.broadcast %and3A_1838 : i32 to vector<16xi32>
    %and3A_1840 = arith.andi %shift_right_arithmetic3A_1837, %and3A_1839 : vector<16xi32>
    %add3A_1841 = arith.constant 222 : i32
    %add3A_1842 = vector.broadcast %add3A_1841 : i32 to vector<16xi32>
    %add3A_1843 = arith.addi %add3A_1842, %and3A_1840 : vector<16xi32>
    tpu.vector_store_idx %arg8[%add3A_1828, %add3A_1843], %broadcast_in_dim3A_3 masked %gt3A_1824 : memref<80x512xf32, #tpu.memory_space<vmem>>[vector<16xi32>, vector<16xi32>], vector<16xf32>, vector<16xi1>
    %shift_right_arithmetic3A_1844 = arith.constant 8 : i32
    %shift_right_arithmetic3A_1845 = vector.broadcast %shift_right_arithmetic3A_1844 : i32 to vector<16xi32>
    %shift_right_arithmetic3A_1846 = arith.shrsi %get3A_1818, %shift_right_arithmetic3A_1845 : vector<16xi32>
    %and3A_1847 = arith.constant 15 : i32
    %and3A_1848 = vector.broadcast %and3A_1847 : i32 to vector<16xi32>
    %and3A_1849 = arith.andi %shift_right_arithmetic3A_1846, %and3A_1848 : vector<16xi32>
    %add3A_1850 = arith.constant 238 : i32
    %add3A_1851 = vector.broadcast %add3A_1850 : i32 to vector<16xi32>
    %add3A_1852 = arith.addi %add3A_1851, %and3A_1849 : vector<16xi32>
    tpu.vector_store_idx %arg8[%add3A_1828, %add3A_1852], %broadcast_in_dim3A_3 masked %gt3A_1824 : memref<80x512xf32, #tpu.memory_space<vmem>>[vector<16xi32>, vector<16xi32>], vector<16xf32>, vector<16xi1>
    %get3A_1853 = arith.constant 736 : index
    %get3A_1854 = tpu.vector_load %arg7[%get3A_1853] {strides = array<i32>} : memref<1024xi32, #tpu.memory_space<vmem>>, vector<16xi32>,
    %shift_right_arithmetic3A_1855 = arith.constant 12 : i32
    %shift_right_arithmetic3A_1856 = vector.broadcast %shift_right_arithmetic3A_1855 : i32 to vector<16xi32>
    %shift_right_arithmetic3A_1857 = arith.shrsi %get3A_1854, %shift_right_arithmetic3A_1856 : vector<16xi32>
    %gt3A_1858 = arith.constant 0 : i32
    %gt3A_1859 = vector.broadcast %gt3A_1858 : i32 to vector<16xi32>
    %gt3A_1860 = arith.cmpi sgt, %shift_right_arithmetic3A_1857, %gt3A_1859 : vector<16xi32>
    %iota3A_1861 = tpu.iota {dimensions = array<i32: 0>} : vector<16xi32>
    %add3A_1862 = arith.constant 16 : i32
    %add3A_1863 = vector.broadcast %add3A_1862 : i32 to vector<16xi32>
    %add3A_1864 = arith.addi %iota3A_1861, %add3A_1863 : vector<16xi32>
    %and3A_1865 = arith.constant 15 : i32
    %and3A_1866 = vector.broadcast %and3A_1865 : i32 to vector<16xi32>
    %and3A_1867 = arith.andi %get3A_1854, %and3A_1866 : vector<16xi32>
    %add3A_1868 = arith.constant 206 : i32
    %add3A_1869 = vector.broadcast %add3A_1868 : i32 to vector<16xi32>
    %add3A_1870 = arith.addi %add3A_1869, %and3A_1867 : vector<16xi32>
    tpu.vector_store_idx %arg8[%add3A_1864, %add3A_1870], %broadcast_in_dim3A_3 masked %gt3A_1860 : memref<80x512xf32, #tpu.memory_space<vmem>>[vector<16xi32>, vector<16xi32>], vector<16xf32>, vector<16xi1>
    %shift_right_arithmetic3A_1871 = arith.constant 4 : i32
    %shift_right_arithmetic3A_1872 = vector.broadcast %shift_right_arithmetic3A_1871 : i32 to vector<16xi32>
    %shift_right_arithmetic3A_1873 = arith.shrsi %get3A_1854, %shift_right_arithmetic3A_1872 : vector<16xi32>
    %and3A_1874 = arith.constant 15 : i32
    %and3A_1875 = vector.broadcast %and3A_1874 : i32 to vector<16xi32>
    %and3A_1876 = arith.andi %shift_right_arithmetic3A_1873, %and3A_1875 : vector<16xi32>
    %add3A_1877 = arith.constant 222 : i32
    %add3A_1878 = vector.broadcast %add3A_1877 : i32 to vector<16xi32>
    %add3A_1879 = arith.addi %add3A_1878, %and3A_1876 : vector<16xi32>
    tpu.vector_store_idx %arg8[%add3A_1864, %add3A_1879], %broadcast_in_dim3A_3 masked %gt3A_1860 : memref<80x512xf32, #tpu.memory_space<vmem>>[vector<16xi32>, vector<16xi32>], vector<16xf32>, vector<16xi1>
    %shift_right_arithmetic3A_1880 = arith.constant 8 : i32
    %shift_right_arithmetic3A_1881 = vector.broadcast %shift_right_arithmetic3A_1880 : i32 to vector<16xi32>
    %shift_right_arithmetic3A_1882 = arith.shrsi %get3A_1854, %shift_right_arithmetic3A_1881 : vector<16xi32>
    %and3A_1883 = arith.constant 15 : i32
    %and3A_1884 = vector.broadcast %and3A_1883 : i32 to vector<16xi32>
    %and3A_1885 = arith.andi %shift_right_arithmetic3A_1882, %and3A_1884 : vector<16xi32>
    %add3A_1886 = arith.constant 238 : i32
    %add3A_1887 = vector.broadcast %add3A_1886 : i32 to vector<16xi32>
    %add3A_1888 = arith.addi %add3A_1887, %and3A_1885 : vector<16xi32>
    tpu.vector_store_idx %arg8[%add3A_1864, %add3A_1888], %broadcast_in_dim3A_3 masked %gt3A_1860 : memref<80x512xf32, #tpu.memory_space<vmem>>[vector<16xi32>, vector<16xi32>], vector<16xf32>, vector<16xi1>
    %get3A_1889 = arith.constant 752 : index
    %get3A_1890 = tpu.vector_load %arg7[%get3A_1889] {strides = array<i32>} : memref<1024xi32, #tpu.memory_space<vmem>>, vector<16xi32>,
    %shift_right_arithmetic3A_1891 = arith.constant 12 : i32
    %shift_right_arithmetic3A_1892 = vector.broadcast %shift_right_arithmetic3A_1891 : i32 to vector<16xi32>
    %shift_right_arithmetic3A_1893 = arith.shrsi %get3A_1890, %shift_right_arithmetic3A_1892 : vector<16xi32>
    %gt3A_1894 = arith.constant 0 : i32
    %gt3A_1895 = vector.broadcast %gt3A_1894 : i32 to vector<16xi32>
    %gt3A_1896 = arith.cmpi sgt, %shift_right_arithmetic3A_1893, %gt3A_1895 : vector<16xi32>
    %iota3A_1897 = tpu.iota {dimensions = array<i32: 0>} : vector<16xi32>
    %add3A_1898 = arith.constant 32 : i32
    %add3A_1899 = vector.broadcast %add3A_1898 : i32 to vector<16xi32>
    %add3A_1900 = arith.addi %iota3A_1897, %add3A_1899 : vector<16xi32>
    %and3A_1901 = arith.constant 15 : i32
    %and3A_1902 = vector.broadcast %and3A_1901 : i32 to vector<16xi32>
    %and3A_1903 = arith.andi %get3A_1890, %and3A_1902 : vector<16xi32>
    %add3A_1904 = arith.constant 206 : i32
    %add3A_1905 = vector.broadcast %add3A_1904 : i32 to vector<16xi32>
    %add3A_1906 = arith.addi %add3A_1905, %and3A_1903 : vector<16xi32>
    tpu.vector_store_idx %arg8[%add3A_1900, %add3A_1906], %broadcast_in_dim3A_3 masked %gt3A_1896 : memref<80x512xf32, #tpu.memory_space<vmem>>[vector<16xi32>, vector<16xi32>], vector<16xf32>, vector<16xi1>
    %shift_right_arithmetic3A_1907 = arith.constant 4 : i32
    %shift_right_arithmetic3A_1908 = vector.broadcast %shift_right_arithmetic3A_1907 : i32 to vector<16xi32>
    %shift_right_arithmetic3A_1909 = arith.shrsi %get3A_1890, %shift_right_arithmetic3A_1908 : vector<16xi32>
    %and3A_1910 = arith.constant 15 : i32
    %and3A_1911 = vector.broadcast %and3A_1910 : i32 to vector<16xi32>
    %and3A_1912 = arith.andi %shift_right_arithmetic3A_1909, %and3A_1911 : vector<16xi32>
    %add3A_1913 = arith.constant 222 : i32
    %add3A_1914 = vector.broadcast %add3A_1913 : i32 to vector<16xi32>
    %add3A_1915 = arith.addi %add3A_1914, %and3A_1912 : vector<16xi32>
    tpu.vector_store_idx %arg8[%add3A_1900, %add3A_1915], %broadcast_in_dim3A_3 masked %gt3A_1896 : memref<80x512xf32, #tpu.memory_space<vmem>>[vector<16xi32>, vector<16xi32>], vector<16xf32>, vector<16xi1>
    %shift_right_arithmetic3A_1916 = arith.constant 8 : i32
    %shift_right_arithmetic3A_1917 = vector.broadcast %shift_right_arithmetic3A_1916 : i32 to vector<16xi32>
    %shift_right_arithmetic3A_1918 = arith.shrsi %get3A_1890, %shift_right_arithmetic3A_1917 : vector<16xi32>
    %and3A_1919 = arith.constant 15 : i32
    %and3A_1920 = vector.broadcast %and3A_1919 : i32 to vector<16xi32>
    %and3A_1921 = arith.andi %shift_right_arithmetic3A_1918, %and3A_1920 : vector<16xi32>
    %add3A_1922 = arith.constant 238 : i32
    %add3A_1923 = vector.broadcast %add3A_1922 : i32 to vector<16xi32>
    %add3A_1924 = arith.addi %add3A_1923, %and3A_1921 : vector<16xi32>
    tpu.vector_store_idx %arg8[%add3A_1900, %add3A_1924], %broadcast_in_dim3A_3 masked %gt3A_1896 : memref<80x512xf32, #tpu.memory_space<vmem>>[vector<16xi32>, vector<16xi32>], vector<16xf32>, vector<16xi1>
    %get3A_1925 = arith.constant 768 : index
    %get3A_1926 = tpu.vector_load %arg7[%get3A_1925] {strides = array<i32>} : memref<1024xi32, #tpu.memory_space<vmem>>, vector<16xi32>,
    %shift_right_arithmetic3A_1927 = arith.constant 12 : i32
    %shift_right_arithmetic3A_1928 = vector.broadcast %shift_right_arithmetic3A_1927 : i32 to vector<16xi32>
    %shift_right_arithmetic3A_1929 = arith.shrsi %get3A_1926, %shift_right_arithmetic3A_1928 : vector<16xi32>
    %gt3A_1930 = arith.constant 0 : i32
    %gt3A_1931 = vector.broadcast %gt3A_1930 : i32 to vector<16xi32>
    %gt3A_1932 = arith.cmpi sgt, %shift_right_arithmetic3A_1929, %gt3A_1931 : vector<16xi32>
    %iota3A_1933 = tpu.iota {dimensions = array<i32: 0>} : vector<16xi32>
    %add3A_1934 = arith.constant 48 : i32
    %add3A_1935 = vector.broadcast %add3A_1934 : i32 to vector<16xi32>
    %add3A_1936 = arith.addi %iota3A_1933, %add3A_1935 : vector<16xi32>
    %and3A_1937 = arith.constant 15 : i32
    %and3A_1938 = vector.broadcast %and3A_1937 : i32 to vector<16xi32>
    %and3A_1939 = arith.andi %get3A_1926, %and3A_1938 : vector<16xi32>
    %add3A_1940 = arith.constant 206 : i32
    %add3A_1941 = vector.broadcast %add3A_1940 : i32 to vector<16xi32>
    %add3A_1942 = arith.addi %add3A_1941, %and3A_1939 : vector<16xi32>
    tpu.vector_store_idx %arg8[%add3A_1936, %add3A_1942], %broadcast_in_dim3A_3 masked %gt3A_1932 : memref<80x512xf32, #tpu.memory_space<vmem>>[vector<16xi32>, vector<16xi32>], vector<16xf32>, vector<16xi1>
    %shift_right_arithmetic3A_1943 = arith.constant 4 : i32
    %shift_right_arithmetic3A_1944 = vector.broadcast %shift_right_arithmetic3A_1943 : i32 to vector<16xi32>
    %shift_right_arithmetic3A_1945 = arith.shrsi %get3A_1926, %shift_right_arithmetic3A_1944 : vector<16xi32>
    %and3A_1946 = arith.constant 15 : i32
    %and3A_1947 = vector.broadcast %and3A_1946 : i32 to vector<16xi32>
    %and3A_1948 = arith.andi %shift_right_arithmetic3A_1945, %and3A_1947 : vector<16xi32>
    %add3A_1949 = arith.constant 222 : i32
    %add3A_1950 = vector.broadcast %add3A_1949 : i32 to vector<16xi32>
    %add3A_1951 = arith.addi %add3A_1950, %and3A_1948 : vector<16xi32>
    tpu.vector_store_idx %arg8[%add3A_1936, %add3A_1951], %broadcast_in_dim3A_3 masked %gt3A_1932 : memref<80x512xf32, #tpu.memory_space<vmem>>[vector<16xi32>, vector<16xi32>], vector<16xf32>, vector<16xi1>
    %shift_right_arithmetic3A_1952 = arith.constant 8 : i32
    %shift_right_arithmetic3A_1953 = vector.broadcast %shift_right_arithmetic3A_1952 : i32 to vector<16xi32>
    %shift_right_arithmetic3A_1954 = arith.shrsi %get3A_1926, %shift_right_arithmetic3A_1953 : vector<16xi32>
    %and3A_1955 = arith.constant 15 : i32
    %and3A_1956 = vector.broadcast %and3A_1955 : i32 to vector<16xi32>
    %and3A_1957 = arith.andi %shift_right_arithmetic3A_1954, %and3A_1956 : vector<16xi32>
    %add3A_1958 = arith.constant 238 : i32
    %add3A_1959 = vector.broadcast %add3A_1958 : i32 to vector<16xi32>
    %add3A_1960 = arith.addi %add3A_1959, %and3A_1957 : vector<16xi32>
    tpu.vector_store_idx %arg8[%add3A_1936, %add3A_1960], %broadcast_in_dim3A_3 masked %gt3A_1932 : memref<80x512xf32, #tpu.memory_space<vmem>>[vector<16xi32>, vector<16xi32>], vector<16xf32>, vector<16xi1>
    %get3A_1961 = arith.constant 784 : index
    %get3A_1962 = tpu.vector_load %arg7[%get3A_1961] {strides = array<i32>} : memref<1024xi32, #tpu.memory_space<vmem>>, vector<16xi32>,
    %shift_right_arithmetic3A_1963 = arith.constant 12 : i32
    %shift_right_arithmetic3A_1964 = vector.broadcast %shift_right_arithmetic3A_1963 : i32 to vector<16xi32>
    %shift_right_arithmetic3A_1965 = arith.shrsi %get3A_1962, %shift_right_arithmetic3A_1964 : vector<16xi32>
    %gt3A_1966 = arith.constant 0 : i32
    %gt3A_1967 = vector.broadcast %gt3A_1966 : i32 to vector<16xi32>
    %gt3A_1968 = arith.cmpi sgt, %shift_right_arithmetic3A_1965, %gt3A_1967 : vector<16xi32>
    %iota3A_1969 = tpu.iota {dimensions = array<i32: 0>} : vector<16xi32>
    %add3A_1970 = arith.constant 64 : i32
    %add3A_1971 = vector.broadcast %add3A_1970 : i32 to vector<16xi32>
    %add3A_1972 = arith.addi %iota3A_1969, %add3A_1971 : vector<16xi32>
    %and3A_1973 = arith.constant 15 : i32
    %and3A_1974 = vector.broadcast %and3A_1973 : i32 to vector<16xi32>
    %and3A_1975 = arith.andi %get3A_1962, %and3A_1974 : vector<16xi32>
    %add3A_1976 = arith.constant 206 : i32
    %add3A_1977 = vector.broadcast %add3A_1976 : i32 to vector<16xi32>
    %add3A_1978 = arith.addi %add3A_1977, %and3A_1975 : vector<16xi32>
    tpu.vector_store_idx %arg8[%add3A_1972, %add3A_1978], %broadcast_in_dim3A_3 masked %gt3A_1968 : memref<80x512xf32, #tpu.memory_space<vmem>>[vector<16xi32>, vector<16xi32>], vector<16xf32>, vector<16xi1>
    %shift_right_arithmetic3A_1979 = arith.constant 4 : i32
    %shift_right_arithmetic3A_1980 = vector.broadcast %shift_right_arithmetic3A_1979 : i32 to vector<16xi32>
    %shift_right_arithmetic3A_1981 = arith.shrsi %get3A_1962, %shift_right_arithmetic3A_1980 : vector<16xi32>
    %and3A_1982 = arith.constant 15 : i32
    %and3A_1983 = vector.broadcast %and3A_1982 : i32 to vector<16xi32>
    %and3A_1984 = arith.andi %shift_right_arithmetic3A_1981, %and3A_1983 : vector<16xi32>
    %add3A_1985 = arith.constant 222 : i32
    %add3A_1986 = vector.broadcast %add3A_1985 : i32 to vector<16xi32>
    %add3A_1987 = arith.addi %add3A_1986, %and3A_1984 : vector<16xi32>
    tpu.vector_store_idx %arg8[%add3A_1972, %add3A_1987], %broadcast_in_dim3A_3 masked %gt3A_1968 : memref<80x512xf32, #tpu.memory_space<vmem>>[vector<16xi32>, vector<16xi32>], vector<16xf32>, vector<16xi1>
    %shift_right_arithmetic3A_1988 = arith.constant 8 : i32
    %shift_right_arithmetic3A_1989 = vector.broadcast %shift_right_arithmetic3A_1988 : i32 to vector<16xi32>
    %shift_right_arithmetic3A_1990 = arith.shrsi %get3A_1962, %shift_right_arithmetic3A_1989 : vector<16xi32>
    %and3A_1991 = arith.constant 15 : i32
    %and3A_1992 = vector.broadcast %and3A_1991 : i32 to vector<16xi32>
    %and3A_1993 = arith.andi %shift_right_arithmetic3A_1990, %and3A_1992 : vector<16xi32>
    %add3A_1994 = arith.constant 238 : i32
    %add3A_1995 = vector.broadcast %add3A_1994 : i32 to vector<16xi32>
    %add3A_1996 = arith.addi %add3A_1995, %and3A_1993 : vector<16xi32>
    tpu.vector_store_idx %arg8[%add3A_1972, %add3A_1996], %broadcast_in_dim3A_3 masked %gt3A_1968 : memref<80x512xf32, #tpu.memory_space<vmem>>[vector<16xi32>, vector<16xi32>], vector<16xf32>, vector<16xi1>
    %add3A_1997 = arith.constant 720 : i32
    %add3A_1998 = arith.addi %mul3A_2, %add3A_1997 : i32
    %dma_start3A_1999 = arith.constant 0 : i32
    %dma_start3A_2000 = tpu.memref_slice %arg5[%add3A_1998, %dma_start3A_1999] : memref<32768x512xf32, #tpu.memory_space<hbm>> -> memref<80x512xf32, #tpu.memory_space<hbm>>
    %dma_start3A_2001 = arith.constant 0 : i32
    %dma_start3A_2002 = tpu.memref_slice %arg5[%add3A_1998, %dma_start3A_2001] : memref<32768x512xf32, #tpu.memory_space<hbm>> -> memref<80x512xf32, #tpu.memory_space<hbm>>
    tpu.enqueue_dma source(%arg8 : memref<80x512xf32, #tpu.memory_space<vmem>>) target(%dma_start3A_2002 : memref<80x512xf32, #tpu.memory_space<hbm>>) target_semaphore(%arg14 : memref<!tpu.dma_semaphore, #tpu.memory_space<semaphore_mem>>)
    %dma_wait3A_2003 = arith.constant 0 : i32
    %dma_wait3A_2004 = tpu.memref_slice %arg5[%add3A_1998, %dma_wait3A_2003] : memref<32768x512xf32, #tpu.memory_space<hbm>> -> memref<80x512xf32, #tpu.memory_space<hbm>>
    %dma_wait3A_2005 = arith.constant 0 : i32
    %dma_wait3A_2006 = tpu.memref_slice %arg5[%add3A_1998, %dma_wait3A_2005] : memref<32768x512xf32, #tpu.memory_space<hbm>> -> memref<80x512xf32, #tpu.memory_space<hbm>>
    tpu.wait_dma2 semaphore(%arg14 : memref<!tpu.dma_semaphore, #tpu.memory_space<semaphore_mem>>) src(%arg8 : memref<80x512xf32, #tpu.memory_space<vmem>>) dst(%dma_wait3A_2006 : memref<80x512xf32, #tpu.memory_space<hbm>>)
    %dma_start3A_2007 = arith.constant 0 : i32
    %dma_start3A_2008 = arith.constant 0 : i32
    %dma_start3A_2009 = tpu.memref_slice %arg8[%dma_start3A_2007, %dma_start3A_2008] : memref<80x512xf32, #tpu.memory_space<vmem>> -> memref<64x512xf32, #tpu.memory_space<vmem>>
    %dma_start3A_2010 = arith.constant 960 : i32
    %dma_start3A_2011 = tpu.memref_slice %arg6[%dma_start3A_2010] : memref<1024xi32, #tpu.memory_space<vmem>> -> memref<64xi32, #tpu.memory_space<vmem>>
    %dma_start3A_2012 = arith.constant 0 : i32
    %dma_start3A_2013 = arith.constant 0 : i32
    %dma_start3A_2014 = tpu.memref_slice %arg4[%dma_start3A_2012, %dma_start3A_2013] : memref<272x512xf32, #tpu.memory_space<hbm>> -> memref<272x512xf32, #tpu.memory_space<hbm>>
    tpu.enqueue_indirect_dma source(%dma_start3A_2014 : memref<272x512xf32, #tpu.memory_space<hbm>>) target(%dma_start3A_2009 : memref<64x512xf32, #tpu.memory_space<vmem>>) offsets(%dma_start3A_2011 : memref<64xi32, #tpu.memory_space<vmem>>) semaphore(%arg11 : memref<!tpu.dma_semaphore, #tpu.memory_space<semaphore_mem>>)
    %dma_wait3A_2015 = arith.constant 800 : i32
    %dma_wait3A_2016 = tpu.memref_slice %arg6[%dma_wait3A_2015] : memref<1024xi32, #tpu.memory_space<vmem>> -> memref<80xi32, #tpu.memory_space<vmem>>
    %dma_wait3A_2017 = arith.constant 0 : i32
    %dma_wait3A_2018 = arith.constant 0 : i32
    %dma_wait3A_2019 = tpu.memref_slice %arg4[%dma_wait3A_2017, %dma_wait3A_2018] : memref<272x512xf32, #tpu.memory_space<hbm>> -> memref<272x512xf32, #tpu.memory_space<hbm>>
    tpu.wait_indirect_dma semaphore(%arg12 : memref<!tpu.dma_semaphore, #tpu.memory_space<semaphore_mem>>) src(%dma_wait3A_2019 : memref<272x512xf32, #tpu.memory_space<hbm>>) dst(%arg9 : memref<80x512xf32, #tpu.memory_space<vmem>>)
    %get3A_2020 = arith.constant 800 : index
    %get3A_2021 = tpu.vector_load %arg7[%get3A_2020] {strides = array<i32>} : memref<1024xi32, #tpu.memory_space<vmem>>, vector<16xi32>,
    %shift_right_arithmetic3A_2022 = arith.constant 12 : i32
    %shift_right_arithmetic3A_2023 = vector.broadcast %shift_right_arithmetic3A_2022 : i32 to vector<16xi32>
    %shift_right_arithmetic3A_2024 = arith.shrsi %get3A_2021, %shift_right_arithmetic3A_2023 : vector<16xi32>
    %gt3A_2025 = arith.constant 0 : i32
    %gt3A_2026 = vector.broadcast %gt3A_2025 : i32 to vector<16xi32>
    %gt3A_2027 = arith.cmpi sgt, %shift_right_arithmetic3A_2024, %gt3A_2026 : vector<16xi32>
    %iota3A_2028 = tpu.iota {dimensions = array<i32: 0>} : vector<16xi32>
    %add3A_2029 = arith.constant 0 : i32
    %add3A_2030 = vector.broadcast %add3A_2029 : i32 to vector<16xi32>
    %add3A_2031 = arith.addi %iota3A_2028, %add3A_2030 : vector<16xi32>
    %and3A_2032 = arith.constant 15 : i32
    %and3A_2033 = vector.broadcast %and3A_2032 : i32 to vector<16xi32>
    %and3A_2034 = arith.andi %get3A_2021, %and3A_2033 : vector<16xi32>
    %add3A_2035 = arith.constant 206 : i32
    %add3A_2036 = vector.broadcast %add3A_2035 : i32 to vector<16xi32>
    %add3A_2037 = arith.addi %add3A_2036, %and3A_2034 : vector<16xi32>
    tpu.vector_store_idx %arg9[%add3A_2031, %add3A_2037], %broadcast_in_dim3A_3 masked %gt3A_2027 : memref<80x512xf32, #tpu.memory_space<vmem>>[vector<16xi32>, vector<16xi32>], vector<16xf32>, vector<16xi1>
    %shift_right_arithmetic3A_2038 = arith.constant 4 : i32
    %shift_right_arithmetic3A_2039 = vector.broadcast %shift_right_arithmetic3A_2038 : i32 to vector<16xi32>
    %shift_right_arithmetic3A_2040 = arith.shrsi %get3A_2021, %shift_right_arithmetic3A_2039 : vector<16xi32>
    %and3A_2041 = arith.constant 15 : i32
    %and3A_2042 = vector.broadcast %and3A_2041 : i32 to vector<16xi32>
    %and3A_2043 = arith.andi %shift_right_arithmetic3A_2040, %and3A_2042 : vector<16xi32>
    %add3A_2044 = arith.constant 222 : i32
    %add3A_2045 = vector.broadcast %add3A_2044 : i32 to vector<16xi32>
    %add3A_2046 = arith.addi %add3A_2045, %and3A_2043 : vector<16xi32>
    tpu.vector_store_idx %arg9[%add3A_2031, %add3A_2046], %broadcast_in_dim3A_3 masked %gt3A_2027 : memref<80x512xf32, #tpu.memory_space<vmem>>[vector<16xi32>, vector<16xi32>], vector<16xf32>, vector<16xi1>
    %shift_right_arithmetic3A_2047 = arith.constant 8 : i32
    %shift_right_arithmetic3A_2048 = vector.broadcast %shift_right_arithmetic3A_2047 : i32 to vector<16xi32>
    %shift_right_arithmetic3A_2049 = arith.shrsi %get3A_2021, %shift_right_arithmetic3A_2048 : vector<16xi32>
    %and3A_2050 = arith.constant 15 : i32
    %and3A_2051 = vector.broadcast %and3A_2050 : i32 to vector<16xi32>
    %and3A_2052 = arith.andi %shift_right_arithmetic3A_2049, %and3A_2051 : vector<16xi32>
    %add3A_2053 = arith.constant 238 : i32
    %add3A_2054 = vector.broadcast %add3A_2053 : i32 to vector<16xi32>
    %add3A_2055 = arith.addi %add3A_2054, %and3A_2052 : vector<16xi32>
    tpu.vector_store_idx %arg9[%add3A_2031, %add3A_2055], %broadcast_in_dim3A_3 masked %gt3A_2027 : memref<80x512xf32, #tpu.memory_space<vmem>>[vector<16xi32>, vector<16xi32>], vector<16xf32>, vector<16xi1>
    %get3A_2056 = arith.constant 816 : index
    %get3A_2057 = tpu.vector_load %arg7[%get3A_2056] {strides = array<i32>} : memref<1024xi32, #tpu.memory_space<vmem>>, vector<16xi32>,
    %shift_right_arithmetic3A_2058 = arith.constant 12 : i32
    %shift_right_arithmetic3A_2059 = vector.broadcast %shift_right_arithmetic3A_2058 : i32 to vector<16xi32>
    %shift_right_arithmetic3A_2060 = arith.shrsi %get3A_2057, %shift_right_arithmetic3A_2059 : vector<16xi32>
    %gt3A_2061 = arith.constant 0 : i32
    %gt3A_2062 = vector.broadcast %gt3A_2061 : i32 to vector<16xi32>
    %gt3A_2063 = arith.cmpi sgt, %shift_right_arithmetic3A_2060, %gt3A_2062 : vector<16xi32>
    %iota3A_2064 = tpu.iota {dimensions = array<i32: 0>} : vector<16xi32>
    %add3A_2065 = arith.constant 16 : i32
    %add3A_2066 = vector.broadcast %add3A_2065 : i32 to vector<16xi32>
    %add3A_2067 = arith.addi %iota3A_2064, %add3A_2066 : vector<16xi32>
    %and3A_2068 = arith.constant 15 : i32
    %and3A_2069 = vector.broadcast %and3A_2068 : i32 to vector<16xi32>
    %and3A_2070 = arith.andi %get3A_2057, %and3A_2069 : vector<16xi32>
    %add3A_2071 = arith.constant 206 : i32
    %add3A_2072 = vector.broadcast %add3A_2071 : i32 to vector<16xi32>
    %add3A_2073 = arith.addi %add3A_2072, %and3A_2070 : vector<16xi32>
    tpu.vector_store_idx %arg9[%add3A_2067, %add3A_2073], %broadcast_in_dim3A_3 masked %gt3A_2063 : memref<80x512xf32, #tpu.memory_space<vmem>>[vector<16xi32>, vector<16xi32>], vector<16xf32>, vector<16xi1>
    %shift_right_arithmetic3A_2074 = arith.constant 4 : i32
    %shift_right_arithmetic3A_2075 = vector.broadcast %shift_right_arithmetic3A_2074 : i32 to vector<16xi32>
    %shift_right_arithmetic3A_2076 = arith.shrsi %get3A_2057, %shift_right_arithmetic3A_2075 : vector<16xi32>
    %and3A_2077 = arith.constant 15 : i32
    %and3A_2078 = vector.broadcast %and3A_2077 : i32 to vector<16xi32>
    %and3A_2079 = arith.andi %shift_right_arithmetic3A_2076, %and3A_2078 : vector<16xi32>
    %add3A_2080 = arith.constant 222 : i32
    %add3A_2081 = vector.broadcast %add3A_2080 : i32 to vector<16xi32>
    %add3A_2082 = arith.addi %add3A_2081, %and3A_2079 : vector<16xi32>
    tpu.vector_store_idx %arg9[%add3A_2067, %add3A_2082], %broadcast_in_dim3A_3 masked %gt3A_2063 : memref<80x512xf32, #tpu.memory_space<vmem>>[vector<16xi32>, vector<16xi32>], vector<16xf32>, vector<16xi1>
    %shift_right_arithmetic3A_2083 = arith.constant 8 : i32
    %shift_right_arithmetic3A_2084 = vector.broadcast %shift_right_arithmetic3A_2083 : i32 to vector<16xi32>
    %shift_right_arithmetic3A_2085 = arith.shrsi %get3A_2057, %shift_right_arithmetic3A_2084 : vector<16xi32>
    %and3A_2086 = arith.constant 15 : i32
    %and3A_2087 = vector.broadcast %and3A_2086 : i32 to vector<16xi32>
    %and3A_2088 = arith.andi %shift_right_arithmetic3A_2085, %and3A_2087 : vector<16xi32>
    %add3A_2089 = arith.constant 238 : i32
    %add3A_2090 = vector.broadcast %add3A_2089 : i32 to vector<16xi32>
    %add3A_2091 = arith.addi %add3A_2090, %and3A_2088 : vector<16xi32>
    tpu.vector_store_idx %arg9[%add3A_2067, %add3A_2091], %broadcast_in_dim3A_3 masked %gt3A_2063 : memref<80x512xf32, #tpu.memory_space<vmem>>[vector<16xi32>, vector<16xi32>], vector<16xf32>, vector<16xi1>
    %get3A_2092 = arith.constant 832 : index
    %get3A_2093 = tpu.vector_load %arg7[%get3A_2092] {strides = array<i32>} : memref<1024xi32, #tpu.memory_space<vmem>>, vector<16xi32>,
    %shift_right_arithmetic3A_2094 = arith.constant 12 : i32
    %shift_right_arithmetic3A_2095 = vector.broadcast %shift_right_arithmetic3A_2094 : i32 to vector<16xi32>
    %shift_right_arithmetic3A_2096 = arith.shrsi %get3A_2093, %shift_right_arithmetic3A_2095 : vector<16xi32>
    %gt3A_2097 = arith.constant 0 : i32
    %gt3A_2098 = vector.broadcast %gt3A_2097 : i32 to vector<16xi32>
    %gt3A_2099 = arith.cmpi sgt, %shift_right_arithmetic3A_2096, %gt3A_2098 : vector<16xi32>
    %iota3A_2100 = tpu.iota {dimensions = array<i32: 0>} : vector<16xi32>
    %add3A_2101 = arith.constant 32 : i32
    %add3A_2102 = vector.broadcast %add3A_2101 : i32 to vector<16xi32>
    %add3A_2103 = arith.addi %iota3A_2100, %add3A_2102 : vector<16xi32>
    %and3A_2104 = arith.constant 15 : i32
    %and3A_2105 = vector.broadcast %and3A_2104 : i32 to vector<16xi32>
    %and3A_2106 = arith.andi %get3A_2093, %and3A_2105 : vector<16xi32>
    %add3A_2107 = arith.constant 206 : i32
    %add3A_2108 = vector.broadcast %add3A_2107 : i32 to vector<16xi32>
    %add3A_2109 = arith.addi %add3A_2108, %and3A_2106 : vector<16xi32>
    tpu.vector_store_idx %arg9[%add3A_2103, %add3A_2109], %broadcast_in_dim3A_3 masked %gt3A_2099 : memref<80x512xf32, #tpu.memory_space<vmem>>[vector<16xi32>, vector<16xi32>], vector<16xf32>, vector<16xi1>
    %shift_right_arithmetic3A_2110 = arith.constant 4 : i32
    %shift_right_arithmetic3A_2111 = vector.broadcast %shift_right_arithmetic3A_2110 : i32 to vector<16xi32>
    %shift_right_arithmetic3A_2112 = arith.shrsi %get3A_2093, %shift_right_arithmetic3A_2111 : vector<16xi32>
    %and3A_2113 = arith.constant 15 : i32
    %and3A_2114 = vector.broadcast %and3A_2113 : i32 to vector<16xi32>
    %and3A_2115 = arith.andi %shift_right_arithmetic3A_2112, %and3A_2114 : vector<16xi32>
    %add3A_2116 = arith.constant 222 : i32
    %add3A_2117 = vector.broadcast %add3A_2116 : i32 to vector<16xi32>
    %add3A_2118 = arith.addi %add3A_2117, %and3A_2115 : vector<16xi32>
    tpu.vector_store_idx %arg9[%add3A_2103, %add3A_2118], %broadcast_in_dim3A_3 masked %gt3A_2099 : memref<80x512xf32, #tpu.memory_space<vmem>>[vector<16xi32>, vector<16xi32>], vector<16xf32>, vector<16xi1>
    %shift_right_arithmetic3A_2119 = arith.constant 8 : i32
    %shift_right_arithmetic3A_2120 = vector.broadcast %shift_right_arithmetic3A_2119 : i32 to vector<16xi32>
    %shift_right_arithmetic3A_2121 = arith.shrsi %get3A_2093, %shift_right_arithmetic3A_2120 : vector<16xi32>
    %and3A_2122 = arith.constant 15 : i32
    %and3A_2123 = vector.broadcast %and3A_2122 : i32 to vector<16xi32>
    %and3A_2124 = arith.andi %shift_right_arithmetic3A_2121, %and3A_2123 : vector<16xi32>
    %add3A_2125 = arith.constant 238 : i32
    %add3A_2126 = vector.broadcast %add3A_2125 : i32 to vector<16xi32>
    %add3A_2127 = arith.addi %add3A_2126, %and3A_2124 : vector<16xi32>
    tpu.vector_store_idx %arg9[%add3A_2103, %add3A_2127], %broadcast_in_dim3A_3 masked %gt3A_2099 : memref<80x512xf32, #tpu.memory_space<vmem>>[vector<16xi32>, vector<16xi32>], vector<16xf32>, vector<16xi1>
    %get3A_2128 = arith.constant 848 : index
    %get3A_2129 = tpu.vector_load %arg7[%get3A_2128] {strides = array<i32>} : memref<1024xi32, #tpu.memory_space<vmem>>, vector<16xi32>,
    %shift_right_arithmetic3A_2130 = arith.constant 12 : i32
    %shift_right_arithmetic3A_2131 = vector.broadcast %shift_right_arithmetic3A_2130 : i32 to vector<16xi32>
    %shift_right_arithmetic3A_2132 = arith.shrsi %get3A_2129, %shift_right_arithmetic3A_2131 : vector<16xi32>
    %gt3A_2133 = arith.constant 0 : i32
    %gt3A_2134 = vector.broadcast %gt3A_2133 : i32 to vector<16xi32>
    %gt3A_2135 = arith.cmpi sgt, %shift_right_arithmetic3A_2132, %gt3A_2134 : vector<16xi32>
    %iota3A_2136 = tpu.iota {dimensions = array<i32: 0>} : vector<16xi32>
    %add3A_2137 = arith.constant 48 : i32
    %add3A_2138 = vector.broadcast %add3A_2137 : i32 to vector<16xi32>
    %add3A_2139 = arith.addi %iota3A_2136, %add3A_2138 : vector<16xi32>
    %and3A_2140 = arith.constant 15 : i32
    %and3A_2141 = vector.broadcast %and3A_2140 : i32 to vector<16xi32>
    %and3A_2142 = arith.andi %get3A_2129, %and3A_2141 : vector<16xi32>
    %add3A_2143 = arith.constant 206 : i32
    %add3A_2144 = vector.broadcast %add3A_2143 : i32 to vector<16xi32>
    %add3A_2145 = arith.addi %add3A_2144, %and3A_2142 : vector<16xi32>
    tpu.vector_store_idx %arg9[%add3A_2139, %add3A_2145], %broadcast_in_dim3A_3 masked %gt3A_2135 : memref<80x512xf32, #tpu.memory_space<vmem>>[vector<16xi32>, vector<16xi32>], vector<16xf32>, vector<16xi1>
    %shift_right_arithmetic3A_2146 = arith.constant 4 : i32
    %shift_right_arithmetic3A_2147 = vector.broadcast %shift_right_arithmetic3A_2146 : i32 to vector<16xi32>
    %shift_right_arithmetic3A_2148 = arith.shrsi %get3A_2129, %shift_right_arithmetic3A_2147 : vector<16xi32>
    %and3A_2149 = arith.constant 15 : i32
    %and3A_2150 = vector.broadcast %and3A_2149 : i32 to vector<16xi32>
    %and3A_2151 = arith.andi %shift_right_arithmetic3A_2148, %and3A_2150 : vector<16xi32>
    %add3A_2152 = arith.constant 222 : i32
    %add3A_2153 = vector.broadcast %add3A_2152 : i32 to vector<16xi32>
    %add3A_2154 = arith.addi %add3A_2153, %and3A_2151 : vector<16xi32>
    tpu.vector_store_idx %arg9[%add3A_2139, %add3A_2154], %broadcast_in_dim3A_3 masked %gt3A_2135 : memref<80x512xf32, #tpu.memory_space<vmem>>[vector<16xi32>, vector<16xi32>], vector<16xf32>, vector<16xi1>
    %shift_right_arithmetic3A_2155 = arith.constant 8 : i32
    %shift_right_arithmetic3A_2156 = vector.broadcast %shift_right_arithmetic3A_2155 : i32 to vector<16xi32>
    %shift_right_arithmetic3A_2157 = arith.shrsi %get3A_2129, %shift_right_arithmetic3A_2156 : vector<16xi32>
    %and3A_2158 = arith.constant 15 : i32
    %and3A_2159 = vector.broadcast %and3A_2158 : i32 to vector<16xi32>
    %and3A_2160 = arith.andi %shift_right_arithmetic3A_2157, %and3A_2159 : vector<16xi32>
    %add3A_2161 = arith.constant 238 : i32
    %add3A_2162 = vector.broadcast %add3A_2161 : i32 to vector<16xi32>
    %add3A_2163 = arith.addi %add3A_2162, %and3A_2160 : vector<16xi32>
    tpu.vector_store_idx %arg9[%add3A_2139, %add3A_2163], %broadcast_in_dim3A_3 masked %gt3A_2135 : memref<80x512xf32, #tpu.memory_space<vmem>>[vector<16xi32>, vector<16xi32>], vector<16xf32>, vector<16xi1>
    %get3A_2164 = arith.constant 864 : index
    %get3A_2165 = tpu.vector_load %arg7[%get3A_2164] {strides = array<i32>} : memref<1024xi32, #tpu.memory_space<vmem>>, vector<16xi32>,
    %shift_right_arithmetic3A_2166 = arith.constant 12 : i32
    %shift_right_arithmetic3A_2167 = vector.broadcast %shift_right_arithmetic3A_2166 : i32 to vector<16xi32>
    %shift_right_arithmetic3A_2168 = arith.shrsi %get3A_2165, %shift_right_arithmetic3A_2167 : vector<16xi32>
    %gt3A_2169 = arith.constant 0 : i32
    %gt3A_2170 = vector.broadcast %gt3A_2169 : i32 to vector<16xi32>
    %gt3A_2171 = arith.cmpi sgt, %shift_right_arithmetic3A_2168, %gt3A_2170 : vector<16xi32>
    %iota3A_2172 = tpu.iota {dimensions = array<i32: 0>} : vector<16xi32>
    %add3A_2173 = arith.constant 64 : i32
    %add3A_2174 = vector.broadcast %add3A_2173 : i32 to vector<16xi32>
    %add3A_2175 = arith.addi %iota3A_2172, %add3A_2174 : vector<16xi32>
    %and3A_2176 = arith.constant 15 : i32
    %and3A_2177 = vector.broadcast %and3A_2176 : i32 to vector<16xi32>
    %and3A_2178 = arith.andi %get3A_2165, %and3A_2177 : vector<16xi32>
    %add3A_2179 = arith.constant 206 : i32
    %add3A_2180 = vector.broadcast %add3A_2179 : i32 to vector<16xi32>
    %add3A_2181 = arith.addi %add3A_2180, %and3A_2178 : vector<16xi32>
    tpu.vector_store_idx %arg9[%add3A_2175, %add3A_2181], %broadcast_in_dim3A_3 masked %gt3A_2171 : memref<80x512xf32, #tpu.memory_space<vmem>>[vector<16xi32>, vector<16xi32>], vector<16xf32>, vector<16xi1>
    %shift_right_arithmetic3A_2182 = arith.constant 4 : i32
    %shift_right_arithmetic3A_2183 = vector.broadcast %shift_right_arithmetic3A_2182 : i32 to vector<16xi32>
    %shift_right_arithmetic3A_2184 = arith.shrsi %get3A_2165, %shift_right_arithmetic3A_2183 : vector<16xi32>
    %and3A_2185 = arith.constant 15 : i32
    %and3A_2186 = vector.broadcast %and3A_2185 : i32 to vector<16xi32>
    %and3A_2187 = arith.andi %shift_right_arithmetic3A_2184, %and3A_2186 : vector<16xi32>
    %add3A_2188 = arith.constant 222 : i32
    %add3A_2189 = vector.broadcast %add3A_2188 : i32 to vector<16xi32>
    %add3A_2190 = arith.addi %add3A_2189, %and3A_2187 : vector<16xi32>
    tpu.vector_store_idx %arg9[%add3A_2175, %add3A_2190], %broadcast_in_dim3A_3 masked %gt3A_2171 : memref<80x512xf32, #tpu.memory_space<vmem>>[vector<16xi32>, vector<16xi32>], vector<16xf32>, vector<16xi1>
    %shift_right_arithmetic3A_2191 = arith.constant 8 : i32
    %shift_right_arithmetic3A_2192 = vector.broadcast %shift_right_arithmetic3A_2191 : i32 to vector<16xi32>
    %shift_right_arithmetic3A_2193 = arith.shrsi %get3A_2165, %shift_right_arithmetic3A_2192 : vector<16xi32>
    %and3A_2194 = arith.constant 15 : i32
    %and3A_2195 = vector.broadcast %and3A_2194 : i32 to vector<16xi32>
    %and3A_2196 = arith.andi %shift_right_arithmetic3A_2193, %and3A_2195 : vector<16xi32>
    %add3A_2197 = arith.constant 238 : i32
    %add3A_2198 = vector.broadcast %add3A_2197 : i32 to vector<16xi32>
    %add3A_2199 = arith.addi %add3A_2198, %and3A_2196 : vector<16xi32>
    tpu.vector_store_idx %arg9[%add3A_2175, %add3A_2199], %broadcast_in_dim3A_3 masked %gt3A_2171 : memref<80x512xf32, #tpu.memory_space<vmem>>[vector<16xi32>, vector<16xi32>], vector<16xf32>, vector<16xi1>
    %add3A_2200 = arith.constant 800 : i32
    %add3A_2201 = arith.addi %mul3A_2, %add3A_2200 : i32
    %dma_start3A_2202 = arith.constant 0 : i32
    %dma_start3A_2203 = tpu.memref_slice %arg5[%add3A_2201, %dma_start3A_2202] : memref<32768x512xf32, #tpu.memory_space<hbm>> -> memref<80x512xf32, #tpu.memory_space<hbm>>
    %dma_start3A_2204 = arith.constant 0 : i32
    %dma_start3A_2205 = tpu.memref_slice %arg5[%add3A_2201, %dma_start3A_2204] : memref<32768x512xf32, #tpu.memory_space<hbm>> -> memref<80x512xf32, #tpu.memory_space<hbm>>
    tpu.enqueue_dma source(%arg9 : memref<80x512xf32, #tpu.memory_space<vmem>>) target(%dma_start3A_2205 : memref<80x512xf32, #tpu.memory_space<hbm>>) target_semaphore(%arg15 : memref<!tpu.dma_semaphore, #tpu.memory_space<semaphore_mem>>)
    %dma_wait3A_2206 = arith.constant 880 : i32
    %dma_wait3A_2207 = tpu.memref_slice %arg6[%dma_wait3A_2206] : memref<1024xi32, #tpu.memory_space<vmem>> -> memref<80xi32, #tpu.memory_space<vmem>>
    %dma_wait3A_2208 = arith.constant 0 : i32
    %dma_wait3A_2209 = arith.constant 0 : i32
    %dma_wait3A_2210 = tpu.memref_slice %arg4[%dma_wait3A_2208, %dma_wait3A_2209] : memref<272x512xf32, #tpu.memory_space<hbm>> -> memref<272x512xf32, #tpu.memory_space<hbm>>
    tpu.wait_indirect_dma semaphore(%arg13 : memref<!tpu.dma_semaphore, #tpu.memory_space<semaphore_mem>>) src(%dma_wait3A_2210 : memref<272x512xf32, #tpu.memory_space<hbm>>) dst(%arg10 : memref<80x512xf32, #tpu.memory_space<vmem>>)
    %get3A_2211 = arith.constant 880 : index
    %get3A_2212 = tpu.vector_load %arg7[%get3A_2211] {strides = array<i32>} : memref<1024xi32, #tpu.memory_space<vmem>>, vector<16xi32>,
    %shift_right_arithmetic3A_2213 = arith.constant 12 : i32
    %shift_right_arithmetic3A_2214 = vector.broadcast %shift_right_arithmetic3A_2213 : i32 to vector<16xi32>
    %shift_right_arithmetic3A_2215 = arith.shrsi %get3A_2212, %shift_right_arithmetic3A_2214 : vector<16xi32>
    %gt3A_2216 = arith.constant 0 : i32
    %gt3A_2217 = vector.broadcast %gt3A_2216 : i32 to vector<16xi32>
    %gt3A_2218 = arith.cmpi sgt, %shift_right_arithmetic3A_2215, %gt3A_2217 : vector<16xi32>
    %iota3A_2219 = tpu.iota {dimensions = array<i32: 0>} : vector<16xi32>
    %add3A_2220 = arith.constant 0 : i32
    %add3A_2221 = vector.broadcast %add3A_2220 : i32 to vector<16xi32>
    %add3A_2222 = arith.addi %iota3A_2219, %add3A_2221 : vector<16xi32>
    %and3A_2223 = arith.constant 15 : i32
    %and3A_2224 = vector.broadcast %and3A_2223 : i32 to vector<16xi32>
    %and3A_2225 = arith.andi %get3A_2212, %and3A_2224 : vector<16xi32>
    %add3A_2226 = arith.constant 206 : i32
    %add3A_2227 = vector.broadcast %add3A_2226 : i32 to vector<16xi32>
    %add3A_2228 = arith.addi %add3A_2227, %and3A_2225 : vector<16xi32>
    tpu.vector_store_idx %arg10[%add3A_2222, %add3A_2228], %broadcast_in_dim3A_3 masked %gt3A_2218 : memref<80x512xf32, #tpu.memory_space<vmem>>[vector<16xi32>, vector<16xi32>], vector<16xf32>, vector<16xi1>
    %shift_right_arithmetic3A_2229 = arith.constant 4 : i32
    %shift_right_arithmetic3A_2230 = vector.broadcast %shift_right_arithmetic3A_2229 : i32 to vector<16xi32>
    %shift_right_arithmetic3A_2231 = arith.shrsi %get3A_2212, %shift_right_arithmetic3A_2230 : vector<16xi32>
    %and3A_2232 = arith.constant 15 : i32
    %and3A_2233 = vector.broadcast %and3A_2232 : i32 to vector<16xi32>
    %and3A_2234 = arith.andi %shift_right_arithmetic3A_2231, %and3A_2233 : vector<16xi32>
    %add3A_2235 = arith.constant 222 : i32
    %add3A_2236 = vector.broadcast %add3A_2235 : i32 to vector<16xi32>
    %add3A_2237 = arith.addi %add3A_2236, %and3A_2234 : vector<16xi32>
    tpu.vector_store_idx %arg10[%add3A_2222, %add3A_2237], %broadcast_in_dim3A_3 masked %gt3A_2218 : memref<80x512xf32, #tpu.memory_space<vmem>>[vector<16xi32>, vector<16xi32>], vector<16xf32>, vector<16xi1>
    %shift_right_arithmetic3A_2238 = arith.constant 8 : i32
    %shift_right_arithmetic3A_2239 = vector.broadcast %shift_right_arithmetic3A_2238 : i32 to vector<16xi32>
    %shift_right_arithmetic3A_2240 = arith.shrsi %get3A_2212, %shift_right_arithmetic3A_2239 : vector<16xi32>
    %and3A_2241 = arith.constant 15 : i32
    %and3A_2242 = vector.broadcast %and3A_2241 : i32 to vector<16xi32>
    %and3A_2243 = arith.andi %shift_right_arithmetic3A_2240, %and3A_2242 : vector<16xi32>
    %add3A_2244 = arith.constant 238 : i32
    %add3A_2245 = vector.broadcast %add3A_2244 : i32 to vector<16xi32>
    %add3A_2246 = arith.addi %add3A_2245, %and3A_2243 : vector<16xi32>
    tpu.vector_store_idx %arg10[%add3A_2222, %add3A_2246], %broadcast_in_dim3A_3 masked %gt3A_2218 : memref<80x512xf32, #tpu.memory_space<vmem>>[vector<16xi32>, vector<16xi32>], vector<16xf32>, vector<16xi1>
    %get3A_2247 = arith.constant 896 : index
    %get3A_2248 = tpu.vector_load %arg7[%get3A_2247] {strides = array<i32>} : memref<1024xi32, #tpu.memory_space<vmem>>, vector<16xi32>,
    %shift_right_arithmetic3A_2249 = arith.constant 12 : i32
    %shift_right_arithmetic3A_2250 = vector.broadcast %shift_right_arithmetic3A_2249 : i32 to vector<16xi32>
    %shift_right_arithmetic3A_2251 = arith.shrsi %get3A_2248, %shift_right_arithmetic3A_2250 : vector<16xi32>
    %gt3A_2252 = arith.constant 0 : i32
    %gt3A_2253 = vector.broadcast %gt3A_2252 : i32 to vector<16xi32>
    %gt3A_2254 = arith.cmpi sgt, %shift_right_arithmetic3A_2251, %gt3A_2253 : vector<16xi32>
    %iota3A_2255 = tpu.iota {dimensions = array<i32: 0>} : vector<16xi32>
    %add3A_2256 = arith.constant 16 : i32
    %add3A_2257 = vector.broadcast %add3A_2256 : i32 to vector<16xi32>
    %add3A_2258 = arith.addi %iota3A_2255, %add3A_2257 : vector<16xi32>
    %and3A_2259 = arith.constant 15 : i32
    %and3A_2260 = vector.broadcast %and3A_2259 : i32 to vector<16xi32>
    %and3A_2261 = arith.andi %get3A_2248, %and3A_2260 : vector<16xi32>
    %add3A_2262 = arith.constant 206 : i32
    %add3A_2263 = vector.broadcast %add3A_2262 : i32 to vector<16xi32>
    %add3A_2264 = arith.addi %add3A_2263, %and3A_2261 : vector<16xi32>
    tpu.vector_store_idx %arg10[%add3A_2258, %add3A_2264], %broadcast_in_dim3A_3 masked %gt3A_2254 : memref<80x512xf32, #tpu.memory_space<vmem>>[vector<16xi32>, vector<16xi32>], vector<16xf32>, vector<16xi1>
    %shift_right_arithmetic3A_2265 = arith.constant 4 : i32
    %shift_right_arithmetic3A_2266 = vector.broadcast %shift_right_arithmetic3A_2265 : i32 to vector<16xi32>
    %shift_right_arithmetic3A_2267 = arith.shrsi %get3A_2248, %shift_right_arithmetic3A_2266 : vector<16xi32>
    %and3A_2268 = arith.constant 15 : i32
    %and3A_2269 = vector.broadcast %and3A_2268 : i32 to vector<16xi32>
    %and3A_2270 = arith.andi %shift_right_arithmetic3A_2267, %and3A_2269 : vector<16xi32>
    %add3A_2271 = arith.constant 222 : i32
    %add3A_2272 = vector.broadcast %add3A_2271 : i32 to vector<16xi32>
    %add3A_2273 = arith.addi %add3A_2272, %and3A_2270 : vector<16xi32>
    tpu.vector_store_idx %arg10[%add3A_2258, %add3A_2273], %broadcast_in_dim3A_3 masked %gt3A_2254 : memref<80x512xf32, #tpu.memory_space<vmem>>[vector<16xi32>, vector<16xi32>], vector<16xf32>, vector<16xi1>
    %shift_right_arithmetic3A_2274 = arith.constant 8 : i32
    %shift_right_arithmetic3A_2275 = vector.broadcast %shift_right_arithmetic3A_2274 : i32 to vector<16xi32>
    %shift_right_arithmetic3A_2276 = arith.shrsi %get3A_2248, %shift_right_arithmetic3A_2275 : vector<16xi32>
    %and3A_2277 = arith.constant 15 : i32
    %and3A_2278 = vector.broadcast %and3A_2277 : i32 to vector<16xi32>
    %and3A_2279 = arith.andi %shift_right_arithmetic3A_2276, %and3A_2278 : vector<16xi32>
    %add3A_2280 = arith.constant 238 : i32
    %add3A_2281 = vector.broadcast %add3A_2280 : i32 to vector<16xi32>
    %add3A_2282 = arith.addi %add3A_2281, %and3A_2279 : vector<16xi32>
    tpu.vector_store_idx %arg10[%add3A_2258, %add3A_2282], %broadcast_in_dim3A_3 masked %gt3A_2254 : memref<80x512xf32, #tpu.memory_space<vmem>>[vector<16xi32>, vector<16xi32>], vector<16xf32>, vector<16xi1>
    %get3A_2283 = arith.constant 912 : index
    %get3A_2284 = tpu.vector_load %arg7[%get3A_2283] {strides = array<i32>} : memref<1024xi32, #tpu.memory_space<vmem>>, vector<16xi32>,
    %shift_right_arithmetic3A_2285 = arith.constant 12 : i32
    %shift_right_arithmetic3A_2286 = vector.broadcast %shift_right_arithmetic3A_2285 : i32 to vector<16xi32>
    %shift_right_arithmetic3A_2287 = arith.shrsi %get3A_2284, %shift_right_arithmetic3A_2286 : vector<16xi32>
    %gt3A_2288 = arith.constant 0 : i32
    %gt3A_2289 = vector.broadcast %gt3A_2288 : i32 to vector<16xi32>
    %gt3A_2290 = arith.cmpi sgt, %shift_right_arithmetic3A_2287, %gt3A_2289 : vector<16xi32>
    %iota3A_2291 = tpu.iota {dimensions = array<i32: 0>} : vector<16xi32>
    %add3A_2292 = arith.constant 32 : i32
    %add3A_2293 = vector.broadcast %add3A_2292 : i32 to vector<16xi32>
    %add3A_2294 = arith.addi %iota3A_2291, %add3A_2293 : vector<16xi32>
    %and3A_2295 = arith.constant 15 : i32
    %and3A_2296 = vector.broadcast %and3A_2295 : i32 to vector<16xi32>
    %and3A_2297 = arith.andi %get3A_2284, %and3A_2296 : vector<16xi32>
    %add3A_2298 = arith.constant 206 : i32
    %add3A_2299 = vector.broadcast %add3A_2298 : i32 to vector<16xi32>
    %add3A_2300 = arith.addi %add3A_2299, %and3A_2297 : vector<16xi32>
    tpu.vector_store_idx %arg10[%add3A_2294, %add3A_2300], %broadcast_in_dim3A_3 masked %gt3A_2290 : memref<80x512xf32, #tpu.memory_space<vmem>>[vector<16xi32>, vector<16xi32>], vector<16xf32>, vector<16xi1>
    %shift_right_arithmetic3A_2301 = arith.constant 4 : i32
    %shift_right_arithmetic3A_2302 = vector.broadcast %shift_right_arithmetic3A_2301 : i32 to vector<16xi32>
    %shift_right_arithmetic3A_2303 = arith.shrsi %get3A_2284, %shift_right_arithmetic3A_2302 : vector<16xi32>
    %and3A_2304 = arith.constant 15 : i32
    %and3A_2305 = vector.broadcast %and3A_2304 : i32 to vector<16xi32>
    %and3A_2306 = arith.andi %shift_right_arithmetic3A_2303, %and3A_2305 : vector<16xi32>
    %add3A_2307 = arith.constant 222 : i32
    %add3A_2308 = vector.broadcast %add3A_2307 : i32 to vector<16xi32>
    %add3A_2309 = arith.addi %add3A_2308, %and3A_2306 : vector<16xi32>
    tpu.vector_store_idx %arg10[%add3A_2294, %add3A_2309], %broadcast_in_dim3A_3 masked %gt3A_2290 : memref<80x512xf32, #tpu.memory_space<vmem>>[vector<16xi32>, vector<16xi32>], vector<16xf32>, vector<16xi1>
    %shift_right_arithmetic3A_2310 = arith.constant 8 : i32
    %shift_right_arithmetic3A_2311 = vector.broadcast %shift_right_arithmetic3A_2310 : i32 to vector<16xi32>
    %shift_right_arithmetic3A_2312 = arith.shrsi %get3A_2284, %shift_right_arithmetic3A_2311 : vector<16xi32>
    %and3A_2313 = arith.constant 15 : i32
    %and3A_2314 = vector.broadcast %and3A_2313 : i32 to vector<16xi32>
    %and3A_2315 = arith.andi %shift_right_arithmetic3A_2312, %and3A_2314 : vector<16xi32>
    %add3A_2316 = arith.constant 238 : i32
    %add3A_2317 = vector.broadcast %add3A_2316 : i32 to vector<16xi32>
    %add3A_2318 = arith.addi %add3A_2317, %and3A_2315 : vector<16xi32>
    tpu.vector_store_idx %arg10[%add3A_2294, %add3A_2318], %broadcast_in_dim3A_3 masked %gt3A_2290 : memref<80x512xf32, #tpu.memory_space<vmem>>[vector<16xi32>, vector<16xi32>], vector<16xf32>, vector<16xi1>
    %get3A_2319 = arith.constant 928 : index
    %get3A_2320 = tpu.vector_load %arg7[%get3A_2319] {strides = array<i32>} : memref<1024xi32, #tpu.memory_space<vmem>>, vector<16xi32>,
    %shift_right_arithmetic3A_2321 = arith.constant 12 : i32
    %shift_right_arithmetic3A_2322 = vector.broadcast %shift_right_arithmetic3A_2321 : i32 to vector<16xi32>
    %shift_right_arithmetic3A_2323 = arith.shrsi %get3A_2320, %shift_right_arithmetic3A_2322 : vector<16xi32>
    %gt3A_2324 = arith.constant 0 : i32
    %gt3A_2325 = vector.broadcast %gt3A_2324 : i32 to vector<16xi32>
    %gt3A_2326 = arith.cmpi sgt, %shift_right_arithmetic3A_2323, %gt3A_2325 : vector<16xi32>
    %iota3A_2327 = tpu.iota {dimensions = array<i32: 0>} : vector<16xi32>
    %add3A_2328 = arith.constant 48 : i32
    %add3A_2329 = vector.broadcast %add3A_2328 : i32 to vector<16xi32>
    %add3A_2330 = arith.addi %iota3A_2327, %add3A_2329 : vector<16xi32>
    %and3A_2331 = arith.constant 15 : i32
    %and3A_2332 = vector.broadcast %and3A_2331 : i32 to vector<16xi32>
    %and3A_2333 = arith.andi %get3A_2320, %and3A_2332 : vector<16xi32>
    %add3A_2334 = arith.constant 206 : i32
    %add3A_2335 = vector.broadcast %add3A_2334 : i32 to vector<16xi32>
    %add3A_2336 = arith.addi %add3A_2335, %and3A_2333 : vector<16xi32>
    tpu.vector_store_idx %arg10[%add3A_2330, %add3A_2336], %broadcast_in_dim3A_3 masked %gt3A_2326 : memref<80x512xf32, #tpu.memory_space<vmem>>[vector<16xi32>, vector<16xi32>], vector<16xf32>, vector<16xi1>
    %shift_right_arithmetic3A_2337 = arith.constant 4 : i32
    %shift_right_arithmetic3A_2338 = vector.broadcast %shift_right_arithmetic3A_2337 : i32 to vector<16xi32>
    %shift_right_arithmetic3A_2339 = arith.shrsi %get3A_2320, %shift_right_arithmetic3A_2338 : vector<16xi32>
    %and3A_2340 = arith.constant 15 : i32
    %and3A_2341 = vector.broadcast %and3A_2340 : i32 to vector<16xi32>
    %and3A_2342 = arith.andi %shift_right_arithmetic3A_2339, %and3A_2341 : vector<16xi32>
    %add3A_2343 = arith.constant 222 : i32
    %add3A_2344 = vector.broadcast %add3A_2343 : i32 to vector<16xi32>
    %add3A_2345 = arith.addi %add3A_2344, %and3A_2342 : vector<16xi32>
    tpu.vector_store_idx %arg10[%add3A_2330, %add3A_2345], %broadcast_in_dim3A_3 masked %gt3A_2326 : memref<80x512xf32, #tpu.memory_space<vmem>>[vector<16xi32>, vector<16xi32>], vector<16xf32>, vector<16xi1>
    %shift_right_arithmetic3A_2346 = arith.constant 8 : i32
    %shift_right_arithmetic3A_2347 = vector.broadcast %shift_right_arithmetic3A_2346 : i32 to vector<16xi32>
    %shift_right_arithmetic3A_2348 = arith.shrsi %get3A_2320, %shift_right_arithmetic3A_2347 : vector<16xi32>
    %and3A_2349 = arith.constant 15 : i32
    %and3A_2350 = vector.broadcast %and3A_2349 : i32 to vector<16xi32>
    %and3A_2351 = arith.andi %shift_right_arithmetic3A_2348, %and3A_2350 : vector<16xi32>
    %add3A_2352 = arith.constant 238 : i32
    %add3A_2353 = vector.broadcast %add3A_2352 : i32 to vector<16xi32>
    %add3A_2354 = arith.addi %add3A_2353, %and3A_2351 : vector<16xi32>
    tpu.vector_store_idx %arg10[%add3A_2330, %add3A_2354], %broadcast_in_dim3A_3 masked %gt3A_2326 : memref<80x512xf32, #tpu.memory_space<vmem>>[vector<16xi32>, vector<16xi32>], vector<16xf32>, vector<16xi1>
    %get3A_2355 = arith.constant 944 : index
    %get3A_2356 = tpu.vector_load %arg7[%get3A_2355] {strides = array<i32>} : memref<1024xi32, #tpu.memory_space<vmem>>, vector<16xi32>,
    %shift_right_arithmetic3A_2357 = arith.constant 12 : i32
    %shift_right_arithmetic3A_2358 = vector.broadcast %shift_right_arithmetic3A_2357 : i32 to vector<16xi32>
    %shift_right_arithmetic3A_2359 = arith.shrsi %get3A_2356, %shift_right_arithmetic3A_2358 : vector<16xi32>
    %gt3A_2360 = arith.constant 0 : i32
    %gt3A_2361 = vector.broadcast %gt3A_2360 : i32 to vector<16xi32>
    %gt3A_2362 = arith.cmpi sgt, %shift_right_arithmetic3A_2359, %gt3A_2361 : vector<16xi32>
    %iota3A_2363 = tpu.iota {dimensions = array<i32: 0>} : vector<16xi32>
    %add3A_2364 = arith.constant 64 : i32
    %add3A_2365 = vector.broadcast %add3A_2364 : i32 to vector<16xi32>
    %add3A_2366 = arith.addi %iota3A_2363, %add3A_2365 : vector<16xi32>
    %and3A_2367 = arith.constant 15 : i32
    %and3A_2368 = vector.broadcast %and3A_2367 : i32 to vector<16xi32>
    %and3A_2369 = arith.andi %get3A_2356, %and3A_2368 : vector<16xi32>
    %add3A_2370 = arith.constant 206 : i32
    %add3A_2371 = vector.broadcast %add3A_2370 : i32 to vector<16xi32>
    %add3A_2372 = arith.addi %add3A_2371, %and3A_2369 : vector<16xi32>
    tpu.vector_store_idx %arg10[%add3A_2366, %add3A_2372], %broadcast_in_dim3A_3 masked %gt3A_2362 : memref<80x512xf32, #tpu.memory_space<vmem>>[vector<16xi32>, vector<16xi32>], vector<16xf32>, vector<16xi1>
    %shift_right_arithmetic3A_2373 = arith.constant 4 : i32
    %shift_right_arithmetic3A_2374 = vector.broadcast %shift_right_arithmetic3A_2373 : i32 to vector<16xi32>
    %shift_right_arithmetic3A_2375 = arith.shrsi %get3A_2356, %shift_right_arithmetic3A_2374 : vector<16xi32>
    %and3A_2376 = arith.constant 15 : i32
    %and3A_2377 = vector.broadcast %and3A_2376 : i32 to vector<16xi32>
    %and3A_2378 = arith.andi %shift_right_arithmetic3A_2375, %and3A_2377 : vector<16xi32>
    %add3A_2379 = arith.constant 222 : i32
    %add3A_2380 = vector.broadcast %add3A_2379 : i32 to vector<16xi32>
    %add3A_2381 = arith.addi %add3A_2380, %and3A_2378 : vector<16xi32>
    tpu.vector_store_idx %arg10[%add3A_2366, %add3A_2381], %broadcast_in_dim3A_3 masked %gt3A_2362 : memref<80x512xf32, #tpu.memory_space<vmem>>[vector<16xi32>, vector<16xi32>], vector<16xf32>, vector<16xi1>
    %shift_right_arithmetic3A_2382 = arith.constant 8 : i32
    %shift_right_arithmetic3A_2383 = vector.broadcast %shift_right_arithmetic3A_2382 : i32 to vector<16xi32>
    %shift_right_arithmetic3A_2384 = arith.shrsi %get3A_2356, %shift_right_arithmetic3A_2383 : vector<16xi32>
    %and3A_2385 = arith.constant 15 : i32
    %and3A_2386 = vector.broadcast %and3A_2385 : i32 to vector<16xi32>
    %and3A_2387 = arith.andi %shift_right_arithmetic3A_2384, %and3A_2386 : vector<16xi32>
    %add3A_2388 = arith.constant 238 : i32
    %add3A_2389 = vector.broadcast %add3A_2388 : i32 to vector<16xi32>
    %add3A_2390 = arith.addi %add3A_2389, %and3A_2387 : vector<16xi32>
    tpu.vector_store_idx %arg10[%add3A_2366, %add3A_2390], %broadcast_in_dim3A_3 masked %gt3A_2362 : memref<80x512xf32, #tpu.memory_space<vmem>>[vector<16xi32>, vector<16xi32>], vector<16xf32>, vector<16xi1>
    %add3A_2391 = arith.constant 880 : i32
    %add3A_2392 = arith.addi %mul3A_2, %add3A_2391 : i32
    %dma_start3A_2393 = arith.constant 0 : i32
    %dma_start3A_2394 = tpu.memref_slice %arg5[%add3A_2392, %dma_start3A_2393] : memref<32768x512xf32, #tpu.memory_space<hbm>> -> memref<80x512xf32, #tpu.memory_space<hbm>>
    %dma_start3A_2395 = arith.constant 0 : i32
    %dma_start3A_2396 = tpu.memref_slice %arg5[%add3A_2392, %dma_start3A_2395] : memref<32768x512xf32, #tpu.memory_space<hbm>> -> memref<80x512xf32, #tpu.memory_space<hbm>>
    tpu.enqueue_dma source(%arg10 : memref<80x512xf32, #tpu.memory_space<vmem>>) target(%dma_start3A_2396 : memref<80x512xf32, #tpu.memory_space<hbm>>) target_semaphore(%arg16 : memref<!tpu.dma_semaphore, #tpu.memory_space<semaphore_mem>>)
    %dma_wait3A_2397 = arith.constant 0 : i32
    %dma_wait3A_2398 = arith.constant 0 : i32
    %dma_wait3A_2399 = tpu.memref_slice %arg8[%dma_wait3A_2397, %dma_wait3A_2398] : memref<80x512xf32, #tpu.memory_space<vmem>> -> memref<64x512xf32, #tpu.memory_space<vmem>>
    %dma_wait3A_2400 = arith.constant 960 : i32
    %dma_wait3A_2401 = tpu.memref_slice %arg6[%dma_wait3A_2400] : memref<1024xi32, #tpu.memory_space<vmem>> -> memref<64xi32, #tpu.memory_space<vmem>>
    %dma_wait3A_2402 = arith.constant 0 : i32
    %dma_wait3A_2403 = arith.constant 0 : i32
    %dma_wait3A_2404 = tpu.memref_slice %arg4[%dma_wait3A_2402, %dma_wait3A_2403] : memref<272x512xf32, #tpu.memory_space<hbm>> -> memref<272x512xf32, #tpu.memory_space<hbm>>
    tpu.wait_indirect_dma semaphore(%arg11 : memref<!tpu.dma_semaphore, #tpu.memory_space<semaphore_mem>>) src(%dma_wait3A_2404 : memref<272x512xf32, #tpu.memory_space<hbm>>) dst(%dma_wait3A_2399 : memref<64x512xf32, #tpu.memory_space<vmem>>)
    %get3A_2405 = arith.constant 960 : index
    %get3A_2406 = tpu.vector_load %arg7[%get3A_2405] {strides = array<i32>} : memref<1024xi32, #tpu.memory_space<vmem>>, vector<16xi32>,
    %shift_right_arithmetic3A_2407 = arith.constant 12 : i32
    %shift_right_arithmetic3A_2408 = vector.broadcast %shift_right_arithmetic3A_2407 : i32 to vector<16xi32>
    %shift_right_arithmetic3A_2409 = arith.shrsi %get3A_2406, %shift_right_arithmetic3A_2408 : vector<16xi32>
    %gt3A_2410 = arith.constant 0 : i32
    %gt3A_2411 = vector.broadcast %gt3A_2410 : i32 to vector<16xi32>
    %gt3A_2412 = arith.cmpi sgt, %shift_right_arithmetic3A_2409, %gt3A_2411 : vector<16xi32>
    %iota3A_2413 = tpu.iota {dimensions = array<i32: 0>} : vector<16xi32>
    %add3A_2414 = arith.constant 0 : i32
    %add3A_2415 = vector.broadcast %add3A_2414 : i32 to vector<16xi32>
    %add3A_2416 = arith.addi %iota3A_2413, %add3A_2415 : vector<16xi32>
    %and3A_2417 = arith.constant 15 : i32
    %and3A_2418 = vector.broadcast %and3A_2417 : i32 to vector<16xi32>
    %and3A_2419 = arith.andi %get3A_2406, %and3A_2418 : vector<16xi32>
    %add3A_2420 = arith.constant 206 : i32
    %add3A_2421 = vector.broadcast %add3A_2420 : i32 to vector<16xi32>
    %add3A_2422 = arith.addi %add3A_2421, %and3A_2419 : vector<16xi32>
    tpu.vector_store_idx %arg8[%add3A_2416, %add3A_2422], %broadcast_in_dim3A_3 masked %gt3A_2412 : memref<80x512xf32, #tpu.memory_space<vmem>>[vector<16xi32>, vector<16xi32>], vector<16xf32>, vector<16xi1>
    %shift_right_arithmetic3A_2423 = arith.constant 4 : i32
    %shift_right_arithmetic3A_2424 = vector.broadcast %shift_right_arithmetic3A_2423 : i32 to vector<16xi32>
    %shift_right_arithmetic3A_2425 = arith.shrsi %get3A_2406, %shift_right_arithmetic3A_2424 : vector<16xi32>
    %and3A_2426 = arith.constant 15 : i32
    %and3A_2427 = vector.broadcast %and3A_2426 : i32 to vector<16xi32>
    %and3A_2428 = arith.andi %shift_right_arithmetic3A_2425, %and3A_2427 : vector<16xi32>
    %add3A_2429 = arith.constant 222 : i32
    %add3A_2430 = vector.broadcast %add3A_2429 : i32 to vector<16xi32>
    %add3A_2431 = arith.addi %add3A_2430, %and3A_2428 : vector<16xi32>
    tpu.vector_store_idx %arg8[%add3A_2416, %add3A_2431], %broadcast_in_dim3A_3 masked %gt3A_2412 : memref<80x512xf32, #tpu.memory_space<vmem>>[vector<16xi32>, vector<16xi32>], vector<16xf32>, vector<16xi1>
    %shift_right_arithmetic3A_2432 = arith.constant 8 : i32
    %shift_right_arithmetic3A_2433 = vector.broadcast %shift_right_arithmetic3A_2432 : i32 to vector<16xi32>
    %shift_right_arithmetic3A_2434 = arith.shrsi %get3A_2406, %shift_right_arithmetic3A_2433 : vector<16xi32>
    %and3A_2435 = arith.constant 15 : i32
    %and3A_2436 = vector.broadcast %and3A_2435 : i32 to vector<16xi32>
    %and3A_2437 = arith.andi %shift_right_arithmetic3A_2434, %and3A_2436 : vector<16xi32>
    %add3A_2438 = arith.constant 238 : i32
    %add3A_2439 = vector.broadcast %add3A_2438 : i32 to vector<16xi32>
    %add3A_2440 = arith.addi %add3A_2439, %and3A_2437 : vector<16xi32>
    tpu.vector_store_idx %arg8[%add3A_2416, %add3A_2440], %broadcast_in_dim3A_3 masked %gt3A_2412 : memref<80x512xf32, #tpu.memory_space<vmem>>[vector<16xi32>, vector<16xi32>], vector<16xf32>, vector<16xi1>
    %get3A_2441 = arith.constant 976 : index
    %get3A_2442 = tpu.vector_load %arg7[%get3A_2441] {strides = array<i32>} : memref<1024xi32, #tpu.memory_space<vmem>>, vector<16xi32>,
    %shift_right_arithmetic3A_2443 = arith.constant 12 : i32
    %shift_right_arithmetic3A_2444 = vector.broadcast %shift_right_arithmetic3A_2443 : i32 to vector<16xi32>
    %shift_right_arithmetic3A_2445 = arith.shrsi %get3A_2442, %shift_right_arithmetic3A_2444 : vector<16xi32>
    %gt3A_2446 = arith.constant 0 : i32
    %gt3A_2447 = vector.broadcast %gt3A_2446 : i32 to vector<16xi32>
    %gt3A_2448 = arith.cmpi sgt, %shift_right_arithmetic3A_2445, %gt3A_2447 : vector<16xi32>
    %iota3A_2449 = tpu.iota {dimensions = array<i32: 0>} : vector<16xi32>
    %add3A_2450 = arith.constant 16 : i32
    %add3A_2451 = vector.broadcast %add3A_2450 : i32 to vector<16xi32>
    %add3A_2452 = arith.addi %iota3A_2449, %add3A_2451 : vector<16xi32>
    %and3A_2453 = arith.constant 15 : i32
    %and3A_2454 = vector.broadcast %and3A_2453 : i32 to vector<16xi32>
    %and3A_2455 = arith.andi %get3A_2442, %and3A_2454 : vector<16xi32>
    %add3A_2456 = arith.constant 206 : i32
    %add3A_2457 = vector.broadcast %add3A_2456 : i32 to vector<16xi32>
    %add3A_2458 = arith.addi %add3A_2457, %and3A_2455 : vector<16xi32>
    tpu.vector_store_idx %arg8[%add3A_2452, %add3A_2458], %broadcast_in_dim3A_3 masked %gt3A_2448 : memref<80x512xf32, #tpu.memory_space<vmem>>[vector<16xi32>, vector<16xi32>], vector<16xf32>, vector<16xi1>
    %shift_right_arithmetic3A_2459 = arith.constant 4 : i32
    %shift_right_arithmetic3A_2460 = vector.broadcast %shift_right_arithmetic3A_2459 : i32 to vector<16xi32>
    %shift_right_arithmetic3A_2461 = arith.shrsi %get3A_2442, %shift_right_arithmetic3A_2460 : vector<16xi32>
    %and3A_2462 = arith.constant 15 : i32
    %and3A_2463 = vector.broadcast %and3A_2462 : i32 to vector<16xi32>
    %and3A_2464 = arith.andi %shift_right_arithmetic3A_2461, %and3A_2463 : vector<16xi32>
    %add3A_2465 = arith.constant 222 : i32
    %add3A_2466 = vector.broadcast %add3A_2465 : i32 to vector<16xi32>
    %add3A_2467 = arith.addi %add3A_2466, %and3A_2464 : vector<16xi32>
    tpu.vector_store_idx %arg8[%add3A_2452, %add3A_2467], %broadcast_in_dim3A_3 masked %gt3A_2448 : memref<80x512xf32, #tpu.memory_space<vmem>>[vector<16xi32>, vector<16xi32>], vector<16xf32>, vector<16xi1>
    %shift_right_arithmetic3A_2468 = arith.constant 8 : i32
    %shift_right_arithmetic3A_2469 = vector.broadcast %shift_right_arithmetic3A_2468 : i32 to vector<16xi32>
    %shift_right_arithmetic3A_2470 = arith.shrsi %get3A_2442, %shift_right_arithmetic3A_2469 : vector<16xi32>
    %and3A_2471 = arith.constant 15 : i32
    %and3A_2472 = vector.broadcast %and3A_2471 : i32 to vector<16xi32>
    %and3A_2473 = arith.andi %shift_right_arithmetic3A_2470, %and3A_2472 : vector<16xi32>
    %add3A_2474 = arith.constant 238 : i32
    %add3A_2475 = vector.broadcast %add3A_2474 : i32 to vector<16xi32>
    %add3A_2476 = arith.addi %add3A_2475, %and3A_2473 : vector<16xi32>
    tpu.vector_store_idx %arg8[%add3A_2452, %add3A_2476], %broadcast_in_dim3A_3 masked %gt3A_2448 : memref<80x512xf32, #tpu.memory_space<vmem>>[vector<16xi32>, vector<16xi32>], vector<16xf32>, vector<16xi1>
    %get3A_2477 = arith.constant 992 : index
    %get3A_2478 = tpu.vector_load %arg7[%get3A_2477] {strides = array<i32>} : memref<1024xi32, #tpu.memory_space<vmem>>, vector<16xi32>,
    %shift_right_arithmetic3A_2479 = arith.constant 12 : i32
    %shift_right_arithmetic3A_2480 = vector.broadcast %shift_right_arithmetic3A_2479 : i32 to vector<16xi32>
    %shift_right_arithmetic3A_2481 = arith.shrsi %get3A_2478, %shift_right_arithmetic3A_2480 : vector<16xi32>
    %gt3A_2482 = arith.constant 0 : i32
    %gt3A_2483 = vector.broadcast %gt3A_2482 : i32 to vector<16xi32>
    %gt3A_2484 = arith.cmpi sgt, %shift_right_arithmetic3A_2481, %gt3A_2483 : vector<16xi32>
    %iota3A_2485 = tpu.iota {dimensions = array<i32: 0>} : vector<16xi32>
    %add3A_2486 = arith.constant 32 : i32
    %add3A_2487 = vector.broadcast %add3A_2486 : i32 to vector<16xi32>
    %add3A_2488 = arith.addi %iota3A_2485, %add3A_2487 : vector<16xi32>
    %and3A_2489 = arith.constant 15 : i32
    %and3A_2490 = vector.broadcast %and3A_2489 : i32 to vector<16xi32>
    %and3A_2491 = arith.andi %get3A_2478, %and3A_2490 : vector<16xi32>
    %add3A_2492 = arith.constant 206 : i32
    %add3A_2493 = vector.broadcast %add3A_2492 : i32 to vector<16xi32>
    %add3A_2494 = arith.addi %add3A_2493, %and3A_2491 : vector<16xi32>
    tpu.vector_store_idx %arg8[%add3A_2488, %add3A_2494], %broadcast_in_dim3A_3 masked %gt3A_2484 : memref<80x512xf32, #tpu.memory_space<vmem>>[vector<16xi32>, vector<16xi32>], vector<16xf32>, vector<16xi1>
    %shift_right_arithmetic3A_2495 = arith.constant 4 : i32
    %shift_right_arithmetic3A_2496 = vector.broadcast %shift_right_arithmetic3A_2495 : i32 to vector<16xi32>
    %shift_right_arithmetic3A_2497 = arith.shrsi %get3A_2478, %shift_right_arithmetic3A_2496 : vector<16xi32>
    %and3A_2498 = arith.constant 15 : i32
    %and3A_2499 = vector.broadcast %and3A_2498 : i32 to vector<16xi32>
    %and3A_2500 = arith.andi %shift_right_arithmetic3A_2497, %and3A_2499 : vector<16xi32>
    %add3A_2501 = arith.constant 222 : i32
    %add3A_2502 = vector.broadcast %add3A_2501 : i32 to vector<16xi32>
    %add3A_2503 = arith.addi %add3A_2502, %and3A_2500 : vector<16xi32>
    tpu.vector_store_idx %arg8[%add3A_2488, %add3A_2503], %broadcast_in_dim3A_3 masked %gt3A_2484 : memref<80x512xf32, #tpu.memory_space<vmem>>[vector<16xi32>, vector<16xi32>], vector<16xf32>, vector<16xi1>
    %shift_right_arithmetic3A_2504 = arith.constant 8 : i32
    %shift_right_arithmetic3A_2505 = vector.broadcast %shift_right_arithmetic3A_2504 : i32 to vector<16xi32>
    %shift_right_arithmetic3A_2506 = arith.shrsi %get3A_2478, %shift_right_arithmetic3A_2505 : vector<16xi32>
    %and3A_2507 = arith.constant 15 : i32
    %and3A_2508 = vector.broadcast %and3A_2507 : i32 to vector<16xi32>
    %and3A_2509 = arith.andi %shift_right_arithmetic3A_2506, %and3A_2508 : vector<16xi32>
    %add3A_2510 = arith.constant 238 : i32
    %add3A_2511 = vector.broadcast %add3A_2510 : i32 to vector<16xi32>
    %add3A_2512 = arith.addi %add3A_2511, %and3A_2509 : vector<16xi32>
    tpu.vector_store_idx %arg8[%add3A_2488, %add3A_2512], %broadcast_in_dim3A_3 masked %gt3A_2484 : memref<80x512xf32, #tpu.memory_space<vmem>>[vector<16xi32>, vector<16xi32>], vector<16xf32>, vector<16xi1>
    %get3A_2513 = arith.constant 1008 : index
    %get3A_2514 = tpu.vector_load %arg7[%get3A_2513] {strides = array<i32>} : memref<1024xi32, #tpu.memory_space<vmem>>, vector<16xi32>,
    %shift_right_arithmetic3A_2515 = arith.constant 12 : i32
    %shift_right_arithmetic3A_2516 = vector.broadcast %shift_right_arithmetic3A_2515 : i32 to vector<16xi32>
    %shift_right_arithmetic3A_2517 = arith.shrsi %get3A_2514, %shift_right_arithmetic3A_2516 : vector<16xi32>
    %gt3A_2518 = arith.constant 0 : i32
    %gt3A_2519 = vector.broadcast %gt3A_2518 : i32 to vector<16xi32>
    %gt3A_2520 = arith.cmpi sgt, %shift_right_arithmetic3A_2517, %gt3A_2519 : vector<16xi32>
    %iota3A_2521 = tpu.iota {dimensions = array<i32: 0>} : vector<16xi32>
    %add3A_2522 = arith.constant 48 : i32
    %add3A_2523 = vector.broadcast %add3A_2522 : i32 to vector<16xi32>
    %add3A_2524 = arith.addi %iota3A_2521, %add3A_2523 : vector<16xi32>
    %and3A_2525 = arith.constant 15 : i32
    %and3A_2526 = vector.broadcast %and3A_2525 : i32 to vector<16xi32>
    %and3A_2527 = arith.andi %get3A_2514, %and3A_2526 : vector<16xi32>
    %add3A_2528 = arith.constant 206 : i32
    %add3A_2529 = vector.broadcast %add3A_2528 : i32 to vector<16xi32>
    %add3A_2530 = arith.addi %add3A_2529, %and3A_2527 : vector<16xi32>
    tpu.vector_store_idx %arg8[%add3A_2524, %add3A_2530], %broadcast_in_dim3A_3 masked %gt3A_2520 : memref<80x512xf32, #tpu.memory_space<vmem>>[vector<16xi32>, vector<16xi32>], vector<16xf32>, vector<16xi1>
    %shift_right_arithmetic3A_2531 = arith.constant 4 : i32
    %shift_right_arithmetic3A_2532 = vector.broadcast %shift_right_arithmetic3A_2531 : i32 to vector<16xi32>
    %shift_right_arithmetic3A_2533 = arith.shrsi %get3A_2514, %shift_right_arithmetic3A_2532 : vector<16xi32>
    %and3A_2534 = arith.constant 15 : i32
    %and3A_2535 = vector.broadcast %and3A_2534 : i32 to vector<16xi32>
    %and3A_2536 = arith.andi %shift_right_arithmetic3A_2533, %and3A_2535 : vector<16xi32>
    %add3A_2537 = arith.constant 222 : i32
    %add3A_2538 = vector.broadcast %add3A_2537 : i32 to vector<16xi32>
    %add3A_2539 = arith.addi %add3A_2538, %and3A_2536 : vector<16xi32>
    tpu.vector_store_idx %arg8[%add3A_2524, %add3A_2539], %broadcast_in_dim3A_3 masked %gt3A_2520 : memref<80x512xf32, #tpu.memory_space<vmem>>[vector<16xi32>, vector<16xi32>], vector<16xf32>, vector<16xi1>
    %shift_right_arithmetic3A_2540 = arith.constant 8 : i32
    %shift_right_arithmetic3A_2541 = vector.broadcast %shift_right_arithmetic3A_2540 : i32 to vector<16xi32>
    %shift_right_arithmetic3A_2542 = arith.shrsi %get3A_2514, %shift_right_arithmetic3A_2541 : vector<16xi32>
    %and3A_2543 = arith.constant 15 : i32
    %and3A_2544 = vector.broadcast %and3A_2543 : i32 to vector<16xi32>
    %and3A_2545 = arith.andi %shift_right_arithmetic3A_2542, %and3A_2544 : vector<16xi32>
    %add3A_2546 = arith.constant 238 : i32
    %add3A_2547 = vector.broadcast %add3A_2546 : i32 to vector<16xi32>
    %add3A_2548 = arith.addi %add3A_2547, %and3A_2545 : vector<16xi32>
    tpu.vector_store_idx %arg8[%add3A_2524, %add3A_2548], %broadcast_in_dim3A_3 masked %gt3A_2520 : memref<80x512xf32, #tpu.memory_space<vmem>>[vector<16xi32>, vector<16xi32>], vector<16xf32>, vector<16xi1>
    %add3A_2549 = arith.constant 960 : i32
    %add3A_2550 = arith.addi %mul3A_2, %add3A_2549 : i32
    %dma_start3A_2551 = arith.constant 0 : i32
    %dma_start3A_2552 = arith.constant 0 : i32
    %dma_start3A_2553 = tpu.memref_slice %arg8[%dma_start3A_2551, %dma_start3A_2552] : memref<80x512xf32, #tpu.memory_space<vmem>> -> memref<64x512xf32, #tpu.memory_space<vmem>>
    %dma_start3A_2554 = arith.constant 0 : i32
    %dma_start3A_2555 = tpu.memref_slice %arg5[%add3A_2550, %dma_start3A_2554] : memref<32768x512xf32, #tpu.memory_space<hbm>> -> memref<64x512xf32, #tpu.memory_space<hbm>>
    %dma_start3A_2556 = arith.constant 0 : i32
    %dma_start3A_2557 = tpu.memref_slice %arg5[%add3A_2550, %dma_start3A_2556] : memref<32768x512xf32, #tpu.memory_space<hbm>> -> memref<64x512xf32, #tpu.memory_space<hbm>>
    %dma_start3A_2558 = arith.constant 0 : i32
    %dma_start3A_2559 = arith.constant 0 : i32
    %dma_start3A_2560 = tpu.memref_slice %arg8[%dma_start3A_2558, %dma_start3A_2559] : memref<80x512xf32, #tpu.memory_space<vmem>> -> memref<64x512xf32, #tpu.memory_space<vmem>>
    tpu.enqueue_dma source(%dma_start3A_2560 : memref<64x512xf32, #tpu.memory_space<vmem>>) target(%dma_start3A_2557 : memref<64x512xf32, #tpu.memory_space<hbm>>) target_semaphore(%arg14 : memref<!tpu.dma_semaphore, #tpu.memory_space<semaphore_mem>>)
    %dma_wait3A_2561 = arith.constant 0 : i32
    %dma_wait3A_2562 = arith.constant 0 : i32
    %dma_wait3A_2563 = tpu.memref_slice %arg8[%dma_wait3A_2561, %dma_wait3A_2562] : memref<80x512xf32, #tpu.memory_space<vmem>> -> memref<64x512xf32, #tpu.memory_space<vmem>>
    %dma_wait3A_2564 = arith.constant 0 : i32
    %dma_wait3A_2565 = tpu.memref_slice %arg5[%add3A_2550, %dma_wait3A_2564] : memref<32768x512xf32, #tpu.memory_space<hbm>> -> memref<64x512xf32, #tpu.memory_space<hbm>>
    %dma_wait3A_2566 = arith.constant 0 : i32
    %dma_wait3A_2567 = tpu.memref_slice %arg5[%add3A_2550, %dma_wait3A_2566] : memref<32768x512xf32, #tpu.memory_space<hbm>> -> memref<64x512xf32, #tpu.memory_space<hbm>>
    %dma_wait3A_2568 = arith.constant 0 : i32
    %dma_wait3A_2569 = arith.constant 0 : i32
    %dma_wait3A_2570 = tpu.memref_slice %arg8[%dma_wait3A_2568, %dma_wait3A_2569] : memref<80x512xf32, #tpu.memory_space<vmem>> -> memref<64x512xf32, #tpu.memory_space<vmem>>
    tpu.wait_dma2 semaphore(%arg14 : memref<!tpu.dma_semaphore, #tpu.memory_space<semaphore_mem>>) src(%dma_wait3A_2570 : memref<64x512xf32, #tpu.memory_space<vmem>>) dst(%dma_wait3A_2567 : memref<64x512xf32, #tpu.memory_space<hbm>>)
    %dma_wait3A_2571 = arith.constant 0 : i32
    %dma_wait3A_2572 = tpu.memref_slice %arg5[%add3A_2201, %dma_wait3A_2571] : memref<32768x512xf32, #tpu.memory_space<hbm>> -> memref<80x512xf32, #tpu.memory_space<hbm>>
    %dma_wait3A_2573 = arith.constant 0 : i32
    %dma_wait3A_2574 = tpu.memref_slice %arg5[%add3A_2201, %dma_wait3A_2573] : memref<32768x512xf32, #tpu.memory_space<hbm>> -> memref<80x512xf32, #tpu.memory_space<hbm>>
    tpu.wait_dma2 semaphore(%arg15 : memref<!tpu.dma_semaphore, #tpu.memory_space<semaphore_mem>>) src(%arg9 : memref<80x512xf32, #tpu.memory_space<vmem>>) dst(%dma_wait3A_2574 : memref<80x512xf32, #tpu.memory_space<hbm>>)
    %dma_wait3A_2575 = arith.constant 0 : i32
    %dma_wait3A_2576 = tpu.memref_slice %arg5[%add3A_2392, %dma_wait3A_2575] : memref<32768x512xf32, #tpu.memory_space<hbm>> -> memref<80x512xf32, #tpu.memory_space<hbm>>
    %dma_wait3A_2577 = arith.constant 0 : i32
    %dma_wait3A_2578 = tpu.memref_slice %arg5[%add3A_2392, %dma_wait3A_2577] : memref<32768x512xf32, #tpu.memory_space<hbm>> -> memref<80x512xf32, #tpu.memory_space<hbm>>
    tpu.wait_dma2 semaphore(%arg16 : memref<!tpu.dma_semaphore, #tpu.memory_space<semaphore_mem>>) src(%arg10 : memref<80x512xf32, #tpu.memory_space<vmem>>) dst(%dma_wait3A_2578 : memref<80x512xf32, #tpu.memory_space<hbm>>)
    return
  }
}

module attributes {stable_mosaic.version = 14 : i64} {
  func.func @body(%arg0: memref<4x8192xi32, #tpu.memory_space<vmem>>, %arg1: memref<4x8192xi32, #tpu.memory_space<vmem>>) attributes {dimension_semantics = [], scalar_prefetch = 0 : i64, scratch_operands = 0 : i64, tpu.core_type = #tpu.core_type<tc>} {
    %get3A = arith.constant 0 : index
    %get3A_0 = arith.constant 0 : index
    %get3A_1 = vector.load %arg0[%get3A, %get3A_0] : memref<4x8192xi32, #tpu.memory_space<vmem>>, vector<4x8192xi32>
    %iota3A = tpu.iota {dimensions = array<i32: 1>} : vector<4x8192xi32>
    %eq3A = arith.constant 256 : i32
    %eq3A_2 = vector.broadcast %eq3A : i32 to vector<4x8192xi32>
    %eq3A_3 = arith.cmpi eq, %get3A_1, %eq3A_2 : vector<4x8192xi32>
    %jit3A = arith.constant -1 : i32
    %broadcast_in_dim3A = vector.broadcast %jit3A : i32 to vector<4x8192xi32>
    %select_n3A = arith.select %eq3A_3, %iota3A, %broadcast_in_dim3A : vector<4x8192xi1>, vector<4x8192xi32>
    %broadcast_in_dim3A_4 = arith.constant -1 : i32
    %broadcast_in_dim3A_5 = vector.broadcast %broadcast_in_dim3A_4 : i32 to vector<4x1xi32>
    %slice3A = vector.extract_strided_slice %select_n3A {offsets = [0, 0], sizes = [4, 8191], strides = [1, 1]} : vector<4x8192xi32> to vector<4x8191xi32>
    %concatenate3A = tpu.concatenate %broadcast_in_dim3A_5, %slice3A in 1 : vector<4x1xi32>, vector<4x8191xi32> -> vector<4x8192xi32>
    %max3A = arith.maxsi %select_n3A, %concatenate3A : vector<4x8192xi32>
    %broadcast_in_dim3A_6 = arith.constant -1 : i32
    %broadcast_in_dim3A_7 = vector.broadcast %broadcast_in_dim3A_6 : i32 to vector<4x2xi32>
    %slice3A_8 = vector.extract_strided_slice %max3A {offsets = [0, 0], sizes = [4, 8190], strides = [1, 1]} : vector<4x8192xi32> to vector<4x8190xi32>
    %concatenate3A_9 = tpu.concatenate %broadcast_in_dim3A_7, %slice3A_8 in 1 : vector<4x2xi32>, vector<4x8190xi32> -> vector<4x8192xi32>
    %max3A_10 = arith.maxsi %max3A, %concatenate3A_9 : vector<4x8192xi32>
    %broadcast_in_dim3A_11 = arith.constant -1 : i32
    %broadcast_in_dim3A_12 = vector.broadcast %broadcast_in_dim3A_11 : i32 to vector<4x4xi32>
    %slice3A_13 = vector.extract_strided_slice %max3A_10 {offsets = [0, 0], sizes = [4, 8188], strides = [1, 1]} : vector<4x8192xi32> to vector<4x8188xi32>
    %concatenate3A_14 = tpu.concatenate %broadcast_in_dim3A_12, %slice3A_13 in 1 : vector<4x4xi32>, vector<4x8188xi32> -> vector<4x8192xi32>
    %max3A_15 = arith.maxsi %max3A_10, %concatenate3A_14 : vector<4x8192xi32>
    %broadcast_in_dim3A_16 = arith.constant -1 : i32
    %broadcast_in_dim3A_17 = vector.broadcast %broadcast_in_dim3A_16 : i32 to vector<4x8xi32>
    %slice3A_18 = vector.extract_strided_slice %max3A_15 {offsets = [0, 0], sizes = [4, 8184], strides = [1, 1]} : vector<4x8192xi32> to vector<4x8184xi32>
    %concatenate3A_19 = tpu.concatenate %broadcast_in_dim3A_17, %slice3A_18 in 1 : vector<4x8xi32>, vector<4x8184xi32> -> vector<4x8192xi32>
    %max3A_20 = arith.maxsi %max3A_15, %concatenate3A_19 : vector<4x8192xi32>
    %broadcast_in_dim3A_21 = arith.constant -1 : i32
    %broadcast_in_dim3A_22 = vector.broadcast %broadcast_in_dim3A_21 : i32 to vector<4x16xi32>
    %slice3A_23 = vector.extract_strided_slice %max3A_20 {offsets = [0, 0], sizes = [4, 8176], strides = [1, 1]} : vector<4x8192xi32> to vector<4x8176xi32>
    %concatenate3A_24 = tpu.concatenate %broadcast_in_dim3A_22, %slice3A_23 in 1 : vector<4x16xi32>, vector<4x8176xi32> -> vector<4x8192xi32>
    %max3A_25 = arith.maxsi %max3A_20, %concatenate3A_24 : vector<4x8192xi32>
    %broadcast_in_dim3A_26 = arith.constant -1 : i32
    %broadcast_in_dim3A_27 = vector.broadcast %broadcast_in_dim3A_26 : i32 to vector<4x32xi32>
    %slice3A_28 = vector.extract_strided_slice %max3A_25 {offsets = [0, 0], sizes = [4, 8160], strides = [1, 1]} : vector<4x8192xi32> to vector<4x8160xi32>
    %concatenate3A_29 = tpu.concatenate %broadcast_in_dim3A_27, %slice3A_28 in 1 : vector<4x32xi32>, vector<4x8160xi32> -> vector<4x8192xi32>
    %max3A_30 = arith.maxsi %max3A_25, %concatenate3A_29 : vector<4x8192xi32>
    %broadcast_in_dim3A_31 = arith.constant -1 : i32
    %broadcast_in_dim3A_32 = vector.broadcast %broadcast_in_dim3A_31 : i32 to vector<4x64xi32>
    %slice3A_33 = vector.extract_strided_slice %max3A_30 {offsets = [0, 0], sizes = [4, 8128], strides = [1, 1]} : vector<4x8192xi32> to vector<4x8128xi32>
    %concatenate3A_34 = tpu.concatenate %broadcast_in_dim3A_32, %slice3A_33 in 1 : vector<4x64xi32>, vector<4x8128xi32> -> vector<4x8192xi32>
    %max3A_35 = arith.maxsi %max3A_30, %concatenate3A_34 : vector<4x8192xi32>
    %broadcast_in_dim3A_36 = arith.constant -1 : i32
    %broadcast_in_dim3A_37 = vector.broadcast %broadcast_in_dim3A_36 : i32 to vector<4x128xi32>
    %slice3A_38 = vector.extract_strided_slice %max3A_35 {offsets = [0, 0], sizes = [4, 8064], strides = [1, 1]} : vector<4x8192xi32> to vector<4x8064xi32>
    %concatenate3A_39 = tpu.concatenate %broadcast_in_dim3A_37, %slice3A_38 in 1 : vector<4x128xi32>, vector<4x8064xi32> -> vector<4x8192xi32>
    %max3A_40 = arith.maxsi %max3A_35, %concatenate3A_39 : vector<4x8192xi32>
    %broadcast_in_dim3A_41 = arith.constant -1 : i32
    %broadcast_in_dim3A_42 = vector.broadcast %broadcast_in_dim3A_41 : i32 to vector<4x256xi32>
    %slice3A_43 = vector.extract_strided_slice %max3A_40 {offsets = [0, 0], sizes = [4, 7936], strides = [1, 1]} : vector<4x8192xi32> to vector<4x7936xi32>
    %concatenate3A_44 = tpu.concatenate %broadcast_in_dim3A_42, %slice3A_43 in 1 : vector<4x256xi32>, vector<4x7936xi32> -> vector<4x8192xi32>
    %max3A_45 = arith.maxsi %max3A_40, %concatenate3A_44 : vector<4x8192xi32>
    %broadcast_in_dim3A_46 = arith.constant -1 : i32
    %broadcast_in_dim3A_47 = vector.broadcast %broadcast_in_dim3A_46 : i32 to vector<4x512xi32>
    %slice3A_48 = vector.extract_strided_slice %max3A_45 {offsets = [0, 0], sizes = [4, 7680], strides = [1, 1]} : vector<4x8192xi32> to vector<4x7680xi32>
    %concatenate3A_49 = tpu.concatenate %broadcast_in_dim3A_47, %slice3A_48 in 1 : vector<4x512xi32>, vector<4x7680xi32> -> vector<4x8192xi32>
    %max3A_50 = arith.maxsi %max3A_45, %concatenate3A_49 : vector<4x8192xi32>
    %broadcast_in_dim3A_51 = arith.constant -1 : i32
    %broadcast_in_dim3A_52 = vector.broadcast %broadcast_in_dim3A_51 : i32 to vector<4x1024xi32>
    %slice3A_53 = vector.extract_strided_slice %max3A_50 {offsets = [0, 0], sizes = [4, 7168], strides = [1, 1]} : vector<4x8192xi32> to vector<4x7168xi32>
    %concatenate3A_54 = tpu.concatenate %broadcast_in_dim3A_52, %slice3A_53 in 1 : vector<4x1024xi32>, vector<4x7168xi32> -> vector<4x8192xi32>
    %max3A_55 = arith.maxsi %max3A_50, %concatenate3A_54 : vector<4x8192xi32>
    %broadcast_in_dim3A_56 = arith.constant -1 : i32
    %broadcast_in_dim3A_57 = vector.broadcast %broadcast_in_dim3A_56 : i32 to vector<4x2048xi32>
    %slice3A_58 = vector.extract_strided_slice %max3A_55 {offsets = [0, 0], sizes = [4, 6144], strides = [1, 1]} : vector<4x8192xi32> to vector<4x6144xi32>
    %concatenate3A_59 = tpu.concatenate %broadcast_in_dim3A_57, %slice3A_58 in 1 : vector<4x2048xi32>, vector<4x6144xi32> -> vector<4x8192xi32>
    %max3A_60 = arith.maxsi %max3A_55, %concatenate3A_59 : vector<4x8192xi32>
    %broadcast_in_dim3A_61 = arith.constant -1 : i32
    %broadcast_in_dim3A_62 = vector.broadcast %broadcast_in_dim3A_61 : i32 to vector<4x4096xi32>
    %slice3A_63 = vector.extract_strided_slice %max3A_60 {offsets = [0, 0], sizes = [4, 4096], strides = [1, 1]} : vector<4x8192xi32> to vector<4x4096xi32>
    %concatenate3A_64 = tpu.concatenate %broadcast_in_dim3A_62, %slice3A_63 in 1 : vector<4x4096xi32>, vector<4x4096xi32> -> vector<4x8192xi32>
    %max3A_65 = arith.maxsi %max3A_60, %concatenate3A_64 : vector<4x8192xi32>
    %eq3A_66 = arith.constant 257 : i32
    %eq3A_67 = vector.broadcast %eq3A_66 : i32 to vector<4x8192xi32>
    %eq3A_68 = arith.cmpi eq, %get3A_1, %eq3A_67 : vector<4x8192xi32>
    %jit3A_69 = arith.constant 8192 : i32
    %broadcast_in_dim3A_70 = vector.broadcast %jit3A_69 : i32 to vector<4x8192xi32>
    %select_n3A_71 = arith.select %eq3A_68, %iota3A, %broadcast_in_dim3A_70 : vector<4x8192xi1>, vector<4x8192xi32>
    %reduce_min3A = arith.constant dense<2147483647> : vector<4xi32>
    %reduce_min3A_72 = vector.multi_reduction <minsi>, %select_n3A_71, %reduce_min3A [1] : vector<4x8192xi32> to vector<4xi32>
    %broadcast_in_dim3A_73 = vector.shape_cast %reduce_min3A_72 : vector<4xi32> to vector<4x1xi32>
    %ge3A = arith.constant 0 : i32
    %ge3A_74 = vector.broadcast %ge3A : i32 to vector<4x8192xi32>
    %ge3A_75 = arith.cmpi sge, %max3A_65, %ge3A_74 : vector<4x8192xi32>
    %lt3A = vector.broadcast %broadcast_in_dim3A_73 : vector<4x1xi32> to vector<4x8192xi32>
    %lt3A_76 = arith.cmpi slt, %iota3A, %lt3A : vector<4x8192xi32>
    %and3A = arith.andi %ge3A_75, %lt3A_76 : vector<4x8192xi1>
    %lt3A_77 = arith.constant 256 : i32
    %lt3A_78 = vector.broadcast %lt3A_77 : i32 to vector<4x8192xi32>
    %lt3A_79 = arith.cmpi slt, %get3A_1, %lt3A_78 : vector<4x8192xi32>
    %and3A_80 = arith.andi %and3A, %lt3A_79 : vector<4x8192xi1>
    %sub3A = arith.subi %iota3A, %max3A_65 : vector<4x8192xi32>
    %sub3A_81 = arith.constant 1 : i32
    %sub3A_82 = vector.broadcast %sub3A_81 : i32 to vector<4x8192xi32>
    %sub3A_83 = arith.subi %sub3A, %sub3A_82 : vector<4x8192xi32>
    %max3A_84 = arith.constant 0 : i32
    %max3A_85 = vector.broadcast %max3A_84 : i32 to vector<4x8192xi32>
    %max3A_86 = arith.maxsi %sub3A_83, %max3A_85 : vector<4x8192xi32>
    %and3A_87 = arith.constant 15 : i32
    %and3A_88 = vector.broadcast %and3A_87 : i32 to vector<4x8192xi32>
    %and3A_89 = arith.andi %max3A_86, %and3A_88 : vector<4x8192xi32>
    %shift_right_arithmetic3A = arith.constant 4 : i32
    %shift_right_arithmetic3A_90 = vector.broadcast %shift_right_arithmetic3A : i32 to vector<4x8192xi32>
    %shift_right_arithmetic3A_91 = arith.shrsi %max3A_86, %shift_right_arithmetic3A_90 : vector<4x8192xi32>
    %and3A_92 = arith.constant 15 : i32
    %and3A_93 = vector.broadcast %and3A_92 : i32 to vector<4x8192xi32>
    %and3A_94 = arith.andi %shift_right_arithmetic3A_91, %and3A_93 : vector<4x8192xi32>
    %shift_left3A = arith.constant 4 : i32
    %shift_left3A_95 = vector.broadcast %shift_left3A : i32 to vector<4x8192xi32>
    %shift_left3A_96 = arith.shli %and3A_94, %shift_left3A_95 : vector<4x8192xi32>
    %or3A = arith.ori %and3A_89, %shift_left3A_96 : vector<4x8192xi32>
    %shift_right_arithmetic3A_97 = arith.constant 8 : i32
    %shift_right_arithmetic3A_98 = vector.broadcast %shift_right_arithmetic3A_97 : i32 to vector<4x8192xi32>
    %shift_right_arithmetic3A_99 = arith.shrsi %max3A_86, %shift_right_arithmetic3A_98 : vector<4x8192xi32>
    %and3A_100 = arith.constant 15 : i32
    %and3A_101 = vector.broadcast %and3A_100 : i32 to vector<4x8192xi32>
    %and3A_102 = arith.andi %shift_right_arithmetic3A_99, %and3A_101 : vector<4x8192xi32>
    %shift_left3A_103 = arith.constant 8 : i32
    %shift_left3A_104 = vector.broadcast %shift_left3A_103 : i32 to vector<4x8192xi32>
    %shift_left3A_105 = arith.shli %and3A_102, %shift_left3A_104 : vector<4x8192xi32>
    %or3A_106 = arith.ori %or3A, %shift_left3A_105 : vector<4x8192xi32>
    %jit3A_107 = arith.constant 4096 : i32
    %jit3A_108 = arith.constant 0 : i32
    %broadcast_in_dim3A_109 = vector.broadcast %jit3A_107 : i32 to vector<4x8192xi32>
    %broadcast_in_dim3A_110 = vector.broadcast %jit3A_108 : i32 to vector<4x8192xi32>
    %select_n3A_111 = arith.select %and3A_80, %broadcast_in_dim3A_109, %broadcast_in_dim3A_110 : vector<4x8192xi1>, vector<4x8192xi32>
    %or3A_112 = arith.ori %or3A_106, %select_n3A_111 : vector<4x8192xi32>
    %swap3A = arith.constant 0 : index
    %swap3A_113 = arith.constant 0 : index
    %swap3A_114 = vector.load %arg1[%swap3A, %swap3A_113] : memref<4x8192xi32, #tpu.memory_space<vmem>>, vector<4x8192xi32>
    tpu.vector_store %arg1[%swap3A, %swap3A_113], %or3A_112 {strides = array<i32>} : memref<4x8192xi32, #tpu.memory_space<vmem>>, vector<4x8192xi32>,
    return
  }
}

</mosaic_0001>

<sc_bundles>
// kernel: kernel.4.cloned.1.call-start
scs
__scs_entry_jumppad:
0x0: {  	(pc) =	sbr.rel $0x88, $3  }
0x1: {  	(tag) =	ssettag $0x0;
	lr =	simm.s32 $0x1  }
0x2: {  	[smem:$0x3F9F] =	sst lr;
	_ =	strace $0xD0000000  }
0x3: {  	_ = 	snop  }
0x4: {  	_ = 	snop  }
0x5: {  	_ = 	snop  }
0x6: {  	_ = 	snop  }
0x7: {  	_ = 	snop  }
__scs_overlays_trampoline_lowered:
0x8: {  	[smem:$0x3FAE] =	sst s0  }
0x9: {  	[smem:$0x3FAF] =	sst s1  }
0xa: {  	[smem:$0x3FB0] =	sst s2  }
0xb: {  	[smem:$0x3FB1] =	sst s3  }
0xc: {  	[smem:$0x3FB2] =	sst s4  }
0xd: {  	[smem:$0x3FB3] =	sst s5  }
0xe: {  	[smem:$0x3FB4] =	sst s6  }
0xf: {  	[smem:$0x3FB5] =	sst s7  }
0x10: {  	[smem:$0x3FB6] =	sst s8  }
0x11: {  	[smem:$0x3FB7] =	sst s9;
	s0 =	simm.s32 @!p0 $0x0  }
0x12: {  	s1 =	sld [smem:$0x3F9D];
	s0 =	simm.s32 @p0 $0x1  }
0x13: {  	[smem:$0x3FB8] =	sst s0;
	s0 =	simm.s32 @!p1 $0x0  }
0x14: {  	s2 =	sld [smem:$0x3F9C];
	s0 =	simm.s32 @p1 $0x1  }
0x15: {  	[smem:$0x3FB9] =	sst s0;
	s0 =	simm.s32 @!p2 $0x0  }
0x16: {  	s3 =	sld [smem:$0x3FDB];
	s0 =	simm.s32 @p2 $0x1  }
0x17: {  	s4 =	simm.s32 $0x1BF5;
	[smem:$0x3FBB] =	sst s0  }
0x18: {  	s0 =	sld [smem:$0x3F9E];
	_ =	swait.ge [sflag:s4], $0x0  }
0x19: {  	s7 =	sld [smem:$0x3F9F]  }
0x1a: {  	s8 =	sadd.s32 $0xFFFFE003, lr  }
0x1b: {  	s9 =	sadd.s32 $0xFFFFFEF7, lr;
	s5 =	simm.s32 $0xFFFFFFFF;
	p2 =	slt.u32 s8, $0xFFFFF086  }
0x1c: {  	p1 =	slt.u32 s9, $0xF7A;
	s5 =	simm.s32 @!p2 $0x0  }
0x1d: {  	s5 =	simm.s32 @p1 $0x1;
	p0 =	seq.s32 s7, s2  }
0x1e: {  	s7 =	smul.u32 @!p0 $0xF7A, s2;
	p2 =	seq.s32 @!p0 s5, $0x0  }
0x1f: {  	s9 =	smul.u32 $0xF7A, s1;
	s8 =	simm.s32 @!p0 $0x1BF5;
	p2 =	por !p2, p0  }
0x20: {  	[sflag:s8] =	ssyncset.s32 @!p0 $0xFFFFF086;
	s6 =	sadd.s32 @!p0 s3, s7;
	s7 =	simm.s32 @!p0 $0x108  }
0x21: {  	s3 =	sadd.s32 s3, s9;
	s6 =	sadd.s32 @!p0 $0x88, s6;
	s7 =	simm.s32 @p2 $0x1082  }
0x22: {  	[simem:s7], [sflag:s8] =	dma.local @!p0 [hbm:s6], $0xF7A  }
0x23: {  	s9 =	sor.u32 $0xD0000000, s2;
	s6 =	simm.s32 $0x108;
	_ =	swait.ge @!p0 [sflag:s8], $0x0  }
0x24: {  	s3 =	sadd.s32 $0x88, s3;
	s6 =	simm.s32 @!p1 $0x1082;
	[sflag:s4] =	ssyncset.s32 $0xFFFFF086  }
0x25: {  	[simem:s6], [sflag:s4] =	dma.local [hbm:s3], $0xF7A  }
0x26: {  	[smem:$0x3F9F] =	sst s1;
	(tag) =	ssettag s2;
	_ =	strace s9  }
0x27: {  	s1 =	sld [smem:$0x3FAF]  }
0x28: {  	s2 =	sld [smem:$0x3FB0]  }
0x29: {  	s4 =	sld [smem:$0x3FB2]  }
0x2a: {  	p0 =	seq.s32 s5, $0x0;
	s5 =	sld [smem:$0x3FB3]  }
0x2b: {  	s6 =	sld [smem:$0x3FB4]  }
0x2c: {  	s7 =	sld [smem:$0x3FB5]  }
0x2d: {  	s3 =	simm.s32 $0x108;
	s8 =	sld [smem:$0x3FB6]  }
0x2e: {  	s3 =	simm.s32 @!p0 $0x1082;
	s9 =	sld [smem:$0x3FB7]  }
0x2f: {  	lr =	sadd.s32 s0, s3;
	s0 =	sld [smem:$0x3FAE]  }
0x30: {  	s3 =	sld [smem:$0x3FB1]  }
0x31: {  	[smem:$0x3FBA] =	sst s10  }
0x32: {  	s10 =	sld [smem:$0x3FB8];
	_ =	sdelay $0x3  }
0x33: {  	p0 =	seq.s32 s10, $0x1;
	s10 =	sld [smem:$0x3FBA];
	_ =	sdelay $0x3  }
0x34: {  	[smem:$0x3FBA] =	sst s10  }
0x35: {  	s10 =	sld [smem:$0x3FB9];
	_ =	sdelay $0x3  }
0x36: {  	p1 =	seq.s32 s10, $0x1;
	s10 =	sld [smem:$0x3FBA];
	_ =	sdelay $0x3  }
0x37: {  	[smem:$0x3FBA] =	sst s10  }
0x38: {  	s10 =	sld [smem:$0x3FBB]  }
0x39: {  	_ = 	snop;
	(pc) =	sbr.ind lr, $3  }
0x3a: {  	_ = 	snop  }
0x3b: {  	_ = 	snop  }
0x3c: {  	p2 =	seq.s32 s10, $0x1;
	s10 =	sld [smem:$0x3FBA]  }
0x3d: {  	_ =	shalt  }
0x3e: {  	_ =	shalt  }
0x3f: {  	_ =	shalt  }
0x40: {  	_ =	shalt  }
0x41: {  	_ =	shalt  }
0x42: {  	_ =	shalt  }
0x43: {  	_ =	shalt  }
0x44: {  	_ =	shalt  }
0x45: {  	_ =	shalt  }
0x46: {  	_ =	shalt  }
0x47: {  	_ =	shalt  }
0x48: {  	_ =	shalt  }
0x49: {  	_ =	shalt  }
0x4a: {  	_ =	shalt  }
0x4b: {  	_ =	shalt  }
0x4c: {  	_ =	shalt  }
0x4d: {  	_ =	shalt  }
0x4e: {  	_ =	shalt  }
0x4f: {  	_ =	shalt  }
0x50: {  	_ =	shalt  }
0x51: {  	_ =	shalt  }
0x52: {  	_ =	shalt  }
0x53: {  	_ =	shalt  }
0x54: {  	_ =	shalt  }
0x55: {  	_ =	shalt  }
0x56: {  	_ =	shalt  }
0x57: {  	_ =	shalt  }
0x58: {  	_ =	shalt  }
0x59: {  	_ =	shalt  }
0x5a: {  	_ =	shalt  }
0x5b: {  	_ =	shalt  }
0x5c: {  	_ =	shalt  }
0x5d: {  	_ =	shalt  }
0x5e: {  	_ =	shalt  }
0x5f: {  	_ =	shalt  }
0x60: {  	_ =	shalt  }
0x61: {  	_ =	shalt  }
0x62: {  	_ =	shalt  }
0x63: {  	_ =	shalt  }
0x64: {  	_ =	shalt  }
0x65: {  	_ =	shalt  }
0x66: {  	_ =	shalt  }
0x67: {  	_ =	shalt  }
0x68: {  	_ =	shalt  }
0x69: {  	_ =	shalt  }
0x6a: {  	_ =	shalt  }
0x6b: {  	_ =	shalt  }
0x6c: {  	_ =	shalt  }
0x6d: {  	_ =	shalt  }
0x6e: {  	_ =	shalt  }
0x6f: {  	_ =	shalt  }
0x70: {  	_ =	shalt  }
0x71: {  	_ =	shalt  }
0x72: {  	_ =	shalt  }
0x73: {  	_ =	shalt  }
0x74: {  	_ =	shalt  }
0x75: {  	_ =	shalt  }
0x76: {  	_ =	shalt  }
0x77: {  	_ =	shalt  }
0x78: {  	_ =	shalt  }
0x79: {  	_ =	shalt  }
0x7a: {  	_ =	shalt  }
0x7b: {  	_ =	shalt  }
0x7c: {  	_ =	shalt  }
0x7d: {  	_ =	shalt  }
0x7e: {  	_ =	shalt  }
0x7f: {  	_ =	shalt  }
0x80: {  	_ =	shalt  }
0x81: {  	_ =	shalt  }
0x82: {  	_ =	shalt  }
0x83: {  	_ =	shalt  }
0x84: {  	_ =	shalt  }
0x85: {  	_ =	shalt  }
0x86: {  	_ =	shalt  }
0x87: {  	_ =	shalt  }
.Lfunc_end0:
.L_simem_size_0:
called_computation_lowered:
.L_overlay_start_0:
0x88: {  	s2 =	sld [smem:$0x3FD9]  }
0x89: {  	s3 =	sld [smem:$0x3FFE];
	_ =	sdelay $0x1  }
0x8a: {  	s1 =	srdreg.scid  }
0x8b: {  	s0 =	sand.u32 $0x1, s1  }
0x8c: {  	s17 =	sshll.u32 s0, $0xA;
	s2 =	sadd.s32 s3, s2  }
0x8d: {  	s2 =	sadd.s32 s2, s17  }
0x8e: {  	[smem:$0x3FC6] =	sst s2  }
0x8f: {  	_ = 	snop  }
0x90: {  	s2 =	sld [smem:$0x3FC8]  }
0x91: {  	s18 =	sld [smem:$0x3FD0];
	(tm) =	ssettm $0x1  }
0x92: {  	s4 =	sld [smem:$0x3FFB];
	_ =	sdelay $0x3  }
0x93: {  	_ =	strace s4  }
0x94: {  	s4 =	sld [smem:$0x3FFC];
	_ =	sdelay $0x3  }
0x95: {  	_ =	strace s4  }
0x96: {  	s4 =	sld [smem:$0x3FFD];
	_ =	sdelay $0x3  }
0x97: {  	_ =	strace s4  }
0x98: {  	_ =	strace $0x8FFFFFFF  }
0x99: {  	s19 =	sld [smem:$0x3FDB];
	_ =	sdelay $0x1  }
0x9a: {  	s5 =	simm.s32 $_scs_section_size  }
0x9b: {  	s6 =	simm.s32 $_size__tile_overlayer_lowered;
	s7 =	simm.s32 $_tile_overlayer_lowered  }
0x9c: {  	s22 =	simm.s32 $0x1BFF;
	s21 =	sshll.u32 s7, $0x1;
	s4 =	sadd.s32 s5, s19  }
0x9d: {  	s8 =	simm.s32 $0x0;
	s20 =	sshll.u32 s6, $0x1;
	s6 =	sadd.s32 s21, s4  }
0x9e: {  	[timem:s8], [sflag:s22] =	dma.local [hbm:s6], s20  }
0x9f: {  	_ =	swait.ge [sflag:s22], s20  }
0xa0: {  	s5 =	ssub.s32 $0x0, s20;
	[sflag:s22] =	ssyncset.done $0x0  }
0xa1: {  	[sflag:s22] =	ssyncadd.s32 s5;
	_ =	sdelay $0x1  }
0xa2: {  	s23 =	simm.s32 $0x1B8B  }
0xa3: {  	_ =	swait.ge [sflag:s23], $0x1  }
0xa4: {  	[sflag:s23] =	ssyncset.done $0x0  }
0xa5: {  	s25 =	simm.s32 $0x1B8E;
	s24 =	sld [smem:$0x3FFE];
	[sflag:s23] =	ssyncadd.s32 $0xFFFFFFFF  }
0xa6: {  	s26 =	simm.s32 $execute0_lowered;
	[smem:$0x3FD2] =	sst s25  }
0xa7: {  	s6 =	sshll.u32 s26, $0x1;
	_ =	strace $0x80000046;
	[dreg:$0x1] =	wrdreg $0xFFFFFFFF  }
0xa8: {  	s28 =	simm.s32 $_size_execute0_lowered;
	s4 =	sadd.s32 s4, s6;
	[dreg:$0x0] =	wrdreg $0x0  }
0xa9: {  	s6 =	sshll.u32 s28, $0x1;
	[dreg:$0x2] =	wrdreg s4  }
0xaa: {  	[dreg:$0x3] =	wrdreg s6  }
0xab: {  	[dreg:$0x4] =	wrdreg $0xC0  }
0xac: {  	_ =	task [dreg:s8], $0x5FFFF  }
0xad: {  	[dreg:$0x1] =	wrdreg $0xFFFFFFFF  }
0xae: {  	[dreg:$0x0] =	wrdreg $0x60  }
0xaf: {  	[dreg:$0x2] =	wrdreg s24  }
0xb0: {  	[dreg:$0x3] =	wrdreg s2  }
0xb1: {  	[dreg:$0x4] =	wrdreg s18  }
0xb2: {  	[dreg:$0x5] =	wrdreg $0x9  }
0xb3: {  	_ =	task.clear_ibuf [dreg:s8], $0x6FFFF;
	_ =	strace $0x90000046  }
0xb4: {  	s29 =	simm.s32 $0x9;
	_ =	strace $0x80000048  }
0xb5: {  	_ =	swait.ge [sflag:s29], $0x1  }
0xb6: {  	[sflag:s29] =	ssyncadd.s32 $0xFFFFFFFF  }
0xb7: {  	_ =	strace $0x90000048  }
0xb8: {  	_ =	sfence  }
0xb9: {  	s30 =	sld [smem:$0x0];
	_ =	sdelay $0x2  }
0xba: {  	s31 =	sshll.u32 s1, $0xD;
	s1 =	sshrl.u32 s1, $0x2  }
0xbb: {  	s3 =	sand.u32 $0x4000, s31;
	s1 =	sadd.s32 s1, s30  }
0xbc: {  	s0 =	sor.u32 s3, s0;
	s1 =	sshll.u32 s1, $0x11  }
0xbd: {  	s0 =	sor.u32 s1, s0  }
0xbe: {  	s0 =	sadd.s32 $0x8F2B, s0  }
0xbf: {  	[sflag:s0] =	ssyncadd.remote.s32 $0x1  }
0xc0: {  	_ =	sfence.sel $0xFFFF  }
0xc1: {  	[dreg:$0x0] =	wrdreg $0xFFFFFFFF;
	(pc) =	sbr.abs _section_cstart, $3  }
0xc2: {  	[dreg:$0x1] =	wrdreg $0xFFFFFFFF  }
0xc3: {  	_ =	task.clear_ibuf [dreg:s8], $0x2FFFF;
	_ =	strace $0x9FFFFFFF  }
0xc4: {  	(tm) =	ssettm $0x7FFFFFFF  }
0xc5: {  	_ =	shalt  }
tec
execute0_lowered:
.L_overlay_start_1:
0x0: {  	(tag) =	ssettag $0x1  }
0x1: {  	v0 =	vimm.s32 $0x17CE  }
0x2: {  	vm15 =	vcmask $0x300;
	vm14 =	vcmask $0x704;
	v2 =	vlaneseq.u32  }
0x3: {  	vm13 =	vcmask $0xB08;
	vm12 =	vcmask $0xF0C;
	vm11 =	vcmask $0x1310  }
0x4: {  	vm10 =	vcmask $0x1714;
	vm0 =	vmmov $0xffff;
	vm9 =	vcmask $0x1B18  }
0x5: {  	vm8 =	vcmask $0x1F1C;
	v5 =	vimm.s32 $0x17EE;
	vm1 =	vcmask $0x2320  }
0x6: {  	vm2 =	vcmask $0x2724;
	vm3 =	vcmask $0x2B28;
	vm4 =	vcmask $0x2F2C  }
0x7: {  	vm5 =	vcmask $0x3330;
	vm6 =	vcmask $0x3734;
	vm7 =	vcmask $0x3B38  }
0x8: {  	v8 =	vimm.s32 $0x37DE;
	v9 =	vimm.s32 $0x37EE;
	v10 =	vimm.s32 $0x57CE  }
0x9: {  	v11 =	vimm.s32 $0x57DE;
	v12 =	vimm.s32 $0x57EE;
	v13 =	vimm.s32 $0x77CE  }
0xa: {  	v14 =	vimm.s32 $0x77DE;
	v15 =	vimm.s32 $0x77EE;
	v16 =	vimm.s32 $0x97CE  }
0xb: {  	v17 =	vimm.s32 $0x97DE;
	v18 =	vimm.s32 $0x97EE;
	v0 =	vsel vm15, $0x44E, v0  }
0xc: {  	v3 =	vshrl.u32 v2, $0x3;
	v5 =	vsel vm15, $0x46E, v5;
	v8 =	vsel vm15, $0x245E, v8  }
0xd: {  	v9 =	vsel vm15, $0x246E, v9;
	v10 =	vsel vm15, $0x444E, v10;
	v11 =	vsel vm15, $0x445E, v11  }
0xe: {  	v12 =	vsel vm15, $0x446E, v12;
	v13 =	vsel vm15, $0x644E, v13;
	v14 =	vsel vm15, $0x645E, v14  }
0xf: {  	v15 =	vsel vm15, $0x646E, v15;
	v16 =	vsel vm15, $0x844E, v16;
	v17 =	vsel vm15, $0x845E, v17  }
0x10: {  	v18 =	vsel vm15, $0x846E, v18;
	v1 =	vsel vm14, $0x4CE, v0;
	v0 =	vand.u32 $0x7, v2  }
0x11: {  	v2 =	vor.u32 $0x8, v2;
	v5 =	vsel vm14, $0x4EE, v5;
	v8 =	vsel vm14, $0x24DE, v8  }
0x12: {  	v9 =	vsel vm14, $0x24EE, v9;
	v10 =	vsel vm14, $0x44CE, v10;
	v11 =	vsel vm14, $0x44DE, v11  }
0x13: {  	v12 =	vsel vm14, $0x44EE, v12;
	v13 =	vsel vm14, $0x64CE, v13;
	v14 =	vsel vm14, $0x64DE, v14  }
0x14: {  	v15 =	vsel vm14, $0x64EE, v15;
	v16 =	vsel vm14, $0x84CE, v16;
	v17 =	vsel vm14, $0x84DE, v17  }
0x15: {  	v18 =	vsel vm14, $0x84EE, v18;
	v1 =	vsel vm13, $0x54E, v1;
	v5 =	vsel vm13, $0x56E, v5  }
0x16: {  	v8 =	vsel vm13, $0x255E, v8;
	v9 =	vsel vm13, $0x256E, v9;
	v10 =	vsel vm13, $0x454E, v10  }
0x17: {  	v11 =	vsel vm13, $0x455E, v11;
	v12 =	vsel vm13, $0x456E, v12;
	v13 =	vsel vm13, $0x654E, v13  }
0x18: {  	v14 =	vsel vm13, $0x655E, v14;
	v15 =	vsel vm13, $0x656E, v15;
	v16 =	vsel vm13, $0x854E, v16  }
0x19: {  	v17 =	vsel vm13, $0x855E, v17;
	v18 =	vsel vm13, $0x856E, v18;
	v4 =	vsel vm12, $0x5CE, v1  }
0x1a: {  	v1 =	vmul.u32 $0x8, v3;
	v5 =	vsel vm12, $0x5EE, v5;
	v8 =	vsel vm12, $0x25DE, v8  }
0x1b: {  	v9 =	vsel vm12, $0x25EE, v9;
	v10 =	vsel vm12, $0x45CE, v10;
	v11 =	vsel vm12, $0x45DE, v11  }
0x1c: {  	v12 =	vsel vm12, $0x45EE, v12;
	v13 =	vsel vm12, $0x65CE, v13;
	v14 =	vsel vm12, $0x65DE, v14  }
0x1d: {  	v15 =	vsel vm12, $0x65EE, v15;
	v16 =	vsel vm12, $0x85CE, v16;
	v17 =	vsel vm12, $0x85DE, v17  }
0x1e: {  	v18 =	vsel vm12, $0x85EE, v18;
	v3 =	vsel vm11, $0x64E, v4;
	v4 =	vimm.s32 $0x17DE  }
0x1f: {  	v5 =	vsel vm11, $0x66E, v5;
	v8 =	vsel vm11, $0x265E, v8;
	v9 =	vsel vm11, $0x266E, v9  }
0x20: {  	v10 =	vsel vm11, $0x464E, v10;
	v11 =	vsel vm11, $0x465E, v11;
	v12 =	vsel vm11, $0x466E, v12  }
0x21: {  	v13 =	vsel vm11, $0x664E, v13;
	v14 =	vsel vm11, $0x665E, v14;
	v15 =	vsel vm11, $0x666E, v15  }
0x22: {  	v16 =	vsel vm11, $0x864E, v16;
	v17 =	vsel vm11, $0x865E, v17;
	v18 =	vsel vm11, $0x866E, v18  }
0x23: {  	v3 =	vsel vm10, $0x6CE, v3;
	v4 =	vsel vm15, $0x45E, v4;
	v5 =	vsel vm10, $0x6EE, v5  }
0x24: {  	v8 =	vsel vm10, $0x26DE, v8;
	v9 =	vsel vm10, $0x26EE, v9;
	v10 =	vsel vm10, $0x46CE, v10  }
0x25: {  	v11 =	vsel vm10, $0x46DE, v11;
	v12 =	vsel vm10, $0x46EE, v12;
	v13 =	vsel vm10, $0x66CE, v13  }
0x26: {  	v14 =	vsel vm10, $0x66DE, v14;
	v15 =	vsel vm10, $0x66EE, v15;
	v16 =	vsel vm10, $0x86CE, v16  }
0x27: {  	v17 =	vsel vm10, $0x86DE, v17;
	v18 =	vsel vm10, $0x86EE, v18;
	v3 =	vsel vm9, $0x74E, v3  }
0x28: {  	v4 =	vsel vm14, $0x4DE, v4;
	v5 =	vsel vm9, $0x76E, v5;
	v8 =	vsel vm9, $0x275E, v8  }
0x29: {  	v9 =	vsel vm9, $0x276E, v9;
	v10 =	vsel vm9, $0x474E, v10;
	v11 =	vsel vm9, $0x475E, v11  }
0x2a: {  	v12 =	vsel vm9, $0x476E, v12;
	v13 =	vsel vm9, $0x674E, v13;
	v14 =	vsel vm9, $0x675E, v14  }
0x2b: {  	v15 =	vsel vm9, $0x676E, v15;
	v16 =	vsel vm9, $0x874E, v16;
	v17 =	vsel vm9, $0x875E, v17  }
0x2c: {  	v18 =	vsel vm9, $0x876E, v18;
	v3 =	vsel vm8, $0x7CE, v3;
	v4 =	vsel vm13, $0x55E, v4  }
0x2d: {  	v5 =	vsel vm8, $0x7EE, v5;
	v8 =	vsel vm8, $0x27DE, v8;
	v9 =	vsel vm8, $0x27EE, v9  }
0x2e: {  	v10 =	vsel vm8, $0x47CE, v10;
	v11 =	vsel vm8, $0x47DE, v11;
	v12 =	vsel vm8, $0x47EE, v12  }
0x2f: {  	v13 =	vsel vm8, $0x67CE, v13;
	v14 =	vsel vm8, $0x67DE, v14;
	v15 =	vsel vm8, $0x67EE, v15  }
0x30: {  	v16 =	vsel vm8, $0x87CE, v16;
	v17 =	vsel vm8, $0x87DE, v17;
	v18 =	vsel vm8, $0x87EE, v18  }
0x31: {  	v3 =	vsel vm1, $0x144E, v3;
	v4 =	vsel vm12, $0x5DE, v4;
	v5 =	vsel vm1, $0x146E, v5  }
0x32: {  	v8 =	vsel vm1, $0x345E, v8;
	v9 =	vsel vm1, $0x346E, v9;
	v10 =	vsel vm1, $0x544E, v10  }
0x33: {  	v11 =	vsel vm1, $0x545E, v11;
	v12 =	vsel vm1, $0x546E, v12;
	v13 =	vsel vm1, $0x744E, v13  }
0x34: {  	v14 =	vsel vm1, $0x745E, v14;
	v15 =	vsel vm1, $0x746E, v15;
	v16 =	vsel vm1, $0x944E, v16  }
0x35: {  	v17 =	vsel vm1, $0x945E, v17;
	v18 =	vsel vm1, $0x946E, v18;
	v3 =	vsel vm2, $0x14CE, v3  }
0x36: {  	v4 =	vsel vm11, $0x65E, v4;
	v5 =	vsel vm2, $0x14EE, v5;
	v8 =	vsel vm2, $0x34DE, v8  }
0x37: {  	v9 =	vsel vm2, $0x34EE, v9;
	v10 =	vsel vm2, $0x54CE, v10;
	v11 =	vsel vm2, $0x54DE, v11  }
0x38: {  	v12 =	vsel vm2, $0x54EE, v12;
	v13 =	vsel vm2, $0x74CE, v13;
	v14 =	vsel vm2, $0x74DE, v14  }
0x39: {  	v15 =	vsel vm2, $0x74EE, v15;
	v16 =	vsel vm2, $0x94CE, v16;
	v17 =	vsel vm2, $0x94DE, v17  }
0x3a: {  	v18 =	vsel vm2, $0x94EE, v18;
	v3 =	vsel vm3, $0x154E, v3;
	v4 =	vsel vm10, $0x6DE, v4  }
0x3b: {  	v5 =	vsel vm3, $0x156E, v5;
	v8 =	vsel vm3, $0x355E, v8;
	v9 =	vsel vm3, $0x356E, v9  }
0x3c: {  	v10 =	vsel vm3, $0x554E, v10;
	v11 =	vsel vm3, $0x555E, v11;
	v12 =	vsel vm3, $0x556E, v12  }
0x3d: {  	v13 =	vsel vm3, $0x754E, v13;
	v14 =	vsel vm3, $0x755E, v14;
	v15 =	vsel vm3, $0x756E, v15  }
0x3e: {  	v16 =	vsel vm3, $0x954E, v16;
	v17 =	vsel vm3, $0x955E, v17;
	v18 =	vsel vm3, $0x956E, v18  }
0x3f: {  	v4 =	vsel vm9, $0x75E, v4;
	v3 =	vsel vm4, $0x15CE, v3;
	v5 =	vsel vm4, $0x15EE, v5  }
0x40: {  	v8 =	vsel vm4, $0x35DE, v8;
	v9 =	vsel vm4, $0x35EE, v9;
	v10 =	vsel vm4, $0x55CE, v10  }
0x41: {  	v11 =	vsel vm4, $0x55DE, v11;
	v12 =	vsel vm4, $0x55EE, v12;
	v13 =	vsel vm4, $0x75CE, v13  }
0x42: {  	v14 =	vsel vm4, $0x75DE, v14;
	v15 =	vsel vm4, $0x75EE, v15;
	v4 =	vsel vm8, $0x7DE, v4  }
0x43: {  	s0 =	srdreg.scid;
	v16 =	vsel vm4, $0x95CE, v16;
	v17 =	vsel vm4, $0x95DE, v17;
	v4 =	vsel vm1, $0x145E, v4  }
0x44: {  	s2 =	rddreg [dreg:$0x0];
	s3 =	stileid.u32;
	s0 =	sand.u32 $0x1, s0;
	v18 =	vsel vm4, $0x95EE, v18;
	v3 =	vsel vm5, $0x164E, v3;
	v4 =	vsel vm2, $0x14DE, v4  }
0x45: {  	s1 =	rddreg [dreg:$0x1];
	s3 =	sshll.u32 s3, $0xB;
	s4 =	sshll.u32 s0, $0xA;
	v5 =	vsel vm5, $0x166E, v5;
	v8 =	vsel vm5, $0x365E, v8;
	v4 =	vsel vm3, $0x155E, v4  }
0x46: {  	s5 =	rddreg [dreg:$0x2];
	s4 =	sor.u32 s4, s3;
	v9 =	vsel vm5, $0x366E, v9;
	v10 =	vsel vm5, $0x564E, v10;
	v4 =	vsel vm4, $0x15DE, v4  }
0x47: {  	s30 =	simm.s32 $0x400;
	s3 =	simm.s32 $0x0;
	s6 =	sshrl.u32 s4, $0x3;
	v11 =	vsel vm5, $0x565E, v11;
	v12 =	vsel vm5, $0x566E, v12;
	v4 =	vsel vm5, $0x165E, v4  }
0x48: {  	[smem:$0x7FF] =	sst s3;
	s4 =	sshll.u32 s4, $0x6;
	s2 =	sadd.s32 s6, s2;
	v13 =	vsel vm5, $0x764E, v13;
	v7 =	vsel vm6, $0x16EE, v5;
	v6 =	vsel vm6, $0x16DE, v4  }
0x49: {  	_ =	strace $0x80000047;
	s5 =	sadd.s32 s5, s4;
	[dreg:$0x12] =	wrdreg s30;
	v5 =	vsel vm7, $0x175E, v6;
	v6 =	vsel vm7, $0x176E, v7;
	v7 =	vimm.s32 $0x37CE  }
0x4a: {  	s6 =	sadd.s32 $0x600, s2;
	[dreg:$0x13] =	wrdreg s5;
	v14 =	vsel vm5, $0x765E, v14;
	v15 =	vsel vm5, $0x766E, v15;
	v7 =	vsel vm15, $0x244E, v7  }
0x4b: {  	s2 =	sadd.s32 $0x1600, s2;
	[dreg:$0x4] =	wrdreg s6;
	v16 =	vsel vm5, $0x964E, v16;
	v17 =	vsel vm5, $0x965E, v17;
	v7 =	vsel vm14, $0x24CE, v7  }
0x4c: {  	s15 =	sadd.s32 $0x1400, s5;
	[dreg:$0x5] =	wrdreg s2;
	v18 =	vsel vm5, $0x966E, v18;
	v3 =	vsel vm6, $0x16CE, v3;
	v7 =	vsel vm13, $0x254E, v7  }
0x4d: {  	s16 =	sadd.s32 $0x2800, s5;
	[dreg:$0x6] =	wrdreg s15;
	v8 =	vsel vm6, $0x36DE, v8;
	v9 =	vsel vm6, $0x36EE, v9;
	v7 =	vsel vm12, $0x25CE, v7  }
0x4e: {  	s17 =	sadd.s32 $0x3C00, s5;
	[dreg:$0x7] =	wrdreg s16;
	v10 =	vsel vm6, $0x56CE, v10;
	v11 =	vsel vm6, $0x56DE, v11;
	v7 =	vsel vm11, $0x264E, v7  }
0x4f: {  	s18 =	sadd.s32 $0x5000, s5;
	[dreg:$0x8] =	wrdreg s17;
	v12 =	vsel vm6, $0x56EE, v12;
	v13 =	vsel vm6, $0x76CE, v13;
	v7 =	vsel vm10, $0x26CE, v7  }
0x50: {  	s8 =	simm.s32 $0x800;
	s19 =	sadd.s32 $0x6400, s5;
	[dreg:$0x9] =	wrdreg s18;
	v14 =	vsel vm6, $0x76DE, v14;
	v15 =	vsel vm6, $0x76EE, v15;
	v7 =	vsel vm9, $0x274E, v7  }
0x51: {  	s29 =	simm.s32 $0xA800;
	s20 =	sadd.s32 $0x7800, s5;
	[dreg:$0xa] =	wrdreg s19;
	v16 =	vsel vm6, $0x96CE, v16;
	v17 =	vsel vm6, $0x96DE, v17;
	v7 =	vsel vm8, $0x27CE, v7  }
0x52: {  	s31 =	simm.s32 $0x14800;
	s21 =	sadd.s32 $0x8C00, s5;
	[dreg:$0xb] =	wrdreg s20;
	v18 =	vsel vm6, $0x96EE, v18;
	v3 =	vsel vm7, $0x174E, v3;
	v7 =	vsel vm1, $0x344E, v7  }
0x53: {  	s0 =	ssub.s32 $0x2, s0;
	s22 =	sadd.s32 $0xA000, s5;
	[dreg:$0xc] =	wrdreg s21;
	v8 =	vsel vm7, $0x375E, v8;
	v9 =	vsel vm7, $0x376E, v9;
	v7 =	vsel vm2, $0x34CE, v7  }
0x54: {  	s25 =	sshrl.u32 s0, $0x1;
	s23 =	sadd.s32 $0xB400, s5;
	[dreg:$0xd] =	wrdreg s22;
	v10 =	vsel vm7, $0x574E, v10;
	v11 =	vsel vm7, $0x575E, v11;
	v7 =	vsel vm3, $0x354E, v7  }
0x55: {  	s0 =	ssub.s32 s0, s25;
	s24 =	sadd.s32 $0xC800, s5;
	[dreg:$0xe] =	wrdreg s23;
	v12 =	vsel vm7, $0x576E, v12;
	v13 =	vsel vm7, $0x774E, v13;
	v7 =	vsel vm4, $0x35CE, v7  }
0x56: {  	s25 =	simm.s32 $0x4;
	s26 =	sadd.s32 $0xDC00, s5;
	[dreg:$0xf] =	wrdreg s24;
	v14 =	vsel vm7, $0x775E, v14;
	v15 =	vsel vm7, $0x776E, v15;
	v7 =	vsel vm5, $0x364E, v7  }
0x57: {  	s28 =	sadd.s32 $0xF000, s5;
	s5 =	sadd.s32 $0x100, s1;
	[dreg:$0x10] =	wrdreg s26;
	v16 =	vsel vm7, $0x974E, v16;
	v17 =	vsel vm7, $0x975E, v17;
	v7 =	vsel vm6, $0x36CE, v7  }
0x58: {  	[dreg:$0x11] =	wrdreg s28;
	s6 =	smax.u32 s0, $0x1;
	s24 =	simm.s32 $0x1;
	v18 =	vsel vm7, $0x976E, v18;
	v4 =	vimm.f32 $1.000000000e+00;
	v7 =	vsel vm7, $0x374E, v7  }
.LBB2_1:
0x59: {  	s0 =	rddreg [dreg:$0x4];
	s7 =	simm.s32 $0x7  }
0x5a: {  	[tilespmem:s3], [sflag:$0x7] =	stream.linear.gather [hbm4b:s0+s3], $0x400, $0x38;
	[tilespmem:$0x1E800] =	vst v63  }
0x5b: {  	_ =	swait.ge [sflag:s7], $0x400  }
0x5c: {  	s12 =	rddreg [dreg:$0x5];
	[sflag:s7] =	ssyncset.done $0x0  }
0x5d: {  	s4 =	rddreg [dreg:$0x12];
	[sflag:s7] =	ssyncadd.s32 $0xFFFFFC00  }
0x5e: {  	[tilespmem:s4], [sflag:$0x7] =	stream.linear.gather [hbm4b:s12+s3], $0x400, $0x38;
	[tilespmem:$0x1E800] =	vst v63  }
0x5f: {  	_ =	swait.ge [sflag:s7], $0x400  }
0x60: {  	[sflag:s7] =	ssyncset.done $0x0  }
0x61: {  	[sflag:s7] =	ssyncadd.s32 $0xFFFFFC00  }
0x62: {  	v19 =	vld [tilespmem:$0x0];
	_ =	sdelay $0x4  }
0x63: {  	v20 =	vshll.u32 v19, $0x2  }
0x64: {  	v19 =	vand.u32 $0x7, v19;
	v20 =	vand.u32 $0xFFFFFFE0, v20  }
0x65: {  	v19 =	vor.u32 v19, v20  }
0x66: {  	v20 =	vperm.xlane v19, v0;
	_ =	sdelay $0x1  }
0x67: {  	v20 =	vadd.s32 v1, v20;
	_ =	sdelay $0x1  }
0x68: {  	v19 =	vperm.xlane v19, v2;
	_ =	sdelay $0x1  }
0x69: {  	v19 =	vadd.s32 v1, v19  }
0x6a: {  	[tilespmem:s8], [sflag:$0x1] =	stream.indirect_vreg.gather [hbm4b:s1+s3], $0x80, v20, vm0, $0xb8;
	[tilespmem:$0x1E800] =	vst v63  }
0x6b: {  	s13 =	simm.s32 $0x1000  }
0x6c: {  	[tilespmem:s13], [sflag:$0x1] =	stream.indirect_vreg.gather [hbm4b:s5+s3], $0x80, v20, vm0, $0xb8;
	[tilespmem:$0x1E800] =	vst v63  }
0x6d: {  	s14 =	simm.s32 $0x1800  }
0x6e: {  	[tilespmem:s14], [sflag:$0x1] =	stream.indirect_vreg.gather [hbm4b:s1+s3], $0x80, v19, vm0, $0xb8;
	[tilespmem:$0x1E800] =	vst v63  }
0x6f: {  	s15 =	simm.s32 $0x2000  }
0x70: {  	[tilespmem:s15], [sflag:$0x1] =	stream.indirect_vreg.gather [hbm4b:s5+s3], $0x80, v19, vm0, $0xb8;
	[tilespmem:$0x1E800] =	vst v63  }
0x71: {  	v19 =	vld [tilespmem:$0x10];
	_ =	sdelay $0x4  }
0x72: {  	v20 =	vshll.u32 v19, $0x2  }
0x73: {  	v19 =	vand.u32 $0x7, v19;
	v20 =	vand.u32 $0xFFFFFFE0, v20  }
0x74: {  	v19 =	vor.u32 v19, v20  }
0x75: {  	v20 =	vperm.xlane v19, v0;
	_ =	sdelay $0x1  }
0x76: {  	v20 =	vadd.s32 v1, v20;
	_ =	sdelay $0x1  }
0x77: {  	v19 =	vperm.xlane v19, v2;
	_ =	sdelay $0x1  }
0x78: {  	s16 =	simm.s32 $0x2800;
	v19 =	vadd.s32 v1, v19  }
0x79: {  	[tilespmem:s16], [sflag:$0x1] =	stream.indirect_vreg.gather [hbm4b:s1+s3], $0x80, v20, vm0, $0xb8;
	[tilespmem:$0x1E800] =	vst v63  }
0x7a: {  	s17 =	simm.s32 $0x3000  }
0x7b: {  	[tilespmem:s17], [sflag:$0x1] =	stream.indirect_vreg.gather [hbm4b:s5+s3], $0x80, v20, vm0, $0xb8;
	[tilespmem:$0x1E800] =	vst v63  }
0x7c: {  	s18 =	simm.s32 $0x3800  }
0x7d: {  	[tilespmem:s18], [sflag:$0x1] =	stream.indirect_vreg.gather [hbm4b:s1+s3], $0x80, v19, vm0, $0xb8;
	[tilespmem:$0x1E800] =	vst v63  }
0x7e: {  	s19 =	simm.s32 $0x4000  }
0x7f: {  	[tilespmem:s19], [sflag:$0x1] =	stream.indirect_vreg.gather [hbm4b:s5+s3], $0x80, v19, vm0, $0xb8;
	[tilespmem:$0x1E800] =	vst v63  }
0x80: {  	v19 =	vld [tilespmem:$0x20];
	_ =	sdelay $0x4  }
0x81: {  	v20 =	vshll.u32 v19, $0x2  }
0x82: {  	v19 =	vand.u32 $0x7, v19;
	v20 =	vand.u32 $0xFFFFFFE0, v20  }
0x83: {  	v19 =	vor.u32 v19, v20  }
0x84: {  	v20 =	vperm.xlane v19, v0;
	_ =	sdelay $0x1  }
0x85: {  	v20 =	vadd.s32 v1, v20;
	_ =	sdelay $0x1  }
0x86: {  	v19 =	vperm.xlane v19, v2;
	_ =	sdelay $0x1  }
0x87: {  	s20 =	simm.s32 $0x4800;
	v19 =	vadd.s32 v1, v19  }
0x88: {  	[tilespmem:s20], [sflag:$0x1] =	stream.indirect_vreg.gather [hbm4b:s1+s3], $0x80, v20, vm0, $0xb8;
	[tilespmem:$0x1E800] =	vst v63  }
0x89: {  	s23 =	simm.s32 $0x5000  }
0x8a: {  	[tilespmem:s23], [sflag:$0x1] =	stream.indirect_vreg.gather [hbm4b:s5+s3], $0x80, v20, vm0, $0xb8;
	[tilespmem:$0x1E800] =	vst v63  }
0x8b: {  	s28 =	simm.s32 $0x5800  }
0x8c: {  	[tilespmem:s28], [sflag:$0x1] =	stream.indirect_vreg.gather [hbm4b:s1+s3], $0x80, v19, vm0, $0xb8;
	[tilespmem:$0x1E800] =	vst v63  }
0x8d: {  	s30 =	simm.s32 $0x6000  }
0x8e: {  	[tilespmem:s30], [sflag:$0x1] =	stream.indirect_vreg.gather [hbm4b:s5+s3], $0x80, v19, vm0, $0xb8;
	[tilespmem:$0x1E800] =	vst v63  }
0x8f: {  	v19 =	vld [tilespmem:$0x30];
	_ =	sdelay $0x4  }
0x90: {  	v20 =	vshll.u32 v19, $0x2  }
0x91: {  	v19 =	vand.u32 $0x7, v19;
	v20 =	vand.u32 $0xFFFFFFE0, v20  }
0x92: {  	v19 =	vor.u32 v19, v20  }
0x93: {  	v20 =	vperm.xlane v19, v0;
	_ =	sdelay $0x1  }
0x94: {  	v20 =	vadd.s32 v1, v20;
	_ =	sdelay $0x1  }
0x95: {  	v19 =	vperm.xlane v19, v2;
	_ =	sdelay $0x1  }
0x96: {  	s2 =	simm.s32 $0x6800;
	v19 =	vadd.s32 v1, v19  }
0x97: {  	[tilespmem:s2], [sflag:$0x1] =	stream.indirect_vreg.gather [hbm4b:s1+s3], $0x80, v20, vm0, $0xb8;
	[tilespmem:$0x1E800] =	vst v63  }
0x98: {  	s4 =	simm.s32 $0x7000  }
0x99: {  	[tilespmem:s4], [sflag:$0x1] =	stream.indirect_vreg.gather [hbm4b:s5+s3], $0x80, v20, vm0, $0xb8;
	[tilespmem:$0x1E800] =	vst v63  }
0x9a: {  	s7 =	simm.s32 $0x7800  }
0x9b: {  	[tilespmem:s7], [sflag:$0x1] =	stream.indirect_vreg.gather [hbm4b:s1+s3], $0x80, v19, vm0, $0xb8;
	[tilespmem:$0x1E800] =	vst v63  }
0x9c: {  	s9 =	simm.s32 $0x8000  }
0x9d: {  	[tilespmem:s9], [sflag:$0x1] =	stream.indirect_vreg.gather [hbm4b:s5+s3], $0x80, v19, vm0, $0xb8;
	[tilespmem:$0x1E800] =	vst v63  }
0x9e: {  	v19 =	vld [tilespmem:$0x40];
	_ =	sdelay $0x4  }
0x9f: {  	v20 =	vshll.u32 v19, $0x2  }
0xa0: {  	v19 =	vand.u32 $0x7, v19;
	v20 =	vand.u32 $0xFFFFFFE0, v20  }
0xa1: {  	v19 =	vor.u32 v19, v20  }
0xa2: {  	v20 =	vperm.xlane v19, v0;
	_ =	sdelay $0x1  }
0xa3: {  	v20 =	vadd.s32 v1, v20;
	_ =	sdelay $0x1  }
0xa4: {  	v19 =	vperm.xlane v19, v2;
	_ =	sdelay $0x1  }
0xa5: {  	s10 =	simm.s32 $0x8800;
	v19 =	vadd.s32 v1, v19  }
0xa6: {  	[tilespmem:s10], [sflag:$0x1] =	stream.indirect_vreg.gather [hbm4b:s1+s3], $0x80, v20, vm0, $0xb8;
	[tilespmem:$0x1E800] =	vst v63  }
0xa7: {  	s28 =	simm.s32 $0x9000  }
0xa8: {  	[tilespmem:s28], [sflag:$0x1] =	stream.indirect_vreg.gather [hbm4b:s5+s3], $0x80, v20, vm0, $0xb8;
	[tilespmem:$0x1E800] =	vst v63  }
0xa9: {  	s30 =	simm.s32 $0x9800  }
0xaa: {  	[tilespmem:s30], [sflag:$0x1] =	stream.indirect_vreg.gather [hbm4b:s1+s3], $0x80, v19, vm0, $0xb8;
	[tilespmem:$0x1E800] =	vst v63  }
0xab: {  	s2 =	simm.s32 $0xA000  }
0xac: {  	[tilespmem:s2], [sflag:$0x1] =	stream.indirect_vreg.gather [hbm4b:s5+s3], $0x80, v19, vm0, $0xb8;
	[tilespmem:$0x1E800] =	vst v63  }
0xad: {  	v19 =	vld [tilespmem:$0x50];
	_ =	sdelay $0x4  }
0xae: {  	v20 =	vshll.u32 v19, $0x2  }
0xaf: {  	v19 =	vand.u32 $0x7, v19;
	v20 =	vand.u32 $0xFFFFFFE0, v20  }
0xb0: {  	v19 =	vor.u32 v19, v20  }
0xb1: {  	v20 =	vperm.xlane v19, v0;
	_ =	sdelay $0x1  }
0xb2: {  	v20 =	vadd.s32 v1, v20;
	_ =	sdelay $0x1  }
0xb3: {  	v19 =	vperm.xlane v19, v2;
	_ =	sdelay $0x1  }
0xb4: {  	v19 =	vadd.s32 v1, v19  }
0xb5: {  	[tilespmem:s29], [sflag:$0x2] =	stream.indirect_vreg.gather [hbm4b:s1+s3], $0x80, v20, vm0, $0xb8;
	[tilespmem:$0x1E800] =	vst v63  }
0xb6: {  	s4 =	simm.s32 $0xB000  }
0xb7: {  	[tilespmem:s4], [sflag:$0x2] =	stream.indirect_vreg.gather [hbm4b:s5+s3], $0x80, v20, vm0, $0xb8;
	[tilespmem:$0x1E800] =	vst v63  }
0xb8: {  	s7 =	simm.s32 $0xB800  }
0xb9: {  	[tilespmem:s7], [sflag:$0x2] =	stream.indirect_vreg.gather [hbm4b:s1+s3], $0x80, v19, vm0, $0xb8;
	[tilespmem:$0x1E800] =	vst v63  }
0xba: {  	s4 =	simm.s32 $0xC000  }
0xbb: {  	[tilespmem:s4], [sflag:$0x2] =	stream.indirect_vreg.gather [hbm4b:s5+s3], $0x80, v19, vm0, $0xb8;
	[tilespmem:$0x1E800] =	vst v63  }
0xbc: {  	v19 =	vld [tilespmem:$0x60];
	_ =	sdelay $0x4  }
0xbd: {  	v20 =	vshll.u32 v19, $0x2  }
0xbe: {  	v19 =	vand.u32 $0x7, v19;
	v20 =	vand.u32 $0xFFFFFFE0, v20  }
0xbf: {  	v19 =	vor.u32 v19, v20  }
0xc0: {  	v20 =	vperm.xlane v19, v0;
	_ =	sdelay $0x1  }
0xc1: {  	v20 =	vadd.s32 v1, v20;
	_ =	sdelay $0x1  }
0xc2: {  	v19 =	vperm.xlane v19, v2;
	_ =	sdelay $0x1  }
0xc3: {  	s7 =	simm.s32 $0xC800;
	v19 =	vadd.s32 v1, v19  }
0xc4: {  	[tilespmem:s7], [sflag:$0x2] =	stream.indirect_vreg.gather [hbm4b:s1+s3], $0x80, v20, vm0, $0xb8;
	[tilespmem:$0x1E800] =	vst v63  }
0xc5: {  	s7 =	simm.s32 $0xD000  }
0xc6: {  	[tilespmem:s7], [sflag:$0x2] =	stream.indirect_vreg.gather [hbm4b:s5+s3], $0x80, v20, vm0, $0xb8;
	[tilespmem:$0x1E800] =	vst v63  }
0xc7: {  	s7 =	simm.s32 $0xD800  }
0xc8: {  	[tilespmem:s7], [sflag:$0x2] =	stream.indirect_vreg.gather [hbm4b:s1+s3], $0x80, v19, vm0, $0xb8;
	[tilespmem:$0x1E800] =	vst v63  }
0xc9: {  	s7 =	simm.s32 $0xE000  }
0xca: {  	[tilespmem:s7], [sflag:$0x2] =	stream.indirect_vreg.gather [hbm4b:s5+s3], $0x80, v19, vm0, $0xb8;
	[tilespmem:$0x1E800] =	vst v63  }
0xcb: {  	v19 =	vld [tilespmem:$0x70];
	_ =	sdelay $0x4  }
0xcc: {  	v20 =	vshll.u32 v19, $0x2  }
0xcd: {  	v19 =	vand.u32 $0x7, v19;
	v20 =	vand.u32 $0xFFFFFFE0, v20  }
0xce: {  	v19 =	vor.u32 v19, v20  }
0xcf: {  	v20 =	vperm.xlane v19, v0;
	_ =	sdelay $0x1  }
0xd0: {  	v20 =	vadd.s32 v1, v20;
	_ =	sdelay $0x1  }
0xd1: {  	v19 =	vperm.xlane v19, v2;
	_ =	sdelay $0x1  }
0xd2: {  	s0 =	simm.s32 $0xE800;
	v19 =	vadd.s32 v1, v19  }
0xd3: {  	[tilespmem:s0], [sflag:$0x2] =	stream.indirect_vreg.gather [hbm4b:s1+s3], $0x80, v20, vm0, $0xb8;
	[tilespmem:$0x1E800] =	vst v63  }
0xd4: {  	s0 =	simm.s32 $0xF000  }
0xd5: {  	[tilespmem:s0], [sflag:$0x2] =	stream.indirect_vreg.gather [hbm4b:s5+s3], $0x80, v20, vm0, $0xb8;
	[tilespmem:$0x1E800] =	vst v63  }
0xd6: {  	s0 =	simm.s32 $0xF800  }
0xd7: {  	[tilespmem:s0], [sflag:$0x2] =	stream.indirect_vreg.gather [hbm4b:s1+s3], $0x80, v19, vm0, $0xb8;
	[tilespmem:$0x1E800] =	vst v63  }
0xd8: {  	s0 =	simm.s32 $0x10000  }
0xd9: {  	[tilespmem:s0], [sflag:$0x2] =	stream.indirect_vreg.gather [hbm4b:s5+s3], $0x80, v19, vm0, $0xb8;
	[tilespmem:$0x1E800] =	vst v63  }
0xda: {  	v19 =	vld [tilespmem:$0x80];
	_ =	sdelay $0x4  }
0xdb: {  	v20 =	vshll.u32 v19, $0x2  }
0xdc: {  	v19 =	vand.u32 $0x7, v19;
	v20 =	vand.u32 $0xFFFFFFE0, v20  }
0xdd: {  	v19 =	vor.u32 v19, v20  }
0xde: {  	v20 =	vperm.xlane v19, v0;
	_ =	sdelay $0x1  }
0xdf: {  	v20 =	vadd.s32 v1, v20;
	_ =	sdelay $0x1  }
0xe0: {  	v19 =	vperm.xlane v19, v2;
	_ =	sdelay $0x1  }
0xe1: {  	s0 =	simm.s32 $0x10800;
	v19 =	vadd.s32 v1, v19  }
0xe2: {  	[tilespmem:s0], [sflag:$0x2] =	stream.indirect_vreg.gather [hbm4b:s1+s3], $0x80, v20, vm0, $0xb8;
	[tilespmem:$0x1E800] =	vst v63  }
0xe3: {  	s0 =	simm.s32 $0x11000  }
0xe4: {  	[tilespmem:s0], [sflag:$0x2] =	stream.indirect_vreg.gather [hbm4b:s5+s3], $0x80, v20, vm0, $0xb8;
	[tilespmem:$0x1E800] =	vst v63  }
0xe5: {  	s0 =	simm.s32 $0x11800  }
0xe6: {  	[tilespmem:s0], [sflag:$0x2] =	stream.indirect_vreg.gather [hbm4b:s1+s3], $0x80, v19, vm0, $0xb8;
	[tilespmem:$0x1E800] =	vst v63  }
0xe7: {  	s0 =	simm.s32 $0x12000  }
0xe8: {  	[tilespmem:s0], [sflag:$0x2] =	stream.indirect_vreg.gather [hbm4b:s5+s3], $0x80, v19, vm0, $0xb8;
	[tilespmem:$0x1E800] =	vst v63  }
0xe9: {  	v19 =	vld [tilespmem:$0x90];
	_ =	sdelay $0x4  }
0xea: {  	v20 =	vshll.u32 v19, $0x2  }
0xeb: {  	v19 =	vand.u32 $0x7, v19;
	v20 =	vand.u32 $0xFFFFFFE0, v20  }
0xec: {  	v19 =	vor.u32 v19, v20  }
0xed: {  	v20 =	vperm.xlane v19, v0;
	_ =	sdelay $0x1  }
0xee: {  	v20 =	vadd.s32 v1, v20;
	_ =	sdelay $0x1  }
0xef: {  	v19 =	vperm.xlane v19, v2;
	_ =	sdelay $0x1  }
0xf0: {  	s0 =	simm.s32 $0x12800;
	v19 =	vadd.s32 v1, v19  }
0xf1: {  	[tilespmem:s0], [sflag:$0x2] =	stream.indirect_vreg.gather [hbm4b:s1+s3], $0x80, v20, vm0, $0xb8;
	[tilespmem:$0x1E800] =	vst v63  }
0xf2: {  	s0 =	simm.s32 $0x13000  }
0xf3: {  	[tilespmem:s0], [sflag:$0x2] =	stream.indirect_vreg.gather [hbm4b:s5+s3], $0x80, v20, vm0, $0xb8;
	[tilespmem:$0x1E800] =	vst v63  }
0xf4: {  	s0 =	simm.s32 $0x13800  }
0xf5: {  	[tilespmem:s0], [sflag:$0x2] =	stream.indirect_vreg.gather [hbm4b:s1+s3], $0x80, v19, vm0, $0xb8;
	[tilespmem:$0x1E800] =	vst v63  }
0xf6: {  	s0 =	simm.s32 $0x14000  }
0xf7: {  	[tilespmem:s0], [sflag:$0x2] =	stream.indirect_vreg.gather [hbm4b:s5+s3], $0x80, v19, vm0, $0xb8;
	[tilespmem:$0x1E800] =	vst v63  }
0xf8: {  	v19 =	vld [tilespmem:$0xA0];
	_ =	sdelay $0x4  }
0xf9: {  	v20 =	vshll.u32 v19, $0x2  }
0xfa: {  	v19 =	vand.u32 $0x7, v19;
	v20 =	vand.u32 $0xFFFFFFE0, v20  }
0xfb: {  	v19 =	vor.u32 v19, v20  }
0xfc: {  	v20 =	vperm.xlane v19, v0;
	_ =	sdelay $0x1  }
0xfd: {  	v20 =	vadd.s32 v1, v20;
	_ =	sdelay $0x1  }
0xfe: {  	v19 =	vperm.xlane v19, v2;
	_ =	sdelay $0x1  }
0xff: {  	v19 =	vadd.s32 v1, v19  }
0x100: {  	[tilespmem:s31], [sflag:$0x3] =	stream.indirect_vreg.gather [hbm4b:s1+s3], $0x80, v20, vm0, $0xb8;
	[tilespmem:$0x1E800] =	vst v63  }
0x101: {  	s0 =	simm.s32 $0x15000  }
0x102: {  	[tilespmem:s0], [sflag:$0x3] =	stream.indirect_vreg.gather [hbm4b:s5+s3], $0x80, v20, vm0, $0xb8;
	[tilespmem:$0x1E800] =	vst v63  }
0x103: {  	s0 =	simm.s32 $0x15800  }
0x104: {  	[tilespmem:s0], [sflag:$0x3] =	stream.indirect_vreg.gather [hbm4b:s1+s3], $0x80, v19, vm0, $0xb8;
	[tilespmem:$0x1E800] =	vst v63  }
0x105: {  	s0 =	simm.s32 $0x16000  }
0x106: {  	[tilespmem:s0], [sflag:$0x3] =	stream.indirect_vreg.gather [hbm4b:s5+s3], $0x80, v19, vm0, $0xb8;
	[tilespmem:$0x1E800] =	vst v63  }
0x107: {  	v19 =	vld [tilespmem:$0xB0];
	_ =	sdelay $0x4  }
0x108: {  	v20 =	vshll.u32 v19, $0x2  }
0x109: {  	v19 =	vand.u32 $0x7, v19;
	v20 =	vand.u32 $0xFFFFFFE0, v20  }
0x10a: {  	v19 =	vor.u32 v19, v20  }
0x10b: {  	v20 =	vperm.xlane v19, v0;
	_ =	sdelay $0x1  }
0x10c: {  	v20 =	vadd.s32 v1, v20;
	_ =	sdelay $0x1  }
0x10d: {  	v19 =	vperm.xlane v19, v2;
	_ =	sdelay $0x1  }
0x10e: {  	s0 =	simm.s32 $0x16800;
	v19 =	vadd.s32 v1, v19  }
0x10f: {  	[tilespmem:s0], [sflag:$0x3] =	stream.indirect_vreg.gather [hbm4b:s1+s3], $0x80, v20, vm0, $0xb8;
	[tilespmem:$0x1E800] =	vst v63  }
0x110: {  	s0 =	simm.s32 $0x17000  }
0x111: {  	[tilespmem:s0], [sflag:$0x3] =	stream.indirect_vreg.gather [hbm4b:s5+s3], $0x80, v20, vm0, $0xb8;
	[tilespmem:$0x1E800] =	vst v63  }
0x112: {  	s0 =	simm.s32 $0x17800  }
0x113: {  	[tilespmem:s0], [sflag:$0x3] =	stream.indirect_vreg.gather [hbm4b:s1+s3], $0x80, v19, vm0, $0xb8;
	[tilespmem:$0x1E800] =	vst v63  }
0x114: {  	s0 =	simm.s32 $0x18000  }
0x115: {  	[tilespmem:s0], [sflag:$0x3] =	stream.indirect_vreg.gather [hbm4b:s5+s3], $0x80, v19, vm0, $0xb8;
	[tilespmem:$0x1E800] =	vst v63  }
0x116: {  	v19 =	vld [tilespmem:$0xC0];
	_ =	sdelay $0x4  }
0x117: {  	v20 =	vshll.u32 v19, $0x2  }
0x118: {  	v19 =	vand.u32 $0x7, v19;
	v20 =	vand.u32 $0xFFFFFFE0, v20  }
0x119: {  	v19 =	vor.u32 v19, v20  }
0x11a: {  	v20 =	vperm.xlane v19, v0;
	_ =	sdelay $0x1  }
0x11b: {  	v20 =	vadd.s32 v1, v20;
	_ =	sdelay $0x1  }
0x11c: {  	v19 =	vperm.xlane v19, v2;
	_ =	sdelay $0x1  }
0x11d: {  	s0 =	simm.s32 $0x18800;
	v19 =	vadd.s32 v1, v19  }
0x11e: {  	[tilespmem:s0], [sflag:$0x3] =	stream.indirect_vreg.gather [hbm4b:s1+s3], $0x80, v20, vm0, $0xb8;
	[tilespmem:$0x1E800] =	vst v63  }
0x11f: {  	s0 =	simm.s32 $0x19000  }
0x120: {  	[tilespmem:s0], [sflag:$0x3] =	stream.indirect_vreg.gather [hbm4b:s5+s3], $0x80, v20, vm0, $0xb8;
	[tilespmem:$0x1E800] =	vst v63  }
0x121: {  	s0 =	simm.s32 $0x19800  }
0x122: {  	[tilespmem:s0], [sflag:$0x3] =	stream.indirect_vreg.gather [hbm4b:s1+s3], $0x80, v19, vm0, $0xb8;
	[tilespmem:$0x1E800] =	vst v63  }
0x123: {  	s0 =	simm.s32 $0x1A000  }
0x124: {  	[tilespmem:s0], [sflag:$0x3] =	stream.indirect_vreg.gather [hbm4b:s5+s3], $0x80, v19, vm0, $0xb8;
	[tilespmem:$0x1E800] =	vst v63  }
0x125: {  	v19 =	vld [tilespmem:$0xD0];
	_ =	sdelay $0x4  }
0x126: {  	v20 =	vshll.u32 v19, $0x2  }
0x127: {  	v19 =	vand.u32 $0x7, v19;
	v20 =	vand.u32 $0xFFFFFFE0, v20  }
0x128: {  	v19 =	vor.u32 v19, v20  }
0x129: {  	v20 =	vperm.xlane v19, v0;
	_ =	sdelay $0x1  }
0x12a: {  	v20 =	vadd.s32 v1, v20;
	_ =	sdelay $0x1  }
0x12b: {  	v19 =	vperm.xlane v19, v2;
	_ =	sdelay $0x1  }
0x12c: {  	s0 =	simm.s32 $0x1A800;
	v19 =	vadd.s32 v1, v19  }
0x12d: {  	[tilespmem:s0], [sflag:$0x3] =	stream.indirect_vreg.gather [hbm4b:s1+s3], $0x80, v20, vm0, $0xb8;
	[tilespmem:$0x1E800] =	vst v63  }
0x12e: {  	s0 =	simm.s32 $0x1B000  }
0x12f: {  	[tilespmem:s0], [sflag:$0x3] =	stream.indirect_vreg.gather [hbm4b:s5+s3], $0x80, v20, vm0, $0xb8;
	[tilespmem:$0x1E800] =	vst v63  }
0x130: {  	s0 =	simm.s32 $0x1B800  }
0x131: {  	[tilespmem:s0], [sflag:$0x3] =	stream.indirect_vreg.gather [hbm4b:s1+s3], $0x80, v19, vm0, $0xb8;
	[tilespmem:$0x1E800] =	vst v63  }
0x132: {  	s0 =	simm.s32 $0x1C000  }
0x133: {  	[tilespmem:s0], [sflag:$0x3] =	stream.indirect_vreg.gather [hbm4b:s5+s3], $0x80, v19, vm0, $0xb8;
	[tilespmem:$0x1E800] =	vst v63  }
0x134: {  	v19 =	vld [tilespmem:$0xE0];
	_ =	sdelay $0x4  }
0x135: {  	v20 =	vshll.u32 v19, $0x2  }
0x136: {  	v19 =	vand.u32 $0x7, v19;
	v20 =	vand.u32 $0xFFFFFFE0, v20  }
0x137: {  	v19 =	vor.u32 v19, v20  }
0x138: {  	v20 =	vperm.xlane v19, v0;
	_ =	sdelay $0x1  }
0x139: {  	v20 =	vadd.s32 v1, v20;
	_ =	sdelay $0x1  }
0x13a: {  	v19 =	vperm.xlane v19, v2;
	_ =	sdelay $0x1  }
0x13b: {  	s0 =	simm.s32 $0x1C800;
	v19 =	vadd.s32 v1, v19  }
0x13c: {  	[tilespmem:s0], [sflag:$0x3] =	stream.indirect_vreg.gather [hbm4b:s1+s3], $0x80, v20, vm0, $0xb8;
	[tilespmem:$0x1E800] =	vst v63  }
0x13d: {  	s0 =	simm.s32 $0x1D000  }
0x13e: {  	[tilespmem:s0], [sflag:$0x3] =	stream.indirect_vreg.gather [hbm4b:s5+s3], $0x80, v20, vm0, $0xb8;
	[tilespmem:$0x1E800] =	vst v63  }
0x13f: {  	s0 =	simm.s32 $0x1D800  }
0x140: {  	[tilespmem:s0], [sflag:$0x3] =	stream.indirect_vreg.gather [hbm4b:s1+s3], $0x80, v19, vm0, $0xb8;
	[tilespmem:$0x1E800] =	vst v63  }
0x141: {  	s0 =	simm.s32 $0x1E000  }
0x142: {  	[tilespmem:s0], [sflag:$0x3] =	stream.indirect_vreg.gather [hbm4b:s5+s3], $0x80, v19, vm0, $0xb8;
	[tilespmem:$0x1E800] =	vst v63  }
0x143: {  	_ =	swait.ge [sflag:s24], $0xA000  }
0x144: {  	[sflag:s24] =	ssyncset.done $0x0  }
0x145: {  	[sflag:s24] =	ssyncadd.s32 $0xFFFF6000  }
0x146: {  	v19 =	vld [tilespmem:$0x400];
	_ =	sdelay $0x4  }
0x147: {  	vm1 =	vgt.s32 v19, $0xFFF;
	v20 =	vand.u32 $0xF, v19;
	v21 =	vshrl.u32 v19, $0x4  }
0x148: {  	v19 =	vshrl.u32 v19, $0x8;
	v20 =	vadd.s32 v3, v20;
	v21 =	vand.u32 $0xF, v21  }
0x149: {  	v19 =	vand.u32 $0xF, v19;
	v21 =	vadd.s32 v5, v21  }
0x14a: {  	v19 =	vadd.s32 v6, v19;
	_ =	sdelay $0x2  }
0x14b: {  	[tilespmem:v20+s8+$0x0] =	vst.idx.msk vm1, v4  }
0x14c: {  	[tilespmem:v21+s8+$0x0] =	vst.idx.msk vm1, v4  }
0x14d: {  	[tilespmem:v19+s8+$0x0] =	vst.idx.msk vm1, v4  }
0x14e: {  	v19 =	vld [tilespmem:$0x410];
	_ =	sdelay $0x4  }
0x14f: {  	vm1 =	vgt.s32 v19, $0xFFF;
	v20 =	vand.u32 $0xF, v19;
	v41 =	vshrl.u32 v19, $0x4  }
0x150: {  	v19 =	vshrl.u32 v19, $0x8;
	v20 =	vadd.s32 v7, v20;
	v21 =	vand.u32 $0xF, v41  }
0x151: {  	v19 =	vand.u32 $0xF, v19;
	v21 =	vadd.s32 v8, v21  }
0x152: {  	v19 =	vadd.s32 v9, v19;
	_ =	sdelay $0x2  }
0x153: {  	[tilespmem:v20+s8+$0x0] =	vst.idx.msk vm1, v4  }
0x154: {  	[tilespmem:v21+s8+$0x0] =	vst.idx.msk vm1, v4  }
0x155: {  	[tilespmem:v19+s8+$0x0] =	vst.idx.msk vm1, v4  }
0x156: {  	v19 =	vld [tilespmem:$0x420];
	_ =	sdelay $0x4  }
0x157: {  	vm1 =	vgt.s32 v19, $0xFFF;
	v20 =	vand.u32 $0xF, v19;
	v42 =	vshrl.u32 v19, $0x4  }
0x158: {  	v19 =	vshrl.u32 v19, $0x8;
	v20 =	vadd.s32 v10, v20;
	v21 =	vand.u32 $0xF, v42  }
0x159: {  	v19 =	vand.u32 $0xF, v19;
	v21 =	vadd.s32 v11, v21  }
0x15a: {  	v19 =	vadd.s32 v12, v19;
	_ =	sdelay $0x2  }
0x15b: {  	[tilespmem:v20+s8+$0x0] =	vst.idx.msk vm1, v4  }
0x15c: {  	[tilespmem:v21+s8+$0x0] =	vst.idx.msk vm1, v4  }
0x15d: {  	[tilespmem:v19+s8+$0x0] =	vst.idx.msk vm1, v4  }
0x15e: {  	v19 =	vld [tilespmem:$0x430];
	_ =	sdelay $0x4  }
0x15f: {  	vm1 =	vgt.s32 v19, $0xFFF;
	v20 =	vand.u32 $0xF, v19;
	v43 =	vshrl.u32 v19, $0x4  }
0x160: {  	v19 =	vshrl.u32 v19, $0x8;
	v20 =	vadd.s32 v13, v20;
	v21 =	vand.u32 $0xF, v43  }
0x161: {  	v19 =	vand.u32 $0xF, v19;
	v21 =	vadd.s32 v14, v21  }
0x162: {  	v19 =	vadd.s32 v15, v19;
	_ =	sdelay $0x2  }
0x163: {  	[tilespmem:v20+s8+$0x0] =	vst.idx.msk vm1, v4  }
0x164: {  	[tilespmem:v21+s8+$0x0] =	vst.idx.msk vm1, v4  }
0x165: {  	[tilespmem:v19+s8+$0x0] =	vst.idx.msk vm1, v4  }
0x166: {  	v19 =	vld [tilespmem:$0x440];
	_ =	sdelay $0x4  }
0x167: {  	vm1 =	vgt.s32 v19, $0xFFF;
	v20 =	vand.u32 $0xF, v19;
	v44 =	vshrl.u32 v19, $0x4  }
0x168: {  	v19 =	vshrl.u32 v19, $0x8;
	v20 =	vadd.s32 v16, v20;
	v21 =	vand.u32 $0xF, v44  }
0x169: {  	v19 =	vand.u32 $0xF, v19;
	v21 =	vadd.s32 v17, v21  }
0x16a: {  	v19 =	vadd.s32 v18, v19;
	_ =	sdelay $0x2  }
0x16b: {  	[tilespmem:v20+s8+$0x0] =	vst.idx.msk vm1, v4  }
0x16c: {  	[tilespmem:v21+s8+$0x0] =	vst.idx.msk vm1, v4  }
0x16d: {  	s0 =	rddreg [dreg:$0x13];
	[tilespmem:v19+s8+$0x0] =	vst.idx.msk vm1, v4  }
0x16e: {  	[hbm4b:s0+s3] =	stream.linear.scatter [tilespmem:s8], [sflag:$0x4], $0xA000, $0x38;
	[tilespmem:$0x1E800] =	vst v63  }
0x16f: {  	_ =	swait.ge [sflag:s25], $0xA000  }
0x170: {  	[sflag:s25] =	ssyncset.done $0x0  }
0x171: {  	[sflag:s25] =	ssyncadd.s32 $0xFFFF6000  }
0x172: {  	v19 =	vld [tilespmem:$0xF0];
	_ =	sdelay $0x4  }
0x173: {  	v20 =	vshll.u32 v19, $0x2  }
0x174: {  	v19 =	vand.u32 $0x7, v19;
	v20 =	vand.u32 $0xFFFFFFE0, v20  }
0x175: {  	v19 =	vor.u32 v19, v20  }
0x176: {  	v20 =	vperm.xlane v19, v0;
	_ =	sdelay $0x1  }
0x177: {  	v20 =	vadd.s32 v1, v20;
	_ =	sdelay $0x1  }
0x178: {  	v19 =	vperm.xlane v19, v2;
	_ =	sdelay $0x1  }
0x179: {  	v19 =	vadd.s32 v1, v19  }
0x17a: {  	[tilespmem:s8], [sflag:$0x1] =	stream.indirect_vreg.gather [hbm4b:s1+s3], $0x80, v20, vm0, $0xb8;
	[tilespmem:$0x1E800] =	vst v63  }
0x17b: {  	s26 =	simm.s32 $0x1000  }
0x17c: {  	[tilespmem:s26], [sflag:$0x1] =	stream.indirect_vreg.gather [hbm4b:s5+s3], $0x80, v20, vm0, $0xb8;
	[tilespmem:$0x1E800] =	vst v63  }
0x17d: {  	s11 =	simm.s32 $0x1800  }
0x17e: {  	[tilespmem:s11], [sflag:$0x1] =	stream.indirect_vreg.gather [hbm4b:s1+s3], $0x80, v19, vm0, $0xb8;
	[tilespmem:$0x1E800] =	vst v63  }
0x17f: {  	s21 =	simm.s32 $0x2000  }
0x180: {  	[tilespmem:s21], [sflag:$0x1] =	stream.indirect_vreg.gather [hbm4b:s5+s3], $0x80, v19, vm0, $0xb8;
	[tilespmem:$0x1E800] =	vst v63  }
0x181: {  	v19 =	vld [tilespmem:$0x100];
	_ =	sdelay $0x4  }
0x182: {  	v20 =	vshll.u32 v19, $0x2  }
0x183: {  	v19 =	vand.u32 $0x7, v19;
	v20 =	vand.u32 $0xFFFFFFE0, v20  }
0x184: {  	v19 =	vor.u32 v19, v20  }
0x185: {  	v20 =	vperm.xlane v19, v0;
	_ =	sdelay $0x1  }
0x186: {  	v20 =	vadd.s32 v1, v20;
	_ =	sdelay $0x1  }
0x187: {  	v19 =	vperm.xlane v19, v2;
	_ =	sdelay $0x1  }
0x188: {  	s12 =	simm.s32 $0x2800;
	v19 =	vadd.s32 v1, v19  }
0x189: {  	[tilespmem:s12], [sflag:$0x1] =	stream.indirect_vreg.gather [hbm4b:s1+s3], $0x80, v20, vm0, $0xb8;
	[tilespmem:$0x1E800] =	vst v63  }
0x18a: {  	s13 =	simm.s32 $0x3000  }
0x18b: {  	[tilespmem:s13], [sflag:$0x1] =	stream.indirect_vreg.gather [hbm4b:s5+s3], $0x80, v20, vm0, $0xb8;
	[tilespmem:$0x1E800] =	vst v63  }
0x18c: {  	s14 =	simm.s32 $0x3800  }
0x18d: {  	[tilespmem:s14], [sflag:$0x1] =	stream.indirect_vreg.gather [hbm4b:s1+s3], $0x80, v19, vm0, $0xb8;
	[tilespmem:$0x1E800] =	vst v63  }
0x18e: {  	s22 =	simm.s32 $0x4000  }
0x18f: {  	[tilespmem:s22], [sflag:$0x1] =	stream.indirect_vreg.gather [hbm4b:s5+s3], $0x80, v19, vm0, $0xb8;
	[tilespmem:$0x1E800] =	vst v63  }
0x190: {  	v19 =	vld [tilespmem:$0x110];
	_ =	sdelay $0x4  }
0x191: {  	v20 =	vshll.u32 v19, $0x2  }
0x192: {  	v19 =	vand.u32 $0x7, v19;
	v20 =	vand.u32 $0xFFFFFFE0, v20  }
0x193: {  	v19 =	vor.u32 v19, v20  }
0x194: {  	v20 =	vperm.xlane v19, v0;
	_ =	sdelay $0x1  }
0x195: {  	v20 =	vadd.s32 v1, v20;
	_ =	sdelay $0x1  }
0x196: {  	v19 =	vperm.xlane v19, v2;
	_ =	sdelay $0x1  }
0x197: {  	s15 =	simm.s32 $0x4800;
	v19 =	vadd.s32 v1, v19  }
0x198: {  	[tilespmem:s15], [sflag:$0x1] =	stream.indirect_vreg.gather [hbm4b:s1+s3], $0x80, v20, vm0, $0xb8;
	[tilespmem:$0x1E800] =	vst v63  }
0x199: {  	s16 =	simm.s32 $0x5000  }
0x19a: {  	[tilespmem:s16], [sflag:$0x1] =	stream.indirect_vreg.gather [hbm4b:s5+s3], $0x80, v20, vm0, $0xb8;
	[tilespmem:$0x1E800] =	vst v63  }
0x19b: {  	s17 =	simm.s32 $0x5800  }
0x19c: {  	[tilespmem:s17], [sflag:$0x1] =	stream.indirect_vreg.gather [hbm4b:s1+s3], $0x80, v19, vm0, $0xb8;
	[tilespmem:$0x1E800] =	vst v63  }
0x19d: {  	s23 =	simm.s32 $0x6000  }
0x19e: {  	[tilespmem:s23], [sflag:$0x1] =	stream.indirect_vreg.gather [hbm4b:s5+s3], $0x80, v19, vm0, $0xb8;
	[tilespmem:$0x1E800] =	vst v63  }
0x19f: {  	v19 =	vld [tilespmem:$0x120];
	_ =	sdelay $0x4  }
0x1a0: {  	v20 =	vshll.u32 v19, $0x2  }
0x1a1: {  	v19 =	vand.u32 $0x7, v19;
	v20 =	vand.u32 $0xFFFFFFE0, v20  }
0x1a2: {  	v19 =	vor.u32 v19, v20  }
0x1a3: {  	v20 =	vperm.xlane v19, v0;
	_ =	sdelay $0x1  }
0x1a4: {  	v20 =	vadd.s32 v1, v20;
	_ =	sdelay $0x1  }
0x1a5: {  	v19 =	vperm.xlane v19, v2;
	_ =	sdelay $0x1  }
0x1a6: {  	s18 =	simm.s32 $0x6800;
	v19 =	vadd.s32 v1, v19  }
0x1a7: {  	[tilespmem:s18], [sflag:$0x1] =	stream.indirect_vreg.gather [hbm4b:s1+s3], $0x80, v20, vm0, $0xb8;
	[tilespmem:$0x1E800] =	vst v63  }
0x1a8: {  	s19 =	simm.s32 $0x7000  }
0x1a9: {  	[tilespmem:s19], [sflag:$0x1] =	stream.indirect_vreg.gather [hbm4b:s5+s3], $0x80, v20, vm0, $0xb8;
	[tilespmem:$0x1E800] =	vst v63  }
0x1aa: {  	s20 =	simm.s32 $0x7800  }
0x1ab: {  	[tilespmem:s20], [sflag:$0x1] =	stream.indirect_vreg.gather [hbm4b:s1+s3], $0x80, v19, vm0, $0xb8;
	[tilespmem:$0x1E800] =	vst v63  }
0x1ac: {  	s9 =	simm.s32 $0x8000  }
0x1ad: {  	[tilespmem:s9], [sflag:$0x1] =	stream.indirect_vreg.gather [hbm4b:s5+s3], $0x80, v19, vm0, $0xb8;
	[tilespmem:$0x1E800] =	vst v63  }
0x1ae: {  	v19 =	vld [tilespmem:$0x130];
	_ =	sdelay $0x4  }
0x1af: {  	v20 =	vshll.u32 v19, $0x2  }
0x1b0: {  	v19 =	vand.u32 $0x7, v19;
	v20 =	vand.u32 $0xFFFFFFE0, v20  }
0x1b1: {  	v19 =	vor.u32 v19, v20  }
0x1b2: {  	v20 =	vperm.xlane v19, v0;
	_ =	sdelay $0x1  }
0x1b3: {  	v20 =	vadd.s32 v1, v20;
	_ =	sdelay $0x1  }
0x1b4: {  	v19 =	vperm.xlane v19, v2;
	_ =	sdelay $0x1  }
0x1b5: {  	s10 =	simm.s32 $0x8800;
	v19 =	vadd.s32 v1, v19  }
0x1b6: {  	[tilespmem:s10], [sflag:$0x1] =	stream.indirect_vreg.gather [hbm4b:s1+s3], $0x80, v20, vm0, $0xb8;
	[tilespmem:$0x1E800] =	vst v63  }
0x1b7: {  	s28 =	simm.s32 $0x9000  }
0x1b8: {  	[tilespmem:s28], [sflag:$0x1] =	stream.indirect_vreg.gather [hbm4b:s5+s3], $0x80, v20, vm0, $0xb8;
	[tilespmem:$0x1E800] =	vst v63  }
0x1b9: {  	s30 =	simm.s32 $0x9800  }
0x1ba: {  	[tilespmem:s30], [sflag:$0x1] =	stream.indirect_vreg.gather [hbm4b:s1+s3], $0x80, v19, vm0, $0xb8;
	[tilespmem:$0x1E800] =	vst v63  }
0x1bb: {  	s2 =	simm.s32 $0xA000;
	s10 =	simm.s32 $0x2  }
0x1bc: {  	[tilespmem:s2], [sflag:$0x1] =	stream.indirect_vreg.gather [hbm4b:s5+s3], $0x80, v19, vm0, $0xb8;
	[tilespmem:$0x1E800] =	vst v63  }
0x1bd: {  	_ =	swait.ge [sflag:s10], $0xA000  }
0x1be: {  	[sflag:s10] =	ssyncset.done $0x0  }
0x1bf: {  	[sflag:s10] =	ssyncadd.s32 $0xFFFF6000  }
0x1c0: {  	v19 =	vld [tilespmem:$0x450];
	_ =	sdelay $0x4  }
0x1c1: {  	vm1 =	vgt.s32 v19, $0xFFF;
	v20 =	vand.u32 $0xF, v19;
	v45 =	vshrl.u32 v19, $0x4  }
0x1c2: {  	v19 =	vshrl.u32 v19, $0x8;
	v20 =	vadd.s32 v3, v20;
	v21 =	vand.u32 $0xF, v45  }
0x1c3: {  	v19 =	vand.u32 $0xF, v19;
	v21 =	vadd.s32 v5, v21  }
0x1c4: {  	v19 =	vadd.s32 v6, v19;
	_ =	sdelay $0x2  }
0x1c5: {  	[tilespmem:v20+s29+$0x0] =	vst.idx.msk vm1, v4  }
0x1c6: {  	[tilespmem:v21+s29+$0x0] =	vst.idx.msk vm1, v4  }
0x1c7: {  	[tilespmem:v19+s29+$0x0] =	vst.idx.msk vm1, v4  }
0x1c8: {  	v19 =	vld [tilespmem:$0x460];
	_ =	sdelay $0x4  }
0x1c9: {  	vm1 =	vgt.s32 v19, $0xFFF;
	v20 =	vand.u32 $0xF, v19;
	v46 =	vshrl.u32 v19, $0x4  }
0x1ca: {  	v19 =	vshrl.u32 v19, $0x8;
	v20 =	vadd.s32 v7, v20;
	v21 =	vand.u32 $0xF, v46  }
0x1cb: {  	v19 =	vand.u32 $0xF, v19;
	v21 =	vadd.s32 v8, v21  }
0x1cc: {  	v19 =	vadd.s32 v9, v19;
	_ =	sdelay $0x2  }
0x1cd: {  	[tilespmem:v20+s29+$0x0] =	vst.idx.msk vm1, v4  }
0x1ce: {  	[tilespmem:v21+s29+$0x0] =	vst.idx.msk vm1, v4  }
0x1cf: {  	[tilespmem:v19+s29+$0x0] =	vst.idx.msk vm1, v4  }
0x1d0: {  	v19 =	vld [tilespmem:$0x470];
	_ =	sdelay $0x4  }
0x1d1: {  	vm1 =	vgt.s32 v19, $0xFFF;
	v20 =	vand.u32 $0xF, v19;
	v47 =	vshrl.u32 v19, $0x4  }
0x1d2: {  	v19 =	vshrl.u32 v19, $0x8;
	v20 =	vadd.s32 v10, v20;
	v21 =	vand.u32 $0xF, v47  }
0x1d3: {  	v19 =	vand.u32 $0xF, v19;
	v21 =	vadd.s32 v11, v21  }
0x1d4: {  	v19 =	vadd.s32 v12, v19;
	_ =	sdelay $0x2  }
0x1d5: {  	[tilespmem:v20+s29+$0x0] =	vst.idx.msk vm1, v4  }
0x1d6: {  	[tilespmem:v21+s29+$0x0] =	vst.idx.msk vm1, v4  }
0x1d7: {  	[tilespmem:v19+s29+$0x0] =	vst.idx.msk vm1, v4  }
0x1d8: {  	v19 =	vld [tilespmem:$0x480];
	_ =	sdelay $0x4  }
0x1d9: {  	vm1 =	vgt.s32 v19, $0xFFF;
	v20 =	vand.u32 $0xF, v19;
	v48 =	vshrl.u32 v19, $0x4  }
0x1da: {  	v19 =	vshrl.u32 v19, $0x8;
	v20 =	vadd.s32 v13, v20;
	v21 =	vand.u32 $0xF, v48  }
0x1db: {  	v19 =	vand.u32 $0xF, v19;
	v21 =	vadd.s32 v14, v21  }
0x1dc: {  	v19 =	vadd.s32 v15, v19;
	_ =	sdelay $0x2  }
0x1dd: {  	[tilespmem:v20+s29+$0x0] =	vst.idx.msk vm1, v4  }
0x1de: {  	[tilespmem:v21+s29+$0x0] =	vst.idx.msk vm1, v4  }
0x1df: {  	[tilespmem:v19+s29+$0x0] =	vst.idx.msk vm1, v4  }
0x1e0: {  	v19 =	vld [tilespmem:$0x490];
	_ =	sdelay $0x4  }
0x1e1: {  	vm1 =	vgt.s32 v19, $0xFFF;
	v20 =	vand.u32 $0xF, v19;
	v49 =	vshrl.u32 v19, $0x4  }
0x1e2: {  	v19 =	vshrl.u32 v19, $0x8;
	v20 =	vadd.s32 v16, v20;
	v21 =	vand.u32 $0xF, v49  }
0x1e3: {  	v19 =	vand.u32 $0xF, v19;
	v21 =	vadd.s32 v17, v21  }
0x1e4: {  	v19 =	vadd.s32 v18, v19;
	_ =	sdelay $0x2  }
0x1e5: {  	[tilespmem:v20+s29+$0x0] =	vst.idx.msk vm1, v4  }
0x1e6: {  	[tilespmem:v21+s29+$0x0] =	vst.idx.msk vm1, v4  }
0x1e7: {  	s28 =	simm.s32 $0x5;
	s30 =	rddreg [dreg:$0x6];
	[tilespmem:v19+s29+$0x0] =	vst.idx.msk vm1, v4  }
0x1e8: {  	[hbm4b:s30+s3] =	stream.linear.scatter [tilespmem:s29], [sflag:$0x5], $0xA000, $0x38;
	[tilespmem:$0x1E800] =	vst v63  }
0x1e9: {  	_ =	swait.ge [sflag:s28], $0xA000  }
0x1ea: {  	[sflag:s28] =	ssyncset.done $0x0  }
0x1eb: {  	[sflag:s28] =	ssyncadd.s32 $0xFFFF6000  }
0x1ec: {  	v19 =	vld [tilespmem:$0x140];
	_ =	sdelay $0x4  }
0x1ed: {  	v20 =	vshll.u32 v19, $0x2  }
0x1ee: {  	v19 =	vand.u32 $0x7, v19;
	v20 =	vand.u32 $0xFFFFFFE0, v20  }
0x1ef: {  	v19 =	vor.u32 v19, v20  }
0x1f0: {  	v20 =	vperm.xlane v19, v0;
	_ =	sdelay $0x1  }
0x1f1: {  	v20 =	vadd.s32 v1, v20;
	_ =	sdelay $0x1  }
0x1f2: {  	v19 =	vperm.xlane v19, v2;
	_ =	sdelay $0x1  }
0x1f3: {  	v19 =	vadd.s32 v1, v19  }
0x1f4: {  	[tilespmem:s29], [sflag:$0x2] =	stream.indirect_vreg.gather [hbm4b:s1+s3], $0x80, v20, vm0, $0xb8;
	[tilespmem:$0x1E800] =	vst v63  }
0x1f5: {  	s2 =	simm.s32 $0xB000  }
0x1f6: {  	[tilespmem:s2], [sflag:$0x2] =	stream.indirect_vreg.gather [hbm4b:s5+s3], $0x80, v20, vm0, $0xb8;
	[tilespmem:$0x1E800] =	vst v63  }
0x1f7: {  	s23 =	simm.s32 $0xB800  }
0x1f8: {  	[tilespmem:s23], [sflag:$0x2] =	stream.indirect_vreg.gather [hbm4b:s1+s3], $0x80, v19, vm0, $0xb8;
	[tilespmem:$0x1E800] =	vst v63  }
0x1f9: {  	s4 =	simm.s32 $0xC000  }
0x1fa: {  	[tilespmem:s4], [sflag:$0x2] =	stream.indirect_vreg.gather [hbm4b:s5+s3], $0x80, v19, vm0, $0xb8;
	[tilespmem:$0x1E800] =	vst v63  }
0x1fb: {  	v19 =	vld [tilespmem:$0x150];
	_ =	sdelay $0x4  }
0x1fc: {  	v20 =	vshll.u32 v19, $0x2  }
0x1fd: {  	v19 =	vand.u32 $0x7, v19;
	v20 =	vand.u32 $0xFFFFFFE0, v20  }
0x1fe: {  	v19 =	vor.u32 v19, v20  }
0x1ff: {  	v20 =	vperm.xlane v19, v0;
	_ =	sdelay $0x1  }
0x200: {  	v20 =	vadd.s32 v1, v20;
	_ =	sdelay $0x1  }
0x201: {  	v19 =	vperm.xlane v19, v2;
	_ =	sdelay $0x1  }
0x202: {  	s30 =	simm.s32 $0xC800;
	v19 =	vadd.s32 v1, v19  }
0x203: {  	[tilespmem:s30], [sflag:$0x2] =	stream.indirect_vreg.gather [hbm4b:s1+s3], $0x80, v20, vm0, $0xb8;
	[tilespmem:$0x1E800] =	vst v63  }
0x204: {  	s2 =	simm.s32 $0xD000  }
0x205: {  	[tilespmem:s2], [sflag:$0x2] =	stream.indirect_vreg.gather [hbm4b:s5+s3], $0x80, v20, vm0, $0xb8;
	[tilespmem:$0x1E800] =	vst v63  }
0x206: {  	s4 =	simm.s32 $0xD800  }
0x207: {  	[tilespmem:s4], [sflag:$0x2] =	stream.indirect_vreg.gather [hbm4b:s1+s3], $0x80, v19, vm0, $0xb8;
	[tilespmem:$0x1E800] =	vst v63  }
0x208: {  	s7 =	simm.s32 $0xE000  }
0x209: {  	[tilespmem:s7], [sflag:$0x2] =	stream.indirect_vreg.gather [hbm4b:s5+s3], $0x80, v19, vm0, $0xb8;
	[tilespmem:$0x1E800] =	vst v63  }
0x20a: {  	v19 =	vld [tilespmem:$0x160];
	_ =	sdelay $0x4  }
0x20b: {  	v20 =	vshll.u32 v19, $0x2  }
0x20c: {  	v19 =	vand.u32 $0x7, v19;
	v20 =	vand.u32 $0xFFFFFFE0, v20  }
0x20d: {  	v19 =	vor.u32 v19, v20  }
0x20e: {  	v20 =	vperm.xlane v19, v0;
	_ =	sdelay $0x1  }
0x20f: {  	v20 =	vadd.s32 v1, v20;
	_ =	sdelay $0x1  }
0x210: {  	v19 =	vperm.xlane v19, v2;
	_ =	sdelay $0x1  }
0x211: {  	s23 =	simm.s32 $0xE800;
	v19 =	vadd.s32 v1, v19  }
0x212: {  	[tilespmem:s23], [sflag:$0x2] =	stream.indirect_vreg.gather [hbm4b:s1+s3], $0x80, v20, vm0, $0xb8;
	[tilespmem:$0x1E800] =	vst v63  }
0x213: {  	s30 =	simm.s32 $0xF000  }
0x214: {  	[tilespmem:s30], [sflag:$0x2] =	stream.indirect_vreg.gather [hbm4b:s5+s3], $0x80, v20, vm0, $0xb8;
	[tilespmem:$0x1E800] =	vst v63  }
0x215: {  	s2 =	simm.s32 $0xF800  }
0x216: {  	[tilespmem:s2], [sflag:$0x2] =	stream.indirect_vreg.gather [hbm4b:s1+s3], $0x80, v19, vm0, $0xb8;
	[tilespmem:$0x1E800] =	vst v63  }
0x217: {  	s4 =	simm.s32 $0x10000  }
0x218: {  	[tilespmem:s4], [sflag:$0x2] =	stream.indirect_vreg.gather [hbm4b:s5+s3], $0x80, v19, vm0, $0xb8;
	[tilespmem:$0x1E800] =	vst v63  }
0x219: {  	v19 =	vld [tilespmem:$0x170];
	_ =	sdelay $0x4  }
0x21a: {  	v20 =	vshll.u32 v19, $0x2  }
0x21b: {  	v19 =	vand.u32 $0x7, v19;
	v20 =	vand.u32 $0xFFFFFFE0, v20  }
0x21c: {  	v19 =	vor.u32 v19, v20  }
0x21d: {  	v20 =	vperm.xlane v19, v0;
	_ =	sdelay $0x1  }
0x21e: {  	v20 =	vadd.s32 v1, v20;
	_ =	sdelay $0x1  }
0x21f: {  	v19 =	vperm.xlane v19, v2;
	_ =	sdelay $0x1  }
0x220: {  	s7 =	simm.s32 $0x10800;
	v19 =	vadd.s32 v1, v19  }
0x221: {  	[tilespmem:s7], [sflag:$0x2] =	stream.indirect_vreg.gather [hbm4b:s1+s3], $0x80, v20, vm0, $0xb8;
	[tilespmem:$0x1E800] =	vst v63  }
0x222: {  	s23 =	simm.s32 $0x11000  }
0x223: {  	[tilespmem:s23], [sflag:$0x2] =	stream.indirect_vreg.gather [hbm4b:s5+s3], $0x80, v20, vm0, $0xb8;
	[tilespmem:$0x1E800] =	vst v63  }
0x224: {  	s30 =	simm.s32 $0x11800  }
0x225: {  	[tilespmem:s30], [sflag:$0x2] =	stream.indirect_vreg.gather [hbm4b:s1+s3], $0x80, v19, vm0, $0xb8;
	[tilespmem:$0x1E800] =	vst v63  }
0x226: {  	s2 =	simm.s32 $0x12000  }
0x227: {  	[tilespmem:s2], [sflag:$0x2] =	stream.indirect_vreg.gather [hbm4b:s5+s3], $0x80, v19, vm0, $0xb8;
	[tilespmem:$0x1E800] =	vst v63  }
0x228: {  	v19 =	vld [tilespmem:$0x180];
	_ =	sdelay $0x4  }
0x229: {  	v20 =	vshll.u32 v19, $0x2  }
0x22a: {  	v19 =	vand.u32 $0x7, v19;
	v20 =	vand.u32 $0xFFFFFFE0, v20  }
0x22b: {  	v19 =	vor.u32 v19, v20  }
0x22c: {  	v20 =	vperm.xlane v19, v0;
	_ =	sdelay $0x1  }
0x22d: {  	v20 =	vadd.s32 v1, v20;
	_ =	sdelay $0x1  }
0x22e: {  	v19 =	vperm.xlane v19, v2;
	_ =	sdelay $0x1  }
0x22f: {  	s4 =	simm.s32 $0x12800;
	v19 =	vadd.s32 v1, v19  }
0x230: {  	[tilespmem:s4], [sflag:$0x2] =	stream.indirect_vreg.gather [hbm4b:s1+s3], $0x80, v20, vm0, $0xb8;
	[tilespmem:$0x1E800] =	vst v63  }
0x231: {  	s7 =	simm.s32 $0x13000  }
0x232: {  	[tilespmem:s7], [sflag:$0x2] =	stream.indirect_vreg.gather [hbm4b:s5+s3], $0x80, v20, vm0, $0xb8;
	[tilespmem:$0x1E800] =	vst v63  }
0x233: {  	s23 =	simm.s32 $0x13800  }
0x234: {  	[tilespmem:s23], [sflag:$0x2] =	stream.indirect_vreg.gather [hbm4b:s1+s3], $0x80, v19, vm0, $0xb8;
	[tilespmem:$0x1E800] =	vst v63  }
0x235: {  	s30 =	simm.s32 $0x14000  }
0x236: {  	[tilespmem:s30], [sflag:$0x2] =	stream.indirect_vreg.gather [hbm4b:s5+s3], $0x80, v19, vm0, $0xb8;
	[tilespmem:$0x1E800] =	vst v63  }
0x237: {  	s30 =	simm.s32 $0x3  }
0x238: {  	_ =	swait.ge [sflag:s30], $0xA000  }
0x239: {  	[sflag:s30] =	ssyncset.done $0x0  }
0x23a: {  	[sflag:s30] =	ssyncadd.s32 $0xFFFF6000  }
0x23b: {  	v19 =	vld [tilespmem:$0x4A0];
	_ =	sdelay $0x4  }
0x23c: {  	vm1 =	vgt.s32 v19, $0xFFF;
	v20 =	vand.u32 $0xF, v19;
	v50 =	vshrl.u32 v19, $0x4  }
0x23d: {  	v19 =	vshrl.u32 v19, $0x8;
	v20 =	vadd.s32 v3, v20;
	v21 =	vand.u32 $0xF, v50  }
0x23e: {  	v19 =	vand.u32 $0xF, v19;
	v21 =	vadd.s32 v5, v21  }
0x23f: {  	v19 =	vadd.s32 v6, v19;
	_ =	sdelay $0x2  }
0x240: {  	[tilespmem:v20+s31+$0x0] =	vst.idx.msk vm1, v4  }
0x241: {  	[tilespmem:v21+s31+$0x0] =	vst.idx.msk vm1, v4  }
0x242: {  	[tilespmem:v19+s31+$0x0] =	vst.idx.msk vm1, v4  }
0x243: {  	v19 =	vld [tilespmem:$0x4B0];
	_ =	sdelay $0x4  }
0x244: {  	vm1 =	vgt.s32 v19, $0xFFF;
	v20 =	vand.u32 $0xF, v19;
	v51 =	vshrl.u32 v19, $0x4  }
0x245: {  	v19 =	vshrl.u32 v19, $0x8;
	v20 =	vadd.s32 v7, v20;
	v21 =	vand.u32 $0xF, v51  }
0x246: {  	v19 =	vand.u32 $0xF, v19;
	v21 =	vadd.s32 v8, v21  }
0x247: {  	v19 =	vadd.s32 v9, v19;
	_ =	sdelay $0x2  }
0x248: {  	[tilespmem:v20+s31+$0x0] =	vst.idx.msk vm1, v4  }
0x249: {  	[tilespmem:v21+s31+$0x0] =	vst.idx.msk vm1, v4  }
0x24a: {  	[tilespmem:v19+s31+$0x0] =	vst.idx.msk vm1, v4  }
0x24b: {  	v19 =	vld [tilespmem:$0x4C0];
	_ =	sdelay $0x4  }
0x24c: {  	vm1 =	vgt.s32 v19, $0xFFF;
	v20 =	vand.u32 $0xF, v19;
	v52 =	vshrl.u32 v19, $0x4  }
0x24d: {  	v19 =	vshrl.u32 v19, $0x8;
	v20 =	vadd.s32 v10, v20;
	v21 =	vand.u32 $0xF, v52  }
0x24e: {  	v19 =	vand.u32 $0xF, v19;
	v21 =	vadd.s32 v11, v21  }
0x24f: {  	v19 =	vadd.s32 v12, v19;
	_ =	sdelay $0x2  }
0x250: {  	[tilespmem:v20+s31+$0x0] =	vst.idx.msk vm1, v4  }
0x251: {  	[tilespmem:v21+s31+$0x0] =	vst.idx.msk vm1, v4  }
0x252: {  	[tilespmem:v19+s31+$0x0] =	vst.idx.msk vm1, v4  }
0x253: {  	v19 =	vld [tilespmem:$0x4D0];
	_ =	sdelay $0x4  }
0x254: {  	vm1 =	vgt.s32 v19, $0xFFF;
	v20 =	vand.u32 $0xF, v19;
	v53 =	vshrl.u32 v19, $0x4  }
0x255: {  	v19 =	vshrl.u32 v19, $0x8;
	v20 =	vadd.s32 v13, v20;
	v21 =	vand.u32 $0xF, v53  }
0x256: {  	v19 =	vand.u32 $0xF, v19;
	v21 =	vadd.s32 v14, v21  }
0x257: {  	v19 =	vadd.s32 v15, v19;
	_ =	sdelay $0x2  }
0x258: {  	[tilespmem:v20+s31+$0x0] =	vst.idx.msk vm1, v4  }
0x259: {  	[tilespmem:v21+s31+$0x0] =	vst.idx.msk vm1, v4  }
0x25a: {  	[tilespmem:v19+s31+$0x0] =	vst.idx.msk vm1, v4  }
0x25b: {  	v19 =	vld [tilespmem:$0x4E0];
	_ =	sdelay $0x4  }
0x25c: {  	vm1 =	vgt.s32 v19, $0xFFF;
	v20 =	vand.u32 $0xF, v19;
	v54 =	vshrl.u32 v19, $0x4  }
0x25d: {  	v19 =	vshrl.u32 v19, $0x8;
	v20 =	vadd.s32 v16, v20;
	v21 =	vand.u32 $0xF, v54  }
0x25e: {  	v19 =	vand.u32 $0xF, v19;
	v21 =	vadd.s32 v17, v21  }
0x25f: {  	v19 =	vadd.s32 v18, v19;
	_ =	sdelay $0x2  }
0x260: {  	[tilespmem:v20+s31+$0x0] =	vst.idx.msk vm1, v4  }
0x261: {  	[tilespmem:v21+s31+$0x0] =	vst.idx.msk vm1, v4  }
0x262: {  	s2 =	rddreg [dreg:$0x7];
	[tilespmem:v19+s31+$0x0] =	vst.idx.msk vm1, v4  }
0x263: {  	[hbm4b:s2+s3] =	stream.linear.scatter [tilespmem:s31], [sflag:$0x6], $0xA000, $0x38;
	[tilespmem:$0x1E800] =	vst v63  }
0x264: {  	s2 =	simm.s32 $0x6  }
0x265: {  	_ =	swait.ge [sflag:s2], $0xA000  }
0x266: {  	[sflag:s2] =	ssyncset.done $0x0  }
0x267: {  	[sflag:s2] =	ssyncadd.s32 $0xFFFF6000  }
0x268: {  	v19 =	vld [tilespmem:$0x190];
	_ =	sdelay $0x4  }
0x269: {  	v20 =	vshll.u32 v19, $0x2  }
0x26a: {  	v19 =	vand.u32 $0x7, v19;
	v20 =	vand.u32 $0xFFFFFFE0, v20  }
0x26b: {  	v19 =	vor.u32 v19, v20  }
0x26c: {  	v20 =	vperm.xlane v19, v0;
	_ =	sdelay $0x1  }
0x26d: {  	v20 =	vadd.s32 v1, v20;
	_ =	sdelay $0x1  }
0x26e: {  	v19 =	vperm.xlane v19, v2;
	_ =	sdelay $0x1  }
0x26f: {  	v19 =	vadd.s32 v1, v19  }
0x270: {  	[tilespmem:s31], [sflag:$0x3] =	stream.indirect_vreg.gather [hbm4b:s1+s3], $0x80, v20, vm0, $0xb8;
	[tilespmem:$0x1E800] =	vst v63  }
0x271: {  	s4 =	simm.s32 $0x15000  }
0x272: {  	[tilespmem:s4], [sflag:$0x3] =	stream.indirect_vreg.gather [hbm4b:s5+s3], $0x80, v20, vm0, $0xb8;
	[tilespmem:$0x1E800] =	vst v63  }
0x273: {  	s7 =	simm.s32 $0x15800  }
0x274: {  	[tilespmem:s7], [sflag:$0x3] =	stream.indirect_vreg.gather [hbm4b:s1+s3], $0x80, v19, vm0, $0xb8;
	[tilespmem:$0x1E800] =	vst v63  }
0x275: {  	s4 =	simm.s32 $0x16000  }
0x276: {  	[tilespmem:s4], [sflag:$0x3] =	stream.indirect_vreg.gather [hbm4b:s5+s3], $0x80, v19, vm0, $0xb8;
	[tilespmem:$0x1E800] =	vst v63  }
0x277: {  	v19 =	vld [tilespmem:$0x1A0];
	_ =	sdelay $0x4  }
0x278: {  	v20 =	vshll.u32 v19, $0x2  }
0x279: {  	v19 =	vand.u32 $0x7, v19;
	v20 =	vand.u32 $0xFFFFFFE0, v20  }
0x27a: {  	v19 =	vor.u32 v19, v20  }
0x27b: {  	v20 =	vperm.xlane v19, v0;
	_ =	sdelay $0x1  }
0x27c: {  	v20 =	vadd.s32 v1, v20;
	_ =	sdelay $0x1  }
0x27d: {  	v19 =	vperm.xlane v19, v2;
	_ =	sdelay $0x1  }
0x27e: {  	s7 =	simm.s32 $0x16800;
	v19 =	vadd.s32 v1, v19  }
0x27f: {  	[tilespmem:s7], [sflag:$0x3] =	stream.indirect_vreg.gather [hbm4b:s1+s3], $0x80, v20, vm0, $0xb8;
	[tilespmem:$0x1E800] =	vst v63  }
0x280: {  	s4 =	simm.s32 $0x17000  }
0x281: {  	[tilespmem:s4], [sflag:$0x3] =	stream.indirect_vreg.gather [hbm4b:s5+s3], $0x80, v20, vm0, $0xb8;
	[tilespmem:$0x1E800] =	vst v63  }
0x282: {  	s7 =	simm.s32 $0x17800  }
0x283: {  	[tilespmem:s7], [sflag:$0x3] =	stream.indirect_vreg.gather [hbm4b:s1+s3], $0x80, v19, vm0, $0xb8;
	[tilespmem:$0x1E800] =	vst v63  }
0x284: {  	s4 =	simm.s32 $0x18000  }
0x285: {  	[tilespmem:s4], [sflag:$0x3] =	stream.indirect_vreg.gather [hbm4b:s5+s3], $0x80, v19, vm0, $0xb8;
	[tilespmem:$0x1E800] =	vst v63  }
0x286: {  	v19 =	vld [tilespmem:$0x1B0];
	_ =	sdelay $0x4  }
0x287: {  	v20 =	vshll.u32 v19, $0x2  }
0x288: {  	v19 =	vand.u32 $0x7, v19;
	v20 =	vand.u32 $0xFFFFFFE0, v20  }
0x289: {  	v19 =	vor.u32 v19, v20  }
0x28a: {  	v20 =	vperm.xlane v19, v0;
	_ =	sdelay $0x1  }
0x28b: {  	v20 =	vadd.s32 v1, v20;
	_ =	sdelay $0x1  }
0x28c: {  	v19 =	vperm.xlane v19, v2;
	_ =	sdelay $0x1  }
0x28d: {  	s7 =	simm.s32 $0x18800;
	v19 =	vadd.s32 v1, v19  }
0x28e: {  	[tilespmem:s7], [sflag:$0x3] =	stream.indirect_vreg.gather [hbm4b:s1+s3], $0x80, v20, vm0, $0xb8;
	[tilespmem:$0x1E800] =	vst v63  }
0x28f: {  	s4 =	simm.s32 $0x19000  }
0x290: {  	[tilespmem:s4], [sflag:$0x3] =	stream.indirect_vreg.gather [hbm4b:s5+s3], $0x80, v20, vm0, $0xb8;
	[tilespmem:$0x1E800] =	vst v63  }
0x291: {  	s7 =	simm.s32 $0x19800  }
0x292: {  	[tilespmem:s7], [sflag:$0x3] =	stream.indirect_vreg.gather [hbm4b:s1+s3], $0x80, v19, vm0, $0xb8;
	[tilespmem:$0x1E800] =	vst v63  }
0x293: {  	s4 =	simm.s32 $0x1A000  }
0x294: {  	[tilespmem:s4], [sflag:$0x3] =	stream.indirect_vreg.gather [hbm4b:s5+s3], $0x80, v19, vm0, $0xb8;
	[tilespmem:$0x1E800] =	vst v63  }
0x295: {  	v19 =	vld [tilespmem:$0x1C0];
	_ =	sdelay $0x4  }
0x296: {  	v20 =	vshll.u32 v19, $0x2  }
0x297: {  	v19 =	vand.u32 $0x7, v19;
	v20 =	vand.u32 $0xFFFFFFE0, v20  }
0x298: {  	v19 =	vor.u32 v19, v20  }
0x299: {  	v20 =	vperm.xlane v19, v0;
	_ =	sdelay $0x1  }
0x29a: {  	v20 =	vadd.s32 v1, v20;
	_ =	sdelay $0x1  }
0x29b: {  	v19 =	vperm.xlane v19, v2;
	_ =	sdelay $0x1  }
0x29c: {  	s7 =	simm.s32 $0x1A800;
	v19 =	vadd.s32 v1, v19  }
0x29d: {  	[tilespmem:s7], [sflag:$0x3] =	stream.indirect_vreg.gather [hbm4b:s1+s3], $0x80, v20, vm0, $0xb8;
	[tilespmem:$0x1E800] =	vst v63  }
0x29e: {  	s4 =	simm.s32 $0x1B000  }
0x29f: {  	[tilespmem:s4], [sflag:$0x3] =	stream.indirect_vreg.gather [hbm4b:s5+s3], $0x80, v20, vm0, $0xb8;
	[tilespmem:$0x1E800] =	vst v63  }
0x2a0: {  	s7 =	simm.s32 $0x1B800  }
0x2a1: {  	[tilespmem:s7], [sflag:$0x3] =	stream.indirect_vreg.gather [hbm4b:s1+s3], $0x80, v19, vm0, $0xb8;
	[tilespmem:$0x1E800] =	vst v63  }
0x2a2: {  	s4 =	simm.s32 $0x1C000  }
0x2a3: {  	[tilespmem:s4], [sflag:$0x3] =	stream.indirect_vreg.gather [hbm4b:s5+s3], $0x80, v19, vm0, $0xb8;
	[tilespmem:$0x1E800] =	vst v63  }
0x2a4: {  	v19 =	vld [tilespmem:$0x1D0];
	_ =	sdelay $0x4  }
0x2a5: {  	v20 =	vshll.u32 v19, $0x2  }
0x2a6: {  	v19 =	vand.u32 $0x7, v19;
	v20 =	vand.u32 $0xFFFFFFE0, v20  }
0x2a7: {  	v19 =	vor.u32 v19, v20  }
0x2a8: {  	v20 =	vperm.xlane v19, v0;
	_ =	sdelay $0x1  }
0x2a9: {  	v20 =	vadd.s32 v1, v20;
	_ =	sdelay $0x1  }
0x2aa: {  	v19 =	vperm.xlane v19, v2;
	_ =	sdelay $0x1  }
0x2ab: {  	s7 =	simm.s32 $0x1C800;
	v19 =	vadd.s32 v1, v19  }
0x2ac: {  	[tilespmem:s7], [sflag:$0x3] =	stream.indirect_vreg.gather [hbm4b:s1+s3], $0x80, v20, vm0, $0xb8;
	[tilespmem:$0x1E800] =	vst v63  }
0x2ad: {  	s4 =	simm.s32 $0x1D000  }
0x2ae: {  	[tilespmem:s4], [sflag:$0x3] =	stream.indirect_vreg.gather [hbm4b:s5+s3], $0x80, v20, vm0, $0xb8;
	[tilespmem:$0x1E800] =	vst v63  }
0x2af: {  	s7 =	simm.s32 $0x1D800  }
0x2b0: {  	[tilespmem:s7], [sflag:$0x3] =	stream.indirect_vreg.gather [hbm4b:s1+s3], $0x80, v19, vm0, $0xb8;
	[tilespmem:$0x1E800] =	vst v63  }
0x2b1: {  	s4 =	simm.s32 $0x1E000  }
0x2b2: {  	[tilespmem:s4], [sflag:$0x3] =	stream.indirect_vreg.gather [hbm4b:s5+s3], $0x80, v19, vm0, $0xb8;
	[tilespmem:$0x1E800] =	vst v63  }
0x2b3: {  	_ =	swait.ge [sflag:s24], $0xA000  }
0x2b4: {  	[sflag:s24] =	ssyncset.done $0x0  }
0x2b5: {  	[sflag:s24] =	ssyncadd.s32 $0xFFFF6000  }
0x2b6: {  	v19 =	vld [tilespmem:$0x4F0];
	_ =	sdelay $0x4  }
0x2b7: {  	vm1 =	vgt.s32 v19, $0xFFF;
	v20 =	vand.u32 $0xF, v19;
	v55 =	vshrl.u32 v19, $0x4  }
0x2b8: {  	v19 =	vshrl.u32 v19, $0x8;
	v20 =	vadd.s32 v3, v20;
	v21 =	vand.u32 $0xF, v55  }
0x2b9: {  	v19 =	vand.u32 $0xF, v19;
	v21 =	vadd.s32 v5, v21  }
0x2ba: {  	v19 =	vadd.s32 v6, v19;
	_ =	sdelay $0x2  }
0x2bb: {  	[tilespmem:v20+s8+$0x0] =	vst.idx.msk vm1, v4  }
0x2bc: {  	[tilespmem:v21+s8+$0x0] =	vst.idx.msk vm1, v4  }
0x2bd: {  	[tilespmem:v19+s8+$0x0] =	vst.idx.msk vm1, v4  }
0x2be: {  	v19 =	vld [tilespmem:$0x500];
	_ =	sdelay $0x4  }
0x2bf: {  	vm1 =	vgt.s32 v19, $0xFFF;
	v20 =	vand.u32 $0xF, v19;
	v56 =	vshrl.u32 v19, $0x4  }
0x2c0: {  	v19 =	vshrl.u32 v19, $0x8;
	v20 =	vadd.s32 v7, v20;
	v21 =	vand.u32 $0xF, v56  }
0x2c1: {  	v19 =	vand.u32 $0xF, v19;
	v21 =	vadd.s32 v8, v21  }
0x2c2: {  	v19 =	vadd.s32 v9, v19;
	_ =	sdelay $0x2  }
0x2c3: {  	[tilespmem:v20+s8+$0x0] =	vst.idx.msk vm1, v4  }
0x2c4: {  	[tilespmem:v21+s8+$0x0] =	vst.idx.msk vm1, v4  }
0x2c5: {  	[tilespmem:v19+s8+$0x0] =	vst.idx.msk vm1, v4  }
0x2c6: {  	v19 =	vld [tilespmem:$0x510];
	_ =	sdelay $0x4  }
0x2c7: {  	vm1 =	vgt.s32 v19, $0xFFF;
	v20 =	vand.u32 $0xF, v19;
	v57 =	vshrl.u32 v19, $0x4  }
0x2c8: {  	v19 =	vshrl.u32 v19, $0x8;
	v20 =	vadd.s32 v10, v20;
	v21 =	vand.u32 $0xF, v57  }
0x2c9: {  	v19 =	vand.u32 $0xF, v19;
	v21 =	vadd.s32 v11, v21  }
0x2ca: {  	v19 =	vadd.s32 v12, v19;
	_ =	sdelay $0x2  }
0x2cb: {  	[tilespmem:v20+s8+$0x0] =	vst.idx.msk vm1, v4  }
0x2cc: {  	[tilespmem:v21+s8+$0x0] =	vst.idx.msk vm1, v4  }
0x2cd: {  	[tilespmem:v19+s8+$0x0] =	vst.idx.msk vm1, v4  }
0x2ce: {  	v19 =	vld [tilespmem:$0x520];
	_ =	sdelay $0x4  }
0x2cf: {  	vm1 =	vgt.s32 v19, $0xFFF;
	v20 =	vand.u32 $0xF, v19;
	v58 =	vshrl.u32 v19, $0x4  }
0x2d0: {  	v19 =	vshrl.u32 v19, $0x8;
	v20 =	vadd.s32 v13, v20;
	v21 =	vand.u32 $0xF, v58  }
0x2d1: {  	v19 =	vand.u32 $0xF, v19;
	v21 =	vadd.s32 v14, v21  }
0x2d2: {  	v19 =	vadd.s32 v15, v19;
	_ =	sdelay $0x2  }
0x2d3: {  	[tilespmem:v20+s8+$0x0] =	vst.idx.msk vm1, v4  }
0x2d4: {  	[tilespmem:v21+s8+$0x0] =	vst.idx.msk vm1, v4  }
0x2d5: {  	[tilespmem:v19+s8+$0x0] =	vst.idx.msk vm1, v4  }
0x2d6: {  	v19 =	vld [tilespmem:$0x530];
	_ =	sdelay $0x4  }
0x2d7: {  	vm1 =	vgt.s32 v19, $0xFFF;
	v20 =	vand.u32 $0xF, v19;
	v59 =	vshrl.u32 v19, $0x4  }
0x2d8: {  	v19 =	vshrl.u32 v19, $0x8;
	v20 =	vadd.s32 v16, v20;
	v21 =	vand.u32 $0xF, v59  }
0x2d9: {  	v19 =	vand.u32 $0xF, v19;
	v21 =	vadd.s32 v17, v21  }
0x2da: {  	v19 =	vadd.s32 v18, v19;
	_ =	sdelay $0x2  }
0x2db: {  	[tilespmem:v20+s8+$0x0] =	vst.idx.msk vm1, v4  }
0x2dc: {  	[tilespmem:v21+s8+$0x0] =	vst.idx.msk vm1, v4  }
0x2dd: {  	s7 =	rddreg [dreg:$0x8];
	[tilespmem:v19+s8+$0x0] =	vst.idx.msk vm1, v4  }
0x2de: {  	[hbm4b:s7+s3] =	stream.linear.scatter [tilespmem:s8], [sflag:$0x4], $0xA000, $0x38;
	[tilespmem:$0x1E800] =	vst v63  }
0x2df: {  	_ =	swait.ge [sflag:s25], $0xA000  }
0x2e0: {  	[sflag:s25] =	ssyncset.done $0x0  }
0x2e1: {  	[sflag:s25] =	ssyncadd.s32 $0xFFFF6000  }
0x2e2: {  	v19 =	vld [tilespmem:$0x1E0];
	_ =	sdelay $0x4  }
0x2e3: {  	v20 =	vshll.u32 v19, $0x2  }
0x2e4: {  	v19 =	vand.u32 $0x7, v19;
	v20 =	vand.u32 $0xFFFFFFE0, v20  }
0x2e5: {  	v19 =	vor.u32 v19, v20  }
0x2e6: {  	v20 =	vperm.xlane v19, v0;
	_ =	sdelay $0x1  }
0x2e7: {  	v20 =	vadd.s32 v1, v20;
	_ =	sdelay $0x1  }
0x2e8: {  	v19 =	vperm.xlane v19, v2;
	_ =	sdelay $0x1  }
0x2e9: {  	v19 =	vadd.s32 v1, v19  }
0x2ea: {  	[tilespmem:s8], [sflag:$0x1] =	stream.indirect_vreg.gather [hbm4b:s1+s3], $0x80, v20, vm0, $0xb8;
	[tilespmem:$0x1E800] =	vst v63  }
0x2eb: {  	s26 =	simm.s32 $0x1000  }
0x2ec: {  	[tilespmem:s26], [sflag:$0x1] =	stream.indirect_vreg.gather [hbm4b:s5+s3], $0x80, v20, vm0, $0xb8;
	[tilespmem:$0x1E800] =	vst v63  }
0x2ed: {  	s11 =	simm.s32 $0x1800  }
0x2ee: {  	[tilespmem:s11], [sflag:$0x1] =	stream.indirect_vreg.gather [hbm4b:s1+s3], $0x80, v19, vm0, $0xb8;
	[tilespmem:$0x1E800] =	vst v63  }
0x2ef: {  	s11 =	simm.s32 $0x2000  }
0x2f0: {  	[tilespmem:s11], [sflag:$0x1] =	stream.indirect_vreg.gather [hbm4b:s5+s3], $0x80, v19, vm0, $0xb8;
	[tilespmem:$0x1E800] =	vst v63  }
0x2f1: {  	v19 =	vld [tilespmem:$0x1F0];
	_ =	sdelay $0x4  }
0x2f2: {  	v20 =	vshll.u32 v19, $0x2  }
0x2f3: {  	v19 =	vand.u32 $0x7, v19;
	v20 =	vand.u32 $0xFFFFFFE0, v20  }
0x2f4: {  	v19 =	vor.u32 v19, v20  }
0x2f5: {  	v20 =	vperm.xlane v19, v0;
	_ =	sdelay $0x1  }
0x2f6: {  	v20 =	vadd.s32 v1, v20;
	_ =	sdelay $0x1  }
0x2f7: {  	v19 =	vperm.xlane v19, v2;
	_ =	sdelay $0x1  }
0x2f8: {  	s12 =	simm.s32 $0x2800;
	v19 =	vadd.s32 v1, v19  }
0x2f9: {  	[tilespmem:s12], [sflag:$0x1] =	stream.indirect_vreg.gather [hbm4b:s1+s3], $0x80, v20, vm0, $0xb8;
	[tilespmem:$0x1E800] =	vst v63  }
0x2fa: {  	s13 =	simm.s32 $0x3000  }
0x2fb: {  	[tilespmem:s13], [sflag:$0x1] =	stream.indirect_vreg.gather [hbm4b:s5+s3], $0x80, v20, vm0, $0xb8;
	[tilespmem:$0x1E800] =	vst v63  }
0x2fc: {  	s14 =	simm.s32 $0x3800  }
0x2fd: {  	[tilespmem:s14], [sflag:$0x1] =	stream.indirect_vreg.gather [hbm4b:s1+s3], $0x80, v19, vm0, $0xb8;
	[tilespmem:$0x1E800] =	vst v63  }
0x2fe: {  	s22 =	simm.s32 $0x4000  }
0x2ff: {  	[tilespmem:s22], [sflag:$0x1] =	stream.indirect_vreg.gather [hbm4b:s5+s3], $0x80, v19, vm0, $0xb8;
	[tilespmem:$0x1E800] =	vst v63  }
0x300: {  	v19 =	vld [tilespmem:$0x200];
	_ =	sdelay $0x4  }
0x301: {  	v20 =	vshll.u32 v19, $0x2  }
0x302: {  	v19 =	vand.u32 $0x7, v19;
	v20 =	vand.u32 $0xFFFFFFE0, v20  }
0x303: {  	v19 =	vor.u32 v19, v20  }
0x304: {  	v20 =	vperm.xlane v19, v0;
	_ =	sdelay $0x1  }
0x305: {  	v20 =	vadd.s32 v1, v20;
	_ =	sdelay $0x1  }
0x306: {  	v19 =	vperm.xlane v19, v2;
	_ =	sdelay $0x1  }
0x307: {  	s15 =	simm.s32 $0x4800;
	v19 =	vadd.s32 v1, v19  }
0x308: {  	[tilespmem:s15], [sflag:$0x1] =	stream.indirect_vreg.gather [hbm4b:s1+s3], $0x80, v20, vm0, $0xb8;
	[tilespmem:$0x1E800] =	vst v63  }
0x309: {  	s16 =	simm.s32 $0x5000  }
0x30a: {  	[tilespmem:s16], [sflag:$0x1] =	stream.indirect_vreg.gather [hbm4b:s5+s3], $0x80, v20, vm0, $0xb8;
	[tilespmem:$0x1E800] =	vst v63  }
0x30b: {  	s17 =	simm.s32 $0x5800  }
0x30c: {  	[tilespmem:s17], [sflag:$0x1] =	stream.indirect_vreg.gather [hbm4b:s1+s3], $0x80, v19, vm0, $0xb8;
	[tilespmem:$0x1E800] =	vst v63  }
0x30d: {  	s21 =	simm.s32 $0x6000  }
0x30e: {  	[tilespmem:s21], [sflag:$0x1] =	stream.indirect_vreg.gather [hbm4b:s5+s3], $0x80, v19, vm0, $0xb8;
	[tilespmem:$0x1E800] =	vst v63  }
0x30f: {  	v19 =	vld [tilespmem:$0x210];
	_ =	sdelay $0x4  }
0x310: {  	v20 =	vshll.u32 v19, $0x2  }
0x311: {  	v19 =	vand.u32 $0x7, v19;
	v20 =	vand.u32 $0xFFFFFFE0, v20  }
0x312: {  	v19 =	vor.u32 v19, v20  }
0x313: {  	v20 =	vperm.xlane v19, v0;
	_ =	sdelay $0x1  }
0x314: {  	v20 =	vadd.s32 v1, v20;
	_ =	sdelay $0x1  }
0x315: {  	v19 =	vperm.xlane v19, v2;
	_ =	sdelay $0x1  }
0x316: {  	s18 =	simm.s32 $0x6800;
	v19 =	vadd.s32 v1, v19  }
0x317: {  	[tilespmem:s18], [sflag:$0x1] =	stream.indirect_vreg.gather [hbm4b:s1+s3], $0x80, v20, vm0, $0xb8;
	[tilespmem:$0x1E800] =	vst v63  }
0x318: {  	s19 =	simm.s32 $0x7000  }
0x319: {  	[tilespmem:s19], [sflag:$0x1] =	stream.indirect_vreg.gather [hbm4b:s5+s3], $0x80, v20, vm0, $0xb8;
	[tilespmem:$0x1E800] =	vst v63  }
0x31a: {  	s20 =	simm.s32 $0x7800  }
0x31b: {  	[tilespmem:s20], [sflag:$0x1] =	stream.indirect_vreg.gather [hbm4b:s1+s3], $0x80, v19, vm0, $0xb8;
	[tilespmem:$0x1E800] =	vst v63  }
0x31c: {  	s9 =	simm.s32 $0x8000  }
0x31d: {  	[tilespmem:s9], [sflag:$0x1] =	stream.indirect_vreg.gather [hbm4b:s5+s3], $0x80, v19, vm0, $0xb8;
	[tilespmem:$0x1E800] =	vst v63  }
0x31e: {  	v19 =	vld [tilespmem:$0x220];
	_ =	sdelay $0x4  }
0x31f: {  	v20 =	vshll.u32 v19, $0x2  }
0x320: {  	v19 =	vand.u32 $0x7, v19;
	v20 =	vand.u32 $0xFFFFFFE0, v20  }
0x321: {  	v19 =	vor.u32 v19, v20  }
0x322: {  	v20 =	vperm.xlane v19, v0;
	_ =	sdelay $0x1  }
0x323: {  	v20 =	vadd.s32 v1, v20;
	_ =	sdelay $0x1  }
0x324: {  	v19 =	vperm.xlane v19, v2;
	_ =	sdelay $0x1  }
0x325: {  	s20 =	simm.s32 $0x8800;
	v19 =	vadd.s32 v1, v19  }
0x326: {  	[tilespmem:s20], [sflag:$0x1] =	stream.indirect_vreg.gather [hbm4b:s1+s3], $0x80, v20, vm0, $0xb8;
	[tilespmem:$0x1E800] =	vst v63  }
0x327: {  	s21 =	simm.s32 $0x9000  }
0x328: {  	[tilespmem:s21], [sflag:$0x1] =	stream.indirect_vreg.gather [hbm4b:s5+s3], $0x80, v20, vm0, $0xb8;
	[tilespmem:$0x1E800] =	vst v63  }
0x329: {  	s9 =	simm.s32 $0x9800  }
0x32a: {  	[tilespmem:s9], [sflag:$0x1] =	stream.indirect_vreg.gather [hbm4b:s1+s3], $0x80, v19, vm0, $0xb8;
	[tilespmem:$0x1E800] =	vst v63  }
0x32b: {  	s20 =	simm.s32 $0xA000  }
0x32c: {  	[tilespmem:s20], [sflag:$0x1] =	stream.indirect_vreg.gather [hbm4b:s5+s3], $0x80, v19, vm0, $0xb8;
	[tilespmem:$0x1E800] =	vst v63  }
0x32d: {  	_ =	swait.ge [sflag:s10], $0xA000  }
0x32e: {  	[sflag:s10] =	ssyncset.done $0x0  }
0x32f: {  	[sflag:s10] =	ssyncadd.s32 $0xFFFF6000  }
0x330: {  	v19 =	vld [tilespmem:$0x540];
	_ =	sdelay $0x4  }
0x331: {  	vm1 =	vgt.s32 v19, $0xFFF;
	v20 =	vand.u32 $0xF, v19;
	v60 =	vshrl.u32 v19, $0x4  }
0x332: {  	v19 =	vshrl.u32 v19, $0x8;
	v20 =	vadd.s32 v3, v20;
	v21 =	vand.u32 $0xF, v60  }
0x333: {  	v19 =	vand.u32 $0xF, v19;
	v21 =	vadd.s32 v5, v21  }
0x334: {  	v19 =	vadd.s32 v6, v19;
	_ =	sdelay $0x2  }
0x335: {  	[tilespmem:v20+s29+$0x0] =	vst.idx.msk vm1, v4  }
0x336: {  	[tilespmem:v21+s29+$0x0] =	vst.idx.msk vm1, v4  }
0x337: {  	[tilespmem:v19+s29+$0x0] =	vst.idx.msk vm1, v4  }
0x338: {  	v19 =	vld [tilespmem:$0x550];
	_ =	sdelay $0x4  }
0x339: {  	vm1 =	vgt.s32 v19, $0xFFF;
	v20 =	vand.u32 $0xF, v19;
	v61 =	vshrl.u32 v19, $0x4  }
0x33a: {  	v19 =	vshrl.u32 v19, $0x8;
	v20 =	vadd.s32 v7, v20;
	v21 =	vand.u32 $0xF, v61  }
0x33b: {  	v19 =	vand.u32 $0xF, v19;
	v21 =	vadd.s32 v8, v21  }
0x33c: {  	v19 =	vadd.s32 v9, v19;
	_ =	sdelay $0x2  }
0x33d: {  	[tilespmem:v20+s29+$0x0] =	vst.idx.msk vm1, v4  }
0x33e: {  	[tilespmem:v21+s29+$0x0] =	vst.idx.msk vm1, v4  }
0x33f: {  	[tilespmem:v19+s29+$0x0] =	vst.idx.msk vm1, v4  }
0x340: {  	v19 =	vld [tilespmem:$0x560];
	_ =	sdelay $0x4  }
0x341: {  	vm1 =	vgt.s32 v19, $0xFFF;
	v20 =	vand.u32 $0xF, v19;
	v62 =	vshrl.u32 v19, $0x4  }
0x342: {  	v19 =	vshrl.u32 v19, $0x8;
	v20 =	vadd.s32 v10, v20;
	v21 =	vand.u32 $0xF, v62  }
0x343: {  	v19 =	vand.u32 $0xF, v19;
	v21 =	vadd.s32 v11, v21  }
0x344: {  	v19 =	vadd.s32 v12, v19;
	_ =	sdelay $0x2  }
0x345: {  	[tilespmem:v20+s29+$0x0] =	vst.idx.msk vm1, v4  }
0x346: {  	[tilespmem:v21+s29+$0x0] =	vst.idx.msk vm1, v4  }
0x347: {  	[tilespmem:v19+s29+$0x0] =	vst.idx.msk vm1, v4  }
0x348: {  	v19 =	vld [tilespmem:$0x570];
	_ =	sdelay $0x4  }
0x349: {  	vm1 =	vgt.s32 v19, $0xFFF;
	v20 =	vand.u32 $0xF, v19;
	v63 =	vshrl.u32 v19, $0x4  }
0x34a: {  	v19 =	vshrl.u32 v19, $0x8;
	v20 =	vadd.s32 v13, v20;
	v21 =	vand.u32 $0xF, v63  }
0x34b: {  	v19 =	vand.u32 $0xF, v19;
	v21 =	vadd.s32 v14, v21  }
0x34c: {  	v19 =	vadd.s32 v15, v19;
	_ =	sdelay $0x2  }
0x34d: {  	[tilespmem:v20+s29+$0x0] =	vst.idx.msk vm1, v4  }
0x34e: {  	[tilespmem:v21+s29+$0x0] =	vst.idx.msk vm1, v4  }
0x34f: {  	[tilespmem:v19+s29+$0x0] =	vst.idx.msk vm1, v4  }
0x350: {  	v19 =	vld [tilespmem:$0x580];
	_ =	sdelay $0x4  }
0x351: {  	vm1 =	vgt.s32 v19, $0xFFF;
	v20 =	vand.u32 $0xF, v19;
	v24 =	vshrl.u32 v19, $0x4  }
0x352: {  	v19 =	vshrl.u32 v19, $0x8;
	v20 =	vadd.s32 v16, v20;
	v21 =	vand.u32 $0xF, v24  }
0x353: {  	v19 =	vand.u32 $0xF, v19;
	v21 =	vadd.s32 v17, v21  }
0x354: {  	v19 =	vadd.s32 v18, v19;
	_ =	sdelay $0x2  }
0x355: {  	[tilespmem:v20+s29+$0x0] =	vst.idx.msk vm1, v4  }
0x356: {  	[tilespmem:v21+s29+$0x0] =	vst.idx.msk vm1, v4  }
0x357: {  	s21 =	rddreg [dreg:$0x9];
	[tilespmem:v19+s29+$0x0] =	vst.idx.msk vm1, v4  }
0x358: {  	[hbm4b:s21+s3] =	stream.linear.scatter [tilespmem:s29], [sflag:$0x5], $0xA000, $0x38;
	[tilespmem:$0x1E800] =	vst v63  }
0x359: {  	_ =	swait.ge [sflag:s28], $0xA000  }
0x35a: {  	[sflag:s28] =	ssyncset.done $0x0  }
0x35b: {  	[sflag:s28] =	ssyncadd.s32 $0xFFFF6000  }
0x35c: {  	v19 =	vld [tilespmem:$0x230];
	_ =	sdelay $0x4  }
0x35d: {  	v20 =	vshll.u32 v19, $0x2  }
0x35e: {  	v19 =	vand.u32 $0x7, v19;
	v20 =	vand.u32 $0xFFFFFFE0, v20  }
0x35f: {  	v19 =	vor.u32 v19, v20  }
0x360: {  	v20 =	vperm.xlane v19, v0;
	_ =	sdelay $0x1  }
0x361: {  	v20 =	vadd.s32 v1, v20;
	_ =	sdelay $0x1  }
0x362: {  	v19 =	vperm.xlane v19, v2;
	_ =	sdelay $0x1  }
0x363: {  	v19 =	vadd.s32 v1, v19  }
0x364: {  	[tilespmem:s29], [sflag:$0x2] =	stream.indirect_vreg.gather [hbm4b:s1+s3], $0x80, v20, vm0, $0xb8;
	[tilespmem:$0x1E800] =	vst v63  }
0x365: {  	s20 =	simm.s32 $0xB000  }
0x366: {  	[tilespmem:s20], [sflag:$0x2] =	stream.indirect_vreg.gather [hbm4b:s5+s3], $0x80, v20, vm0, $0xb8;
	[tilespmem:$0x1E800] =	vst v63  }
0x367: {  	s21 =	simm.s32 $0xB800  }
0x368: {  	[tilespmem:s21], [sflag:$0x2] =	stream.indirect_vreg.gather [hbm4b:s1+s3], $0x80, v19, vm0, $0xb8;
	[tilespmem:$0x1E800] =	vst v63  }
0x369: {  	s20 =	simm.s32 $0xC000  }
0x36a: {  	[tilespmem:s20], [sflag:$0x2] =	stream.indirect_vreg.gather [hbm4b:s5+s3], $0x80, v19, vm0, $0xb8;
	[tilespmem:$0x1E800] =	vst v63  }
0x36b: {  	v19 =	vld [tilespmem:$0x240];
	_ =	sdelay $0x4  }
0x36c: {  	v20 =	vshll.u32 v19, $0x2  }
0x36d: {  	v19 =	vand.u32 $0x7, v19;
	v20 =	vand.u32 $0xFFFFFFE0, v20  }
0x36e: {  	v19 =	vor.u32 v19, v20  }
0x36f: {  	v20 =	vperm.xlane v19, v0;
	_ =	sdelay $0x1  }
0x370: {  	v20 =	vadd.s32 v1, v20;
	_ =	sdelay $0x1  }
0x371: {  	v19 =	vperm.xlane v19, v2;
	_ =	sdelay $0x1  }
0x372: {  	s21 =	simm.s32 $0xC800;
	v19 =	vadd.s32 v1, v19  }
0x373: {  	[tilespmem:s21], [sflag:$0x2] =	stream.indirect_vreg.gather [hbm4b:s1+s3], $0x80, v20, vm0, $0xb8;
	[tilespmem:$0x1E800] =	vst v63  }
0x374: {  	s20 =	simm.s32 $0xD000  }
0x375: {  	[tilespmem:s20], [sflag:$0x2] =	stream.indirect_vreg.gather [hbm4b:s5+s3], $0x80, v20, vm0, $0xb8;
	[tilespmem:$0x1E800] =	vst v63  }
0x376: {  	s21 =	simm.s32 $0xD800  }
0x377: {  	[tilespmem:s21], [sflag:$0x2] =	stream.indirect_vreg.gather [hbm4b:s1+s3], $0x80, v19, vm0, $0xb8;
	[tilespmem:$0x1E800] =	vst v63  }
0x378: {  	s20 =	simm.s32 $0xE000  }
0x379: {  	[tilespmem:s20], [sflag:$0x2] =	stream.indirect_vreg.gather [hbm4b:s5+s3], $0x80, v19, vm0, $0xb8;
	[tilespmem:$0x1E800] =	vst v63  }
0x37a: {  	v19 =	vld [tilespmem:$0x250];
	_ =	sdelay $0x4  }
0x37b: {  	v20 =	vshll.u32 v19, $0x2  }
0x37c: {  	v19 =	vand.u32 $0x7, v19;
	v20 =	vand.u32 $0xFFFFFFE0, v20  }
0x37d: {  	v19 =	vor.u32 v19, v20  }
0x37e: {  	v20 =	vperm.xlane v19, v0;
	_ =	sdelay $0x1  }
0x37f: {  	v20 =	vadd.s32 v1, v20;
	_ =	sdelay $0x1  }
0x380: {  	v19 =	vperm.xlane v19, v2;
	_ =	sdelay $0x1  }
0x381: {  	s21 =	simm.s32 $0xE800;
	v19 =	vadd.s32 v1, v19  }
0x382: {  	[tilespmem:s21], [sflag:$0x2] =	stream.indirect_vreg.gather [hbm4b:s1+s3], $0x80, v20, vm0, $0xb8;
	[tilespmem:$0x1E800] =	vst v63  }
0x383: {  	s20 =	simm.s32 $0xF000  }
0x384: {  	[tilespmem:s20], [sflag:$0x2] =	stream.indirect_vreg.gather [hbm4b:s5+s3], $0x80, v20, vm0, $0xb8;
	[tilespmem:$0x1E800] =	vst v63  }
0x385: {  	s21 =	simm.s32 $0xF800  }
0x386: {  	[tilespmem:s21], [sflag:$0x2] =	stream.indirect_vreg.gather [hbm4b:s1+s3], $0x80, v19, vm0, $0xb8;
	[tilespmem:$0x1E800] =	vst v63  }
0x387: {  	s20 =	simm.s32 $0x10000  }
0x388: {  	[tilespmem:s20], [sflag:$0x2] =	stream.indirect_vreg.gather [hbm4b:s5+s3], $0x80, v19, vm0, $0xb8;
	[tilespmem:$0x1E800] =	vst v63  }
0x389: {  	v19 =	vld [tilespmem:$0x260];
	_ =	sdelay $0x4  }
0x38a: {  	v20 =	vshll.u32 v19, $0x2  }
0x38b: {  	v19 =	vand.u32 $0x7, v19;
	v20 =	vand.u32 $0xFFFFFFE0, v20  }
0x38c: {  	v19 =	vor.u32 v19, v20  }
0x38d: {  	v20 =	vperm.xlane v19, v0;
	_ =	sdelay $0x1  }
0x38e: {  	v20 =	vadd.s32 v1, v20;
	_ =	sdelay $0x1  }
0x38f: {  	v19 =	vperm.xlane v19, v2;
	_ =	sdelay $0x1  }
0x390: {  	s21 =	simm.s32 $0x10800;
	v19 =	vadd.s32 v1, v19  }
0x391: {  	[tilespmem:s21], [sflag:$0x2] =	stream.indirect_vreg.gather [hbm4b:s1+s3], $0x80, v20, vm0, $0xb8;
	[tilespmem:$0x1E800] =	vst v63  }
0x392: {  	s20 =	simm.s32 $0x11000  }
0x393: {  	[tilespmem:s20], [sflag:$0x2] =	stream.indirect_vreg.gather [hbm4b:s5+s3], $0x80, v20, vm0, $0xb8;
	[tilespmem:$0x1E800] =	vst v63  }
0x394: {  	s21 =	simm.s32 $0x11800  }
0x395: {  	[tilespmem:s21], [sflag:$0x2] =	stream.indirect_vreg.gather [hbm4b:s1+s3], $0x80, v19, vm0, $0xb8;
	[tilespmem:$0x1E800] =	vst v63  }
0x396: {  	s20 =	simm.s32 $0x12000  }
0x397: {  	[tilespmem:s20], [sflag:$0x2] =	stream.indirect_vreg.gather [hbm4b:s5+s3], $0x80, v19, vm0, $0xb8;
	[tilespmem:$0x1E800] =	vst v63  }
0x398: {  	v19 =	vld [tilespmem:$0x270];
	_ =	sdelay $0x4  }
0x399: {  	v20 =	vshll.u32 v19, $0x2  }
0x39a: {  	v19 =	vand.u32 $0x7, v19;
	v20 =	vand.u32 $0xFFFFFFE0, v20  }
0x39b: {  	v19 =	vor.u32 v19, v20  }
0x39c: {  	v20 =	vperm.xlane v19, v0;
	_ =	sdelay $0x1  }
0x39d: {  	v20 =	vadd.s32 v1, v20;
	_ =	sdelay $0x1  }
0x39e: {  	v19 =	vperm.xlane v19, v2;
	_ =	sdelay $0x1  }
0x39f: {  	s21 =	simm.s32 $0x12800;
	v19 =	vadd.s32 v1, v19  }
0x3a0: {  	[tilespmem:s21], [sflag:$0x2] =	stream.indirect_vreg.gather [hbm4b:s1+s3], $0x80, v20, vm0, $0xb8;
	[tilespmem:$0x1E800] =	vst v63  }
0x3a1: {  	s20 =	simm.s32 $0x13000  }
0x3a2: {  	[tilespmem:s20], [sflag:$0x2] =	stream.indirect_vreg.gather [hbm4b:s5+s3], $0x80, v20, vm0, $0xb8;
	[tilespmem:$0x1E800] =	vst v63  }
0x3a3: {  	s21 =	simm.s32 $0x13800  }
0x3a4: {  	[tilespmem:s21], [sflag:$0x2] =	stream.indirect_vreg.gather [hbm4b:s1+s3], $0x80, v19, vm0, $0xb8;
	[tilespmem:$0x1E800] =	vst v63  }
0x3a5: {  	s20 =	simm.s32 $0x14000  }
0x3a6: {  	[tilespmem:s20], [sflag:$0x2] =	stream.indirect_vreg.gather [hbm4b:s5+s3], $0x80, v19, vm0, $0xb8;
	[tilespmem:$0x1E800] =	vst v63  }
0x3a7: {  	_ =	swait.ge [sflag:s30], $0xA000  }
0x3a8: {  	[sflag:s30] =	ssyncset.done $0x0  }
0x3a9: {  	[sflag:s30] =	ssyncadd.s32 $0xFFFF6000  }
0x3aa: {  	v19 =	vld [tilespmem:$0x590];
	_ =	sdelay $0x4  }
0x3ab: {  	vm1 =	vgt.s32 v19, $0xFFF;
	v20 =	vand.u32 $0xF, v19;
	v25 =	vshrl.u32 v19, $0x4  }
0x3ac: {  	v19 =	vshrl.u32 v19, $0x8;
	v20 =	vadd.s32 v3, v20;
	v21 =	vand.u32 $0xF, v25  }
0x3ad: {  	v19 =	vand.u32 $0xF, v19;
	v21 =	vadd.s32 v5, v21  }
0x3ae: {  	v19 =	vadd.s32 v6, v19;
	_ =	sdelay $0x2  }
0x3af: {  	[tilespmem:v20+s31+$0x0] =	vst.idx.msk vm1, v4  }
0x3b0: {  	[tilespmem:v21+s31+$0x0] =	vst.idx.msk vm1, v4  }
0x3b1: {  	[tilespmem:v19+s31+$0x0] =	vst.idx.msk vm1, v4  }
0x3b2: {  	v19 =	vld [tilespmem:$0x5A0];
	_ =	sdelay $0x4  }
0x3b3: {  	vm1 =	vgt.s32 v19, $0xFFF;
	v20 =	vand.u32 $0xF, v19;
	v26 =	vshrl.u32 v19, $0x4  }
0x3b4: {  	v19 =	vshrl.u32 v19, $0x8;
	v20 =	vadd.s32 v7, v20;
	v21 =	vand.u32 $0xF, v26  }
0x3b5: {  	v19 =	vand.u32 $0xF, v19;
	v21 =	vadd.s32 v8, v21  }
0x3b6: {  	v19 =	vadd.s32 v9, v19;
	_ =	sdelay $0x2  }
0x3b7: {  	[tilespmem:v20+s31+$0x0] =	vst.idx.msk vm1, v4  }
0x3b8: {  	[tilespmem:v21+s31+$0x0] =	vst.idx.msk vm1, v4  }
0x3b9: {  	[tilespmem:v19+s31+$0x0] =	vst.idx.msk vm1, v4  }
0x3ba: {  	v19 =	vld [tilespmem:$0x5B0];
	_ =	sdelay $0x4  }
0x3bb: {  	vm1 =	vgt.s32 v19, $0xFFF;
	v20 =	vand.u32 $0xF, v19;
	v27 =	vshrl.u32 v19, $0x4  }
0x3bc: {  	v19 =	vshrl.u32 v19, $0x8;
	v20 =	vadd.s32 v10, v20;
	v21 =	vand.u32 $0xF, v27  }
0x3bd: {  	v19 =	vand.u32 $0xF, v19;
	v21 =	vadd.s32 v11, v21  }
0x3be: {  	v19 =	vadd.s32 v12, v19;
	_ =	sdelay $0x2  }
0x3bf: {  	[tilespmem:v20+s31+$0x0] =	vst.idx.msk vm1, v4  }
0x3c0: {  	[tilespmem:v21+s31+$0x0] =	vst.idx.msk vm1, v4  }
0x3c1: {  	[tilespmem:v19+s31+$0x0] =	vst.idx.msk vm1, v4  }
0x3c2: {  	v19 =	vld [tilespmem:$0x5C0];
	_ =	sdelay $0x4  }
0x3c3: {  	vm1 =	vgt.s32 v19, $0xFFF;
	v20 =	vand.u32 $0xF, v19;
	v28 =	vshrl.u32 v19, $0x4  }
0x3c4: {  	v19 =	vshrl.u32 v19, $0x8;
	v20 =	vadd.s32 v13, v20;
	v21 =	vand.u32 $0xF, v28  }
0x3c5: {  	v19 =	vand.u32 $0xF, v19;
	v21 =	vadd.s32 v14, v21  }
0x3c6: {  	v19 =	vadd.s32 v15, v19;
	_ =	sdelay $0x2  }
0x3c7: {  	[tilespmem:v20+s31+$0x0] =	vst.idx.msk vm1, v4  }
0x3c8: {  	[tilespmem:v21+s31+$0x0] =	vst.idx.msk vm1, v4  }
0x3c9: {  	[tilespmem:v19+s31+$0x0] =	vst.idx.msk vm1, v4  }
0x3ca: {  	v19 =	vld [tilespmem:$0x5D0];
	_ =	sdelay $0x4  }
0x3cb: {  	vm1 =	vgt.s32 v19, $0xFFF;
	v20 =	vand.u32 $0xF, v19;
	v29 =	vshrl.u32 v19, $0x4  }
0x3cc: {  	v19 =	vshrl.u32 v19, $0x8;
	v20 =	vadd.s32 v16, v20;
	v21 =	vand.u32 $0xF, v29  }
0x3cd: {  	v19 =	vand.u32 $0xF, v19;
	v21 =	vadd.s32 v17, v21  }
0x3ce: {  	v19 =	vadd.s32 v18, v19;
	_ =	sdelay $0x2  }
0x3cf: {  	[tilespmem:v20+s31+$0x0] =	vst.idx.msk vm1, v4  }
0x3d0: {  	[tilespmem:v21+s31+$0x0] =	vst.idx.msk vm1, v4  }
0x3d1: {  	s21 =	rddreg [dreg:$0xa];
	[tilespmem:v19+s31+$0x0] =	vst.idx.msk vm1, v4  }
0x3d2: {  	[hbm4b:s21+s3] =	stream.linear.scatter [tilespmem:s31], [sflag:$0x6], $0xA000, $0x38;
	[tilespmem:$0x1E800] =	vst v63  }
0x3d3: {  	_ =	swait.ge [sflag:s2], $0xA000  }
0x3d4: {  	[sflag:s2] =	ssyncset.done $0x0  }
0x3d5: {  	[sflag:s2] =	ssyncadd.s32 $0xFFFF6000  }
0x3d6: {  	v19 =	vld [tilespmem:$0x280];
	_ =	sdelay $0x4  }
0x3d7: {  	v20 =	vshll.u32 v19, $0x2  }
0x3d8: {  	v19 =	vand.u32 $0x7, v19;
	v20 =	vand.u32 $0xFFFFFFE0, v20  }
0x3d9: {  	v19 =	vor.u32 v19, v20  }
0x3da: {  	v20 =	vperm.xlane v19, v0;
	_ =	sdelay $0x1  }
0x3db: {  	v20 =	vadd.s32 v1, v20;
	_ =	sdelay $0x1  }
0x3dc: {  	v19 =	vperm.xlane v19, v2;
	_ =	sdelay $0x1  }
0x3dd: {  	v19 =	vadd.s32 v1, v19  }
0x3de: {  	[tilespmem:s31], [sflag:$0x3] =	stream.indirect_vreg.gather [hbm4b:s1+s3], $0x80, v20, vm0, $0xb8;
	[tilespmem:$0x1E800] =	vst v63  }
0x3df: {  	s23 =	simm.s32 $0x15000  }
0x3e0: {  	[tilespmem:s23], [sflag:$0x3] =	stream.indirect_vreg.gather [hbm4b:s5+s3], $0x80, v20, vm0, $0xb8;
	[tilespmem:$0x1E800] =	vst v63  }
0x3e1: {  	s23 =	simm.s32 $0x15800  }
0x3e2: {  	[tilespmem:s23], [sflag:$0x3] =	stream.indirect_vreg.gather [hbm4b:s1+s3], $0x80, v19, vm0, $0xb8;
	[tilespmem:$0x1E800] =	vst v63  }
0x3e3: {  	s20 =	simm.s32 $0x16000  }
0x3e4: {  	[tilespmem:s20], [sflag:$0x3] =	stream.indirect_vreg.gather [hbm4b:s5+s3], $0x80, v19, vm0, $0xb8;
	[tilespmem:$0x1E800] =	vst v63  }
0x3e5: {  	v19 =	vld [tilespmem:$0x290];
	_ =	sdelay $0x4  }
0x3e6: {  	v20 =	vshll.u32 v19, $0x2  }
0x3e7: {  	v19 =	vand.u32 $0x7, v19;
	v20 =	vand.u32 $0xFFFFFFE0, v20  }
0x3e8: {  	v19 =	vor.u32 v19, v20  }
0x3e9: {  	v20 =	vperm.xlane v19, v0;
	_ =	sdelay $0x1  }
0x3ea: {  	v20 =	vadd.s32 v1, v20;
	_ =	sdelay $0x1  }
0x3eb: {  	v19 =	vperm.xlane v19, v2;
	_ =	sdelay $0x1  }
0x3ec: {  	s23 =	simm.s32 $0x16800;
	v19 =	vadd.s32 v1, v19  }
0x3ed: {  	[tilespmem:s23], [sflag:$0x3] =	stream.indirect_vreg.gather [hbm4b:s1+s3], $0x80, v20, vm0, $0xb8;
	[tilespmem:$0x1E800] =	vst v63  }
0x3ee: {  	s20 =	simm.s32 $0x17000  }
0x3ef: {  	[tilespmem:s20], [sflag:$0x3] =	stream.indirect_vreg.gather [hbm4b:s5+s3], $0x80, v20, vm0, $0xb8;
	[tilespmem:$0x1E800] =	vst v63  }
0x3f0: {  	s23 =	simm.s32 $0x17800  }
0x3f1: {  	[tilespmem:s23], [sflag:$0x3] =	stream.indirect_vreg.gather [hbm4b:s1+s3], $0x80, v19, vm0, $0xb8;
	[tilespmem:$0x1E800] =	vst v63  }
0x3f2: {  	s20 =	simm.s32 $0x18000  }
0x3f3: {  	[tilespmem:s20], [sflag:$0x3] =	stream.indirect_vreg.gather [hbm4b:s5+s3], $0x80, v19, vm0, $0xb8;
	[tilespmem:$0x1E800] =	vst v63  }
0x3f4: {  	v19 =	vld [tilespmem:$0x2A0];
	_ =	sdelay $0x4  }
0x3f5: {  	v20 =	vshll.u32 v19, $0x2  }
0x3f6: {  	v19 =	vand.u32 $0x7, v19;
	v20 =	vand.u32 $0xFFFFFFE0, v20  }
0x3f7: {  	v19 =	vor.u32 v19, v20  }
0x3f8: {  	v20 =	vperm.xlane v19, v0;
	_ =	sdelay $0x1  }
0x3f9: {  	v20 =	vadd.s32 v1, v20;
	_ =	sdelay $0x1  }
0x3fa: {  	v19 =	vperm.xlane v19, v2;
	_ =	sdelay $0x1  }
0x3fb: {  	s23 =	simm.s32 $0x18800;
	v19 =	vadd.s32 v1, v19  }
0x3fc: {  	[tilespmem:s23], [sflag:$0x3] =	stream.indirect_vreg.gather [hbm4b:s1+s3], $0x80, v20, vm0, $0xb8;
	[tilespmem:$0x1E800] =	vst v63  }
0x3fd: {  	s20 =	simm.s32 $0x19000  }
0x3fe: {  	[tilespmem:s20], [sflag:$0x3] =	stream.indirect_vreg.gather [hbm4b:s5+s3], $0x80, v20, vm0, $0xb8;
	[tilespmem:$0x1E800] =	vst v63  }
0x3ff: {  	s23 =	simm.s32 $0x19800  }
0x400: {  	[tilespmem:s23], [sflag:$0x3] =	stream.indirect_vreg.gather [hbm4b:s1+s3], $0x80, v19, vm0, $0xb8;
	[tilespmem:$0x1E800] =	vst v63  }
0x401: {  	s20 =	simm.s32 $0x1A000  }
0x402: {  	[tilespmem:s20], [sflag:$0x3] =	stream.indirect_vreg.gather [hbm4b:s5+s3], $0x80, v19, vm0, $0xb8;
	[tilespmem:$0x1E800] =	vst v63  }
0x403: {  	v19 =	vld [tilespmem:$0x2B0];
	_ =	sdelay $0x4  }
0x404: {  	v20 =	vshll.u32 v19, $0x2  }
0x405: {  	v19 =	vand.u32 $0x7, v19;
	v20 =	vand.u32 $0xFFFFFFE0, v20  }
0x406: {  	v19 =	vor.u32 v19, v20  }
0x407: {  	v20 =	vperm.xlane v19, v0;
	_ =	sdelay $0x1  }
0x408: {  	v20 =	vadd.s32 v1, v20;
	_ =	sdelay $0x1  }
0x409: {  	v19 =	vperm.xlane v19, v2;
	_ =	sdelay $0x1  }
0x40a: {  	s23 =	simm.s32 $0x1A800;
	v19 =	vadd.s32 v1, v19  }
0x40b: {  	[tilespmem:s23], [sflag:$0x3] =	stream.indirect_vreg.gather [hbm4b:s1+s3], $0x80, v20, vm0, $0xb8;
	[tilespmem:$0x1E800] =	vst v63  }
0x40c: {  	s20 =	simm.s32 $0x1B000  }
0x40d: {  	[tilespmem:s20], [sflag:$0x3] =	stream.indirect_vreg.gather [hbm4b:s5+s3], $0x80, v20, vm0, $0xb8;
	[tilespmem:$0x1E800] =	vst v63  }
0x40e: {  	s23 =	simm.s32 $0x1B800  }
0x40f: {  	[tilespmem:s23], [sflag:$0x3] =	stream.indirect_vreg.gather [hbm4b:s1+s3], $0x80, v19, vm0, $0xb8;
	[tilespmem:$0x1E800] =	vst v63  }
0x410: {  	s20 =	simm.s32 $0x1C000  }
0x411: {  	[tilespmem:s20], [sflag:$0x3] =	stream.indirect_vreg.gather [hbm4b:s5+s3], $0x80, v19, vm0, $0xb8;
	[tilespmem:$0x1E800] =	vst v63  }
0x412: {  	v19 =	vld [tilespmem:$0x2C0];
	_ =	sdelay $0x4  }
0x413: {  	v20 =	vshll.u32 v19, $0x2  }
0x414: {  	v19 =	vand.u32 $0x7, v19;
	v20 =	vand.u32 $0xFFFFFFE0, v20  }
0x415: {  	v19 =	vor.u32 v19, v20  }
0x416: {  	v20 =	vperm.xlane v19, v0;
	_ =	sdelay $0x1  }
0x417: {  	v20 =	vadd.s32 v1, v20;
	_ =	sdelay $0x1  }
0x418: {  	v19 =	vperm.xlane v19, v2;
	_ =	sdelay $0x1  }
0x419: {  	s23 =	simm.s32 $0x1C800;
	v19 =	vadd.s32 v1, v19  }
0x41a: {  	[tilespmem:s23], [sflag:$0x3] =	stream.indirect_vreg.gather [hbm4b:s1+s3], $0x80, v20, vm0, $0xb8;
	[tilespmem:$0x1E800] =	vst v63  }
0x41b: {  	s20 =	simm.s32 $0x1D000  }
0x41c: {  	[tilespmem:s20], [sflag:$0x3] =	stream.indirect_vreg.gather [hbm4b:s5+s3], $0x80, v20, vm0, $0xb8;
	[tilespmem:$0x1E800] =	vst v63  }
0x41d: {  	s23 =	simm.s32 $0x1D800  }
0x41e: {  	[tilespmem:s23], [sflag:$0x3] =	stream.indirect_vreg.gather [hbm4b:s1+s3], $0x80, v19, vm0, $0xb8;
	[tilespmem:$0x1E800] =	vst v63  }
0x41f: {  	s20 =	simm.s32 $0x1E000  }
0x420: {  	[tilespmem:s20], [sflag:$0x3] =	stream.indirect_vreg.gather [hbm4b:s5+s3], $0x80, v19, vm0, $0xb8;
	[tilespmem:$0x1E800] =	vst v63  }
0x421: {  	_ =	swait.ge [sflag:s24], $0xA000  }
0x422: {  	[sflag:s24] =	ssyncset.done $0x0  }
0x423: {  	[sflag:s24] =	ssyncadd.s32 $0xFFFF6000  }
0x424: {  	v19 =	vld [tilespmem:$0x5E0];
	_ =	sdelay $0x4  }
0x425: {  	vm1 =	vgt.s32 v19, $0xFFF;
	v20 =	vand.u32 $0xF, v19;
	v30 =	vshrl.u32 v19, $0x4  }
0x426: {  	v19 =	vshrl.u32 v19, $0x8;
	v20 =	vadd.s32 v3, v20;
	v21 =	vand.u32 $0xF, v30  }
0x427: {  	v19 =	vand.u32 $0xF, v19;
	v21 =	vadd.s32 v5, v21  }
0x428: {  	v19 =	vadd.s32 v6, v19;
	_ =	sdelay $0x2  }
0x429: {  	[tilespmem:v20+s8+$0x0] =	vst.idx.msk vm1, v4  }
0x42a: {  	[tilespmem:v21+s8+$0x0] =	vst.idx.msk vm1, v4  }
0x42b: {  	[tilespmem:v19+s8+$0x0] =	vst.idx.msk vm1, v4  }
0x42c: {  	v19 =	vld [tilespmem:$0x5F0];
	_ =	sdelay $0x4  }
0x42d: {  	vm1 =	vgt.s32 v19, $0xFFF;
	v20 =	vand.u32 $0xF, v19;
	v31 =	vshrl.u32 v19, $0x4  }
0x42e: {  	v19 =	vshrl.u32 v19, $0x8;
	v20 =	vadd.s32 v7, v20;
	v21 =	vand.u32 $0xF, v31  }
0x42f: {  	v19 =	vand.u32 $0xF, v19;
	v21 =	vadd.s32 v8, v21  }
0x430: {  	v19 =	vadd.s32 v9, v19;
	_ =	sdelay $0x2  }
0x431: {  	[tilespmem:v20+s8+$0x0] =	vst.idx.msk vm1, v4  }
0x432: {  	[tilespmem:v21+s8+$0x0] =	vst.idx.msk vm1, v4  }
0x433: {  	[tilespmem:v19+s8+$0x0] =	vst.idx.msk vm1, v4  }
0x434: {  	v19 =	vld [tilespmem:$0x600];
	_ =	sdelay $0x4  }
0x435: {  	vm1 =	vgt.s32 v19, $0xFFF;
	v20 =	vand.u32 $0xF, v19;
	v32 =	vshrl.u32 v19, $0x4  }
0x436: {  	v19 =	vshrl.u32 v19, $0x8;
	v20 =	vadd.s32 v10, v20;
	v21 =	vand.u32 $0xF, v32  }
0x437: {  	v19 =	vand.u32 $0xF, v19;
	v21 =	vadd.s32 v11, v21  }
0x438: {  	v19 =	vadd.s32 v12, v19;
	_ =	sdelay $0x2  }
0x439: {  	[tilespmem:v20+s8+$0x0] =	vst.idx.msk vm1, v4  }
0x43a: {  	[tilespmem:v21+s8+$0x0] =	vst.idx.msk vm1, v4  }
0x43b: {  	[tilespmem:v19+s8+$0x0] =	vst.idx.msk vm1, v4  }
0x43c: {  	v19 =	vld [tilespmem:$0x610];
	_ =	sdelay $0x4  }
0x43d: {  	vm1 =	vgt.s32 v19, $0xFFF;
	v20 =	vand.u32 $0xF, v19;
	v33 =	vshrl.u32 v19, $0x4  }
0x43e: {  	v19 =	vshrl.u32 v19, $0x8;
	v20 =	vadd.s32 v13, v20;
	v21 =	vand.u32 $0xF, v33  }
0x43f: {  	v19 =	vand.u32 $0xF, v19;
	v21 =	vadd.s32 v14, v21  }
0x440: {  	v19 =	vadd.s32 v15, v19;
	_ =	sdelay $0x2  }
0x441: {  	[tilespmem:v20+s8+$0x0] =	vst.idx.msk vm1, v4  }
0x442: {  	[tilespmem:v21+s8+$0x0] =	vst.idx.msk vm1, v4  }
0x443: {  	[tilespmem:v19+s8+$0x0] =	vst.idx.msk vm1, v4  }
0x444: {  	v19 =	vld [tilespmem:$0x620];
	_ =	sdelay $0x4  }
0x445: {  	vm1 =	vgt.s32 v19, $0xFFF;
	v20 =	vand.u32 $0xF, v19;
	v34 =	vshrl.u32 v19, $0x4  }
0x446: {  	v19 =	vshrl.u32 v19, $0x8;
	v20 =	vadd.s32 v16, v20;
	v21 =	vand.u32 $0xF, v34  }
0x447: {  	v19 =	vand.u32 $0xF, v19;
	v21 =	vadd.s32 v17, v21  }
0x448: {  	v19 =	vadd.s32 v18, v19;
	_ =	sdelay $0x2  }
0x449: {  	[tilespmem:v20+s8+$0x0] =	vst.idx.msk vm1, v4  }
0x44a: {  	[tilespmem:v21+s8+$0x0] =	vst.idx.msk vm1, v4  }
0x44b: {  	s23 =	rddreg [dreg:$0xb];
	[tilespmem:v19+s8+$0x0] =	vst.idx.msk vm1, v4  }
0x44c: {  	[hbm4b:s23+s3] =	stream.linear.scatter [tilespmem:s8], [sflag:$0x4], $0xA000, $0x38;
	[tilespmem:$0x1E800] =	vst v63  }
0x44d: {  	_ =	swait.ge [sflag:s25], $0xA000  }
0x44e: {  	[sflag:s25] =	ssyncset.done $0x0  }
0x44f: {  	[sflag:s25] =	ssyncadd.s32 $0xFFFF6000  }
0x450: {  	v19 =	vld [tilespmem:$0x2D0];
	_ =	sdelay $0x4  }
0x451: {  	v20 =	vshll.u32 v19, $0x2  }
0x452: {  	v19 =	vand.u32 $0x7, v19;
	v20 =	vand.u32 $0xFFFFFFE0, v20  }
0x453: {  	v19 =	vor.u32 v19, v20  }
0x454: {  	v20 =	vperm.xlane v19, v0;
	_ =	sdelay $0x1  }
0x455: {  	v20 =	vadd.s32 v1, v20;
	_ =	sdelay $0x1  }
0x456: {  	v19 =	vperm.xlane v19, v2;
	_ =	sdelay $0x1  }
0x457: {  	v19 =	vadd.s32 v1, v19  }
0x458: {  	[tilespmem:s8], [sflag:$0x1] =	stream.indirect_vreg.gather [hbm4b:s1+s3], $0x80, v20, vm0, $0xb8;
	[tilespmem:$0x1E800] =	vst v63  }
0x459: {  	s4 =	simm.s32 $0x1000  }
0x45a: {  	[tilespmem:s4], [sflag:$0x1] =	stream.indirect_vreg.gather [hbm4b:s5+s3], $0x80, v20, vm0, $0xb8;
	[tilespmem:$0x1E800] =	vst v63  }
0x45b: {  	s4 =	simm.s32 $0x1800  }
0x45c: {  	[tilespmem:s4], [sflag:$0x1] =	stream.indirect_vreg.gather [hbm4b:s1+s3], $0x80, v19, vm0, $0xb8;
	[tilespmem:$0x1E800] =	vst v63  }
0x45d: {  	s7 =	simm.s32 $0x2000  }
0x45e: {  	[tilespmem:s7], [sflag:$0x1] =	stream.indirect_vreg.gather [hbm4b:s5+s3], $0x80, v19, vm0, $0xb8;
	[tilespmem:$0x1E800] =	vst v63  }
0x45f: {  	v19 =	vld [tilespmem:$0x2E0];
	_ =	sdelay $0x4  }
0x460: {  	v20 =	vshll.u32 v19, $0x2  }
0x461: {  	v19 =	vand.u32 $0x7, v19;
	v20 =	vand.u32 $0xFFFFFFE0, v20  }
0x462: {  	v19 =	vor.u32 v19, v20  }
0x463: {  	v20 =	vperm.xlane v19, v0;
	_ =	sdelay $0x1  }
0x464: {  	v20 =	vadd.s32 v1, v20;
	_ =	sdelay $0x1  }
0x465: {  	v19 =	vperm.xlane v19, v2;
	_ =	sdelay $0x1  }
0x466: {  	s11 =	simm.s32 $0x2800;
	v19 =	vadd.s32 v1, v19  }
0x467: {  	[tilespmem:s11], [sflag:$0x1] =	stream.indirect_vreg.gather [hbm4b:s1+s3], $0x80, v20, vm0, $0xb8;
	[tilespmem:$0x1E800] =	vst v63  }
0x468: {  	s12 =	simm.s32 $0x3000  }
0x469: {  	[tilespmem:s12], [sflag:$0x1] =	stream.indirect_vreg.gather [hbm4b:s5+s3], $0x80, v20, vm0, $0xb8;
	[tilespmem:$0x1E800] =	vst v63  }
0x46a: {  	s13 =	simm.s32 $0x3800  }
0x46b: {  	[tilespmem:s13], [sflag:$0x1] =	stream.indirect_vreg.gather [hbm4b:s1+s3], $0x80, v19, vm0, $0xb8;
	[tilespmem:$0x1E800] =	vst v63  }
0x46c: {  	s26 =	simm.s32 $0x4000  }
0x46d: {  	[tilespmem:s26], [sflag:$0x1] =	stream.indirect_vreg.gather [hbm4b:s5+s3], $0x80, v19, vm0, $0xb8;
	[tilespmem:$0x1E800] =	vst v63  }
0x46e: {  	v19 =	vld [tilespmem:$0x2F0];
	_ =	sdelay $0x4  }
0x46f: {  	v20 =	vshll.u32 v19, $0x2  }
0x470: {  	v19 =	vand.u32 $0x7, v19;
	v20 =	vand.u32 $0xFFFFFFE0, v20  }
0x471: {  	v19 =	vor.u32 v19, v20  }
0x472: {  	v20 =	vperm.xlane v19, v0;
	_ =	sdelay $0x1  }
0x473: {  	v20 =	vadd.s32 v1, v20;
	_ =	sdelay $0x1  }
0x474: {  	v19 =	vperm.xlane v19, v2;
	_ =	sdelay $0x1  }
0x475: {  	s14 =	simm.s32 $0x4800;
	v19 =	vadd.s32 v1, v19  }
0x476: {  	[tilespmem:s14], [sflag:$0x1] =	stream.indirect_vreg.gather [hbm4b:s1+s3], $0x80, v20, vm0, $0xb8;
	[tilespmem:$0x1E800] =	vst v63  }
0x477: {  	s15 =	simm.s32 $0x5000  }
0x478: {  	[tilespmem:s15], [sflag:$0x1] =	stream.indirect_vreg.gather [hbm4b:s5+s3], $0x80, v20, vm0, $0xb8;
	[tilespmem:$0x1E800] =	vst v63  }
0x479: {  	s16 =	simm.s32 $0x5800  }
0x47a: {  	[tilespmem:s16], [sflag:$0x1] =	stream.indirect_vreg.gather [hbm4b:s1+s3], $0x80, v19, vm0, $0xb8;
	[tilespmem:$0x1E800] =	vst v63  }
0x47b: {  	s16 =	simm.s32 $0x6000  }
0x47c: {  	[tilespmem:s16], [sflag:$0x1] =	stream.indirect_vreg.gather [hbm4b:s5+s3], $0x80, v19, vm0, $0xb8;
	[tilespmem:$0x1E800] =	vst v63  }
0x47d: {  	v19 =	vld [tilespmem:$0x300];
	_ =	sdelay $0x4  }
0x47e: {  	v20 =	vshll.u32 v19, $0x2  }
0x47f: {  	v19 =	vand.u32 $0x7, v19;
	v20 =	vand.u32 $0xFFFFFFE0, v20  }
0x480: {  	v19 =	vor.u32 v19, v20  }
0x481: {  	v20 =	vperm.xlane v19, v0;
	_ =	sdelay $0x1  }
0x482: {  	v20 =	vadd.s32 v1, v20;
	_ =	sdelay $0x1  }
0x483: {  	v19 =	vperm.xlane v19, v2;
	_ =	sdelay $0x1  }
0x484: {  	s17 =	simm.s32 $0x6800;
	v19 =	vadd.s32 v1, v19  }
0x485: {  	[tilespmem:s17], [sflag:$0x1] =	stream.indirect_vreg.gather [hbm4b:s1+s3], $0x80, v20, vm0, $0xb8;
	[tilespmem:$0x1E800] =	vst v63  }
0x486: {  	s18 =	simm.s32 $0x7000  }
0x487: {  	[tilespmem:s18], [sflag:$0x1] =	stream.indirect_vreg.gather [hbm4b:s5+s3], $0x80, v20, vm0, $0xb8;
	[tilespmem:$0x1E800] =	vst v63  }
0x488: {  	s19 =	simm.s32 $0x7800  }
0x489: {  	[tilespmem:s19], [sflag:$0x1] =	stream.indirect_vreg.gather [hbm4b:s1+s3], $0x80, v19, vm0, $0xb8;
	[tilespmem:$0x1E800] =	vst v63  }
0x48a: {  	s22 =	simm.s32 $0x8000  }
0x48b: {  	[tilespmem:s22], [sflag:$0x1] =	stream.indirect_vreg.gather [hbm4b:s5+s3], $0x80, v19, vm0, $0xb8;
	[tilespmem:$0x1E800] =	vst v63  }
0x48c: {  	v19 =	vld [tilespmem:$0x310];
	_ =	sdelay $0x4  }
0x48d: {  	v20 =	vshll.u32 v19, $0x2  }
0x48e: {  	v19 =	vand.u32 $0x7, v19;
	v20 =	vand.u32 $0xFFFFFFE0, v20  }
0x48f: {  	v19 =	vor.u32 v19, v20  }
0x490: {  	v20 =	vperm.xlane v19, v0;
	_ =	sdelay $0x1  }
0x491: {  	v20 =	vadd.s32 v1, v20;
	_ =	sdelay $0x1  }
0x492: {  	v19 =	vperm.xlane v19, v2;
	_ =	sdelay $0x1  }
0x493: {  	s22 =	simm.s32 $0x8800;
	v19 =	vadd.s32 v1, v19  }
0x494: {  	[tilespmem:s22], [sflag:$0x1] =	stream.indirect_vreg.gather [hbm4b:s1+s3], $0x80, v20, vm0, $0xb8;
	[tilespmem:$0x1E800] =	vst v63  }
0x495: {  	s22 =	simm.s32 $0x9000  }
0x496: {  	[tilespmem:s22], [sflag:$0x1] =	stream.indirect_vreg.gather [hbm4b:s5+s3], $0x80, v20, vm0, $0xb8;
	[tilespmem:$0x1E800] =	vst v63  }
0x497: {  	s22 =	simm.s32 $0x9800  }
0x498: {  	[tilespmem:s22], [sflag:$0x1] =	stream.indirect_vreg.gather [hbm4b:s1+s3], $0x80, v19, vm0, $0xb8;
	[tilespmem:$0x1E800] =	vst v63  }
0x499: {  	s9 =	simm.s32 $0xA000  }
0x49a: {  	[tilespmem:s9], [sflag:$0x1] =	stream.indirect_vreg.gather [hbm4b:s5+s3], $0x80, v19, vm0, $0xb8;
	[tilespmem:$0x1E800] =	vst v63  }
0x49b: {  	_ =	swait.ge [sflag:s10], $0xA000  }
0x49c: {  	[sflag:s10] =	ssyncset.done $0x0  }
0x49d: {  	[sflag:s10] =	ssyncadd.s32 $0xFFFF6000  }
0x49e: {  	v19 =	vld [tilespmem:$0x630];
	_ =	sdelay $0x4  }
0x49f: {  	vm1 =	vgt.s32 v19, $0xFFF;
	v20 =	vand.u32 $0xF, v19;
	v35 =	vshrl.u32 v19, $0x4  }
0x4a0: {  	v19 =	vshrl.u32 v19, $0x8;
	v20 =	vadd.s32 v3, v20;
	v21 =	vand.u32 $0xF, v35  }
0x4a1: {  	v19 =	vand.u32 $0xF, v19;
	v21 =	vadd.s32 v5, v21  }
0x4a2: {  	v19 =	vadd.s32 v6, v19;
	_ =	sdelay $0x2  }
0x4a3: {  	[tilespmem:v20+s29+$0x0] =	vst.idx.msk vm1, v4  }
0x4a4: {  	[tilespmem:v21+s29+$0x0] =	vst.idx.msk vm1, v4  }
0x4a5: {  	[tilespmem:v19+s29+$0x0] =	vst.idx.msk vm1, v4  }
0x4a6: {  	v19 =	vld [tilespmem:$0x640];
	_ =	sdelay $0x4  }
0x4a7: {  	vm1 =	vgt.s32 v19, $0xFFF;
	v20 =	vand.u32 $0xF, v19;
	v36 =	vshrl.u32 v19, $0x4  }
0x4a8: {  	v19 =	vshrl.u32 v19, $0x8;
	v20 =	vadd.s32 v7, v20;
	v21 =	vand.u32 $0xF, v36  }
0x4a9: {  	v19 =	vand.u32 $0xF, v19;
	v21 =	vadd.s32 v8, v21  }
0x4aa: {  	v19 =	vadd.s32 v9, v19;
	_ =	sdelay $0x2  }
0x4ab: {  	[tilespmem:v20+s29+$0x0] =	vst.idx.msk vm1, v4  }
0x4ac: {  	[tilespmem:v21+s29+$0x0] =	vst.idx.msk vm1, v4  }
0x4ad: {  	[tilespmem:v19+s29+$0x0] =	vst.idx.msk vm1, v4  }
0x4ae: {  	v19 =	vld [tilespmem:$0x650];
	_ =	sdelay $0x4  }
0x4af: {  	vm1 =	vgt.s32 v19, $0xFFF;
	v20 =	vand.u32 $0xF, v19;
	v37 =	vshrl.u32 v19, $0x4  }
0x4b0: {  	v19 =	vshrl.u32 v19, $0x8;
	v20 =	vadd.s32 v10, v20;
	v21 =	vand.u32 $0xF, v37  }
0x4b1: {  	v19 =	vand.u32 $0xF, v19;
	v21 =	vadd.s32 v11, v21  }
0x4b2: {  	v19 =	vadd.s32 v12, v19;
	_ =	sdelay $0x2  }
0x4b3: {  	[tilespmem:v20+s29+$0x0] =	vst.idx.msk vm1, v4  }
0x4b4: {  	[tilespmem:v21+s29+$0x0] =	vst.idx.msk vm1, v4  }
0x4b5: {  	[tilespmem:v19+s29+$0x0] =	vst.idx.msk vm1, v4  }
0x4b6: {  	v19 =	vld [tilespmem:$0x660];
	_ =	sdelay $0x4  }
0x4b7: {  	vm1 =	vgt.s32 v19, $0xFFF;
	v20 =	vand.u32 $0xF, v19;
	v38 =	vshrl.u32 v19, $0x4  }
0x4b8: {  	v19 =	vshrl.u32 v19, $0x8;
	v20 =	vadd.s32 v13, v20;
	v21 =	vand.u32 $0xF, v38  }
0x4b9: {  	v19 =	vand.u32 $0xF, v19;
	v21 =	vadd.s32 v14, v21  }
0x4ba: {  	v19 =	vadd.s32 v15, v19;
	_ =	sdelay $0x2  }
0x4bb: {  	[tilespmem:v20+s29+$0x0] =	vst.idx.msk vm1, v4  }
0x4bc: {  	[tilespmem:v21+s29+$0x0] =	vst.idx.msk vm1, v4  }
0x4bd: {  	[tilespmem:v19+s29+$0x0] =	vst.idx.msk vm1, v4  }
0x4be: {  	v19 =	vld [tilespmem:$0x670];
	_ =	sdelay $0x4  }
0x4bf: {  	vm1 =	vgt.s32 v19, $0xFFF;
	v20 =	vand.u32 $0xF, v19;
	v39 =	vshrl.u32 v19, $0x4  }
0x4c0: {  	v19 =	vshrl.u32 v19, $0x8;
	v20 =	vadd.s32 v16, v20;
	v21 =	vand.u32 $0xF, v39  }
0x4c1: {  	v19 =	vand.u32 $0xF, v19;
	v21 =	vadd.s32 v17, v21  }
0x4c2: {  	v19 =	vadd.s32 v18, v19;
	_ =	sdelay $0x2  }
0x4c3: {  	[tilespmem:v20+s29+$0x0] =	vst.idx.msk vm1, v4  }
0x4c4: {  	[tilespmem:v21+s29+$0x0] =	vst.idx.msk vm1, v4  }
0x4c5: {  	s9 =	rddreg [dreg:$0xc];
	[tilespmem:v19+s29+$0x0] =	vst.idx.msk vm1, v4  }
0x4c6: {  	[hbm4b:s9+s3] =	stream.linear.scatter [tilespmem:s29], [sflag:$0x5], $0xA000, $0x38;
	[tilespmem:$0x1E800] =	vst v63  }
0x4c7: {  	_ =	swait.ge [sflag:s28], $0xA000  }
0x4c8: {  	[sflag:s28] =	ssyncset.done $0x0  }
0x4c9: {  	[sflag:s28] =	ssyncadd.s32 $0xFFFF6000  }
0x4ca: {  	v19 =	vld [tilespmem:$0x320];
	_ =	sdelay $0x4  }
0x4cb: {  	v20 =	vshll.u32 v19, $0x2  }
0x4cc: {  	v19 =	vand.u32 $0x7, v19;
	v20 =	vand.u32 $0xFFFFFFE0, v20  }
0x4cd: {  	v19 =	vor.u32 v19, v20  }
0x4ce: {  	v20 =	vperm.xlane v19, v0;
	_ =	sdelay $0x1  }
0x4cf: {  	v20 =	vadd.s32 v1, v20;
	_ =	sdelay $0x1  }
0x4d0: {  	v19 =	vperm.xlane v19, v2;
	_ =	sdelay $0x1  }
0x4d1: {  	v19 =	vadd.s32 v1, v19  }
0x4d2: {  	[tilespmem:s29], [sflag:$0x2] =	stream.indirect_vreg.gather [hbm4b:s1+s3], $0x80, v20, vm0, $0xb8;
	[tilespmem:$0x1E800] =	vst v63  }
0x4d3: {  	s22 =	simm.s32 $0xB000  }
0x4d4: {  	[tilespmem:s22], [sflag:$0x2] =	stream.indirect_vreg.gather [hbm4b:s5+s3], $0x80, v20, vm0, $0xb8;
	[tilespmem:$0x1E800] =	vst v63  }
0x4d5: {  	s9 =	simm.s32 $0xB800  }
0x4d6: {  	[tilespmem:s9], [sflag:$0x2] =	stream.indirect_vreg.gather [hbm4b:s1+s3], $0x80, v19, vm0, $0xb8;
	[tilespmem:$0x1E800] =	vst v63  }
0x4d7: {  	s22 =	simm.s32 $0xC000  }
0x4d8: {  	[tilespmem:s22], [sflag:$0x2] =	stream.indirect_vreg.gather [hbm4b:s5+s3], $0x80, v19, vm0, $0xb8;
	[tilespmem:$0x1E800] =	vst v63  }
0x4d9: {  	v19 =	vld [tilespmem:$0x330];
	_ =	sdelay $0x4  }
0x4da: {  	v20 =	vshll.u32 v19, $0x2  }
0x4db: {  	v19 =	vand.u32 $0x7, v19;
	v20 =	vand.u32 $0xFFFFFFE0, v20  }
0x4dc: {  	v19 =	vor.u32 v19, v20  }
0x4dd: {  	v20 =	vperm.xlane v19, v0;
	_ =	sdelay $0x1  }
0x4de: {  	v20 =	vadd.s32 v1, v20;
	_ =	sdelay $0x1  }
0x4df: {  	v19 =	vperm.xlane v19, v2;
	_ =	sdelay $0x1  }
0x4e0: {  	s9 =	simm.s32 $0xC800;
	v19 =	vadd.s32 v1, v19  }
0x4e1: {  	[tilespmem:s9], [sflag:$0x2] =	stream.indirect_vreg.gather [hbm4b:s1+s3], $0x80, v20, vm0, $0xb8;
	[tilespmem:$0x1E800] =	vst v63  }
0x4e2: {  	s22 =	simm.s32 $0xD000  }
0x4e3: {  	[tilespmem:s22], [sflag:$0x2] =	stream.indirect_vreg.gather [hbm4b:s5+s3], $0x80, v20, vm0, $0xb8;
	[tilespmem:$0x1E800] =	vst v63  }
0x4e4: {  	s9 =	simm.s32 $0xD800  }
0x4e5: {  	[tilespmem:s9], [sflag:$0x2] =	stream.indirect_vreg.gather [hbm4b:s1+s3], $0x80, v19, vm0, $0xb8;
	[tilespmem:$0x1E800] =	vst v63  }
0x4e6: {  	s22 =	simm.s32 $0xE000  }
0x4e7: {  	[tilespmem:s22], [sflag:$0x2] =	stream.indirect_vreg.gather [hbm4b:s5+s3], $0x80, v19, vm0, $0xb8;
	[tilespmem:$0x1E800] =	vst v63  }
0x4e8: {  	v19 =	vld [tilespmem:$0x340];
	_ =	sdelay $0x4  }
0x4e9: {  	v20 =	vshll.u32 v19, $0x2  }
0x4ea: {  	v19 =	vand.u32 $0x7, v19;
	v20 =	vand.u32 $0xFFFFFFE0, v20  }
0x4eb: {  	v19 =	vor.u32 v19, v20  }
0x4ec: {  	v20 =	vperm.xlane v19, v0;
	_ =	sdelay $0x1  }
0x4ed: {  	v20 =	vadd.s32 v1, v20;
	_ =	sdelay $0x1  }
0x4ee: {  	v19 =	vperm.xlane v19, v2;
	_ =	sdelay $0x1  }
0x4ef: {  	s9 =	simm.s32 $0xE800;
	v19 =	vadd.s32 v1, v19  }
0x4f0: {  	[tilespmem:s9], [sflag:$0x2] =	stream.indirect_vreg.gather [hbm4b:s1+s3], $0x80, v20, vm0, $0xb8;
	[tilespmem:$0x1E800] =	vst v63  }
0x4f1: {  	s22 =	simm.s32 $0xF000  }
0x4f2: {  	[tilespmem:s22], [sflag:$0x2] =	stream.indirect_vreg.gather [hbm4b:s5+s3], $0x80, v20, vm0, $0xb8;
	[tilespmem:$0x1E800] =	vst v63  }
0x4f3: {  	s9 =	simm.s32 $0xF800  }
0x4f4: {  	[tilespmem:s9], [sflag:$0x2] =	stream.indirect_vreg.gather [hbm4b:s1+s3], $0x80, v19, vm0, $0xb8;
	[tilespmem:$0x1E800] =	vst v63  }
0x4f5: {  	s22 =	simm.s32 $0x10000  }
0x4f6: {  	[tilespmem:s22], [sflag:$0x2] =	stream.indirect_vreg.gather [hbm4b:s5+s3], $0x80, v19, vm0, $0xb8;
	[tilespmem:$0x1E800] =	vst v63  }
0x4f7: {  	v19 =	vld [tilespmem:$0x350];
	_ =	sdelay $0x4  }
0x4f8: {  	v20 =	vshll.u32 v19, $0x2  }
0x4f9: {  	v19 =	vand.u32 $0x7, v19;
	v20 =	vand.u32 $0xFFFFFFE0, v20  }
0x4fa: {  	v19 =	vor.u32 v19, v20  }
0x4fb: {  	v20 =	vperm.xlane v19, v0;
	_ =	sdelay $0x1  }
0x4fc: {  	v20 =	vadd.s32 v1, v20;
	_ =	sdelay $0x1  }
0x4fd: {  	v19 =	vperm.xlane v19, v2;
	_ =	sdelay $0x1  }
0x4fe: {  	s9 =	simm.s32 $0x10800;
	v19 =	vadd.s32 v1, v19  }
0x4ff: {  	[tilespmem:s9], [sflag:$0x2] =	stream.indirect_vreg.gather [hbm4b:s1+s3], $0x80, v20, vm0, $0xb8;
	[tilespmem:$0x1E800] =	vst v63  }
0x500: {  	s22 =	simm.s32 $0x11000  }
0x501: {  	[tilespmem:s22], [sflag:$0x2] =	stream.indirect_vreg.gather [hbm4b:s5+s3], $0x80, v20, vm0, $0xb8;
	[tilespmem:$0x1E800] =	vst v63  }
0x502: {  	s9 =	simm.s32 $0x11800  }
0x503: {  	[tilespmem:s9], [sflag:$0x2] =	stream.indirect_vreg.gather [hbm4b:s1+s3], $0x80, v19, vm0, $0xb8;
	[tilespmem:$0x1E800] =	vst v63  }
0x504: {  	s22 =	simm.s32 $0x12000  }
0x505: {  	[tilespmem:s22], [sflag:$0x2] =	stream.indirect_vreg.gather [hbm4b:s5+s3], $0x80, v19, vm0, $0xb8;
	[tilespmem:$0x1E800] =	vst v63  }
0x506: {  	v19 =	vld [tilespmem:$0x360];
	_ =	sdelay $0x4  }
0x507: {  	v20 =	vshll.u32 v19, $0x2  }
0x508: {  	v19 =	vand.u32 $0x7, v19;
	v20 =	vand.u32 $0xFFFFFFE0, v20  }
0x509: {  	v19 =	vor.u32 v19, v20  }
0x50a: {  	v20 =	vperm.xlane v19, v0;
	_ =	sdelay $0x1  }
0x50b: {  	v20 =	vadd.s32 v1, v20;
	_ =	sdelay $0x1  }
0x50c: {  	v19 =	vperm.xlane v19, v2;
	_ =	sdelay $0x1  }
0x50d: {  	s9 =	simm.s32 $0x12800;
	v19 =	vadd.s32 v1, v19  }
0x50e: {  	[tilespmem:s9], [sflag:$0x2] =	stream.indirect_vreg.gather [hbm4b:s1+s3], $0x80, v20, vm0, $0xb8;
	[tilespmem:$0x1E800] =	vst v63  }
0x50f: {  	s22 =	simm.s32 $0x13000  }
0x510: {  	[tilespmem:s22], [sflag:$0x2] =	stream.indirect_vreg.gather [hbm4b:s5+s3], $0x80, v20, vm0, $0xb8;
	[tilespmem:$0x1E800] =	vst v63  }
0x511: {  	s9 =	simm.s32 $0x13800  }
0x512: {  	[tilespmem:s9], [sflag:$0x2] =	stream.indirect_vreg.gather [hbm4b:s1+s3], $0x80, v19, vm0, $0xb8;
	[tilespmem:$0x1E800] =	vst v63  }
0x513: {  	s22 =	simm.s32 $0x14000  }
0x514: {  	[tilespmem:s22], [sflag:$0x2] =	stream.indirect_vreg.gather [hbm4b:s5+s3], $0x80, v19, vm0, $0xb8;
	[tilespmem:$0x1E800] =	vst v63  }
0x515: {  	_ =	swait.ge [sflag:s30], $0xA000  }
0x516: {  	[sflag:s30] =	ssyncset.done $0x0  }
0x517: {  	[sflag:s30] =	ssyncadd.s32 $0xFFFF6000  }
0x518: {  	v19 =	vld [tilespmem:$0x680];
	_ =	sdelay $0x4  }
0x519: {  	vm1 =	vgt.s32 v19, $0xFFF;
	v20 =	vand.u32 $0xF, v19;
	v40 =	vshrl.u32 v19, $0x4  }
0x51a: {  	v19 =	vshrl.u32 v19, $0x8;
	v20 =	vadd.s32 v3, v20;
	v21 =	vand.u32 $0xF, v40  }
0x51b: {  	v19 =	vand.u32 $0xF, v19;
	v21 =	vadd.s32 v5, v21  }
0x51c: {  	v19 =	vadd.s32 v6, v19;
	_ =	sdelay $0x2  }
0x51d: {  	[tilespmem:v20+s31+$0x0] =	vst.idx.msk vm1, v4  }
0x51e: {  	[tilespmem:v21+s31+$0x0] =	vst.idx.msk vm1, v4  }
0x51f: {  	[tilespmem:v19+s31+$0x0] =	vst.idx.msk vm1, v4  }
0x520: {  	v19 =	vld [tilespmem:$0x690];
	_ =	sdelay $0x4  }
0x521: {  	vm1 =	vgt.s32 v19, $0xFFF;
	v20 =	vand.u32 $0xF, v19;
	v41 =	vshrl.u32 v19, $0x4  }
0x522: {  	v19 =	vshrl.u32 v19, $0x8;
	v20 =	vadd.s32 v7, v20;
	v21 =	vand.u32 $0xF, v41  }
0x523: {  	v19 =	vand.u32 $0xF, v19;
	v21 =	vadd.s32 v8, v21  }
0x524: {  	v19 =	vadd.s32 v9, v19;
	_ =	sdelay $0x2  }
0x525: {  	[tilespmem:v20+s31+$0x0] =	vst.idx.msk vm1, v4  }
0x526: {  	[tilespmem:v21+s31+$0x0] =	vst.idx.msk vm1, v4  }
0x527: {  	[tilespmem:v19+s31+$0x0] =	vst.idx.msk vm1, v4  }
0x528: {  	v19 =	vld [tilespmem:$0x6A0];
	_ =	sdelay $0x4  }
0x529: {  	vm1 =	vgt.s32 v19, $0xFFF;
	v20 =	vand.u32 $0xF, v19;
	v42 =	vshrl.u32 v19, $0x4  }
0x52a: {  	v19 =	vshrl.u32 v19, $0x8;
	v20 =	vadd.s32 v10, v20;
	v21 =	vand.u32 $0xF, v42  }
0x52b: {  	v19 =	vand.u32 $0xF, v19;
	v21 =	vadd.s32 v11, v21  }
0x52c: {  	v19 =	vadd.s32 v12, v19;
	_ =	sdelay $0x2  }
0x52d: {  	[tilespmem:v20+s31+$0x0] =	vst.idx.msk vm1, v4  }
0x52e: {  	[tilespmem:v21+s31+$0x0] =	vst.idx.msk vm1, v4  }
0x52f: {  	[tilespmem:v19+s31+$0x0] =	vst.idx.msk vm1, v4  }
0x530: {  	v19 =	vld [tilespmem:$0x6B0];
	_ =	sdelay $0x4  }
0x531: {  	vm1 =	vgt.s32 v19, $0xFFF;
	v20 =	vand.u32 $0xF, v19;
	v43 =	vshrl.u32 v19, $0x4  }
0x532: {  	v19 =	vshrl.u32 v19, $0x8;
	v20 =	vadd.s32 v13, v20;
	v21 =	vand.u32 $0xF, v43  }
0x533: {  	v19 =	vand.u32 $0xF, v19;
	v21 =	vadd.s32 v14, v21  }
0x534: {  	v19 =	vadd.s32 v15, v19;
	_ =	sdelay $0x2  }
0x535: {  	[tilespmem:v20+s31+$0x0] =	vst.idx.msk vm1, v4  }
0x536: {  	[tilespmem:v21+s31+$0x0] =	vst.idx.msk vm1, v4  }
0x537: {  	[tilespmem:v19+s31+$0x0] =	vst.idx.msk vm1, v4  }
0x538: {  	v19 =	vld [tilespmem:$0x6C0];
	_ =	sdelay $0x4  }
0x539: {  	vm1 =	vgt.s32 v19, $0xFFF;
	v20 =	vand.u32 $0xF, v19;
	v44 =	vshrl.u32 v19, $0x4  }
0x53a: {  	v19 =	vshrl.u32 v19, $0x8;
	v20 =	vadd.s32 v16, v20;
	v21 =	vand.u32 $0xF, v44  }
0x53b: {  	v19 =	vand.u32 $0xF, v19;
	v21 =	vadd.s32 v17, v21  }
0x53c: {  	v19 =	vadd.s32 v18, v19;
	_ =	sdelay $0x2  }
0x53d: {  	[tilespmem:v20+s31+$0x0] =	vst.idx.msk vm1, v4  }
0x53e: {  	[tilespmem:v21+s31+$0x0] =	vst.idx.msk vm1, v4  }
0x53f: {  	s9 =	rddreg [dreg:$0xd];
	[tilespmem:v19+s31+$0x0] =	vst.idx.msk vm1, v4  }
0x540: {  	[hbm4b:s9+s3] =	stream.linear.scatter [tilespmem:s31], [sflag:$0x6], $0xA000, $0x38;
	[tilespmem:$0x1E800] =	vst v63  }
0x541: {  	_ =	swait.ge [sflag:s2], $0xA000  }
0x542: {  	[sflag:s2] =	ssyncset.done $0x0  }
0x543: {  	[sflag:s2] =	ssyncadd.s32 $0xFFFF6000  }
0x544: {  	v19 =	vld [tilespmem:$0x370];
	_ =	sdelay $0x4  }
0x545: {  	v20 =	vshll.u32 v19, $0x2  }
0x546: {  	v19 =	vand.u32 $0x7, v19;
	v20 =	vand.u32 $0xFFFFFFE0, v20  }
0x547: {  	v19 =	vor.u32 v19, v20  }
0x548: {  	v20 =	vperm.xlane v19, v0;
	_ =	sdelay $0x1  }
0x549: {  	v20 =	vadd.s32 v1, v20;
	_ =	sdelay $0x1  }
0x54a: {  	v19 =	vperm.xlane v19, v2;
	_ =	sdelay $0x1  }
0x54b: {  	v19 =	vadd.s32 v1, v19  }
0x54c: {  	[tilespmem:s31], [sflag:$0x3] =	stream.indirect_vreg.gather [hbm4b:s1+s3], $0x80, v20, vm0, $0xb8;
	[tilespmem:$0x1E800] =	vst v63  }
0x54d: {  	s21 =	simm.s32 $0x15000  }
0x54e: {  	[tilespmem:s21], [sflag:$0x3] =	stream.indirect_vreg.gather [hbm4b:s5+s3], $0x80, v20, vm0, $0xb8;
	[tilespmem:$0x1E800] =	vst v63  }
0x54f: {  	s21 =	simm.s32 $0x15800  }
0x550: {  	[tilespmem:s21], [sflag:$0x3] =	stream.indirect_vreg.gather [hbm4b:s1+s3], $0x80, v19, vm0, $0xb8;
	[tilespmem:$0x1E800] =	vst v63  }
0x551: {  	s22 =	simm.s32 $0x16000  }
0x552: {  	[tilespmem:s22], [sflag:$0x3] =	stream.indirect_vreg.gather [hbm4b:s5+s3], $0x80, v19, vm0, $0xb8;
	[tilespmem:$0x1E800] =	vst v63  }
0x553: {  	v19 =	vld [tilespmem:$0x380];
	_ =	sdelay $0x4  }
0x554: {  	v20 =	vshll.u32 v19, $0x2  }
0x555: {  	v19 =	vand.u32 $0x7, v19;
	v20 =	vand.u32 $0xFFFFFFE0, v20  }
0x556: {  	v19 =	vor.u32 v19, v20  }
0x557: {  	v20 =	vperm.xlane v19, v0;
	_ =	sdelay $0x1  }
0x558: {  	v20 =	vadd.s32 v1, v20;
	_ =	sdelay $0x1  }
0x559: {  	v19 =	vperm.xlane v19, v2;
	_ =	sdelay $0x1  }
0x55a: {  	s9 =	simm.s32 $0x16800;
	v19 =	vadd.s32 v1, v19  }
0x55b: {  	[tilespmem:s9], [sflag:$0x3] =	stream.indirect_vreg.gather [hbm4b:s1+s3], $0x80, v20, vm0, $0xb8;
	[tilespmem:$0x1E800] =	vst v63  }
0x55c: {  	s21 =	simm.s32 $0x17000  }
0x55d: {  	[tilespmem:s21], [sflag:$0x3] =	stream.indirect_vreg.gather [hbm4b:s5+s3], $0x80, v20, vm0, $0xb8;
	[tilespmem:$0x1E800] =	vst v63  }
0x55e: {  	s22 =	simm.s32 $0x17800  }
0x55f: {  	[tilespmem:s22], [sflag:$0x3] =	stream.indirect_vreg.gather [hbm4b:s1+s3], $0x80, v19, vm0, $0xb8;
	[tilespmem:$0x1E800] =	vst v63  }
0x560: {  	s9 =	simm.s32 $0x18000  }
0x561: {  	[tilespmem:s9], [sflag:$0x3] =	stream.indirect_vreg.gather [hbm4b:s5+s3], $0x80, v19, vm0, $0xb8;
	[tilespmem:$0x1E800] =	vst v63  }
0x562: {  	v19 =	vld [tilespmem:$0x390];
	_ =	sdelay $0x4  }
0x563: {  	v20 =	vshll.u32 v19, $0x2  }
0x564: {  	v19 =	vand.u32 $0x7, v19;
	v20 =	vand.u32 $0xFFFFFFE0, v20  }
0x565: {  	v19 =	vor.u32 v19, v20  }
0x566: {  	v20 =	vperm.xlane v19, v0;
	_ =	sdelay $0x1  }
0x567: {  	v20 =	vadd.s32 v1, v20;
	_ =	sdelay $0x1  }
0x568: {  	v19 =	vperm.xlane v19, v2;
	_ =	sdelay $0x1  }
0x569: {  	s21 =	simm.s32 $0x18800;
	v19 =	vadd.s32 v1, v19  }
0x56a: {  	[tilespmem:s21], [sflag:$0x3] =	stream.indirect_vreg.gather [hbm4b:s1+s3], $0x80, v20, vm0, $0xb8;
	[tilespmem:$0x1E800] =	vst v63  }
0x56b: {  	s22 =	simm.s32 $0x19000  }
0x56c: {  	[tilespmem:s22], [sflag:$0x3] =	stream.indirect_vreg.gather [hbm4b:s5+s3], $0x80, v20, vm0, $0xb8;
	[tilespmem:$0x1E800] =	vst v63  }
0x56d: {  	s9 =	simm.s32 $0x19800  }
0x56e: {  	[tilespmem:s9], [sflag:$0x3] =	stream.indirect_vreg.gather [hbm4b:s1+s3], $0x80, v19, vm0, $0xb8;
	[tilespmem:$0x1E800] =	vst v63  }
0x56f: {  	s21 =	simm.s32 $0x1A000  }
0x570: {  	[tilespmem:s21], [sflag:$0x3] =	stream.indirect_vreg.gather [hbm4b:s5+s3], $0x80, v19, vm0, $0xb8;
	[tilespmem:$0x1E800] =	vst v63  }
0x571: {  	v19 =	vld [tilespmem:$0x3A0];
	_ =	sdelay $0x4  }
0x572: {  	v20 =	vshll.u32 v19, $0x2  }
0x573: {  	v19 =	vand.u32 $0x7, v19;
	v20 =	vand.u32 $0xFFFFFFE0, v20  }
0x574: {  	v19 =	vor.u32 v19, v20  }
0x575: {  	v20 =	vperm.xlane v19, v0;
	_ =	sdelay $0x1  }
0x576: {  	v20 =	vadd.s32 v1, v20;
	_ =	sdelay $0x1  }
0x577: {  	v19 =	vperm.xlane v19, v2;
	_ =	sdelay $0x1  }
0x578: {  	s22 =	simm.s32 $0x1A800;
	v19 =	vadd.s32 v1, v19  }
0x579: {  	[tilespmem:s22], [sflag:$0x3] =	stream.indirect_vreg.gather [hbm4b:s1+s3], $0x80, v20, vm0, $0xb8;
	[tilespmem:$0x1E800] =	vst v63  }
0x57a: {  	s9 =	simm.s32 $0x1B000  }
0x57b: {  	[tilespmem:s9], [sflag:$0x3] =	stream.indirect_vreg.gather [hbm4b:s5+s3], $0x80, v20, vm0, $0xb8;
	[tilespmem:$0x1E800] =	vst v63  }
0x57c: {  	s21 =	simm.s32 $0x1B800  }
0x57d: {  	[tilespmem:s21], [sflag:$0x3] =	stream.indirect_vreg.gather [hbm4b:s1+s3], $0x80, v19, vm0, $0xb8;
	[tilespmem:$0x1E800] =	vst v63  }
0x57e: {  	s22 =	simm.s32 $0x1C000  }
0x57f: {  	[tilespmem:s22], [sflag:$0x3] =	stream.indirect_vreg.gather [hbm4b:s5+s3], $0x80, v19, vm0, $0xb8;
	[tilespmem:$0x1E800] =	vst v63  }
0x580: {  	v19 =	vld [tilespmem:$0x3B0];
	_ =	sdelay $0x4  }
0x581: {  	v20 =	vshll.u32 v19, $0x2  }
0x582: {  	v19 =	vand.u32 $0x7, v19;
	v20 =	vand.u32 $0xFFFFFFE0, v20  }
0x583: {  	v19 =	vor.u32 v19, v20  }
0x584: {  	v20 =	vperm.xlane v19, v0;
	_ =	sdelay $0x1  }
0x585: {  	v20 =	vadd.s32 v1, v20;
	_ =	sdelay $0x1  }
0x586: {  	v19 =	vperm.xlane v19, v2;
	_ =	sdelay $0x1  }
0x587: {  	s9 =	simm.s32 $0x1C800;
	v19 =	vadd.s32 v1, v19  }
0x588: {  	[tilespmem:s9], [sflag:$0x3] =	stream.indirect_vreg.gather [hbm4b:s1+s3], $0x80, v20, vm0, $0xb8;
	[tilespmem:$0x1E800] =	vst v63  }
0x589: {  	s21 =	simm.s32 $0x1D000  }
0x58a: {  	[tilespmem:s21], [sflag:$0x3] =	stream.indirect_vreg.gather [hbm4b:s5+s3], $0x80, v20, vm0, $0xb8;
	[tilespmem:$0x1E800] =	vst v63  }
0x58b: {  	s22 =	simm.s32 $0x1D800  }
0x58c: {  	[tilespmem:s22], [sflag:$0x3] =	stream.indirect_vreg.gather [hbm4b:s1+s3], $0x80, v19, vm0, $0xb8;
	[tilespmem:$0x1E800] =	vst v63  }
0x58d: {  	s9 =	simm.s32 $0x1E000  }
0x58e: {  	[tilespmem:s9], [sflag:$0x3] =	stream.indirect_vreg.gather [hbm4b:s5+s3], $0x80, v19, vm0, $0xb8;
	[tilespmem:$0x1E800] =	vst v63  }
0x58f: {  	_ =	swait.ge [sflag:s24], $0xA000  }
0x590: {  	[sflag:s24] =	ssyncset.done $0x0  }
0x591: {  	[sflag:s24] =	ssyncadd.s32 $0xFFFF6000  }
0x592: {  	v19 =	vld [tilespmem:$0x6D0];
	_ =	sdelay $0x4  }
0x593: {  	vm1 =	vgt.s32 v19, $0xFFF;
	v20 =	vand.u32 $0xF, v19;
	v45 =	vshrl.u32 v19, $0x4  }
0x594: {  	v19 =	vshrl.u32 v19, $0x8;
	v20 =	vadd.s32 v3, v20;
	v21 =	vand.u32 $0xF, v45  }
0x595: {  	v19 =	vand.u32 $0xF, v19;
	v21 =	vadd.s32 v5, v21  }
0x596: {  	v19 =	vadd.s32 v6, v19;
	_ =	sdelay $0x2  }
0x597: {  	[tilespmem:v20+s8+$0x0] =	vst.idx.msk vm1, v4  }
0x598: {  	[tilespmem:v21+s8+$0x0] =	vst.idx.msk vm1, v4  }
0x599: {  	[tilespmem:v19+s8+$0x0] =	vst.idx.msk vm1, v4  }
0x59a: {  	v19 =	vld [tilespmem:$0x6E0];
	_ =	sdelay $0x4  }
0x59b: {  	vm1 =	vgt.s32 v19, $0xFFF;
	v20 =	vand.u32 $0xF, v19;
	v46 =	vshrl.u32 v19, $0x4  }
0x59c: {  	v19 =	vshrl.u32 v19, $0x8;
	v20 =	vadd.s32 v7, v20;
	v21 =	vand.u32 $0xF, v46  }
0x59d: {  	v19 =	vand.u32 $0xF, v19;
	v21 =	vadd.s32 v8, v21  }
0x59e: {  	v19 =	vadd.s32 v9, v19;
	_ =	sdelay $0x2  }
0x59f: {  	[tilespmem:v20+s8+$0x0] =	vst.idx.msk vm1, v4  }
0x5a0: {  	[tilespmem:v21+s8+$0x0] =	vst.idx.msk vm1, v4  }
0x5a1: {  	[tilespmem:v19+s8+$0x0] =	vst.idx.msk vm1, v4  }
0x5a2: {  	v19 =	vld [tilespmem:$0x6F0];
	_ =	sdelay $0x4  }
0x5a3: {  	vm1 =	vgt.s32 v19, $0xFFF;
	v20 =	vand.u32 $0xF, v19;
	v47 =	vshrl.u32 v19, $0x4  }
0x5a4: {  	v19 =	vshrl.u32 v19, $0x8;
	v20 =	vadd.s32 v10, v20;
	v21 =	vand.u32 $0xF, v47  }
0x5a5: {  	v19 =	vand.u32 $0xF, v19;
	v21 =	vadd.s32 v11, v21  }
0x5a6: {  	v19 =	vadd.s32 v12, v19;
	_ =	sdelay $0x2  }
0x5a7: {  	[tilespmem:v20+s8+$0x0] =	vst.idx.msk vm1, v4  }
0x5a8: {  	[tilespmem:v21+s8+$0x0] =	vst.idx.msk vm1, v4  }
0x5a9: {  	[tilespmem:v19+s8+$0x0] =	vst.idx.msk vm1, v4  }
0x5aa: {  	v19 =	vld [tilespmem:$0x700];
	_ =	sdelay $0x4  }
0x5ab: {  	vm1 =	vgt.s32 v19, $0xFFF;
	v20 =	vand.u32 $0xF, v19;
	v48 =	vshrl.u32 v19, $0x4  }
0x5ac: {  	v19 =	vshrl.u32 v19, $0x8;
	v20 =	vadd.s32 v13, v20;
	v21 =	vand.u32 $0xF, v48  }
0x5ad: {  	v19 =	vand.u32 $0xF, v19;
	v21 =	vadd.s32 v14, v21  }
0x5ae: {  	v19 =	vadd.s32 v15, v19;
	_ =	sdelay $0x2  }
0x5af: {  	[tilespmem:v20+s8+$0x0] =	vst.idx.msk vm1, v4  }
0x5b0: {  	[tilespmem:v21+s8+$0x0] =	vst.idx.msk vm1, v4  }
0x5b1: {  	[tilespmem:v19+s8+$0x0] =	vst.idx.msk vm1, v4  }
0x5b2: {  	v19 =	vld [tilespmem:$0x710];
	_ =	sdelay $0x4  }
0x5b3: {  	vm1 =	vgt.s32 v19, $0xFFF;
	v20 =	vand.u32 $0xF, v19;
	v49 =	vshrl.u32 v19, $0x4  }
0x5b4: {  	v19 =	vshrl.u32 v19, $0x8;
	v20 =	vadd.s32 v16, v20;
	v21 =	vand.u32 $0xF, v49  }
0x5b5: {  	v19 =	vand.u32 $0xF, v19;
	v21 =	vadd.s32 v17, v21  }
0x5b6: {  	v19 =	vadd.s32 v18, v19;
	_ =	sdelay $0x2  }
0x5b7: {  	[tilespmem:v20+s8+$0x0] =	vst.idx.msk vm1, v4  }
0x5b8: {  	[tilespmem:v21+s8+$0x0] =	vst.idx.msk vm1, v4  }
0x5b9: {  	s21 =	rddreg [dreg:$0xe];
	[tilespmem:v19+s8+$0x0] =	vst.idx.msk vm1, v4  }
0x5ba: {  	[hbm4b:s21+s3] =	stream.linear.scatter [tilespmem:s8], [sflag:$0x4], $0xA000, $0x38;
	[tilespmem:$0x1E800] =	vst v63  }
0x5bb: {  	_ =	swait.ge [sflag:s25], $0xA000  }
0x5bc: {  	[sflag:s25] =	ssyncset.done $0x0  }
0x5bd: {  	[sflag:s25] =	ssyncadd.s32 $0xFFFF6000  }
0x5be: {  	v19 =	vld [tilespmem:$0x3C0];
	_ =	sdelay $0x4  }
0x5bf: {  	v20 =	vshll.u32 v19, $0x2  }
0x5c0: {  	v19 =	vand.u32 $0x7, v19;
	v20 =	vand.u32 $0xFFFFFFE0, v20  }
0x5c1: {  	v19 =	vor.u32 v19, v20  }
0x5c2: {  	v20 =	vperm.xlane v19, v0;
	_ =	sdelay $0x1  }
0x5c3: {  	v20 =	vadd.s32 v1, v20;
	_ =	sdelay $0x1  }
0x5c4: {  	v19 =	vperm.xlane v19, v2;
	_ =	sdelay $0x1  }
0x5c5: {  	v19 =	vadd.s32 v1, v19  }
0x5c6: {  	[tilespmem:s8], [sflag:$0x1] =	stream.indirect_vreg.gather [hbm4b:s1+s3], $0x80, v20, vm0, $0xb8;
	[tilespmem:$0x1E800] =	vst v63  }
0x5c7: {  	s20 =	simm.s32 $0x1000  }
0x5c8: {  	[tilespmem:s20], [sflag:$0x1] =	stream.indirect_vreg.gather [hbm4b:s5+s3], $0x80, v20, vm0, $0xb8;
	[tilespmem:$0x1E800] =	vst v63  }
0x5c9: {  	s22 =	simm.s32 $0x1800  }
0x5ca: {  	[tilespmem:s22], [sflag:$0x1] =	stream.indirect_vreg.gather [hbm4b:s1+s3], $0x80, v19, vm0, $0xb8;
	[tilespmem:$0x1E800] =	vst v63  }
0x5cb: {  	s4 =	simm.s32 $0x2000  }
0x5cc: {  	[tilespmem:s4], [sflag:$0x1] =	stream.indirect_vreg.gather [hbm4b:s5+s3], $0x80, v19, vm0, $0xb8;
	[tilespmem:$0x1E800] =	vst v63  }
0x5cd: {  	v19 =	vld [tilespmem:$0x3D0];
	_ =	sdelay $0x4  }
0x5ce: {  	v20 =	vshll.u32 v19, $0x2  }
0x5cf: {  	v19 =	vand.u32 $0x7, v19;
	v20 =	vand.u32 $0xFFFFFFE0, v20  }
0x5d0: {  	v19 =	vor.u32 v19, v20  }
0x5d1: {  	v20 =	vperm.xlane v19, v0;
	_ =	sdelay $0x1  }
0x5d2: {  	v20 =	vadd.s32 v1, v20;
	_ =	sdelay $0x1  }
0x5d3: {  	v19 =	vperm.xlane v19, v2;
	_ =	sdelay $0x1  }
0x5d4: {  	s7 =	simm.s32 $0x2800;
	v19 =	vadd.s32 v1, v19  }
0x5d5: {  	[tilespmem:s7], [sflag:$0x1] =	stream.indirect_vreg.gather [hbm4b:s1+s3], $0x80, v20, vm0, $0xb8;
	[tilespmem:$0x1E800] =	vst v63  }
0x5d6: {  	s11 =	simm.s32 $0x3000  }
0x5d7: {  	[tilespmem:s11], [sflag:$0x1] =	stream.indirect_vreg.gather [hbm4b:s5+s3], $0x80, v20, vm0, $0xb8;
	[tilespmem:$0x1E800] =	vst v63  }
0x5d8: {  	s12 =	simm.s32 $0x3800  }
0x5d9: {  	[tilespmem:s12], [sflag:$0x1] =	stream.indirect_vreg.gather [hbm4b:s1+s3], $0x80, v19, vm0, $0xb8;
	[tilespmem:$0x1E800] =	vst v63  }
0x5da: {  	s23 =	simm.s32 $0x4000  }
0x5db: {  	[tilespmem:s23], [sflag:$0x1] =	stream.indirect_vreg.gather [hbm4b:s5+s3], $0x80, v19, vm0, $0xb8;
	[tilespmem:$0x1E800] =	vst v63  }
0x5dc: {  	v19 =	vld [tilespmem:$0x3E0];
	_ =	sdelay $0x4  }
0x5dd: {  	v20 =	vshll.u32 v19, $0x2  }
0x5de: {  	v19 =	vand.u32 $0x7, v19;
	v20 =	vand.u32 $0xFFFFFFE0, v20  }
0x5df: {  	v19 =	vor.u32 v19, v20  }
0x5e0: {  	v20 =	vperm.xlane v19, v0;
	_ =	sdelay $0x1  }
0x5e1: {  	v20 =	vadd.s32 v1, v20;
	_ =	sdelay $0x1  }
0x5e2: {  	v19 =	vperm.xlane v19, v2;
	_ =	sdelay $0x1  }
0x5e3: {  	s13 =	simm.s32 $0x4800;
	v19 =	vadd.s32 v1, v19  }
0x5e4: {  	[tilespmem:s13], [sflag:$0x1] =	stream.indirect_vreg.gather [hbm4b:s1+s3], $0x80, v20, vm0, $0xb8;
	[tilespmem:$0x1E800] =	vst v63  }
0x5e5: {  	s14 =	simm.s32 $0x5000  }
0x5e6: {  	[tilespmem:s14], [sflag:$0x1] =	stream.indirect_vreg.gather [hbm4b:s5+s3], $0x80, v20, vm0, $0xb8;
	[tilespmem:$0x1E800] =	vst v63  }
0x5e7: {  	s15 =	simm.s32 $0x5800  }
0x5e8: {  	[tilespmem:s15], [sflag:$0x1] =	stream.indirect_vreg.gather [hbm4b:s1+s3], $0x80, v19, vm0, $0xb8;
	[tilespmem:$0x1E800] =	vst v63  }
0x5e9: {  	s26 =	simm.s32 $0x6000  }
0x5ea: {  	[tilespmem:s26], [sflag:$0x1] =	stream.indirect_vreg.gather [hbm4b:s5+s3], $0x80, v19, vm0, $0xb8;
	[tilespmem:$0x1E800] =	vst v63  }
0x5eb: {  	v19 =	vld [tilespmem:$0x3F0];
	_ =	sdelay $0x4  }
0x5ec: {  	v20 =	vshll.u32 v19, $0x2  }
0x5ed: {  	v19 =	vand.u32 $0x7, v19;
	v20 =	vand.u32 $0xFFFFFFE0, v20  }
0x5ee: {  	v19 =	vor.u32 v19, v20  }
0x5ef: {  	v20 =	vperm.xlane v19, v0;
	_ =	sdelay $0x1  }
0x5f0: {  	v20 =	vadd.s32 v1, v20;
	_ =	sdelay $0x1  }
0x5f1: {  	v19 =	vperm.xlane v19, v2;
	_ =	sdelay $0x1  }
0x5f2: {  	s16 =	simm.s32 $0x6800;
	v19 =	vadd.s32 v1, v19  }
0x5f3: {  	[tilespmem:s16], [sflag:$0x1] =	stream.indirect_vreg.gather [hbm4b:s1+s3], $0x80, v20, vm0, $0xb8;
	[tilespmem:$0x1E800] =	vst v63  }
0x5f4: {  	s17 =	simm.s32 $0x7000  }
0x5f5: {  	[tilespmem:s17], [sflag:$0x1] =	stream.indirect_vreg.gather [hbm4b:s5+s3], $0x80, v20, vm0, $0xb8;
	[tilespmem:$0x1E800] =	vst v63  }
0x5f6: {  	s18 =	simm.s32 $0x7800  }
0x5f7: {  	[tilespmem:s18], [sflag:$0x1] =	stream.indirect_vreg.gather [hbm4b:s1+s3], $0x80, v19, vm0, $0xb8;
	[tilespmem:$0x1E800] =	vst v63  }
0x5f8: {  	s19 =	simm.s32 $0x8000  }
0x5f9: {  	[tilespmem:s19], [sflag:$0x1] =	stream.indirect_vreg.gather [hbm4b:s5+s3], $0x80, v19, vm0, $0xb8;
	[tilespmem:$0x1E800] =	vst v63  }
0x5fa: {  	_ =	swait.ge [sflag:s10], $0xA000  }
0x5fb: {  	[sflag:s10] =	ssyncset.done $0x0  }
0x5fc: {  	[sflag:s10] =	ssyncadd.s32 $0xFFFF6000  }
0x5fd: {  	v19 =	vld [tilespmem:$0x720];
	_ =	sdelay $0x4  }
0x5fe: {  	vm1 =	vgt.s32 v19, $0xFFF;
	v20 =	vand.u32 $0xF, v19;
	v50 =	vshrl.u32 v19, $0x4  }
0x5ff: {  	v19 =	vshrl.u32 v19, $0x8;
	v20 =	vadd.s32 v3, v20;
	v21 =	vand.u32 $0xF, v50  }
0x600: {  	v19 =	vand.u32 $0xF, v19;
	v21 =	vadd.s32 v5, v21  }
0x601: {  	v19 =	vadd.s32 v6, v19;
	_ =	sdelay $0x2  }
0x602: {  	[tilespmem:v20+s29+$0x0] =	vst.idx.msk vm1, v4  }
0x603: {  	[tilespmem:v21+s29+$0x0] =	vst.idx.msk vm1, v4  }
0x604: {  	[tilespmem:v19+s29+$0x0] =	vst.idx.msk vm1, v4  }
0x605: {  	v19 =	vld [tilespmem:$0x730];
	_ =	sdelay $0x4  }
0x606: {  	vm1 =	vgt.s32 v19, $0xFFF;
	v20 =	vand.u32 $0xF, v19;
	v51 =	vshrl.u32 v19, $0x4  }
0x607: {  	v19 =	vshrl.u32 v19, $0x8;
	v20 =	vadd.s32 v7, v20;
	v21 =	vand.u32 $0xF, v51  }
0x608: {  	v19 =	vand.u32 $0xF, v19;
	v21 =	vadd.s32 v8, v21  }
0x609: {  	v19 =	vadd.s32 v9, v19;
	_ =	sdelay $0x2  }
0x60a: {  	[tilespmem:v20+s29+$0x0] =	vst.idx.msk vm1, v4  }
0x60b: {  	[tilespmem:v21+s29+$0x0] =	vst.idx.msk vm1, v4  }
0x60c: {  	[tilespmem:v19+s29+$0x0] =	vst.idx.msk vm1, v4  }
0x60d: {  	v19 =	vld [tilespmem:$0x740];
	_ =	sdelay $0x4  }
0x60e: {  	vm1 =	vgt.s32 v19, $0xFFF;
	v20 =	vand.u32 $0xF, v19;
	v52 =	vshrl.u32 v19, $0x4  }
0x60f: {  	v19 =	vshrl.u32 v19, $0x8;
	v20 =	vadd.s32 v10, v20;
	v21 =	vand.u32 $0xF, v52  }
0x610: {  	v19 =	vand.u32 $0xF, v19;
	v21 =	vadd.s32 v11, v21  }
0x611: {  	v19 =	vadd.s32 v12, v19;
	_ =	sdelay $0x2  }
0x612: {  	[tilespmem:v20+s29+$0x0] =	vst.idx.msk vm1, v4  }
0x613: {  	[tilespmem:v21+s29+$0x0] =	vst.idx.msk vm1, v4  }
0x614: {  	[tilespmem:v19+s29+$0x0] =	vst.idx.msk vm1, v4  }
0x615: {  	v19 =	vld [tilespmem:$0x750];
	_ =	sdelay $0x4  }
0x616: {  	vm1 =	vgt.s32 v19, $0xFFF;
	v20 =	vand.u32 $0xF, v19;
	v53 =	vshrl.u32 v19, $0x4  }
0x617: {  	v19 =	vshrl.u32 v19, $0x8;
	v20 =	vadd.s32 v13, v20;
	v21 =	vand.u32 $0xF, v53  }
0x618: {  	v19 =	vand.u32 $0xF, v19;
	v21 =	vadd.s32 v14, v21  }
0x619: {  	v19 =	vadd.s32 v15, v19;
	_ =	sdelay $0x2  }
0x61a: {  	[tilespmem:v20+s29+$0x0] =	vst.idx.msk vm1, v4  }
0x61b: {  	[tilespmem:v21+s29+$0x0] =	vst.idx.msk vm1, v4  }
0x61c: {  	[tilespmem:v19+s29+$0x0] =	vst.idx.msk vm1, v4  }
0x61d: {  	v19 =	vld [tilespmem:$0x760];
	_ =	sdelay $0x4  }
0x61e: {  	vm1 =	vgt.s32 v19, $0xFFF;
	v20 =	vand.u32 $0xF, v19;
	v54 =	vshrl.u32 v19, $0x4  }
0x61f: {  	v19 =	vshrl.u32 v19, $0x8;
	v20 =	vadd.s32 v16, v20;
	v21 =	vand.u32 $0xF, v54  }
0x620: {  	v19 =	vand.u32 $0xF, v19;
	v21 =	vadd.s32 v17, v21  }
0x621: {  	v19 =	vadd.s32 v18, v19;
	_ =	sdelay $0x2  }
0x622: {  	[tilespmem:v20+s29+$0x0] =	vst.idx.msk vm1, v4  }
0x623: {  	[tilespmem:v21+s29+$0x0] =	vst.idx.msk vm1, v4  }
0x624: {  	s23 =	rddreg [dreg:$0xf];
	[tilespmem:v19+s29+$0x0] =	vst.idx.msk vm1, v4  }
0x625: {  	[hbm4b:s23+s3] =	stream.linear.scatter [tilespmem:s29], [sflag:$0x5], $0xA000, $0x38;
	[tilespmem:$0x1E800] =	vst v63  }
0x626: {  	_ =	swait.ge [sflag:s30], $0xA000  }
0x627: {  	[sflag:s30] =	ssyncset.done $0x0  }
0x628: {  	[sflag:s30] =	ssyncadd.s32 $0xFFFF6000  }
0x629: {  	v19 =	vld [tilespmem:$0x770];
	_ =	sdelay $0x4  }
0x62a: {  	vm1 =	vgt.s32 v19, $0xFFF;
	v20 =	vand.u32 $0xF, v19;
	v55 =	vshrl.u32 v19, $0x4  }
0x62b: {  	v19 =	vshrl.u32 v19, $0x8;
	v20 =	vadd.s32 v3, v20;
	v21 =	vand.u32 $0xF, v55  }
0x62c: {  	v19 =	vand.u32 $0xF, v19;
	v21 =	vadd.s32 v5, v21  }
0x62d: {  	v19 =	vadd.s32 v6, v19;
	_ =	sdelay $0x2  }
0x62e: {  	[tilespmem:v20+s31+$0x0] =	vst.idx.msk vm1, v4  }
0x62f: {  	[tilespmem:v21+s31+$0x0] =	vst.idx.msk vm1, v4  }
0x630: {  	[tilespmem:v19+s31+$0x0] =	vst.idx.msk vm1, v4  }
0x631: {  	v19 =	vld [tilespmem:$0x780];
	_ =	sdelay $0x4  }
0x632: {  	vm1 =	vgt.s32 v19, $0xFFF;
	v20 =	vand.u32 $0xF, v19;
	v56 =	vshrl.u32 v19, $0x4  }
0x633: {  	v19 =	vshrl.u32 v19, $0x8;
	v20 =	vadd.s32 v7, v20;
	v21 =	vand.u32 $0xF, v56  }
0x634: {  	v19 =	vand.u32 $0xF, v19;
	v21 =	vadd.s32 v8, v21  }
0x635: {  	v19 =	vadd.s32 v9, v19;
	_ =	sdelay $0x2  }
0x636: {  	[tilespmem:v20+s31+$0x0] =	vst.idx.msk vm1, v4  }
0x637: {  	[tilespmem:v21+s31+$0x0] =	vst.idx.msk vm1, v4  }
0x638: {  	[tilespmem:v19+s31+$0x0] =	vst.idx.msk vm1, v4  }
0x639: {  	v19 =	vld [tilespmem:$0x790];
	_ =	sdelay $0x4  }
0x63a: {  	vm1 =	vgt.s32 v19, $0xFFF;
	v20 =	vand.u32 $0xF, v19;
	v57 =	vshrl.u32 v19, $0x4  }
0x63b: {  	v19 =	vshrl.u32 v19, $0x8;
	v20 =	vadd.s32 v10, v20;
	v21 =	vand.u32 $0xF, v57  }
0x63c: {  	v19 =	vand.u32 $0xF, v19;
	v21 =	vadd.s32 v11, v21  }
0x63d: {  	v19 =	vadd.s32 v12, v19;
	_ =	sdelay $0x2  }
0x63e: {  	[tilespmem:v20+s31+$0x0] =	vst.idx.msk vm1, v4  }
0x63f: {  	[tilespmem:v21+s31+$0x0] =	vst.idx.msk vm1, v4  }
0x640: {  	[tilespmem:v19+s31+$0x0] =	vst.idx.msk vm1, v4  }
0x641: {  	v19 =	vld [tilespmem:$0x7A0];
	_ =	sdelay $0x4  }
0x642: {  	vm1 =	vgt.s32 v19, $0xFFF;
	v20 =	vand.u32 $0xF, v19;
	v58 =	vshrl.u32 v19, $0x4  }
0x643: {  	v19 =	vshrl.u32 v19, $0x8;
	v20 =	vadd.s32 v13, v20;
	v21 =	vand.u32 $0xF, v58  }
0x644: {  	v19 =	vand.u32 $0xF, v19;
	v21 =	vadd.s32 v14, v21  }
0x645: {  	v19 =	vadd.s32 v15, v19;
	_ =	sdelay $0x2  }
0x646: {  	[tilespmem:v20+s31+$0x0] =	vst.idx.msk vm1, v4  }
0x647: {  	[tilespmem:v21+s31+$0x0] =	vst.idx.msk vm1, v4  }
0x648: {  	[tilespmem:v19+s31+$0x0] =	vst.idx.msk vm1, v4  }
0x649: {  	v19 =	vld [tilespmem:$0x7B0];
	_ =	sdelay $0x4  }
0x64a: {  	vm1 =	vgt.s32 v19, $0xFFF;
	v20 =	vand.u32 $0xF, v19;
	v59 =	vshrl.u32 v19, $0x4  }
0x64b: {  	v19 =	vshrl.u32 v19, $0x8;
	v20 =	vadd.s32 v16, v20;
	v21 =	vand.u32 $0xF, v59  }
0x64c: {  	v19 =	vand.u32 $0xF, v19;
	v21 =	vadd.s32 v17, v21  }
0x64d: {  	v19 =	vadd.s32 v18, v19;
	_ =	sdelay $0x2  }
0x64e: {  	[tilespmem:v20+s31+$0x0] =	vst.idx.msk vm1, v4  }
0x64f: {  	[tilespmem:v21+s31+$0x0] =	vst.idx.msk vm1, v4  }
0x650: {  	s26 =	rddreg [dreg:$0x10];
	[tilespmem:v19+s31+$0x0] =	vst.idx.msk vm1, v4  }
0x651: {  	[hbm4b:s26+s3] =	stream.linear.scatter [tilespmem:s31], [sflag:$0x6], $0xA000, $0x38;
	[tilespmem:$0x1E800] =	vst v63  }
0x652: {  	_ =	swait.ge [sflag:s24], $0x8000  }
0x653: {  	[sflag:s24] =	ssyncset.done $0x0  }
0x654: {  	[sflag:s24] =	ssyncadd.s32 $0xFFFF8000  }
0x655: {  	v19 =	vld [tilespmem:$0x7C0];
	_ =	sdelay $0x4  }
0x656: {  	vm1 =	vgt.s32 v19, $0xFFF;
	v20 =	vand.u32 $0xF, v19;
	v60 =	vshrl.u32 v19, $0x4  }
0x657: {  	v19 =	vshrl.u32 v19, $0x8;
	v20 =	vadd.s32 v3, v20;
	v21 =	vand.u32 $0xF, v60  }
0x658: {  	v19 =	vand.u32 $0xF, v19;
	v21 =	vadd.s32 v5, v21  }
0x659: {  	v19 =	vadd.s32 v6, v19;
	_ =	sdelay $0x2  }
0x65a: {  	[tilespmem:v20+s8+$0x0] =	vst.idx.msk vm1, v4  }
0x65b: {  	[tilespmem:v21+s8+$0x0] =	vst.idx.msk vm1, v4  }
0x65c: {  	[tilespmem:v19+s8+$0x0] =	vst.idx.msk vm1, v4  }
0x65d: {  	v19 =	vld [tilespmem:$0x7D0];
	_ =	sdelay $0x4  }
0x65e: {  	vm1 =	vgt.s32 v19, $0xFFF;
	v20 =	vand.u32 $0xF, v19;
	v61 =	vshrl.u32 v19, $0x4  }
0x65f: {  	v19 =	vshrl.u32 v19, $0x8;
	v20 =	vadd.s32 v7, v20;
	v21 =	vand.u32 $0xF, v61  }
0x660: {  	v19 =	vand.u32 $0xF, v19;
	v21 =	vadd.s32 v8, v21  }
0x661: {  	v19 =	vadd.s32 v9, v19;
	_ =	sdelay $0x2  }
0x662: {  	[tilespmem:v20+s8+$0x0] =	vst.idx.msk vm1, v4  }
0x663: {  	[tilespmem:v21+s8+$0x0] =	vst.idx.msk vm1, v4  }
0x664: {  	[tilespmem:v19+s8+$0x0] =	vst.idx.msk vm1, v4  }
0x665: {  	v19 =	vld [tilespmem:$0x7E0];
	_ =	sdelay $0x4  }
0x666: {  	vm1 =	vgt.s32 v19, $0xFFF;
	v20 =	vand.u32 $0xF, v19;
	v62 =	vshrl.u32 v19, $0x4  }
0x667: {  	v19 =	vshrl.u32 v19, $0x8;
	v20 =	vadd.s32 v10, v20;
	v21 =	vand.u32 $0xF, v62  }
0x668: {  	v19 =	vand.u32 $0xF, v19;
	v21 =	vadd.s32 v11, v21  }
0x669: {  	v19 =	vadd.s32 v12, v19;
	_ =	sdelay $0x2  }
0x66a: {  	[tilespmem:v20+s8+$0x0] =	vst.idx.msk vm1, v4  }
0x66b: {  	[tilespmem:v21+s8+$0x0] =	vst.idx.msk vm1, v4  }
0x66c: {  	[tilespmem:v19+s8+$0x0] =	vst.idx.msk vm1, v4  }
0x66d: {  	v19 =	vld [tilespmem:$0x7F0];
	_ =	sdelay $0x4  }
0x66e: {  	vm1 =	vgt.s32 v19, $0xFFF;
	v20 =	vand.u32 $0xF, v19;
	v63 =	vshrl.u32 v19, $0x4  }
0x66f: {  	v19 =	vshrl.u32 v19, $0x8;
	v20 =	vadd.s32 v13, v20;
	v21 =	vand.u32 $0xF, v63  }
0x670: {  	v19 =	vand.u32 $0xF, v19;
	v21 =	vadd.s32 v14, v21  }
0x671: {  	v19 =	vadd.s32 v15, v19;
	_ =	sdelay $0x2  }
0x672: {  	[tilespmem:v20+s8+$0x0] =	vst.idx.msk vm1, v4  }
0x673: {  	[tilespmem:v21+s8+$0x0] =	vst.idx.msk vm1, v4  }
0x674: {  	s30 =	rddreg [dreg:$0x11];
	[tilespmem:v19+s8+$0x0] =	vst.idx.msk vm1, v4  }
0x675: {  	[hbm4b:s30+s3] =	stream.linear.scatter [tilespmem:s8], [sflag:$0x4], $0x8000, $0x38;
	[tilespmem:$0x1E800] =	vst v63  }
0x676: {  	_ =	swait.ge [sflag:s25], $0x8000  }
0x677: {  	[sflag:s25] =	ssyncset.done $0x0  }
0x678: {  	[sflag:s25] =	ssyncadd.s32 $0xFFFF8000  }
0x679: {  	p0 =	sne.s32 s6, $0x1;
	_ =	swait.ge [sflag:s28], $0xA000  }
.Ltmp0:
0x67a: {  	[sflag:s28] =	ssyncset.done $0x0;
	(pc) =	sbr.rel @p0 .LBB2_1-.Ltmp0, $4  }
0x67b: {  	[sflag:s28] =	ssyncadd.s32 $0xFFFF6000  }
0x67c: {  	_ =	swait.ge [sflag:s2], $0xA000  }
0x67d: {  	[sflag:s2] =	ssyncset.done $0x0  }
0x67e: {  	s6 =	sadd.s32 $0xFFFFFFFF, s6;
	[sflag:s2] =	ssyncadd.s32 $0xFFFF6000  }
0x67f: {  	_ =	sfence.sel $0x180000  }
0x680: {  	[bflag:$0x0] =	sbarrier.arrive $0xFFFF  }
0x681: {  	_ =	strace $0x90000047  }
0x682: {  	s0 =	stileid.u32;
	[bflag:$0x2] =	sbarrier.arrive $0xFFFF  }
0x683: {  	p0 =	sne.s32 s0, $0x0;
	s0 =	rddreg [dreg:$0x3]  }
0x684: {  	s0 =	sadd.s32 @!p0 $0x100000, s0  }
0x685: {  	[sflag:s0] =	ssyncadd.tile.s32 @!p0 $0x1;
	_ =	shalt  }
.Lfunc_end2:
_tile_overlayer_lowered:
.L_overlay_start_2:
0x686: {  	(tag) =	ssettag $0x2  }
0x687: {  	s0 =	rddreg [dreg:$0x0];
	s2 =	stileid.u32  }
0x688: {  	s1 =	rddreg [dreg:$0x1];
	p0 =	sne.s32 s2, $0x0  }
0x689: {  	s3 =	rddreg [dreg:$0x2];
	[bflag:$0x3] =	sbarrier.arrive $0xFFFF;
	s2 =	simm.s32 @!p0 $0x1C07  }
0x68a: {  	[timem:s3], [sflag:s2] =	dma.local @!p0 [hbm:s0], s1  }
0x68b: {  	s0 =	simm.s32 @!p0 $0x7  }
0x68c: {  	_ =	swait.ge @!p0 [sflag:s0], s1  }
0x68d: {  	s1 =	ssub.s32 @!p0 $0x0, s1;
	[sflag:s0] =	ssyncset.done @!p0 $0x0  }
0x68e: {  	[sflag:s0] =	ssyncadd.s32 @!p0 s1  }
0x68f: {  	[bflag:$0x3] =	sbarrier.arrive $0xFFFF  }
0x690: {  	_ =	shalt  }

</sc_bundles>
